<compile_context>
chip_gen: v7x
topology: tpu7x:2x2x1
jax: 0.10.2.dev20260603
libtpu: 0.0.44.dev20260713+nightly
codegen_flags: <defaults>
</compile_context>

<pallas_src>
import jax
import jax.numpy as jnp
from jax import lax
from jax.experimental import pallas as pl
from jax.experimental.pallas import tpu as pltpu
from jax.experimental.pallas import tpu_sc as plsc

_P = 35
_T = 4
_CV = 2
_DV = 2
_B = 4096
_L = 50
_SMOOTH = 0.1

_NC = 2
_NS = 16
_NW = _NC * _NS
_SENT_PER_W = _B // _NW
_EV_PER_W = _SENT_PER_W * _L

_TRANS_BINS = _P * _P * _T * _T * 2 * _CV
_DEC_BINS = _P * _T * 2 * _DV * 2
_DEC_BASE = _TRANS_BINS
_HIST = _TRANS_BINS + _DEC_BINS
_ZSLICE = 4992
_HIST_PAD = _ZSLICE * 16

_ROWS_PER_GROUP = _EV_PER_W // 128
_DEC_PAD = 1152
_DEC_ROWS = _DEC_PAD // 128
_N_ROWS = _ROWS_PER_GROUP + _DEC_ROWS


def _sc_hist_body(pk_hbm, w_hbm, hist_out, pk_vm, w_vm, ib, wb, dec_vm, zb,
                  shared, sem):
    cid = lax.axis_index("c")
    sid = lax.axis_index("s")
    wid = cid * _NS + sid
    s0 = wid * _SENT_PER_W

    ev0 = wid * _EV_PER_W
    pltpu.sync_copy(pk_hbm.at[pl.ds(ev0, _EV_PER_W)], pk_vm)
    pltpu.sync_copy(w_hbm.at[pl.ds(ev0, _EV_PER_W)], w_vm)

    fz = jnp.zeros((16,), jnp.float32)

    def _zero(i, _):
        zb[pl.ds(i * 16, 16)] = fz
        return 0
    lax.fori_loop(0, _ZSLICE // 16, _zero, 0)
    pltpu.sync_copy(zb, shared.at[pl.ds(sid * _ZSLICE, _ZSLICE)])

    def _zdec(i, _):
        dec_vm[pl.ds(i * 16, 16)] = fz
        return 0
    lax.fori_loop(0, _DEC_PAD // 16, _zdec, 0)
    plsc.subcore_barrier()

    lane = lax.iota(jnp.int32, 16)
    iz = jnp.zeros((16,), jnp.int32)
    io = iz + 1
    i3 = iz + 3
    i63 = iz + 63
    iL = iz + _L

    def _chunk_row(j, carry):
        s, t = carry
        for k in range(8):
            off = j * 128 + k * 16

            g = pk_vm[pl.ds(off, 16)]
            h = lax.shift_right_logical(g, iz + 11)
            mp = g & i63
            mt = lax.shift_right_logical(g, iz + 6) & i3
            hv = lax.shift_right_logical(g, iz + 8) & io
            v0 = lax.shift_right_logical(g, iz + 9) & io
            v1 = lax.shift_right_logical(g, iz + 10) & io
            gh = plsc.load_gather(pk_vm, [s * _L + h])
            hp = gh & i63
            ht = lax.shift_right_logical(gh, iz + 6) & i3
            w = w_vm[pl.ds(off, 16)]

            d = jnp.where(h < t, io, iz)
            wh = jnp.where(h > iz, w, fz)

            tidx = ((((hp * _P + mp) * _T + ht) * _T + mt) * 2 + d) * _CV + hv
            bm = (mp * _T + mt) * 8
            bh = (hp * _T + ht) * 8

            c = k * 16
            ib[j, pl.ds(c, 16)] = tidx
            wb[j, pl.ds(c, 16)] = w
            plsc.addupdate_scatter(dec_vm, [bm + v0 * 2], w)
            plsc.addupdate_scatter(dec_vm, [bm + 4 + v1 * 2], w)
            plsc.addupdate_scatter(dec_vm, [bh + d * 4 + hv * 2 + 1], wh)

            t16 = t + 16
            wrap = t16 >= iL
            t = jnp.where(wrap, t16 - _L, t16)
            s = jnp.where(wrap, s + 1, s)
        return s, t

    lax.fori_loop(0, _ROWS_PER_GROUP, _chunk_row, (iz, lane))

    for i in range(_DEC_PAD // 16):
        ib[_ROWS_PER_GROUP + i // 8, pl.ds((i % 8) * 16, 16)] = (
            lane + (_DEC_BASE + i * 16))

    def _src(r):
        if r < _ROWS_PER_GROUP:
            return wb.at[r]
        return dec_vm.at[pl.ds((r - _ROWS_PER_GROUP) * 128, 128)]

    for g in range((_N_ROWS + 7) // 8):
        descs = []
        for r in range(g * 8, min(g * 8 + 8, _N_ROWS)):
            descs.append(
                pltpu.async_copy(_src(r), shared.at[ib.at[r]], sem, add=True))
        for dsc in descs:
            dsc.wait()
    plsc.subcore_barrier()

    off = sid * _ZSLICE
    pltpu.sync_copy(shared.at[pl.ds(off, _ZSLICE)], zb)
    pltpu.sync_copy(zb, hist_out.at[pl.ds(cid * _HIST_PAD + off, _ZSLICE)])


@jax.jit
def _sc_hist(pk, weights):
    mesh = plsc.VectorSubcoreMesh(core_axis_name="c", subcore_axis_name="s")
    f = pl.kernel(
        _sc_hist_body,
        out_type=jax.ShapeDtypeStruct((_NC * _HIST_PAD,), jnp.float32),
        mesh=mesh,
        scratch_types=[
            pltpu.VMEM((_EV_PER_W,), jnp.int32),
            pltpu.VMEM((_EV_PER_W,), jnp.float32),
            pltpu.VMEM((_N_ROWS, 128), jnp.int32),
            pltpu.VMEM((_ROWS_PER_GROUP, 128), jnp.float32),
            pltpu.VMEM((_DEC_PAD,), jnp.float32),
            pltpu.VMEM((_ZSLICE,), jnp.float32),
            pltpu.VMEM_SHARED((_HIST_PAD,), jnp.float32),
            pltpu.SemaphoreType.DMA,
        ],
        compiler_params=pltpu.CompilerParams(needs_layout_passes=False),
    )
    return f(pk, weights)


def _finalize_body(tp_ref, dp_ref, to_ref, do_ref):
    t = tp_ref[...] + _SMOOTH
    to_ref[...] = t / jnp.sum(t, axis=1, keepdims=True)
    d = dp_ref[...] + _SMOOTH
    do_ref[...] = d / jnp.sum(d, axis=1, keepdims=True)


@jax.jit
def kernel(pos_ids, heads, tags, head_valences, valences, weights):
    pk = (pos_ids | (tags << 6) | (head_valences << 8)
          | (valences[..., 0] << 9) | (valences[..., 1] << 10)
          | (heads << 11))
    hist = _sc_hist(pk.reshape(-1), weights.reshape(-1))
    hs = hist[:_HIST_PAD] + hist[_HIST_PAD:]
    tp = hs[:_TRANS_BINS].reshape(_P, _P, _T * _T * 2 * _CV)
    dp = hs[_DEC_BASE:_HIST].reshape(_P * _T * 2, _DV, 2)
    tparam, dparam = pl.pallas_call(
        _finalize_body,
        out_shape=(
            jax.ShapeDtypeStruct((_P, _P, _T * _T * 2 * _CV), jnp.float32),
            jax.ShapeDtypeStruct((_P * _T * 2, _DV, 2), jnp.float32),
        ),
    )(tp, dp)
    return jnp.concatenate([tparam.ravel(), dparam.ravel()])

# --- scband reference (transcript-rebuilt; emitter-appended) ---
"""Pipeline reference for scband-ml-dmv-model-73701638800050 (READ-ONLY COPY).

The authoritative reference and input builder live on the scoring server;
editing this copy changes nothing except your own understanding.
"""

import jax, jax.numpy as jnp
import numpy as np

P = 35
T = 4
CV = 2
DV = 2
B = 4096
L = 50
SMOOTH = 0.1

def setup_inputs(seed: int = 0) -> dict:
    key = jax.random.key(seed)
    ks = jax.random.split(key, 6)
    pos_ids = jax.random.randint(ks[0], (B, L), 0, P, dtype=jnp.int32)
    heads = jax.random.randint(ks[1], (B, L), 0, L, dtype=jnp.int32)
    tags = jax.random.randint(ks[2], (B, L), 0, T, dtype=jnp.int32)
    head_valences = jax.random.randint(ks[3], (B, L), 0, CV, dtype=jnp.int32)
    valences = jax.random.randint(ks[4], (B, L, 2), 0, DV, dtype=jnp.int32)
    weights = jax.random.uniform(ks[5], (B, L), dtype=jnp.float32)
    return {"pos_ids": pos_ids, "heads": heads, "tags": tags,
            "head_valences": head_valences, "valences": valences,
            "weights": weights}

def reference(pos_ids, heads, tags, head_valences, valences, weights):
    # Vectorized form of ml_dmv_model.calcu_counter + init_param normalization.
    # Each (head, modifier) dependency event bins a soft count (weight) into
    # multidimensional histogram counters, then counts are smoothed and
    # normalized into conditional probability tables.
    i_idx = jnp.arange(L, dtype=jnp.int32)[None, :]
    dir_ = (heads < i_idx).astype(jnp.int32)  # dir=1 if h < i else 0
    h_pos = jnp.take_along_axis(pos_ids, heads, axis=1)
    h_tag = jnp.take_along_axis(tags, heads, axis=1)

    w = weights.reshape(-1)
    hp = h_pos.reshape(-1)
    mp = pos_ids.reshape(-1)
    ht = h_tag.reshape(-1)
    mt = tags.reshape(-1)
    d = dir_.reshape(-1)
    hv = head_valences.reshape(-1)  # cvalency>1 -> m_child_valence = head_valence
    v0 = valences[..., 0].reshape(-1)
    v1 = valences[..., 1].reshape(-1)

    # trans_counter[h_pos, m_pos, h_tag, m_tag, dir, child_valence] += w
    trans_counter = jnp.zeros((P, P, T, T, 2, CV), dtype=jnp.float32)
    trans_counter = trans_counter.at[hp, mp, ht, mt, d, hv].add(w)

    # decision_counter[m_dec_pos, m_tag, dir, valence, stop/continue]
    dec_counter = jnp.zeros((P, T, 2, DV, 2), dtype=jnp.float32)
    dec_counter = dec_counter.at[mp, mt, 0, v0, 0].add(w)
    dec_counter = dec_counter.at[mp, mt, 1, v1, 0].add(w)
    # head-side continue decision only when h > 0
    wh = w * (heads.reshape(-1) > 0).astype(jnp.float32)
    dec_counter = dec_counter.at[hp, ht, d, hv, 1].add(wh)

    # count smoothing + normalization (as in init_param / em m-step)
    trans_c = trans_counter + SMOOTH
    trans_param = trans_c / jnp.sum(trans_c, axis=1, keepdims=True)
    dec_c = dec_counter + SMOOTH
    dec_param = dec_c / jnp.sum(dec_c, axis=3, keepdims=True)

    return jnp.concatenate([trans_param.ravel(), dec_param.ravel()])

if __name__ == "__main__":
    import jax
    _d = setup_inputs()
    print(jax.jit(kernel)(*tuple(_d.values())))

</pallas_src>

<mosaic_0001>
#map = affine_map<(d0, d1) -> (0)>
module attributes {stable_mosaic.version = 14 : i64} {
  func.func @_sc_hist_body(%arg0: i32, %arg1: i32, %arg2: memref<204800xi32, #tpu.memory_space<hbm>>, %arg3: memref<204800xf32, #tpu.memory_space<hbm>>, %arg4: memref<159744xf32, #tpu.memory_space<hbm>>, %arg5: memref<6400xi32, #tpu.memory_space<vmem>>, %arg6: memref<6400xf32, #tpu.memory_space<vmem>>, %arg7: memref<59x128xi32, #tpu.memory_space<vmem>>, %arg8: memref<50x128xf32, #tpu.memory_space<vmem>>, %arg9: memref<1152xf32, #tpu.memory_space<vmem>>, %arg10: memref<4992xf32, #tpu.memory_space<vmem>>, %arg11: memref<79872xf32, #tpu.memory_space<vmem_shared>>, %arg12: memref<!tpu.dma_semaphore, #tpu.memory_space<semaphore_mem>>) attributes {dimension_semantics = [#tpu.dimension_semantics<core_parallel>, #tpu.dimension_semantics<subcore_parallel>], iteration_bounds = array<i64: 2, 16>, scalar_prefetch = 0 : i64, scratch_operands = 8 : i64, tpu.core_type = #tpu.core_type<sc_vector_subcore>, window_params = [{transform_indices = #map}, {transform_indices = #map}, {transform_indices = #map}]} {
    %mul3A = arith.constant 16 : i32
    %mul3A_0 = arith.muli %arg0, %mul3A : i32
    %add3A = arith.addi %mul3A_0, %arg1 : i32
    %mul3A_1 = arith.constant 128 : i32
    %mul3A_2 = arith.muli %add3A, %mul3A_1 : i32
    %mul3A_3 = arith.constant 6400 : i32
    %mul3A_4 = arith.muli %add3A, %mul3A_3 : i32
    "tpu.region"() ({
      %run_scoped3A = tpu.sem_alloc : memref<!tpu.dma_semaphore, #tpu.memory_space<semaphore_mem>>
      %dma_start3A_1692 = tpu.memref_slice %arg2[%mul3A_4] : memref<204800xi32, #tpu.memory_space<hbm>> -> memref<6400xi32, #tpu.memory_space<hbm>>
      %dma_start3A_1693 = tpu.memref_slice %arg2[%mul3A_4] : memref<204800xi32, #tpu.memory_space<hbm>> -> memref<6400xi32, #tpu.memory_space<hbm>>
      tpu.enqueue_dma source(%dma_start3A_1693 : memref<6400xi32, #tpu.memory_space<hbm>>) target(%arg5 : memref<6400xi32, #tpu.memory_space<vmem>>) target_semaphore(%run_scoped3A : memref<!tpu.dma_semaphore, #tpu.memory_space<semaphore_mem>>)
      %dma_wait3A_1694 = tpu.memref_slice %arg2[%mul3A_4] : memref<204800xi32, #tpu.memory_space<hbm>> -> memref<6400xi32, #tpu.memory_space<hbm>>
      %dma_wait3A_1695 = tpu.memref_slice %arg2[%mul3A_4] : memref<204800xi32, #tpu.memory_space<hbm>> -> memref<6400xi32, #tpu.memory_space<hbm>>
      tpu.wait_dma2 semaphore(%run_scoped3A : memref<!tpu.dma_semaphore, #tpu.memory_space<semaphore_mem>>) src(%dma_wait3A_1695 : memref<6400xi32, #tpu.memory_space<hbm>>) dst(%arg5 : memref<6400xi32, #tpu.memory_space<vmem>>)
      tpu.yield
    }) : () -> ()
    "tpu.region"() ({
      %run_scoped3A = tpu.sem_alloc : memref<!tpu.dma_semaphore, #tpu.memory_space<semaphore_mem>>
      %dma_start3A_1692 = tpu.memref_slice %arg3[%mul3A_4] : memref<204800xf32, #tpu.memory_space<hbm>> -> memref<6400xf32, #tpu.memory_space<hbm>>
      %dma_start3A_1693 = tpu.memref_slice %arg3[%mul3A_4] : memref<204800xf32, #tpu.memory_space<hbm>> -> memref<6400xf32, #tpu.memory_space<hbm>>
      tpu.enqueue_dma source(%dma_start3A_1693 : memref<6400xf32, #tpu.memory_space<hbm>>) target(%arg6 : memref<6400xf32, #tpu.memory_space<vmem>>) target_semaphore(%run_scoped3A : memref<!tpu.dma_semaphore, #tpu.memory_space<semaphore_mem>>)
      %dma_wait3A_1694 = tpu.memref_slice %arg3[%mul3A_4] : memref<204800xf32, #tpu.memory_space<hbm>> -> memref<6400xf32, #tpu.memory_space<hbm>>
      %dma_wait3A_1695 = tpu.memref_slice %arg3[%mul3A_4] : memref<204800xf32, #tpu.memory_space<hbm>> -> memref<6400xf32, #tpu.memory_space<hbm>>
      tpu.wait_dma2 semaphore(%run_scoped3A : memref<!tpu.dma_semaphore, #tpu.memory_space<semaphore_mem>>) src(%dma_wait3A_1695 : memref<6400xf32, #tpu.memory_space<hbm>>) dst(%arg6 : memref<6400xf32, #tpu.memory_space<vmem>>)
      tpu.yield
    }) : () -> ()
    %broadcast_in_dim3A = arith.constant 0.000000e+00 : f32
    %broadcast_in_dim3A_5 = vector.broadcast %broadcast_in_dim3A : f32 to vector<16xf32>
    %scan3A = arith.constant 0 : i32
    %scan3A_6 = arith.constant 0 : i32
    %scan3A_7 = arith.constant 312 : i32
    %scan3A_8 = arith.addi %scan3A_6, %scan3A_7 : i32
    %scan3A_9 = arith.constant 1 : i32
    %scan3A_10 = scf.for %scan3A_1692 = %scan3A_6 to %scan3A_8 step %scan3A_9 iter_args(%scan3A_1693 = %scan3A) -> (i32)  : i32 {
      %mul3A_1694 = arith.constant 16 : i32
      %mul3A_1695 = arith.muli %scan3A_1692, %mul3A_1694 : i32
      %swap3A_1696 = arith.index_cast %mul3A_1695 : i32 to index
      %swap3A_1697 = tpu.vector_load %arg10[%swap3A_1696] {strides = array<i32>} : memref<4992xf32, #tpu.memory_space<vmem>>, vector<16xf32>,
      tpu.vector_store %arg10[%swap3A_1696], %broadcast_in_dim3A_5 {strides = array<i32>} : memref<4992xf32, #tpu.memory_space<vmem>>, vector<16xf32>,
      %scan3A_1698 = arith.constant 0 : i32
      scf.yield %scan3A_1698 : i32
    }
    %scan3A_11 = arith.constant 312 : i32
    %mul3A_12 = arith.constant 4992 : i32
    %mul3A_13 = arith.muli %arg1, %mul3A_12 : i32
    "tpu.region"() ({
      %run_scoped3A = tpu.sem_alloc : memref<!tpu.dma_semaphore, #tpu.memory_space<semaphore_mem>>
      %dma_start3A_1692 = tpu.memref_slice %arg11[%mul3A_13] : memref<79872xf32, #tpu.memory_space<vmem_shared>> -> memref<4992xf32, #tpu.memory_space<vmem_shared>>
      %dma_start3A_1693 = tpu.memref_slice %arg11[%mul3A_13] : memref<79872xf32, #tpu.memory_space<vmem_shared>> -> memref<4992xf32, #tpu.memory_space<vmem_shared>>
      tpu.enqueue_dma source(%arg10 : memref<4992xf32, #tpu.memory_space<vmem>>) target(%dma_start3A_1693 : memref<4992xf32, #tpu.memory_space<vmem_shared>>) target_semaphore(%run_scoped3A : memref<!tpu.dma_semaphore, #tpu.memory_space<semaphore_mem>>)
      %dma_wait3A_1694 = tpu.memref_slice %arg11[%mul3A_13] : memref<79872xf32, #tpu.memory_space<vmem_shared>> -> memref<4992xf32, #tpu.memory_space<vmem_shared>>
      %dma_wait3A_1695 = tpu.memref_slice %arg11[%mul3A_13] : memref<79872xf32, #tpu.memory_space<vmem_shared>> -> memref<4992xf32, #tpu.memory_space<vmem_shared>>
      tpu.wait_dma2 semaphore(%run_scoped3A : memref<!tpu.dma_semaphore, #tpu.memory_space<semaphore_mem>>) src(%arg10 : memref<4992xf32, #tpu.memory_space<vmem>>) dst(%dma_wait3A_1695 : memref<4992xf32, #tpu.memory_space<vmem_shared>>)
      tpu.yield
    }) : () -> ()
    %scan3A_14 = arith.constant 0 : i32
    %scan3A_15 = arith.constant 0 : i32
    %scan3A_16 = arith.constant 72 : i32
    %scan3A_17 = arith.addi %scan3A_15, %scan3A_16 : i32
    %scan3A_18 = arith.constant 1 : i32
    %scan3A_19 = scf.for %scan3A_1692 = %scan3A_15 to %scan3A_17 step %scan3A_18 iter_args(%scan3A_1693 = %scan3A_14) -> (i32)  : i32 {
      %mul3A_1694 = arith.constant 16 : i32
      %mul3A_1695 = arith.muli %scan3A_1692, %mul3A_1694 : i32
      %swap3A_1696 = arith.index_cast %mul3A_1695 : i32 to index
      %swap3A_1697 = tpu.vector_load %arg9[%swap3A_1696] {strides = array<i32>} : memref<1152xf32, #tpu.memory_space<vmem>>, vector<16xf32>,
      tpu.vector_store %arg9[%swap3A_1696], %broadcast_in_dim3A_5 {strides = array<i32>} : memref<1152xf32, #tpu.memory_space<vmem>>, vector<16xf32>,
      %scan3A_1698 = arith.constant 0 : i32
      scf.yield %scan3A_1698 : i32
    }
    %scan3A_20 = arith.constant 72 : i32
    %barrier3A = arith.constant 0 : index
    tpu.barrier barrier_id(%barrier3A)
    %iota3A = tpu.iota {dimensions = array<i32: 0>} : vector<16xi32>
    %broadcast_in_dim3A_21 = arith.constant 0 : i32
    %broadcast_in_dim3A_22 = vector.broadcast %broadcast_in_dim3A_21 : i32 to vector<16xi32>
    %add3A_23 = arith.constant 1 : i32
    %add3A_24 = vector.broadcast %add3A_23 : i32 to vector<16xi32>
    %add3A_25 = arith.addi %broadcast_in_dim3A_22, %add3A_24 : vector<16xi32>
    %add3A_26 = arith.constant 3 : i32
    %add3A_27 = vector.broadcast %add3A_26 : i32 to vector<16xi32>
    %add3A_28 = arith.addi %broadcast_in_dim3A_22, %add3A_27 : vector<16xi32>
    %add3A_29 = arith.constant 63 : i32
    %add3A_30 = vector.broadcast %add3A_29 : i32 to vector<16xi32>
    %add3A_31 = arith.addi %broadcast_in_dim3A_22, %add3A_30 : vector<16xi32>
    %add3A_32 = arith.constant 50 : i32
    %add3A_33 = vector.broadcast %add3A_32 : i32 to vector<16xi32>
    %add3A_34 = arith.addi %broadcast_in_dim3A_22, %add3A_33 : vector<16xi32>
    %scan3A_35 = arith.constant 0 : i32
    %scan3A_36 = arith.constant 50 : i32
    %scan3A_37 = arith.addi %scan3A_35, %scan3A_36 : i32
    %scan3A_38 = arith.constant 1 : i32
    %scan3A_39:2 = scf.for %scan3A_1692 = %scan3A_35 to %scan3A_37 step %scan3A_38 iter_args(%scan3A_1693 = %broadcast_in_dim3A_22, %scan3A_1694 = %iota3A) -> (vector<16xi32>, vector<16xi32>)  : i32 {
      %mul3A_1695 = arith.constant 128 : i32
      %mul3A_1696 = arith.muli %scan3A_1692, %mul3A_1695 : i32
      %add3A_1697 = arith.constant 0 : i32
      %add3A_1698 = arith.addi %mul3A_1696, %add3A_1697 : i32
      %get3A = arith.index_cast %add3A_1698 : i32 to index
      %get3A_1699 = tpu.vector_load %arg5[%get3A] {strides = array<i32>} : memref<6400xi32, #tpu.memory_space<vmem>>, vector<16xi32>,
      %add3A_1700 = arith.constant 11 : i32
      %add3A_1701 = vector.broadcast %add3A_1700 : i32 to vector<16xi32>
      %add3A_1702 = arith.addi %broadcast_in_dim3A_22, %add3A_1701 : vector<16xi32>
      %shift_right_logical3A = arith.shrui %get3A_1699, %add3A_1702 : vector<16xi32>
      %and3A = arith.andi %get3A_1699, %add3A_31 : vector<16xi32>
      %add3A_1703 = arith.constant 6 : i32
      %add3A_1704 = vector.broadcast %add3A_1703 : i32 to vector<16xi32>
      %add3A_1705 = arith.addi %broadcast_in_dim3A_22, %add3A_1704 : vector<16xi32>
      %shift_right_logical3A_1706 = arith.shrui %get3A_1699, %add3A_1705 : vector<16xi32>
      %and3A_1707 = arith.andi %shift_right_logical3A_1706, %add3A_28 : vector<16xi32>
      %add3A_1708 = arith.constant 8 : i32
      %add3A_1709 = vector.broadcast %add3A_1708 : i32 to vector<16xi32>
      %add3A_1710 = arith.addi %broadcast_in_dim3A_22, %add3A_1709 : vector<16xi32>
      %shift_right_logical3A_1711 = arith.shrui %get3A_1699, %add3A_1710 : vector<16xi32>
      %and3A_1712 = arith.andi %shift_right_logical3A_1711, %add3A_25 : vector<16xi32>
      %add3A_1713 = arith.constant 9 : i32
      %add3A_1714 = vector.broadcast %add3A_1713 : i32 to vector<16xi32>
      %add3A_1715 = arith.addi %broadcast_in_dim3A_22, %add3A_1714 : vector<16xi32>
      %shift_right_logical3A_1716 = arith.shrui %get3A_1699, %add3A_1715 : vector<16xi32>
      %and3A_1717 = arith.andi %shift_right_logical3A_1716, %add3A_25 : vector<16xi32>
      %add3A_1718 = arith.constant 10 : i32
      %add3A_1719 = vector.broadcast %add3A_1718 : i32 to vector<16xi32>
      %add3A_1720 = arith.addi %broadcast_in_dim3A_22, %add3A_1719 : vector<16xi32>
      %shift_right_logical3A_1721 = arith.shrui %get3A_1699, %add3A_1720 : vector<16xi32>
      %and3A_1722 = arith.andi %shift_right_logical3A_1721, %add3A_25 : vector<16xi32>
      %mul3A_1723 = arith.constant 50 : i32
      %mul3A_1724 = vector.broadcast %mul3A_1723 : i32 to vector<16xi32>
      %mul3A_1725 = arith.muli %scan3A_1693, %mul3A_1724 : vector<16xi32>
      %add3A_1726 = arith.addi %mul3A_1725, %shift_right_logical3A : vector<16xi32>
      %gather3A = tpu.vector_load_idx %arg5[%add3A_1726] : memref<6400xi32, #tpu.memory_space<vmem>>[vector<16xi32>], vector<16xi32>,
      %and3A_1727 = arith.andi %gather3A, %add3A_31 : vector<16xi32>
      %add3A_1728 = arith.constant 6 : i32
      %add3A_1729 = vector.broadcast %add3A_1728 : i32 to vector<16xi32>
      %add3A_1730 = arith.addi %broadcast_in_dim3A_22, %add3A_1729 : vector<16xi32>
      %shift_right_logical3A_1731 = arith.shrui %gather3A, %add3A_1730 : vector<16xi32>
      %and3A_1732 = arith.andi %shift_right_logical3A_1731, %add3A_28 : vector<16xi32>
      %get3A_1733 = arith.index_cast %add3A_1698 : i32 to index
      %get3A_1734 = tpu.vector_load %arg6[%get3A_1733] {strides = array<i32>} : memref<6400xf32, #tpu.memory_space<vmem>>, vector<16xf32>,
      %lt3A = arith.cmpi slt, %shift_right_logical3A, %scan3A_1694 : vector<16xi32>
      %select_n3A = arith.select %lt3A, %add3A_25, %broadcast_in_dim3A_22 : vector<16xi1>, vector<16xi32>
      %gt3A = arith.cmpi sgt, %shift_right_logical3A, %broadcast_in_dim3A_22 : vector<16xi32>
      %select_n3A_1735 = arith.select %gt3A, %get3A_1734, %broadcast_in_dim3A_5 : vector<16xi1>, vector<16xf32>
      %mul3A_1736 = arith.constant 35 : i32
      %mul3A_1737 = vector.broadcast %mul3A_1736 : i32 to vector<16xi32>
      %mul3A_1738 = arith.muli %and3A_1727, %mul3A_1737 : vector<16xi32>
      %add3A_1739 = arith.addi %mul3A_1738, %and3A : vector<16xi32>
      %mul3A_1740 = arith.constant 4 : i32
      %mul3A_1741 = vector.broadcast %mul3A_1740 : i32 to vector<16xi32>
      %mul3A_1742 = arith.muli %add3A_1739, %mul3A_1741 : vector<16xi32>
      %add3A_1743 = arith.addi %mul3A_1742, %and3A_1732 : vector<16xi32>
      %mul3A_1744 = arith.constant 4 : i32
      %mul3A_1745 = vector.broadcast %mul3A_1744 : i32 to vector<16xi32>
      %mul3A_1746 = arith.muli %add3A_1743, %mul3A_1745 : vector<16xi32>
      %add3A_1747 = arith.addi %mul3A_1746, %and3A_1707 : vector<16xi32>
      %mul3A_1748 = arith.constant 2 : i32
      %mul3A_1749 = vector.broadcast %mul3A_1748 : i32 to vector<16xi32>
      %mul3A_1750 = arith.muli %add3A_1747, %mul3A_1749 : vector<16xi32>
      %add3A_1751 = arith.addi %mul3A_1750, %select_n3A : vector<16xi32>
      %mul3A_1752 = arith.constant 2 : i32
      %mul3A_1753 = vector.broadcast %mul3A_1752 : i32 to vector<16xi32>
      %mul3A_1754 = arith.muli %add3A_1751, %mul3A_1753 : vector<16xi32>
      %add3A_1755 = arith.addi %mul3A_1754, %and3A_1712 : vector<16xi32>
      %mul3A_1756 = arith.constant 4 : i32
      %mul3A_1757 = vector.broadcast %mul3A_1756 : i32 to vector<16xi32>
      %mul3A_1758 = arith.muli %and3A, %mul3A_1757 : vector<16xi32>
      %add3A_1759 = arith.addi %mul3A_1758, %and3A_1707 : vector<16xi32>
      %mul3A_1760 = arith.constant 8 : i32
      %mul3A_1761 = vector.broadcast %mul3A_1760 : i32 to vector<16xi32>
      %mul3A_1762 = arith.muli %add3A_1759, %mul3A_1761 : vector<16xi32>
      %mul3A_1763 = arith.constant 4 : i32
      %mul3A_1764 = vector.broadcast %mul3A_1763 : i32 to vector<16xi32>
      %mul3A_1765 = arith.muli %and3A_1727, %mul3A_1764 : vector<16xi32>
      %add3A_1766 = arith.addi %mul3A_1765, %and3A_1732 : vector<16xi32>
      %mul3A_1767 = arith.constant 8 : i32
      %mul3A_1768 = vector.broadcast %mul3A_1767 : i32 to vector<16xi32>
      %mul3A_1769 = arith.muli %add3A_1766, %mul3A_1768 : vector<16xi32>
      %swap3A_1770 = arith.index_cast %scan3A_1692 : i32 to index
      %swap3A_1771 = arith.constant 0 : index
      %swap3A_1772 = tpu.vector_load %arg7[%swap3A_1770, %swap3A_1771] {strides = array<i32>} : memref<59x128xi32, #tpu.memory_space<vmem>>, vector<16xi32>,
      tpu.vector_store %arg7[%swap3A_1770, %swap3A_1771], %add3A_1755 {strides = array<i32>} : memref<59x128xi32, #tpu.memory_space<vmem>>, vector<16xi32>,
      %swap3A_1773 = arith.index_cast %scan3A_1692 : i32 to index
      %swap3A_1774 = arith.constant 0 : index
      %swap3A_1775 = tpu.vector_load %arg8[%swap3A_1773, %swap3A_1774] {strides = array<i32>} : memref<50x128xf32, #tpu.memory_space<vmem>>, vector<16xf32>,
      tpu.vector_store %arg8[%swap3A_1773, %swap3A_1774], %get3A_1734 {strides = array<i32>} : memref<50x128xf32, #tpu.memory_space<vmem>>, vector<16xf32>,
      %mul3A_1776 = arith.constant 2 : i32
      %mul3A_1777 = vector.broadcast %mul3A_1776 : i32 to vector<16xi32>
      %mul3A_1778 = arith.muli %and3A_1717, %mul3A_1777 : vector<16xi32>
      %add3A_1779 = arith.addi %mul3A_1762, %mul3A_1778 : vector<16xi32>
      tpu.vector_store_idx %arg9[%add3A_1779], %get3A_1734 {add = true} : memref<1152xf32, #tpu.memory_space<vmem>>[vector<16xi32>], vector<16xf32>,
      %add3A_1780 = arith.constant 4 : i32
      %add3A_1781 = vector.broadcast %add3A_1780 : i32 to vector<16xi32>
      %add3A_1782 = arith.addi %mul3A_1762, %add3A_1781 : vector<16xi32>
      %mul3A_1783 = arith.constant 2 : i32
      %mul3A_1784 = vector.broadcast %mul3A_1783 : i32 to vector<16xi32>
      %mul3A_1785 = arith.muli %and3A_1722, %mul3A_1784 : vector<16xi32>
      %add3A_1786 = arith.addi %add3A_1782, %mul3A_1785 : vector<16xi32>
      tpu.vector_store_idx %arg9[%add3A_1786], %get3A_1734 {add = true} : memref<1152xf32, #tpu.memory_space<vmem>>[vector<16xi32>], vector<16xf32>,
      %mul3A_1787 = arith.constant 4 : i32
      %mul3A_1788 = vector.broadcast %mul3A_1787 : i32 to vector<16xi32>
      %mul3A_1789 = arith.muli %select_n3A, %mul3A_1788 : vector<16xi32>
      %add3A_1790 = arith.addi %mul3A_1769, %mul3A_1789 : vector<16xi32>
      %mul3A_1791 = arith.constant 2 : i32
      %mul3A_1792 = vector.broadcast %mul3A_1791 : i32 to vector<16xi32>
      %mul3A_1793 = arith.muli %and3A_1712, %mul3A_1792 : vector<16xi32>
      %add3A_1794 = arith.addi %add3A_1790, %mul3A_1793 : vector<16xi32>
      %add3A_1795 = arith.constant 1 : i32
      %add3A_1796 = vector.broadcast %add3A_1795 : i32 to vector<16xi32>
      %add3A_1797 = arith.addi %add3A_1794, %add3A_1796 : vector<16xi32>
      tpu.vector_store_idx %arg9[%add3A_1797], %select_n3A_1735 {add = true} : memref<1152xf32, #tpu.memory_space<vmem>>[vector<16xi32>], vector<16xf32>,
      %add3A_1798 = arith.constant 16 : i32
      %add3A_1799 = vector.broadcast %add3A_1798 : i32 to vector<16xi32>
      %add3A_1800 = arith.addi %scan3A_1694, %add3A_1799 : vector<16xi32>
      %ge3A = arith.cmpi sge, %add3A_1800, %add3A_34 : vector<16xi32>
      %sub3A = arith.constant 50 : i32
      %sub3A_1801 = vector.broadcast %sub3A : i32 to vector<16xi32>
      %sub3A_1802 = arith.subi %add3A_1800, %sub3A_1801 : vector<16xi32>
      %select_n3A_1803 = arith.select %ge3A, %sub3A_1802, %add3A_1800 : vector<16xi1>, vector<16xi32>
      %add3A_1804 = arith.constant 1 : i32
      %add3A_1805 = vector.broadcast %add3A_1804 : i32 to vector<16xi32>
      %add3A_1806 = arith.addi %scan3A_1693, %add3A_1805 : vector<16xi32>
      %select_n3A_1807 = arith.select %ge3A, %add3A_1806, %scan3A_1693 : vector<16xi1>, vector<16xi32>
      %mul3A_1808 = arith.constant 128 : i32
      %mul3A_1809 = arith.muli %scan3A_1692, %mul3A_1808 : i32
      %add3A_1810 = arith.constant 16 : i32
      %add3A_1811 = arith.addi %mul3A_1809, %add3A_1810 : i32
      %get3A_1812 = arith.index_cast %add3A_1811 : i32 to index
      %get3A_1813 = tpu.vector_load %arg5[%get3A_1812] {strides = array<i32>} : memref<6400xi32, #tpu.memory_space<vmem>>, vector<16xi32>,
      %add3A_1814 = arith.constant 11 : i32
      %add3A_1815 = vector.broadcast %add3A_1814 : i32 to vector<16xi32>
      %add3A_1816 = arith.addi %broadcast_in_dim3A_22, %add3A_1815 : vector<16xi32>
      %shift_right_logical3A_1817 = arith.shrui %get3A_1813, %add3A_1816 : vector<16xi32>
      %and3A_1818 = arith.andi %get3A_1813, %add3A_31 : vector<16xi32>
      %add3A_1819 = arith.constant 6 : i32
      %add3A_1820 = vector.broadcast %add3A_1819 : i32 to vector<16xi32>
      %add3A_1821 = arith.addi %broadcast_in_dim3A_22, %add3A_1820 : vector<16xi32>
      %shift_right_logical3A_1822 = arith.shrui %get3A_1813, %add3A_1821 : vector<16xi32>
      %and3A_1823 = arith.andi %shift_right_logical3A_1822, %add3A_28 : vector<16xi32>
      %add3A_1824 = arith.constant 8 : i32
      %add3A_1825 = vector.broadcast %add3A_1824 : i32 to vector<16xi32>
      %add3A_1826 = arith.addi %broadcast_in_dim3A_22, %add3A_1825 : vector<16xi32>
      %shift_right_logical3A_1827 = arith.shrui %get3A_1813, %add3A_1826 : vector<16xi32>
      %and3A_1828 = arith.andi %shift_right_logical3A_1827, %add3A_25 : vector<16xi32>
      %add3A_1829 = arith.constant 9 : i32
      %add3A_1830 = vector.broadcast %add3A_1829 : i32 to vector<16xi32>
      %add3A_1831 = arith.addi %broadcast_in_dim3A_22, %add3A_1830 : vector<16xi32>
      %shift_right_logical3A_1832 = arith.shrui %get3A_1813, %add3A_1831 : vector<16xi32>
      %and3A_1833 = arith.andi %shift_right_logical3A_1832, %add3A_25 : vector<16xi32>
      %add3A_1834 = arith.constant 10 : i32
      %add3A_1835 = vector.broadcast %add3A_1834 : i32 to vector<16xi32>
      %add3A_1836 = arith.addi %broadcast_in_dim3A_22, %add3A_1835 : vector<16xi32>
      %shift_right_logical3A_1837 = arith.shrui %get3A_1813, %add3A_1836 : vector<16xi32>
      %and3A_1838 = arith.andi %shift_right_logical3A_1837, %add3A_25 : vector<16xi32>
      %mul3A_1839 = arith.constant 50 : i32
      %mul3A_1840 = vector.broadcast %mul3A_1839 : i32 to vector<16xi32>
      %mul3A_1841 = arith.muli %select_n3A_1807, %mul3A_1840 : vector<16xi32>
      %add3A_1842 = arith.addi %mul3A_1841, %shift_right_logical3A_1817 : vector<16xi32>
      %gather3A_1843 = tpu.vector_load_idx %arg5[%add3A_1842] : memref<6400xi32, #tpu.memory_space<vmem>>[vector<16xi32>], vector<16xi32>,
      %and3A_1844 = arith.andi %gather3A_1843, %add3A_31 : vector<16xi32>
      %add3A_1845 = arith.constant 6 : i32
      %add3A_1846 = vector.broadcast %add3A_1845 : i32 to vector<16xi32>
      %add3A_1847 = arith.addi %broadcast_in_dim3A_22, %add3A_1846 : vector<16xi32>
      %shift_right_logical3A_1848 = arith.shrui %gather3A_1843, %add3A_1847 : vector<16xi32>
      %and3A_1849 = arith.andi %shift_right_logical3A_1848, %add3A_28 : vector<16xi32>
      %get3A_1850 = arith.index_cast %add3A_1811 : i32 to index
      %get3A_1851 = tpu.vector_load %arg6[%get3A_1850] {strides = array<i32>} : memref<6400xf32, #tpu.memory_space<vmem>>, vector<16xf32>,
      %lt3A_1852 = arith.cmpi slt, %shift_right_logical3A_1817, %select_n3A_1803 : vector<16xi32>
      %select_n3A_1853 = arith.select %lt3A_1852, %add3A_25, %broadcast_in_dim3A_22 : vector<16xi1>, vector<16xi32>
      %gt3A_1854 = arith.cmpi sgt, %shift_right_logical3A_1817, %broadcast_in_dim3A_22 : vector<16xi32>
      %select_n3A_1855 = arith.select %gt3A_1854, %get3A_1851, %broadcast_in_dim3A_5 : vector<16xi1>, vector<16xf32>
      %mul3A_1856 = arith.constant 35 : i32
      %mul3A_1857 = vector.broadcast %mul3A_1856 : i32 to vector<16xi32>
      %mul3A_1858 = arith.muli %and3A_1844, %mul3A_1857 : vector<16xi32>
      %add3A_1859 = arith.addi %mul3A_1858, %and3A_1818 : vector<16xi32>
      %mul3A_1860 = arith.constant 4 : i32
      %mul3A_1861 = vector.broadcast %mul3A_1860 : i32 to vector<16xi32>
      %mul3A_1862 = arith.muli %add3A_1859, %mul3A_1861 : vector<16xi32>
      %add3A_1863 = arith.addi %mul3A_1862, %and3A_1849 : vector<16xi32>
      %mul3A_1864 = arith.constant 4 : i32
      %mul3A_1865 = vector.broadcast %mul3A_1864 : i32 to vector<16xi32>
      %mul3A_1866 = arith.muli %add3A_1863, %mul3A_1865 : vector<16xi32>
      %add3A_1867 = arith.addi %mul3A_1866, %and3A_1823 : vector<16xi32>
      %mul3A_1868 = arith.constant 2 : i32
      %mul3A_1869 = vector.broadcast %mul3A_1868 : i32 to vector<16xi32>
      %mul3A_1870 = arith.muli %add3A_1867, %mul3A_1869 : vector<16xi32>
      %add3A_1871 = arith.addi %mul3A_1870, %select_n3A_1853 : vector<16xi32>
      %mul3A_1872 = arith.constant 2 : i32
      %mul3A_1873 = vector.broadcast %mul3A_1872 : i32 to vector<16xi32>
      %mul3A_1874 = arith.muli %add3A_1871, %mul3A_1873 : vector<16xi32>
      %add3A_1875 = arith.addi %mul3A_1874, %and3A_1828 : vector<16xi32>
      %mul3A_1876 = arith.constant 4 : i32
      %mul3A_1877 = vector.broadcast %mul3A_1876 : i32 to vector<16xi32>
      %mul3A_1878 = arith.muli %and3A_1818, %mul3A_1877 : vector<16xi32>
      %add3A_1879 = arith.addi %mul3A_1878, %and3A_1823 : vector<16xi32>
      %mul3A_1880 = arith.constant 8 : i32
      %mul3A_1881 = vector.broadcast %mul3A_1880 : i32 to vector<16xi32>
      %mul3A_1882 = arith.muli %add3A_1879, %mul3A_1881 : vector<16xi32>
      %mul3A_1883 = arith.constant 4 : i32
      %mul3A_1884 = vector.broadcast %mul3A_1883 : i32 to vector<16xi32>
      %mul3A_1885 = arith.muli %and3A_1844, %mul3A_1884 : vector<16xi32>
      %add3A_1886 = arith.addi %mul3A_1885, %and3A_1849 : vector<16xi32>
      %mul3A_1887 = arith.constant 8 : i32
      %mul3A_1888 = vector.broadcast %mul3A_1887 : i32 to vector<16xi32>
      %mul3A_1889 = arith.muli %add3A_1886, %mul3A_1888 : vector<16xi32>
      %swap3A_1890 = arith.index_cast %scan3A_1692 : i32 to index
      %swap3A_1891 = arith.constant 16 : index
      %swap3A_1892 = tpu.vector_load %arg7[%swap3A_1890, %swap3A_1891] {strides = array<i32>} : memref<59x128xi32, #tpu.memory_space<vmem>>, vector<16xi32>,
      tpu.vector_store %arg7[%swap3A_1890, %swap3A_1891], %add3A_1875 {strides = array<i32>} : memref<59x128xi32, #tpu.memory_space<vmem>>, vector<16xi32>,
      %swap3A_1893 = arith.index_cast %scan3A_1692 : i32 to index
      %swap3A_1894 = arith.constant 16 : index
      %swap3A_1895 = tpu.vector_load %arg8[%swap3A_1893, %swap3A_1894] {strides = array<i32>} : memref<50x128xf32, #tpu.memory_space<vmem>>, vector<16xf32>,
      tpu.vector_store %arg8[%swap3A_1893, %swap3A_1894], %get3A_1851 {strides = array<i32>} : memref<50x128xf32, #tpu.memory_space<vmem>>, vector<16xf32>,
      %mul3A_1896 = arith.constant 2 : i32
      %mul3A_1897 = vector.broadcast %mul3A_1896 : i32 to vector<16xi32>
      %mul3A_1898 = arith.muli %and3A_1833, %mul3A_1897 : vector<16xi32>
      %add3A_1899 = arith.addi %mul3A_1882, %mul3A_1898 : vector<16xi32>
      tpu.vector_store_idx %arg9[%add3A_1899], %get3A_1851 {add = true} : memref<1152xf32, #tpu.memory_space<vmem>>[vector<16xi32>], vector<16xf32>,
      %add3A_1900 = arith.constant 4 : i32
      %add3A_1901 = vector.broadcast %add3A_1900 : i32 to vector<16xi32>
      %add3A_1902 = arith.addi %mul3A_1882, %add3A_1901 : vector<16xi32>
      %mul3A_1903 = arith.constant 2 : i32
      %mul3A_1904 = vector.broadcast %mul3A_1903 : i32 to vector<16xi32>
      %mul3A_1905 = arith.muli %and3A_1838, %mul3A_1904 : vector<16xi32>
      %add3A_1906 = arith.addi %add3A_1902, %mul3A_1905 : vector<16xi32>
      tpu.vector_store_idx %arg9[%add3A_1906], %get3A_1851 {add = true} : memref<1152xf32, #tpu.memory_space<vmem>>[vector<16xi32>], vector<16xf32>,
      %mul3A_1907 = arith.constant 4 : i32
      %mul3A_1908 = vector.broadcast %mul3A_1907 : i32 to vector<16xi32>
      %mul3A_1909 = arith.muli %select_n3A_1853, %mul3A_1908 : vector<16xi32>
      %add3A_1910 = arith.addi %mul3A_1889, %mul3A_1909 : vector<16xi32>
      %mul3A_1911 = arith.constant 2 : i32
      %mul3A_1912 = vector.broadcast %mul3A_1911 : i32 to vector<16xi32>
      %mul3A_1913 = arith.muli %and3A_1828, %mul3A_1912 : vector<16xi32>
      %add3A_1914 = arith.addi %add3A_1910, %mul3A_1913 : vector<16xi32>
      %add3A_1915 = arith.constant 1 : i32
      %add3A_1916 = vector.broadcast %add3A_1915 : i32 to vector<16xi32>
      %add3A_1917 = arith.addi %add3A_1914, %add3A_1916 : vector<16xi32>
      tpu.vector_store_idx %arg9[%add3A_1917], %select_n3A_1855 {add = true} : memref<1152xf32, #tpu.memory_space<vmem>>[vector<16xi32>], vector<16xf32>,
      %add3A_1918 = arith.constant 16 : i32
      %add3A_1919 = vector.broadcast %add3A_1918 : i32 to vector<16xi32>
      %add3A_1920 = arith.addi %select_n3A_1803, %add3A_1919 : vector<16xi32>
      %ge3A_1921 = arith.cmpi sge, %add3A_1920, %add3A_34 : vector<16xi32>
      %sub3A_1922 = arith.constant 50 : i32
      %sub3A_1923 = vector.broadcast %sub3A_1922 : i32 to vector<16xi32>
      %sub3A_1924 = arith.subi %add3A_1920, %sub3A_1923 : vector<16xi32>
      %select_n3A_1925 = arith.select %ge3A_1921, %sub3A_1924, %add3A_1920 : vector<16xi1>, vector<16xi32>
      %add3A_1926 = arith.constant 1 : i32
      %add3A_1927 = vector.broadcast %add3A_1926 : i32 to vector<16xi32>
      %add3A_1928 = arith.addi %select_n3A_1807, %add3A_1927 : vector<16xi32>
      %select_n3A_1929 = arith.select %ge3A_1921, %add3A_1928, %select_n3A_1807 : vector<16xi1>, vector<16xi32>
      %mul3A_1930 = arith.constant 128 : i32
      %mul3A_1931 = arith.muli %scan3A_1692, %mul3A_1930 : i32
      %add3A_1932 = arith.constant 32 : i32
      %add3A_1933 = arith.addi %mul3A_1931, %add3A_1932 : i32
      %get3A_1934 = arith.index_cast %add3A_1933 : i32 to index
      %get3A_1935 = tpu.vector_load %arg5[%get3A_1934] {strides = array<i32>} : memref<6400xi32, #tpu.memory_space<vmem>>, vector<16xi32>,
      %add3A_1936 = arith.constant 11 : i32
      %add3A_1937 = vector.broadcast %add3A_1936 : i32 to vector<16xi32>
      %add3A_1938 = arith.addi %broadcast_in_dim3A_22, %add3A_1937 : vector<16xi32>
      %shift_right_logical3A_1939 = arith.shrui %get3A_1935, %add3A_1938 : vector<16xi32>
      %and3A_1940 = arith.andi %get3A_1935, %add3A_31 : vector<16xi32>
      %add3A_1941 = arith.constant 6 : i32
      %add3A_1942 = vector.broadcast %add3A_1941 : i32 to vector<16xi32>
      %add3A_1943 = arith.addi %broadcast_in_dim3A_22, %add3A_1942 : vector<16xi32>
      %shift_right_logical3A_1944 = arith.shrui %get3A_1935, %add3A_1943 : vector<16xi32>
      %and3A_1945 = arith.andi %shift_right_logical3A_1944, %add3A_28 : vector<16xi32>
      %add3A_1946 = arith.constant 8 : i32
      %add3A_1947 = vector.broadcast %add3A_1946 : i32 to vector<16xi32>
      %add3A_1948 = arith.addi %broadcast_in_dim3A_22, %add3A_1947 : vector<16xi32>
      %shift_right_logical3A_1949 = arith.shrui %get3A_1935, %add3A_1948 : vector<16xi32>
      %and3A_1950 = arith.andi %shift_right_logical3A_1949, %add3A_25 : vector<16xi32>
      %add3A_1951 = arith.constant 9 : i32
      %add3A_1952 = vector.broadcast %add3A_1951 : i32 to vector<16xi32>
      %add3A_1953 = arith.addi %broadcast_in_dim3A_22, %add3A_1952 : vector<16xi32>
      %shift_right_logical3A_1954 = arith.shrui %get3A_1935, %add3A_1953 : vector<16xi32>
      %and3A_1955 = arith.andi %shift_right_logical3A_1954, %add3A_25 : vector<16xi32>
      %add3A_1956 = arith.constant 10 : i32
      %add3A_1957 = vector.broadcast %add3A_1956 : i32 to vector<16xi32>
      %add3A_1958 = arith.addi %broadcast_in_dim3A_22, %add3A_1957 : vector<16xi32>
      %shift_right_logical3A_1959 = arith.shrui %get3A_1935, %add3A_1958 : vector<16xi32>
      %and3A_1960 = arith.andi %shift_right_logical3A_1959, %add3A_25 : vector<16xi32>
      %mul3A_1961 = arith.constant 50 : i32
      %mul3A_1962 = vector.broadcast %mul3A_1961 : i32 to vector<16xi32>
      %mul3A_1963 = arith.muli %select_n3A_1929, %mul3A_1962 : vector<16xi32>
      %add3A_1964 = arith.addi %mul3A_1963, %shift_right_logical3A_1939 : vector<16xi32>
      %gather3A_1965 = tpu.vector_load_idx %arg5[%add3A_1964] : memref<6400xi32, #tpu.memory_space<vmem>>[vector<16xi32>], vector<16xi32>,
      %and3A_1966 = arith.andi %gather3A_1965, %add3A_31 : vector<16xi32>
      %add3A_1967 = arith.constant 6 : i32
      %add3A_1968 = vector.broadcast %add3A_1967 : i32 to vector<16xi32>
      %add3A_1969 = arith.addi %broadcast_in_dim3A_22, %add3A_1968 : vector<16xi32>
      %shift_right_logical3A_1970 = arith.shrui %gather3A_1965, %add3A_1969 : vector<16xi32>
      %and3A_1971 = arith.andi %shift_right_logical3A_1970, %add3A_28 : vector<16xi32>
      %get3A_1972 = arith.index_cast %add3A_1933 : i32 to index
      %get3A_1973 = tpu.vector_load %arg6[%get3A_1972] {strides = array<i32>} : memref<6400xf32, #tpu.memory_space<vmem>>, vector<16xf32>,
      %lt3A_1974 = arith.cmpi slt, %shift_right_logical3A_1939, %select_n3A_1925 : vector<16xi32>
      %select_n3A_1975 = arith.select %lt3A_1974, %add3A_25, %broadcast_in_dim3A_22 : vector<16xi1>, vector<16xi32>
      %gt3A_1976 = arith.cmpi sgt, %shift_right_logical3A_1939, %broadcast_in_dim3A_22 : vector<16xi32>
      %select_n3A_1977 = arith.select %gt3A_1976, %get3A_1973, %broadcast_in_dim3A_5 : vector<16xi1>, vector<16xf32>
      %mul3A_1978 = arith.constant 35 : i32
      %mul3A_1979 = vector.broadcast %mul3A_1978 : i32 to vector<16xi32>
      %mul3A_1980 = arith.muli %and3A_1966, %mul3A_1979 : vector<16xi32>
      %add3A_1981 = arith.addi %mul3A_1980, %and3A_1940 : vector<16xi32>
      %mul3A_1982 = arith.constant 4 : i32
      %mul3A_1983 = vector.broadcast %mul3A_1982 : i32 to vector<16xi32>
      %mul3A_1984 = arith.muli %add3A_1981, %mul3A_1983 : vector<16xi32>
      %add3A_1985 = arith.addi %mul3A_1984, %and3A_1971 : vector<16xi32>
      %mul3A_1986 = arith.constant 4 : i32
      %mul3A_1987 = vector.broadcast %mul3A_1986 : i32 to vector<16xi32>
      %mul3A_1988 = arith.muli %add3A_1985, %mul3A_1987 : vector<16xi32>
      %add3A_1989 = arith.addi %mul3A_1988, %and3A_1945 : vector<16xi32>
      %mul3A_1990 = arith.constant 2 : i32
      %mul3A_1991 = vector.broadcast %mul3A_1990 : i32 to vector<16xi32>
      %mul3A_1992 = arith.muli %add3A_1989, %mul3A_1991 : vector<16xi32>
      %add3A_1993 = arith.addi %mul3A_1992, %select_n3A_1975 : vector<16xi32>
      %mul3A_1994 = arith.constant 2 : i32
      %mul3A_1995 = vector.broadcast %mul3A_1994 : i32 to vector<16xi32>
      %mul3A_1996 = arith.muli %add3A_1993, %mul3A_1995 : vector<16xi32>
      %add3A_1997 = arith.addi %mul3A_1996, %and3A_1950 : vector<16xi32>
      %mul3A_1998 = arith.constant 4 : i32
      %mul3A_1999 = vector.broadcast %mul3A_1998 : i32 to vector<16xi32>
      %mul3A_2000 = arith.muli %and3A_1940, %mul3A_1999 : vector<16xi32>
      %add3A_2001 = arith.addi %mul3A_2000, %and3A_1945 : vector<16xi32>
      %mul3A_2002 = arith.constant 8 : i32
      %mul3A_2003 = vector.broadcast %mul3A_2002 : i32 to vector<16xi32>
      %mul3A_2004 = arith.muli %add3A_2001, %mul3A_2003 : vector<16xi32>
      %mul3A_2005 = arith.constant 4 : i32
      %mul3A_2006 = vector.broadcast %mul3A_2005 : i32 to vector<16xi32>
      %mul3A_2007 = arith.muli %and3A_1966, %mul3A_2006 : vector<16xi32>
      %add3A_2008 = arith.addi %mul3A_2007, %and3A_1971 : vector<16xi32>
      %mul3A_2009 = arith.constant 8 : i32
      %mul3A_2010 = vector.broadcast %mul3A_2009 : i32 to vector<16xi32>
      %mul3A_2011 = arith.muli %add3A_2008, %mul3A_2010 : vector<16xi32>
      %swap3A_2012 = arith.index_cast %scan3A_1692 : i32 to index
      %swap3A_2013 = arith.constant 32 : index
      %swap3A_2014 = tpu.vector_load %arg7[%swap3A_2012, %swap3A_2013] {strides = array<i32>} : memref<59x128xi32, #tpu.memory_space<vmem>>, vector<16xi32>,
      tpu.vector_store %arg7[%swap3A_2012, %swap3A_2013], %add3A_1997 {strides = array<i32>} : memref<59x128xi32, #tpu.memory_space<vmem>>, vector<16xi32>,
      %swap3A_2015 = arith.index_cast %scan3A_1692 : i32 to index
      %swap3A_2016 = arith.constant 32 : index
      %swap3A_2017 = tpu.vector_load %arg8[%swap3A_2015, %swap3A_2016] {strides = array<i32>} : memref<50x128xf32, #tpu.memory_space<vmem>>, vector<16xf32>,
      tpu.vector_store %arg8[%swap3A_2015, %swap3A_2016], %get3A_1973 {strides = array<i32>} : memref<50x128xf32, #tpu.memory_space<vmem>>, vector<16xf32>,
      %mul3A_2018 = arith.constant 2 : i32
      %mul3A_2019 = vector.broadcast %mul3A_2018 : i32 to vector<16xi32>
      %mul3A_2020 = arith.muli %and3A_1955, %mul3A_2019 : vector<16xi32>
      %add3A_2021 = arith.addi %mul3A_2004, %mul3A_2020 : vector<16xi32>
      tpu.vector_store_idx %arg9[%add3A_2021], %get3A_1973 {add = true} : memref<1152xf32, #tpu.memory_space<vmem>>[vector<16xi32>], vector<16xf32>,
      %add3A_2022 = arith.constant 4 : i32
      %add3A_2023 = vector.broadcast %add3A_2022 : i32 to vector<16xi32>
      %add3A_2024 = arith.addi %mul3A_2004, %add3A_2023 : vector<16xi32>
      %mul3A_2025 = arith.constant 2 : i32
      %mul3A_2026 = vector.broadcast %mul3A_2025 : i32 to vector<16xi32>
      %mul3A_2027 = arith.muli %and3A_1960, %mul3A_2026 : vector<16xi32>
      %add3A_2028 = arith.addi %add3A_2024, %mul3A_2027 : vector<16xi32>
      tpu.vector_store_idx %arg9[%add3A_2028], %get3A_1973 {add = true} : memref<1152xf32, #tpu.memory_space<vmem>>[vector<16xi32>], vector<16xf32>,
      %mul3A_2029 = arith.constant 4 : i32
      %mul3A_2030 = vector.broadcast %mul3A_2029 : i32 to vector<16xi32>
      %mul3A_2031 = arith.muli %select_n3A_1975, %mul3A_2030 : vector<16xi32>
      %add3A_2032 = arith.addi %mul3A_2011, %mul3A_2031 : vector<16xi32>
      %mul3A_2033 = arith.constant 2 : i32
      %mul3A_2034 = vector.broadcast %mul3A_2033 : i32 to vector<16xi32>
      %mul3A_2035 = arith.muli %and3A_1950, %mul3A_2034 : vector<16xi32>
      %add3A_2036 = arith.addi %add3A_2032, %mul3A_2035 : vector<16xi32>
      %add3A_2037 = arith.constant 1 : i32
      %add3A_2038 = vector.broadcast %add3A_2037 : i32 to vector<16xi32>
      %add3A_2039 = arith.addi %add3A_2036, %add3A_2038 : vector<16xi32>
      tpu.vector_store_idx %arg9[%add3A_2039], %select_n3A_1977 {add = true} : memref<1152xf32, #tpu.memory_space<vmem>>[vector<16xi32>], vector<16xf32>,
      %add3A_2040 = arith.constant 16 : i32
      %add3A_2041 = vector.broadcast %add3A_2040 : i32 to vector<16xi32>
      %add3A_2042 = arith.addi %select_n3A_1925, %add3A_2041 : vector<16xi32>
      %ge3A_2043 = arith.cmpi sge, %add3A_2042, %add3A_34 : vector<16xi32>
      %sub3A_2044 = arith.constant 50 : i32
      %sub3A_2045 = vector.broadcast %sub3A_2044 : i32 to vector<16xi32>
      %sub3A_2046 = arith.subi %add3A_2042, %sub3A_2045 : vector<16xi32>
      %select_n3A_2047 = arith.select %ge3A_2043, %sub3A_2046, %add3A_2042 : vector<16xi1>, vector<16xi32>
      %add3A_2048 = arith.constant 1 : i32
      %add3A_2049 = vector.broadcast %add3A_2048 : i32 to vector<16xi32>
      %add3A_2050 = arith.addi %select_n3A_1929, %add3A_2049 : vector<16xi32>
      %select_n3A_2051 = arith.select %ge3A_2043, %add3A_2050, %select_n3A_1929 : vector<16xi1>, vector<16xi32>
      %mul3A_2052 = arith.constant 128 : i32
      %mul3A_2053 = arith.muli %scan3A_1692, %mul3A_2052 : i32
      %add3A_2054 = arith.constant 48 : i32
      %add3A_2055 = arith.addi %mul3A_2053, %add3A_2054 : i32
      %get3A_2056 = arith.index_cast %add3A_2055 : i32 to index
      %get3A_2057 = tpu.vector_load %arg5[%get3A_2056] {strides = array<i32>} : memref<6400xi32, #tpu.memory_space<vmem>>, vector<16xi32>,
      %add3A_2058 = arith.constant 11 : i32
      %add3A_2059 = vector.broadcast %add3A_2058 : i32 to vector<16xi32>
      %add3A_2060 = arith.addi %broadcast_in_dim3A_22, %add3A_2059 : vector<16xi32>
      %shift_right_logical3A_2061 = arith.shrui %get3A_2057, %add3A_2060 : vector<16xi32>
      %and3A_2062 = arith.andi %get3A_2057, %add3A_31 : vector<16xi32>
      %add3A_2063 = arith.constant 6 : i32
      %add3A_2064 = vector.broadcast %add3A_2063 : i32 to vector<16xi32>
      %add3A_2065 = arith.addi %broadcast_in_dim3A_22, %add3A_2064 : vector<16xi32>
      %shift_right_logical3A_2066 = arith.shrui %get3A_2057, %add3A_2065 : vector<16xi32>
      %and3A_2067 = arith.andi %shift_right_logical3A_2066, %add3A_28 : vector<16xi32>
      %add3A_2068 = arith.constant 8 : i32
      %add3A_2069 = vector.broadcast %add3A_2068 : i32 to vector<16xi32>
      %add3A_2070 = arith.addi %broadcast_in_dim3A_22, %add3A_2069 : vector<16xi32>
      %shift_right_logical3A_2071 = arith.shrui %get3A_2057, %add3A_2070 : vector<16xi32>
      %and3A_2072 = arith.andi %shift_right_logical3A_2071, %add3A_25 : vector<16xi32>
      %add3A_2073 = arith.constant 9 : i32
      %add3A_2074 = vector.broadcast %add3A_2073 : i32 to vector<16xi32>
      %add3A_2075 = arith.addi %broadcast_in_dim3A_22, %add3A_2074 : vector<16xi32>
      %shift_right_logical3A_2076 = arith.shrui %get3A_2057, %add3A_2075 : vector<16xi32>
      %and3A_2077 = arith.andi %shift_right_logical3A_2076, %add3A_25 : vector<16xi32>
      %add3A_2078 = arith.constant 10 : i32
      %add3A_2079 = vector.broadcast %add3A_2078 : i32 to vector<16xi32>
      %add3A_2080 = arith.addi %broadcast_in_dim3A_22, %add3A_2079 : vector<16xi32>
      %shift_right_logical3A_2081 = arith.shrui %get3A_2057, %add3A_2080 : vector<16xi32>
      %and3A_2082 = arith.andi %shift_right_logical3A_2081, %add3A_25 : vector<16xi32>
      %mul3A_2083 = arith.constant 50 : i32
      %mul3A_2084 = vector.broadcast %mul3A_2083 : i32 to vector<16xi32>
      %mul3A_2085 = arith.muli %select_n3A_2051, %mul3A_2084 : vector<16xi32>
      %add3A_2086 = arith.addi %mul3A_2085, %shift_right_logical3A_2061 : vector<16xi32>
      %gather3A_2087 = tpu.vector_load_idx %arg5[%add3A_2086] : memref<6400xi32, #tpu.memory_space<vmem>>[vector<16xi32>], vector<16xi32>,
      %and3A_2088 = arith.andi %gather3A_2087, %add3A_31 : vector<16xi32>
      %add3A_2089 = arith.constant 6 : i32
      %add3A_2090 = vector.broadcast %add3A_2089 : i32 to vector<16xi32>
      %add3A_2091 = arith.addi %broadcast_in_dim3A_22, %add3A_2090 : vector<16xi32>
      %shift_right_logical3A_2092 = arith.shrui %gather3A_2087, %add3A_2091 : vector<16xi32>
      %and3A_2093 = arith.andi %shift_right_logical3A_2092, %add3A_28 : vector<16xi32>
      %get3A_2094 = arith.index_cast %add3A_2055 : i32 to index
      %get3A_2095 = tpu.vector_load %arg6[%get3A_2094] {strides = array<i32>} : memref<6400xf32, #tpu.memory_space<vmem>>, vector<16xf32>,
      %lt3A_2096 = arith.cmpi slt, %shift_right_logical3A_2061, %select_n3A_2047 : vector<16xi32>
      %select_n3A_2097 = arith.select %lt3A_2096, %add3A_25, %broadcast_in_dim3A_22 : vector<16xi1>, vector<16xi32>
      %gt3A_2098 = arith.cmpi sgt, %shift_right_logical3A_2061, %broadcast_in_dim3A_22 : vector<16xi32>
      %select_n3A_2099 = arith.select %gt3A_2098, %get3A_2095, %broadcast_in_dim3A_5 : vector<16xi1>, vector<16xf32>
      %mul3A_2100 = arith.constant 35 : i32
      %mul3A_2101 = vector.broadcast %mul3A_2100 : i32 to vector<16xi32>
      %mul3A_2102 = arith.muli %and3A_2088, %mul3A_2101 : vector<16xi32>
      %add3A_2103 = arith.addi %mul3A_2102, %and3A_2062 : vector<16xi32>
      %mul3A_2104 = arith.constant 4 : i32
      %mul3A_2105 = vector.broadcast %mul3A_2104 : i32 to vector<16xi32>
      %mul3A_2106 = arith.muli %add3A_2103, %mul3A_2105 : vector<16xi32>
      %add3A_2107 = arith.addi %mul3A_2106, %and3A_2093 : vector<16xi32>
      %mul3A_2108 = arith.constant 4 : i32
      %mul3A_2109 = vector.broadcast %mul3A_2108 : i32 to vector<16xi32>
      %mul3A_2110 = arith.muli %add3A_2107, %mul3A_2109 : vector<16xi32>
      %add3A_2111 = arith.addi %mul3A_2110, %and3A_2067 : vector<16xi32>
      %mul3A_2112 = arith.constant 2 : i32
      %mul3A_2113 = vector.broadcast %mul3A_2112 : i32 to vector<16xi32>
      %mul3A_2114 = arith.muli %add3A_2111, %mul3A_2113 : vector<16xi32>
      %add3A_2115 = arith.addi %mul3A_2114, %select_n3A_2097 : vector<16xi32>
      %mul3A_2116 = arith.constant 2 : i32
      %mul3A_2117 = vector.broadcast %mul3A_2116 : i32 to vector<16xi32>
      %mul3A_2118 = arith.muli %add3A_2115, %mul3A_2117 : vector<16xi32>
      %add3A_2119 = arith.addi %mul3A_2118, %and3A_2072 : vector<16xi32>
      %mul3A_2120 = arith.constant 4 : i32
      %mul3A_2121 = vector.broadcast %mul3A_2120 : i32 to vector<16xi32>
      %mul3A_2122 = arith.muli %and3A_2062, %mul3A_2121 : vector<16xi32>
      %add3A_2123 = arith.addi %mul3A_2122, %and3A_2067 : vector<16xi32>
      %mul3A_2124 = arith.constant 8 : i32
      %mul3A_2125 = vector.broadcast %mul3A_2124 : i32 to vector<16xi32>
      %mul3A_2126 = arith.muli %add3A_2123, %mul3A_2125 : vector<16xi32>
      %mul3A_2127 = arith.constant 4 : i32
      %mul3A_2128 = vector.broadcast %mul3A_2127 : i32 to vector<16xi32>
      %mul3A_2129 = arith.muli %and3A_2088, %mul3A_2128 : vector<16xi32>
      %add3A_2130 = arith.addi %mul3A_2129, %and3A_2093 : vector<16xi32>
      %mul3A_2131 = arith.constant 8 : i32
      %mul3A_2132 = vector.broadcast %mul3A_2131 : i32 to vector<16xi32>
      %mul3A_2133 = arith.muli %add3A_2130, %mul3A_2132 : vector<16xi32>
      %swap3A_2134 = arith.index_cast %scan3A_1692 : i32 to index
      %swap3A_2135 = arith.constant 48 : index
      %swap3A_2136 = tpu.vector_load %arg7[%swap3A_2134, %swap3A_2135] {strides = array<i32>} : memref<59x128xi32, #tpu.memory_space<vmem>>, vector<16xi32>,
      tpu.vector_store %arg7[%swap3A_2134, %swap3A_2135], %add3A_2119 {strides = array<i32>} : memref<59x128xi32, #tpu.memory_space<vmem>>, vector<16xi32>,
      %swap3A_2137 = arith.index_cast %scan3A_1692 : i32 to index
      %swap3A_2138 = arith.constant 48 : index
      %swap3A_2139 = tpu.vector_load %arg8[%swap3A_2137, %swap3A_2138] {strides = array<i32>} : memref<50x128xf32, #tpu.memory_space<vmem>>, vector<16xf32>,
      tpu.vector_store %arg8[%swap3A_2137, %swap3A_2138], %get3A_2095 {strides = array<i32>} : memref<50x128xf32, #tpu.memory_space<vmem>>, vector<16xf32>,
      %mul3A_2140 = arith.constant 2 : i32
      %mul3A_2141 = vector.broadcast %mul3A_2140 : i32 to vector<16xi32>
      %mul3A_2142 = arith.muli %and3A_2077, %mul3A_2141 : vector<16xi32>
      %add3A_2143 = arith.addi %mul3A_2126, %mul3A_2142 : vector<16xi32>
      tpu.vector_store_idx %arg9[%add3A_2143], %get3A_2095 {add = true} : memref<1152xf32, #tpu.memory_space<vmem>>[vector<16xi32>], vector<16xf32>,
      %add3A_2144 = arith.constant 4 : i32
      %add3A_2145 = vector.broadcast %add3A_2144 : i32 to vector<16xi32>
      %add3A_2146 = arith.addi %mul3A_2126, %add3A_2145 : vector<16xi32>
      %mul3A_2147 = arith.constant 2 : i32
      %mul3A_2148 = vector.broadcast %mul3A_2147 : i32 to vector<16xi32>
      %mul3A_2149 = arith.muli %and3A_2082, %mul3A_2148 : vector<16xi32>
      %add3A_2150 = arith.addi %add3A_2146, %mul3A_2149 : vector<16xi32>
      tpu.vector_store_idx %arg9[%add3A_2150], %get3A_2095 {add = true} : memref<1152xf32, #tpu.memory_space<vmem>>[vector<16xi32>], vector<16xf32>,
      %mul3A_2151 = arith.constant 4 : i32
      %mul3A_2152 = vector.broadcast %mul3A_2151 : i32 to vector<16xi32>
      %mul3A_2153 = arith.muli %select_n3A_2097, %mul3A_2152 : vector<16xi32>
      %add3A_2154 = arith.addi %mul3A_2133, %mul3A_2153 : vector<16xi32>
      %mul3A_2155 = arith.constant 2 : i32
      %mul3A_2156 = vector.broadcast %mul3A_2155 : i32 to vector<16xi32>
      %mul3A_2157 = arith.muli %and3A_2072, %mul3A_2156 : vector<16xi32>
      %add3A_2158 = arith.addi %add3A_2154, %mul3A_2157 : vector<16xi32>
      %add3A_2159 = arith.constant 1 : i32
      %add3A_2160 = vector.broadcast %add3A_2159 : i32 to vector<16xi32>
      %add3A_2161 = arith.addi %add3A_2158, %add3A_2160 : vector<16xi32>
      tpu.vector_store_idx %arg9[%add3A_2161], %select_n3A_2099 {add = true} : memref<1152xf32, #tpu.memory_space<vmem>>[vector<16xi32>], vector<16xf32>,
      %add3A_2162 = arith.constant 16 : i32
      %add3A_2163 = vector.broadcast %add3A_2162 : i32 to vector<16xi32>
      %add3A_2164 = arith.addi %select_n3A_2047, %add3A_2163 : vector<16xi32>
      %ge3A_2165 = arith.cmpi sge, %add3A_2164, %add3A_34 : vector<16xi32>
      %sub3A_2166 = arith.constant 50 : i32
      %sub3A_2167 = vector.broadcast %sub3A_2166 : i32 to vector<16xi32>
      %sub3A_2168 = arith.subi %add3A_2164, %sub3A_2167 : vector<16xi32>
      %select_n3A_2169 = arith.select %ge3A_2165, %sub3A_2168, %add3A_2164 : vector<16xi1>, vector<16xi32>
      %add3A_2170 = arith.constant 1 : i32
      %add3A_2171 = vector.broadcast %add3A_2170 : i32 to vector<16xi32>
      %add3A_2172 = arith.addi %select_n3A_2051, %add3A_2171 : vector<16xi32>
      %select_n3A_2173 = arith.select %ge3A_2165, %add3A_2172, %select_n3A_2051 : vector<16xi1>, vector<16xi32>
      %mul3A_2174 = arith.constant 128 : i32
      %mul3A_2175 = arith.muli %scan3A_1692, %mul3A_2174 : i32
      %add3A_2176 = arith.constant 64 : i32
      %add3A_2177 = arith.addi %mul3A_2175, %add3A_2176 : i32
      %get3A_2178 = arith.index_cast %add3A_2177 : i32 to index
      %get3A_2179 = tpu.vector_load %arg5[%get3A_2178] {strides = array<i32>} : memref<6400xi32, #tpu.memory_space<vmem>>, vector<16xi32>,
      %add3A_2180 = arith.constant 11 : i32
      %add3A_2181 = vector.broadcast %add3A_2180 : i32 to vector<16xi32>
      %add3A_2182 = arith.addi %broadcast_in_dim3A_22, %add3A_2181 : vector<16xi32>
      %shift_right_logical3A_2183 = arith.shrui %get3A_2179, %add3A_2182 : vector<16xi32>
      %and3A_2184 = arith.andi %get3A_2179, %add3A_31 : vector<16xi32>
      %add3A_2185 = arith.constant 6 : i32
      %add3A_2186 = vector.broadcast %add3A_2185 : i32 to vector<16xi32>
      %add3A_2187 = arith.addi %broadcast_in_dim3A_22, %add3A_2186 : vector<16xi32>
      %shift_right_logical3A_2188 = arith.shrui %get3A_2179, %add3A_2187 : vector<16xi32>
      %and3A_2189 = arith.andi %shift_right_logical3A_2188, %add3A_28 : vector<16xi32>
      %add3A_2190 = arith.constant 8 : i32
      %add3A_2191 = vector.broadcast %add3A_2190 : i32 to vector<16xi32>
      %add3A_2192 = arith.addi %broadcast_in_dim3A_22, %add3A_2191 : vector<16xi32>
      %shift_right_logical3A_2193 = arith.shrui %get3A_2179, %add3A_2192 : vector<16xi32>
      %and3A_2194 = arith.andi %shift_right_logical3A_2193, %add3A_25 : vector<16xi32>
      %add3A_2195 = arith.constant 9 : i32
      %add3A_2196 = vector.broadcast %add3A_2195 : i32 to vector<16xi32>
      %add3A_2197 = arith.addi %broadcast_in_dim3A_22, %add3A_2196 : vector<16xi32>
      %shift_right_logical3A_2198 = arith.shrui %get3A_2179, %add3A_2197 : vector<16xi32>
      %and3A_2199 = arith.andi %shift_right_logical3A_2198, %add3A_25 : vector<16xi32>
      %add3A_2200 = arith.constant 10 : i32
      %add3A_2201 = vector.broadcast %add3A_2200 : i32 to vector<16xi32>
      %add3A_2202 = arith.addi %broadcast_in_dim3A_22, %add3A_2201 : vector<16xi32>
      %shift_right_logical3A_2203 = arith.shrui %get3A_2179, %add3A_2202 : vector<16xi32>
      %and3A_2204 = arith.andi %shift_right_logical3A_2203, %add3A_25 : vector<16xi32>
      %mul3A_2205 = arith.constant 50 : i32
      %mul3A_2206 = vector.broadcast %mul3A_2205 : i32 to vector<16xi32>
      %mul3A_2207 = arith.muli %select_n3A_2173, %mul3A_2206 : vector<16xi32>
      %add3A_2208 = arith.addi %mul3A_2207, %shift_right_logical3A_2183 : vector<16xi32>
      %gather3A_2209 = tpu.vector_load_idx %arg5[%add3A_2208] : memref<6400xi32, #tpu.memory_space<vmem>>[vector<16xi32>], vector<16xi32>,
      %and3A_2210 = arith.andi %gather3A_2209, %add3A_31 : vector<16xi32>
      %add3A_2211 = arith.constant 6 : i32
      %add3A_2212 = vector.broadcast %add3A_2211 : i32 to vector<16xi32>
      %add3A_2213 = arith.addi %broadcast_in_dim3A_22, %add3A_2212 : vector<16xi32>
      %shift_right_logical3A_2214 = arith.shrui %gather3A_2209, %add3A_2213 : vector<16xi32>
      %and3A_2215 = arith.andi %shift_right_logical3A_2214, %add3A_28 : vector<16xi32>
      %get3A_2216 = arith.index_cast %add3A_2177 : i32 to index
      %get3A_2217 = tpu.vector_load %arg6[%get3A_2216] {strides = array<i32>} : memref<6400xf32, #tpu.memory_space<vmem>>, vector<16xf32>,
      %lt3A_2218 = arith.cmpi slt, %shift_right_logical3A_2183, %select_n3A_2169 : vector<16xi32>
      %select_n3A_2219 = arith.select %lt3A_2218, %add3A_25, %broadcast_in_dim3A_22 : vector<16xi1>, vector<16xi32>
      %gt3A_2220 = arith.cmpi sgt, %shift_right_logical3A_2183, %broadcast_in_dim3A_22 : vector<16xi32>
      %select_n3A_2221 = arith.select %gt3A_2220, %get3A_2217, %broadcast_in_dim3A_5 : vector<16xi1>, vector<16xf32>
      %mul3A_2222 = arith.constant 35 : i32
      %mul3A_2223 = vector.broadcast %mul3A_2222 : i32 to vector<16xi32>
      %mul3A_2224 = arith.muli %and3A_2210, %mul3A_2223 : vector<16xi32>
      %add3A_2225 = arith.addi %mul3A_2224, %and3A_2184 : vector<16xi32>
      %mul3A_2226 = arith.constant 4 : i32
      %mul3A_2227 = vector.broadcast %mul3A_2226 : i32 to vector<16xi32>
      %mul3A_2228 = arith.muli %add3A_2225, %mul3A_2227 : vector<16xi32>
      %add3A_2229 = arith.addi %mul3A_2228, %and3A_2215 : vector<16xi32>
      %mul3A_2230 = arith.constant 4 : i32
      %mul3A_2231 = vector.broadcast %mul3A_2230 : i32 to vector<16xi32>
      %mul3A_2232 = arith.muli %add3A_2229, %mul3A_2231 : vector<16xi32>
      %add3A_2233 = arith.addi %mul3A_2232, %and3A_2189 : vector<16xi32>
      %mul3A_2234 = arith.constant 2 : i32
      %mul3A_2235 = vector.broadcast %mul3A_2234 : i32 to vector<16xi32>
      %mul3A_2236 = arith.muli %add3A_2233, %mul3A_2235 : vector<16xi32>
      %add3A_2237 = arith.addi %mul3A_2236, %select_n3A_2219 : vector<16xi32>
      %mul3A_2238 = arith.constant 2 : i32
      %mul3A_2239 = vector.broadcast %mul3A_2238 : i32 to vector<16xi32>
      %mul3A_2240 = arith.muli %add3A_2237, %mul3A_2239 : vector<16xi32>
      %add3A_2241 = arith.addi %mul3A_2240, %and3A_2194 : vector<16xi32>
      %mul3A_2242 = arith.constant 4 : i32
      %mul3A_2243 = vector.broadcast %mul3A_2242 : i32 to vector<16xi32>
      %mul3A_2244 = arith.muli %and3A_2184, %mul3A_2243 : vector<16xi32>
      %add3A_2245 = arith.addi %mul3A_2244, %and3A_2189 : vector<16xi32>
      %mul3A_2246 = arith.constant 8 : i32
      %mul3A_2247 = vector.broadcast %mul3A_2246 : i32 to vector<16xi32>
      %mul3A_2248 = arith.muli %add3A_2245, %mul3A_2247 : vector<16xi32>
      %mul3A_2249 = arith.constant 4 : i32
      %mul3A_2250 = vector.broadcast %mul3A_2249 : i32 to vector<16xi32>
      %mul3A_2251 = arith.muli %and3A_2210, %mul3A_2250 : vector<16xi32>
      %add3A_2252 = arith.addi %mul3A_2251, %and3A_2215 : vector<16xi32>
      %mul3A_2253 = arith.constant 8 : i32
      %mul3A_2254 = vector.broadcast %mul3A_2253 : i32 to vector<16xi32>
      %mul3A_2255 = arith.muli %add3A_2252, %mul3A_2254 : vector<16xi32>
      %swap3A_2256 = arith.index_cast %scan3A_1692 : i32 to index
      %swap3A_2257 = arith.constant 64 : index
      %swap3A_2258 = tpu.vector_load %arg7[%swap3A_2256, %swap3A_2257] {strides = array<i32>} : memref<59x128xi32, #tpu.memory_space<vmem>>, vector<16xi32>,
      tpu.vector_store %arg7[%swap3A_2256, %swap3A_2257], %add3A_2241 {strides = array<i32>} : memref<59x128xi32, #tpu.memory_space<vmem>>, vector<16xi32>,
      %swap3A_2259 = arith.index_cast %scan3A_1692 : i32 to index
      %swap3A_2260 = arith.constant 64 : index
      %swap3A_2261 = tpu.vector_load %arg8[%swap3A_2259, %swap3A_2260] {strides = array<i32>} : memref<50x128xf32, #tpu.memory_space<vmem>>, vector<16xf32>,
      tpu.vector_store %arg8[%swap3A_2259, %swap3A_2260], %get3A_2217 {strides = array<i32>} : memref<50x128xf32, #tpu.memory_space<vmem>>, vector<16xf32>,
      %mul3A_2262 = arith.constant 2 : i32
      %mul3A_2263 = vector.broadcast %mul3A_2262 : i32 to vector<16xi32>
      %mul3A_2264 = arith.muli %and3A_2199, %mul3A_2263 : vector<16xi32>
      %add3A_2265 = arith.addi %mul3A_2248, %mul3A_2264 : vector<16xi32>
      tpu.vector_store_idx %arg9[%add3A_2265], %get3A_2217 {add = true} : memref<1152xf32, #tpu.memory_space<vmem>>[vector<16xi32>], vector<16xf32>,
      %add3A_2266 = arith.constant 4 : i32
      %add3A_2267 = vector.broadcast %add3A_2266 : i32 to vector<16xi32>
      %add3A_2268 = arith.addi %mul3A_2248, %add3A_2267 : vector<16xi32>
      %mul3A_2269 = arith.constant 2 : i32
      %mul3A_2270 = vector.broadcast %mul3A_2269 : i32 to vector<16xi32>
      %mul3A_2271 = arith.muli %and3A_2204, %mul3A_2270 : vector<16xi32>
      %add3A_2272 = arith.addi %add3A_2268, %mul3A_2271 : vector<16xi32>
      tpu.vector_store_idx %arg9[%add3A_2272], %get3A_2217 {add = true} : memref<1152xf32, #tpu.memory_space<vmem>>[vector<16xi32>], vector<16xf32>,
      %mul3A_2273 = arith.constant 4 : i32
      %mul3A_2274 = vector.broadcast %mul3A_2273 : i32 to vector<16xi32>
      %mul3A_2275 = arith.muli %select_n3A_2219, %mul3A_2274 : vector<16xi32>
      %add3A_2276 = arith.addi %mul3A_2255, %mul3A_2275 : vector<16xi32>
      %mul3A_2277 = arith.constant 2 : i32
      %mul3A_2278 = vector.broadcast %mul3A_2277 : i32 to vector<16xi32>
      %mul3A_2279 = arith.muli %and3A_2194, %mul3A_2278 : vector<16xi32>
      %add3A_2280 = arith.addi %add3A_2276, %mul3A_2279 : vector<16xi32>
      %add3A_2281 = arith.constant 1 : i32
      %add3A_2282 = vector.broadcast %add3A_2281 : i32 to vector<16xi32>
      %add3A_2283 = arith.addi %add3A_2280, %add3A_2282 : vector<16xi32>
      tpu.vector_store_idx %arg9[%add3A_2283], %select_n3A_2221 {add = true} : memref<1152xf32, #tpu.memory_space<vmem>>[vector<16xi32>], vector<16xf32>,
      %add3A_2284 = arith.constant 16 : i32
      %add3A_2285 = vector.broadcast %add3A_2284 : i32 to vector<16xi32>
      %add3A_2286 = arith.addi %select_n3A_2169, %add3A_2285 : vector<16xi32>
      %ge3A_2287 = arith.cmpi sge, %add3A_2286, %add3A_34 : vector<16xi32>
      %sub3A_2288 = arith.constant 50 : i32
      %sub3A_2289 = vector.broadcast %sub3A_2288 : i32 to vector<16xi32>
      %sub3A_2290 = arith.subi %add3A_2286, %sub3A_2289 : vector<16xi32>
      %select_n3A_2291 = arith.select %ge3A_2287, %sub3A_2290, %add3A_2286 : vector<16xi1>, vector<16xi32>
      %add3A_2292 = arith.constant 1 : i32
      %add3A_2293 = vector.broadcast %add3A_2292 : i32 to vector<16xi32>
      %add3A_2294 = arith.addi %select_n3A_2173, %add3A_2293 : vector<16xi32>
      %select_n3A_2295 = arith.select %ge3A_2287, %add3A_2294, %select_n3A_2173 : vector<16xi1>, vector<16xi32>
      %mul3A_2296 = arith.constant 128 : i32
      %mul3A_2297 = arith.muli %scan3A_1692, %mul3A_2296 : i32
      %add3A_2298 = arith.constant 80 : i32
      %add3A_2299 = arith.addi %mul3A_2297, %add3A_2298 : i32
      %get3A_2300 = arith.index_cast %add3A_2299 : i32 to index
      %get3A_2301 = tpu.vector_load %arg5[%get3A_2300] {strides = array<i32>} : memref<6400xi32, #tpu.memory_space<vmem>>, vector<16xi32>,
      %add3A_2302 = arith.constant 11 : i32
      %add3A_2303 = vector.broadcast %add3A_2302 : i32 to vector<16xi32>
      %add3A_2304 = arith.addi %broadcast_in_dim3A_22, %add3A_2303 : vector<16xi32>
      %shift_right_logical3A_2305 = arith.shrui %get3A_2301, %add3A_2304 : vector<16xi32>
      %and3A_2306 = arith.andi %get3A_2301, %add3A_31 : vector<16xi32>
      %add3A_2307 = arith.constant 6 : i32
      %add3A_2308 = vector.broadcast %add3A_2307 : i32 to vector<16xi32>
      %add3A_2309 = arith.addi %broadcast_in_dim3A_22, %add3A_2308 : vector<16xi32>
      %shift_right_logical3A_2310 = arith.shrui %get3A_2301, %add3A_2309 : vector<16xi32>
      %and3A_2311 = arith.andi %shift_right_logical3A_2310, %add3A_28 : vector<16xi32>
      %add3A_2312 = arith.constant 8 : i32
      %add3A_2313 = vector.broadcast %add3A_2312 : i32 to vector<16xi32>
      %add3A_2314 = arith.addi %broadcast_in_dim3A_22, %add3A_2313 : vector<16xi32>
      %shift_right_logical3A_2315 = arith.shrui %get3A_2301, %add3A_2314 : vector<16xi32>
      %and3A_2316 = arith.andi %shift_right_logical3A_2315, %add3A_25 : vector<16xi32>
      %add3A_2317 = arith.constant 9 : i32
      %add3A_2318 = vector.broadcast %add3A_2317 : i32 to vector<16xi32>
      %add3A_2319 = arith.addi %broadcast_in_dim3A_22, %add3A_2318 : vector<16xi32>
      %shift_right_logical3A_2320 = arith.shrui %get3A_2301, %add3A_2319 : vector<16xi32>
      %and3A_2321 = arith.andi %shift_right_logical3A_2320, %add3A_25 : vector<16xi32>
      %add3A_2322 = arith.constant 10 : i32
      %add3A_2323 = vector.broadcast %add3A_2322 : i32 to vector<16xi32>
      %add3A_2324 = arith.addi %broadcast_in_dim3A_22, %add3A_2323 : vector<16xi32>
      %shift_right_logical3A_2325 = arith.shrui %get3A_2301, %add3A_2324 : vector<16xi32>
      %and3A_2326 = arith.andi %shift_right_logical3A_2325, %add3A_25 : vector<16xi32>
      %mul3A_2327 = arith.constant 50 : i32
      %mul3A_2328 = vector.broadcast %mul3A_2327 : i32 to vector<16xi32>
      %mul3A_2329 = arith.muli %select_n3A_2295, %mul3A_2328 : vector<16xi32>
      %add3A_2330 = arith.addi %mul3A_2329, %shift_right_logical3A_2305 : vector<16xi32>
      %gather3A_2331 = tpu.vector_load_idx %arg5[%add3A_2330] : memref<6400xi32, #tpu.memory_space<vmem>>[vector<16xi32>], vector<16xi32>,
      %and3A_2332 = arith.andi %gather3A_2331, %add3A_31 : vector<16xi32>
      %add3A_2333 = arith.constant 6 : i32
      %add3A_2334 = vector.broadcast %add3A_2333 : i32 to vector<16xi32>
      %add3A_2335 = arith.addi %broadcast_in_dim3A_22, %add3A_2334 : vector<16xi32>
      %shift_right_logical3A_2336 = arith.shrui %gather3A_2331, %add3A_2335 : vector<16xi32>
      %and3A_2337 = arith.andi %shift_right_logical3A_2336, %add3A_28 : vector<16xi32>
      %get3A_2338 = arith.index_cast %add3A_2299 : i32 to index
      %get3A_2339 = tpu.vector_load %arg6[%get3A_2338] {strides = array<i32>} : memref<6400xf32, #tpu.memory_space<vmem>>, vector<16xf32>,
      %lt3A_2340 = arith.cmpi slt, %shift_right_logical3A_2305, %select_n3A_2291 : vector<16xi32>
      %select_n3A_2341 = arith.select %lt3A_2340, %add3A_25, %broadcast_in_dim3A_22 : vector<16xi1>, vector<16xi32>
      %gt3A_2342 = arith.cmpi sgt, %shift_right_logical3A_2305, %broadcast_in_dim3A_22 : vector<16xi32>
      %select_n3A_2343 = arith.select %gt3A_2342, %get3A_2339, %broadcast_in_dim3A_5 : vector<16xi1>, vector<16xf32>
      %mul3A_2344 = arith.constant 35 : i32
      %mul3A_2345 = vector.broadcast %mul3A_2344 : i32 to vector<16xi32>
      %mul3A_2346 = arith.muli %and3A_2332, %mul3A_2345 : vector<16xi32>
      %add3A_2347 = arith.addi %mul3A_2346, %and3A_2306 : vector<16xi32>
      %mul3A_2348 = arith.constant 4 : i32
      %mul3A_2349 = vector.broadcast %mul3A_2348 : i32 to vector<16xi32>
      %mul3A_2350 = arith.muli %add3A_2347, %mul3A_2349 : vector<16xi32>
      %add3A_2351 = arith.addi %mul3A_2350, %and3A_2337 : vector<16xi32>
      %mul3A_2352 = arith.constant 4 : i32
      %mul3A_2353 = vector.broadcast %mul3A_2352 : i32 to vector<16xi32>
      %mul3A_2354 = arith.muli %add3A_2351, %mul3A_2353 : vector<16xi32>
      %add3A_2355 = arith.addi %mul3A_2354, %and3A_2311 : vector<16xi32>
      %mul3A_2356 = arith.constant 2 : i32
      %mul3A_2357 = vector.broadcast %mul3A_2356 : i32 to vector<16xi32>
      %mul3A_2358 = arith.muli %add3A_2355, %mul3A_2357 : vector<16xi32>
      %add3A_2359 = arith.addi %mul3A_2358, %select_n3A_2341 : vector<16xi32>
      %mul3A_2360 = arith.constant 2 : i32
      %mul3A_2361 = vector.broadcast %mul3A_2360 : i32 to vector<16xi32>
      %mul3A_2362 = arith.muli %add3A_2359, %mul3A_2361 : vector<16xi32>
      %add3A_2363 = arith.addi %mul3A_2362, %and3A_2316 : vector<16xi32>
      %mul3A_2364 = arith.constant 4 : i32
      %mul3A_2365 = vector.broadcast %mul3A_2364 : i32 to vector<16xi32>
      %mul3A_2366 = arith.muli %and3A_2306, %mul3A_2365 : vector<16xi32>
      %add3A_2367 = arith.addi %mul3A_2366, %and3A_2311 : vector<16xi32>
      %mul3A_2368 = arith.constant 8 : i32
      %mul3A_2369 = vector.broadcast %mul3A_2368 : i32 to vector<16xi32>
      %mul3A_2370 = arith.muli %add3A_2367, %mul3A_2369 : vector<16xi32>
      %mul3A_2371 = arith.constant 4 : i32
      %mul3A_2372 = vector.broadcast %mul3A_2371 : i32 to vector<16xi32>
      %mul3A_2373 = arith.muli %and3A_2332, %mul3A_2372 : vector<16xi32>
      %add3A_2374 = arith.addi %mul3A_2373, %and3A_2337 : vector<16xi32>
      %mul3A_2375 = arith.constant 8 : i32
      %mul3A_2376 = vector.broadcast %mul3A_2375 : i32 to vector<16xi32>
      %mul3A_2377 = arith.muli %add3A_2374, %mul3A_2376 : vector<16xi32>
      %swap3A_2378 = arith.index_cast %scan3A_1692 : i32 to index
      %swap3A_2379 = arith.constant 80 : index
      %swap3A_2380 = tpu.vector_load %arg7[%swap3A_2378, %swap3A_2379] {strides = array<i32>} : memref<59x128xi32, #tpu.memory_space<vmem>>, vector<16xi32>,
      tpu.vector_store %arg7[%swap3A_2378, %swap3A_2379], %add3A_2363 {strides = array<i32>} : memref<59x128xi32, #tpu.memory_space<vmem>>, vector<16xi32>,
      %swap3A_2381 = arith.index_cast %scan3A_1692 : i32 to index
      %swap3A_2382 = arith.constant 80 : index
      %swap3A_2383 = tpu.vector_load %arg8[%swap3A_2381, %swap3A_2382] {strides = array<i32>} : memref<50x128xf32, #tpu.memory_space<vmem>>, vector<16xf32>,
      tpu.vector_store %arg8[%swap3A_2381, %swap3A_2382], %get3A_2339 {strides = array<i32>} : memref<50x128xf32, #tpu.memory_space<vmem>>, vector<16xf32>,
      %mul3A_2384 = arith.constant 2 : i32
      %mul3A_2385 = vector.broadcast %mul3A_2384 : i32 to vector<16xi32>
      %mul3A_2386 = arith.muli %and3A_2321, %mul3A_2385 : vector<16xi32>
      %add3A_2387 = arith.addi %mul3A_2370, %mul3A_2386 : vector<16xi32>
      tpu.vector_store_idx %arg9[%add3A_2387], %get3A_2339 {add = true} : memref<1152xf32, #tpu.memory_space<vmem>>[vector<16xi32>], vector<16xf32>,
      %add3A_2388 = arith.constant 4 : i32
      %add3A_2389 = vector.broadcast %add3A_2388 : i32 to vector<16xi32>
      %add3A_2390 = arith.addi %mul3A_2370, %add3A_2389 : vector<16xi32>
      %mul3A_2391 = arith.constant 2 : i32
      %mul3A_2392 = vector.broadcast %mul3A_2391 : i32 to vector<16xi32>
      %mul3A_2393 = arith.muli %and3A_2326, %mul3A_2392 : vector<16xi32>
      %add3A_2394 = arith.addi %add3A_2390, %mul3A_2393 : vector<16xi32>
      tpu.vector_store_idx %arg9[%add3A_2394], %get3A_2339 {add = true} : memref<1152xf32, #tpu.memory_space<vmem>>[vector<16xi32>], vector<16xf32>,
      %mul3A_2395 = arith.constant 4 : i32
      %mul3A_2396 = vector.broadcast %mul3A_2395 : i32 to vector<16xi32>
      %mul3A_2397 = arith.muli %select_n3A_2341, %mul3A_2396 : vector<16xi32>
      %add3A_2398 = arith.addi %mul3A_2377, %mul3A_2397 : vector<16xi32>
      %mul3A_2399 = arith.constant 2 : i32
      %mul3A_2400 = vector.broadcast %mul3A_2399 : i32 to vector<16xi32>
      %mul3A_2401 = arith.muli %and3A_2316, %mul3A_2400 : vector<16xi32>
      %add3A_2402 = arith.addi %add3A_2398, %mul3A_2401 : vector<16xi32>
      %add3A_2403 = arith.constant 1 : i32
      %add3A_2404 = vector.broadcast %add3A_2403 : i32 to vector<16xi32>
      %add3A_2405 = arith.addi %add3A_2402, %add3A_2404 : vector<16xi32>
      tpu.vector_store_idx %arg9[%add3A_2405], %select_n3A_2343 {add = true} : memref<1152xf32, #tpu.memory_space<vmem>>[vector<16xi32>], vector<16xf32>,
      %add3A_2406 = arith.constant 16 : i32
      %add3A_2407 = vector.broadcast %add3A_2406 : i32 to vector<16xi32>
      %add3A_2408 = arith.addi %select_n3A_2291, %add3A_2407 : vector<16xi32>
      %ge3A_2409 = arith.cmpi sge, %add3A_2408, %add3A_34 : vector<16xi32>
      %sub3A_2410 = arith.constant 50 : i32
      %sub3A_2411 = vector.broadcast %sub3A_2410 : i32 to vector<16xi32>
      %sub3A_2412 = arith.subi %add3A_2408, %sub3A_2411 : vector<16xi32>
      %select_n3A_2413 = arith.select %ge3A_2409, %sub3A_2412, %add3A_2408 : vector<16xi1>, vector<16xi32>
      %add3A_2414 = arith.constant 1 : i32
      %add3A_2415 = vector.broadcast %add3A_2414 : i32 to vector<16xi32>
      %add3A_2416 = arith.addi %select_n3A_2295, %add3A_2415 : vector<16xi32>
      %select_n3A_2417 = arith.select %ge3A_2409, %add3A_2416, %select_n3A_2295 : vector<16xi1>, vector<16xi32>
      %mul3A_2418 = arith.constant 128 : i32
      %mul3A_2419 = arith.muli %scan3A_1692, %mul3A_2418 : i32
      %add3A_2420 = arith.constant 96 : i32
      %add3A_2421 = arith.addi %mul3A_2419, %add3A_2420 : i32
      %get3A_2422 = arith.index_cast %add3A_2421 : i32 to index
      %get3A_2423 = tpu.vector_load %arg5[%get3A_2422] {strides = array<i32>} : memref<6400xi32, #tpu.memory_space<vmem>>, vector<16xi32>,
      %add3A_2424 = arith.constant 11 : i32
      %add3A_2425 = vector.broadcast %add3A_2424 : i32 to vector<16xi32>
      %add3A_2426 = arith.addi %broadcast_in_dim3A_22, %add3A_2425 : vector<16xi32>
      %shift_right_logical3A_2427 = arith.shrui %get3A_2423, %add3A_2426 : vector<16xi32>
      %and3A_2428 = arith.andi %get3A_2423, %add3A_31 : vector<16xi32>
      %add3A_2429 = arith.constant 6 : i32
      %add3A_2430 = vector.broadcast %add3A_2429 : i32 to vector<16xi32>
      %add3A_2431 = arith.addi %broadcast_in_dim3A_22, %add3A_2430 : vector<16xi32>
      %shift_right_logical3A_2432 = arith.shrui %get3A_2423, %add3A_2431 : vector<16xi32>
      %and3A_2433 = arith.andi %shift_right_logical3A_2432, %add3A_28 : vector<16xi32>
      %add3A_2434 = arith.constant 8 : i32
      %add3A_2435 = vector.broadcast %add3A_2434 : i32 to vector<16xi32>
      %add3A_2436 = arith.addi %broadcast_in_dim3A_22, %add3A_2435 : vector<16xi32>
      %shift_right_logical3A_2437 = arith.shrui %get3A_2423, %add3A_2436 : vector<16xi32>
      %and3A_2438 = arith.andi %shift_right_logical3A_2437, %add3A_25 : vector<16xi32>
      %add3A_2439 = arith.constant 9 : i32
      %add3A_2440 = vector.broadcast %add3A_2439 : i32 to vector<16xi32>
      %add3A_2441 = arith.addi %broadcast_in_dim3A_22, %add3A_2440 : vector<16xi32>
      %shift_right_logical3A_2442 = arith.shrui %get3A_2423, %add3A_2441 : vector<16xi32>
      %and3A_2443 = arith.andi %shift_right_logical3A_2442, %add3A_25 : vector<16xi32>
      %add3A_2444 = arith.constant 10 : i32
      %add3A_2445 = vector.broadcast %add3A_2444 : i32 to vector<16xi32>
      %add3A_2446 = arith.addi %broadcast_in_dim3A_22, %add3A_2445 : vector<16xi32>
      %shift_right_logical3A_2447 = arith.shrui %get3A_2423, %add3A_2446 : vector<16xi32>
      %and3A_2448 = arith.andi %shift_right_logical3A_2447, %add3A_25 : vector<16xi32>
      %mul3A_2449 = arith.constant 50 : i32
      %mul3A_2450 = vector.broadcast %mul3A_2449 : i32 to vector<16xi32>
      %mul3A_2451 = arith.muli %select_n3A_2417, %mul3A_2450 : vector<16xi32>
      %add3A_2452 = arith.addi %mul3A_2451, %shift_right_logical3A_2427 : vector<16xi32>
      %gather3A_2453 = tpu.vector_load_idx %arg5[%add3A_2452] : memref<6400xi32, #tpu.memory_space<vmem>>[vector<16xi32>], vector<16xi32>,
      %and3A_2454 = arith.andi %gather3A_2453, %add3A_31 : vector<16xi32>
      %add3A_2455 = arith.constant 6 : i32
      %add3A_2456 = vector.broadcast %add3A_2455 : i32 to vector<16xi32>
      %add3A_2457 = arith.addi %broadcast_in_dim3A_22, %add3A_2456 : vector<16xi32>
      %shift_right_logical3A_2458 = arith.shrui %gather3A_2453, %add3A_2457 : vector<16xi32>
      %and3A_2459 = arith.andi %shift_right_logical3A_2458, %add3A_28 : vector<16xi32>
      %get3A_2460 = arith.index_cast %add3A_2421 : i32 to index
      %get3A_2461 = tpu.vector_load %arg6[%get3A_2460] {strides = array<i32>} : memref<6400xf32, #tpu.memory_space<vmem>>, vector<16xf32>,
      %lt3A_2462 = arith.cmpi slt, %shift_right_logical3A_2427, %select_n3A_2413 : vector<16xi32>
      %select_n3A_2463 = arith.select %lt3A_2462, %add3A_25, %broadcast_in_dim3A_22 : vector<16xi1>, vector<16xi32>
      %gt3A_2464 = arith.cmpi sgt, %shift_right_logical3A_2427, %broadcast_in_dim3A_22 : vector<16xi32>
      %select_n3A_2465 = arith.select %gt3A_2464, %get3A_2461, %broadcast_in_dim3A_5 : vector<16xi1>, vector<16xf32>
      %mul3A_2466 = arith.constant 35 : i32
      %mul3A_2467 = vector.broadcast %mul3A_2466 : i32 to vector<16xi32>
      %mul3A_2468 = arith.muli %and3A_2454, %mul3A_2467 : vector<16xi32>
      %add3A_2469 = arith.addi %mul3A_2468, %and3A_2428 : vector<16xi32>
      %mul3A_2470 = arith.constant 4 : i32
      %mul3A_2471 = vector.broadcast %mul3A_2470 : i32 to vector<16xi32>
      %mul3A_2472 = arith.muli %add3A_2469, %mul3A_2471 : vector<16xi32>
      %add3A_2473 = arith.addi %mul3A_2472, %and3A_2459 : vector<16xi32>
      %mul3A_2474 = arith.constant 4 : i32
      %mul3A_2475 = vector.broadcast %mul3A_2474 : i32 to vector<16xi32>
      %mul3A_2476 = arith.muli %add3A_2473, %mul3A_2475 : vector<16xi32>
      %add3A_2477 = arith.addi %mul3A_2476, %and3A_2433 : vector<16xi32>
      %mul3A_2478 = arith.constant 2 : i32
      %mul3A_2479 = vector.broadcast %mul3A_2478 : i32 to vector<16xi32>
      %mul3A_2480 = arith.muli %add3A_2477, %mul3A_2479 : vector<16xi32>
      %add3A_2481 = arith.addi %mul3A_2480, %select_n3A_2463 : vector<16xi32>
      %mul3A_2482 = arith.constant 2 : i32
      %mul3A_2483 = vector.broadcast %mul3A_2482 : i32 to vector<16xi32>
      %mul3A_2484 = arith.muli %add3A_2481, %mul3A_2483 : vector<16xi32>
      %add3A_2485 = arith.addi %mul3A_2484, %and3A_2438 : vector<16xi32>
      %mul3A_2486 = arith.constant 4 : i32
      %mul3A_2487 = vector.broadcast %mul3A_2486 : i32 to vector<16xi32>
      %mul3A_2488 = arith.muli %and3A_2428, %mul3A_2487 : vector<16xi32>
      %add3A_2489 = arith.addi %mul3A_2488, %and3A_2433 : vector<16xi32>
      %mul3A_2490 = arith.constant 8 : i32
      %mul3A_2491 = vector.broadcast %mul3A_2490 : i32 to vector<16xi32>
      %mul3A_2492 = arith.muli %add3A_2489, %mul3A_2491 : vector<16xi32>
      %mul3A_2493 = arith.constant 4 : i32
      %mul3A_2494 = vector.broadcast %mul3A_2493 : i32 to vector<16xi32>
      %mul3A_2495 = arith.muli %and3A_2454, %mul3A_2494 : vector<16xi32>
      %add3A_2496 = arith.addi %mul3A_2495, %and3A_2459 : vector<16xi32>
      %mul3A_2497 = arith.constant 8 : i32
      %mul3A_2498 = vector.broadcast %mul3A_2497 : i32 to vector<16xi32>
      %mul3A_2499 = arith.muli %add3A_2496, %mul3A_2498 : vector<16xi32>
      %swap3A_2500 = arith.index_cast %scan3A_1692 : i32 to index
      %swap3A_2501 = arith.constant 96 : index
      %swap3A_2502 = tpu.vector_load %arg7[%swap3A_2500, %swap3A_2501] {strides = array<i32>} : memref<59x128xi32, #tpu.memory_space<vmem>>, vector<16xi32>,
      tpu.vector_store %arg7[%swap3A_2500, %swap3A_2501], %add3A_2485 {strides = array<i32>} : memref<59x128xi32, #tpu.memory_space<vmem>>, vector<16xi32>,
      %swap3A_2503 = arith.index_cast %scan3A_1692 : i32 to index
      %swap3A_2504 = arith.constant 96 : index
      %swap3A_2505 = tpu.vector_load %arg8[%swap3A_2503, %swap3A_2504] {strides = array<i32>} : memref<50x128xf32, #tpu.memory_space<vmem>>, vector<16xf32>,
      tpu.vector_store %arg8[%swap3A_2503, %swap3A_2504], %get3A_2461 {strides = array<i32>} : memref<50x128xf32, #tpu.memory_space<vmem>>, vector<16xf32>,
      %mul3A_2506 = arith.constant 2 : i32
      %mul3A_2507 = vector.broadcast %mul3A_2506 : i32 to vector<16xi32>
      %mul3A_2508 = arith.muli %and3A_2443, %mul3A_2507 : vector<16xi32>
      %add3A_2509 = arith.addi %mul3A_2492, %mul3A_2508 : vector<16xi32>
      tpu.vector_store_idx %arg9[%add3A_2509], %get3A_2461 {add = true} : memref<1152xf32, #tpu.memory_space<vmem>>[vector<16xi32>], vector<16xf32>,
      %add3A_2510 = arith.constant 4 : i32
      %add3A_2511 = vector.broadcast %add3A_2510 : i32 to vector<16xi32>
      %add3A_2512 = arith.addi %mul3A_2492, %add3A_2511 : vector<16xi32>
      %mul3A_2513 = arith.constant 2 : i32
      %mul3A_2514 = vector.broadcast %mul3A_2513 : i32 to vector<16xi32>
      %mul3A_2515 = arith.muli %and3A_2448, %mul3A_2514 : vector<16xi32>
      %add3A_2516 = arith.addi %add3A_2512, %mul3A_2515 : vector<16xi32>
      tpu.vector_store_idx %arg9[%add3A_2516], %get3A_2461 {add = true} : memref<1152xf32, #tpu.memory_space<vmem>>[vector<16xi32>], vector<16xf32>,
      %mul3A_2517 = arith.constant 4 : i32
      %mul3A_2518 = vector.broadcast %mul3A_2517 : i32 to vector<16xi32>
      %mul3A_2519 = arith.muli %select_n3A_2463, %mul3A_2518 : vector<16xi32>
      %add3A_2520 = arith.addi %mul3A_2499, %mul3A_2519 : vector<16xi32>
      %mul3A_2521 = arith.constant 2 : i32
      %mul3A_2522 = vector.broadcast %mul3A_2521 : i32 to vector<16xi32>
      %mul3A_2523 = arith.muli %and3A_2438, %mul3A_2522 : vector<16xi32>
      %add3A_2524 = arith.addi %add3A_2520, %mul3A_2523 : vector<16xi32>
      %add3A_2525 = arith.constant 1 : i32
      %add3A_2526 = vector.broadcast %add3A_2525 : i32 to vector<16xi32>
      %add3A_2527 = arith.addi %add3A_2524, %add3A_2526 : vector<16xi32>
      tpu.vector_store_idx %arg9[%add3A_2527], %select_n3A_2465 {add = true} : memref<1152xf32, #tpu.memory_space<vmem>>[vector<16xi32>], vector<16xf32>,
      %add3A_2528 = arith.constant 16 : i32
      %add3A_2529 = vector.broadcast %add3A_2528 : i32 to vector<16xi32>
      %add3A_2530 = arith.addi %select_n3A_2413, %add3A_2529 : vector<16xi32>
      %ge3A_2531 = arith.cmpi sge, %add3A_2530, %add3A_34 : vector<16xi32>
      %sub3A_2532 = arith.constant 50 : i32
      %sub3A_2533 = vector.broadcast %sub3A_2532 : i32 to vector<16xi32>
      %sub3A_2534 = arith.subi %add3A_2530, %sub3A_2533 : vector<16xi32>
      %select_n3A_2535 = arith.select %ge3A_2531, %sub3A_2534, %add3A_2530 : vector<16xi1>, vector<16xi32>
      %add3A_2536 = arith.constant 1 : i32
      %add3A_2537 = vector.broadcast %add3A_2536 : i32 to vector<16xi32>
      %add3A_2538 = arith.addi %select_n3A_2417, %add3A_2537 : vector<16xi32>
      %select_n3A_2539 = arith.select %ge3A_2531, %add3A_2538, %select_n3A_2417 : vector<16xi1>, vector<16xi32>
      %mul3A_2540 = arith.constant 128 : i32
      %mul3A_2541 = arith.muli %scan3A_1692, %mul3A_2540 : i32
      %add3A_2542 = arith.constant 112 : i32
      %add3A_2543 = arith.addi %mul3A_2541, %add3A_2542 : i32
      %get3A_2544 = arith.index_cast %add3A_2543 : i32 to index
      %get3A_2545 = tpu.vector_load %arg5[%get3A_2544] {strides = array<i32>} : memref<6400xi32, #tpu.memory_space<vmem>>, vector<16xi32>,
      %add3A_2546 = arith.constant 11 : i32
      %add3A_2547 = vector.broadcast %add3A_2546 : i32 to vector<16xi32>
      %add3A_2548 = arith.addi %broadcast_in_dim3A_22, %add3A_2547 : vector<16xi32>
      %shift_right_logical3A_2549 = arith.shrui %get3A_2545, %add3A_2548 : vector<16xi32>
      %and3A_2550 = arith.andi %get3A_2545, %add3A_31 : vector<16xi32>
      %add3A_2551 = arith.constant 6 : i32
      %add3A_2552 = vector.broadcast %add3A_2551 : i32 to vector<16xi32>
      %add3A_2553 = arith.addi %broadcast_in_dim3A_22, %add3A_2552 : vector<16xi32>
      %shift_right_logical3A_2554 = arith.shrui %get3A_2545, %add3A_2553 : vector<16xi32>
      %and3A_2555 = arith.andi %shift_right_logical3A_2554, %add3A_28 : vector<16xi32>
      %add3A_2556 = arith.constant 8 : i32
      %add3A_2557 = vector.broadcast %add3A_2556 : i32 to vector<16xi32>
      %add3A_2558 = arith.addi %broadcast_in_dim3A_22, %add3A_2557 : vector<16xi32>
      %shift_right_logical3A_2559 = arith.shrui %get3A_2545, %add3A_2558 : vector<16xi32>
      %and3A_2560 = arith.andi %shift_right_logical3A_2559, %add3A_25 : vector<16xi32>
      %add3A_2561 = arith.constant 9 : i32
      %add3A_2562 = vector.broadcast %add3A_2561 : i32 to vector<16xi32>
      %add3A_2563 = arith.addi %broadcast_in_dim3A_22, %add3A_2562 : vector<16xi32>
      %shift_right_logical3A_2564 = arith.shrui %get3A_2545, %add3A_2563 : vector<16xi32>
      %and3A_2565 = arith.andi %shift_right_logical3A_2564, %add3A_25 : vector<16xi32>
      %add3A_2566 = arith.constant 10 : i32
      %add3A_2567 = vector.broadcast %add3A_2566 : i32 to vector<16xi32>
      %add3A_2568 = arith.addi %broadcast_in_dim3A_22, %add3A_2567 : vector<16xi32>
      %shift_right_logical3A_2569 = arith.shrui %get3A_2545, %add3A_2568 : vector<16xi32>
      %and3A_2570 = arith.andi %shift_right_logical3A_2569, %add3A_25 : vector<16xi32>
      %mul3A_2571 = arith.constant 50 : i32
      %mul3A_2572 = vector.broadcast %mul3A_2571 : i32 to vector<16xi32>
      %mul3A_2573 = arith.muli %select_n3A_2539, %mul3A_2572 : vector<16xi32>
      %add3A_2574 = arith.addi %mul3A_2573, %shift_right_logical3A_2549 : vector<16xi32>
      %gather3A_2575 = tpu.vector_load_idx %arg5[%add3A_2574] : memref<6400xi32, #tpu.memory_space<vmem>>[vector<16xi32>], vector<16xi32>,
      %and3A_2576 = arith.andi %gather3A_2575, %add3A_31 : vector<16xi32>
      %add3A_2577 = arith.constant 6 : i32
      %add3A_2578 = vector.broadcast %add3A_2577 : i32 to vector<16xi32>
      %add3A_2579 = arith.addi %broadcast_in_dim3A_22, %add3A_2578 : vector<16xi32>
      %shift_right_logical3A_2580 = arith.shrui %gather3A_2575, %add3A_2579 : vector<16xi32>
      %and3A_2581 = arith.andi %shift_right_logical3A_2580, %add3A_28 : vector<16xi32>
      %get3A_2582 = arith.index_cast %add3A_2543 : i32 to index
      %get3A_2583 = tpu.vector_load %arg6[%get3A_2582] {strides = array<i32>} : memref<6400xf32, #tpu.memory_space<vmem>>, vector<16xf32>,
      %lt3A_2584 = arith.cmpi slt, %shift_right_logical3A_2549, %select_n3A_2535 : vector<16xi32>
      %select_n3A_2585 = arith.select %lt3A_2584, %add3A_25, %broadcast_in_dim3A_22 : vector<16xi1>, vector<16xi32>
      %gt3A_2586 = arith.cmpi sgt, %shift_right_logical3A_2549, %broadcast_in_dim3A_22 : vector<16xi32>
      %select_n3A_2587 = arith.select %gt3A_2586, %get3A_2583, %broadcast_in_dim3A_5 : vector<16xi1>, vector<16xf32>
      %mul3A_2588 = arith.constant 35 : i32
      %mul3A_2589 = vector.broadcast %mul3A_2588 : i32 to vector<16xi32>
      %mul3A_2590 = arith.muli %and3A_2576, %mul3A_2589 : vector<16xi32>
      %add3A_2591 = arith.addi %mul3A_2590, %and3A_2550 : vector<16xi32>
      %mul3A_2592 = arith.constant 4 : i32
      %mul3A_2593 = vector.broadcast %mul3A_2592 : i32 to vector<16xi32>
      %mul3A_2594 = arith.muli %add3A_2591, %mul3A_2593 : vector<16xi32>
      %add3A_2595 = arith.addi %mul3A_2594, %and3A_2581 : vector<16xi32>
      %mul3A_2596 = arith.constant 4 : i32
      %mul3A_2597 = vector.broadcast %mul3A_2596 : i32 to vector<16xi32>
      %mul3A_2598 = arith.muli %add3A_2595, %mul3A_2597 : vector<16xi32>
      %add3A_2599 = arith.addi %mul3A_2598, %and3A_2555 : vector<16xi32>
      %mul3A_2600 = arith.constant 2 : i32
      %mul3A_2601 = vector.broadcast %mul3A_2600 : i32 to vector<16xi32>
      %mul3A_2602 = arith.muli %add3A_2599, %mul3A_2601 : vector<16xi32>
      %add3A_2603 = arith.addi %mul3A_2602, %select_n3A_2585 : vector<16xi32>
      %mul3A_2604 = arith.constant 2 : i32
      %mul3A_2605 = vector.broadcast %mul3A_2604 : i32 to vector<16xi32>
      %mul3A_2606 = arith.muli %add3A_2603, %mul3A_2605 : vector<16xi32>
      %add3A_2607 = arith.addi %mul3A_2606, %and3A_2560 : vector<16xi32>
      %mul3A_2608 = arith.constant 4 : i32
      %mul3A_2609 = vector.broadcast %mul3A_2608 : i32 to vector<16xi32>
      %mul3A_2610 = arith.muli %and3A_2550, %mul3A_2609 : vector<16xi32>
      %add3A_2611 = arith.addi %mul3A_2610, %and3A_2555 : vector<16xi32>
      %mul3A_2612 = arith.constant 8 : i32
      %mul3A_2613 = vector.broadcast %mul3A_2612 : i32 to vector<16xi32>
      %mul3A_2614 = arith.muli %add3A_2611, %mul3A_2613 : vector<16xi32>
      %mul3A_2615 = arith.constant 4 : i32
      %mul3A_2616 = vector.broadcast %mul3A_2615 : i32 to vector<16xi32>
      %mul3A_2617 = arith.muli %and3A_2576, %mul3A_2616 : vector<16xi32>
      %add3A_2618 = arith.addi %mul3A_2617, %and3A_2581 : vector<16xi32>
      %mul3A_2619 = arith.constant 8 : i32
      %mul3A_2620 = vector.broadcast %mul3A_2619 : i32 to vector<16xi32>
      %mul3A_2621 = arith.muli %add3A_2618, %mul3A_2620 : vector<16xi32>
      %swap3A_2622 = arith.index_cast %scan3A_1692 : i32 to index
      %swap3A_2623 = arith.constant 112 : index
      %swap3A_2624 = tpu.vector_load %arg7[%swap3A_2622, %swap3A_2623] {strides = array<i32>} : memref<59x128xi32, #tpu.memory_space<vmem>>, vector<16xi32>,
      tpu.vector_store %arg7[%swap3A_2622, %swap3A_2623], %add3A_2607 {strides = array<i32>} : memref<59x128xi32, #tpu.memory_space<vmem>>, vector<16xi32>,
      %swap3A_2625 = arith.index_cast %scan3A_1692 : i32 to index
      %swap3A_2626 = arith.constant 112 : index
      %swap3A_2627 = tpu.vector_load %arg8[%swap3A_2625, %swap3A_2626] {strides = array<i32>} : memref<50x128xf32, #tpu.memory_space<vmem>>, vector<16xf32>,
      tpu.vector_store %arg8[%swap3A_2625, %swap3A_2626], %get3A_2583 {strides = array<i32>} : memref<50x128xf32, #tpu.memory_space<vmem>>, vector<16xf32>,
      %mul3A_2628 = arith.constant 2 : i32
      %mul3A_2629 = vector.broadcast %mul3A_2628 : i32 to vector<16xi32>
      %mul3A_2630 = arith.muli %and3A_2565, %mul3A_2629 : vector<16xi32>
      %add3A_2631 = arith.addi %mul3A_2614, %mul3A_2630 : vector<16xi32>
      tpu.vector_store_idx %arg9[%add3A_2631], %get3A_2583 {add = true} : memref<1152xf32, #tpu.memory_space<vmem>>[vector<16xi32>], vector<16xf32>,
      %add3A_2632 = arith.constant 4 : i32
      %add3A_2633 = vector.broadcast %add3A_2632 : i32 to vector<16xi32>
      %add3A_2634 = arith.addi %mul3A_2614, %add3A_2633 : vector<16xi32>
      %mul3A_2635 = arith.constant 2 : i32
      %mul3A_2636 = vector.broadcast %mul3A_2635 : i32 to vector<16xi32>
      %mul3A_2637 = arith.muli %and3A_2570, %mul3A_2636 : vector<16xi32>
      %add3A_2638 = arith.addi %add3A_2634, %mul3A_2637 : vector<16xi32>
      tpu.vector_store_idx %arg9[%add3A_2638], %get3A_2583 {add = true} : memref<1152xf32, #tpu.memory_space<vmem>>[vector<16xi32>], vector<16xf32>,
      %mul3A_2639 = arith.constant 4 : i32
      %mul3A_2640 = vector.broadcast %mul3A_2639 : i32 to vector<16xi32>
      %mul3A_2641 = arith.muli %select_n3A_2585, %mul3A_2640 : vector<16xi32>
      %add3A_2642 = arith.addi %mul3A_2621, %mul3A_2641 : vector<16xi32>
      %mul3A_2643 = arith.constant 2 : i32
      %mul3A_2644 = vector.broadcast %mul3A_2643 : i32 to vector<16xi32>
      %mul3A_2645 = arith.muli %and3A_2560, %mul3A_2644 : vector<16xi32>
      %add3A_2646 = arith.addi %add3A_2642, %mul3A_2645 : vector<16xi32>
      %add3A_2647 = arith.constant 1 : i32
      %add3A_2648 = vector.broadcast %add3A_2647 : i32 to vector<16xi32>
      %add3A_2649 = arith.addi %add3A_2646, %add3A_2648 : vector<16xi32>
      tpu.vector_store_idx %arg9[%add3A_2649], %select_n3A_2587 {add = true} : memref<1152xf32, #tpu.memory_space<vmem>>[vector<16xi32>], vector<16xf32>,
      %add3A_2650 = arith.constant 16 : i32
      %add3A_2651 = vector.broadcast %add3A_2650 : i32 to vector<16xi32>
      %add3A_2652 = arith.addi %select_n3A_2535, %add3A_2651 : vector<16xi32>
      %ge3A_2653 = arith.cmpi sge, %add3A_2652, %add3A_34 : vector<16xi32>
      %sub3A_2654 = arith.constant 50 : i32
      %sub3A_2655 = vector.broadcast %sub3A_2654 : i32 to vector<16xi32>
      %sub3A_2656 = arith.subi %add3A_2652, %sub3A_2655 : vector<16xi32>
      %select_n3A_2657 = arith.select %ge3A_2653, %sub3A_2656, %add3A_2652 : vector<16xi1>, vector<16xi32>
      %add3A_2658 = arith.constant 1 : i32
      %add3A_2659 = vector.broadcast %add3A_2658 : i32 to vector<16xi32>
      %add3A_2660 = arith.addi %select_n3A_2539, %add3A_2659 : vector<16xi32>
      %select_n3A_2661 = arith.select %ge3A_2653, %add3A_2660, %select_n3A_2539 : vector<16xi1>, vector<16xi32>
      scf.yield %select_n3A_2661, %select_n3A_2657 : vector<16xi32>, vector<16xi32>
    }
    %scan3A_40 = arith.constant 50 : i32
    %add3A_41 = arith.constant 78400 : i32
    %add3A_42 = vector.broadcast %add3A_41 : i32 to vector<16xi32>
    %add3A_43 = arith.addi %iota3A, %add3A_42 : vector<16xi32>
    %swap3A = arith.constant 50 : i32
    %swap3A_44 = arith.index_cast %swap3A : i32 to index
    %swap3A_45 = arith.constant 0 : index
    %swap3A_46 = tpu.vector_load %arg7[%swap3A_44, %swap3A_45] {strides = array<i32>} : memref<59x128xi32, #tpu.memory_space<vmem>>, vector<16xi32>,
    tpu.vector_store %arg7[%swap3A_44, %swap3A_45], %add3A_43 {strides = array<i32>} : memref<59x128xi32, #tpu.memory_space<vmem>>, vector<16xi32>,
    %add3A_47 = arith.constant 78416 : i32
    %add3A_48 = vector.broadcast %add3A_47 : i32 to vector<16xi32>
    %add3A_49 = arith.addi %iota3A, %add3A_48 : vector<16xi32>
    %swap3A_50 = arith.constant 50 : i32
    %swap3A_51 = arith.index_cast %swap3A_50 : i32 to index
    %swap3A_52 = arith.constant 16 : index
    %swap3A_53 = tpu.vector_load %arg7[%swap3A_51, %swap3A_52] {strides = array<i32>} : memref<59x128xi32, #tpu.memory_space<vmem>>, vector<16xi32>,
    tpu.vector_store %arg7[%swap3A_51, %swap3A_52], %add3A_49 {strides = array<i32>} : memref<59x128xi32, #tpu.memory_space<vmem>>, vector<16xi32>,
    %add3A_54 = arith.constant 78432 : i32
    %add3A_55 = vector.broadcast %add3A_54 : i32 to vector<16xi32>
    %add3A_56 = arith.addi %iota3A, %add3A_55 : vector<16xi32>
    %swap3A_57 = arith.constant 50 : i32
    %swap3A_58 = arith.index_cast %swap3A_57 : i32 to index
    %swap3A_59 = arith.constant 32 : index
    %swap3A_60 = tpu.vector_load %arg7[%swap3A_58, %swap3A_59] {strides = array<i32>} : memref<59x128xi32, #tpu.memory_space<vmem>>, vector<16xi32>,
    tpu.vector_store %arg7[%swap3A_58, %swap3A_59], %add3A_56 {strides = array<i32>} : memref<59x128xi32, #tpu.memory_space<vmem>>, vector<16xi32>,
    %add3A_61 = arith.constant 78448 : i32
    %add3A_62 = vector.broadcast %add3A_61 : i32 to vector<16xi32>
    %add3A_63 = arith.addi %iota3A, %add3A_62 : vector<16xi32>
    %swap3A_64 = arith.constant 50 : i32
    %swap3A_65 = arith.index_cast %swap3A_64 : i32 to index
    %swap3A_66 = arith.constant 48 : index
    %swap3A_67 = tpu.vector_load %arg7[%swap3A_65, %swap3A_66] {strides = array<i32>} : memref<59x128xi32, #tpu.memory_space<vmem>>, vector<16xi32>,
    tpu.vector_store %arg7[%swap3A_65, %swap3A_66], %add3A_63 {strides = array<i32>} : memref<59x128xi32, #tpu.memory_space<vmem>>, vector<16xi32>,
    %add3A_68 = arith.constant 78464 : i32
    %add3A_69 = vector.broadcast %add3A_68 : i32 to vector<16xi32>
    %add3A_70 = arith.addi %iota3A, %add3A_69 : vector<16xi32>
    %swap3A_71 = arith.constant 50 : i32
    %swap3A_72 = arith.index_cast %swap3A_71 : i32 to index
    %swap3A_73 = arith.constant 64 : index
    %swap3A_74 = tpu.vector_load %arg7[%swap3A_72, %swap3A_73] {strides = array<i32>} : memref<59x128xi32, #tpu.memory_space<vmem>>, vector<16xi32>,
    tpu.vector_store %arg7[%swap3A_72, %swap3A_73], %add3A_70 {strides = array<i32>} : memref<59x128xi32, #tpu.memory_space<vmem>>, vector<16xi32>,
    %add3A_75 = arith.constant 78480 : i32
    %add3A_76 = vector.broadcast %add3A_75 : i32 to vector<16xi32>
    %add3A_77 = arith.addi %iota3A, %add3A_76 : vector<16xi32>
    %swap3A_78 = arith.constant 50 : i32
    %swap3A_79 = arith.index_cast %swap3A_78 : i32 to index
    %swap3A_80 = arith.constant 80 : index
    %swap3A_81 = tpu.vector_load %arg7[%swap3A_79, %swap3A_80] {strides = array<i32>} : memref<59x128xi32, #tpu.memory_space<vmem>>, vector<16xi32>,
    tpu.vector_store %arg7[%swap3A_79, %swap3A_80], %add3A_77 {strides = array<i32>} : memref<59x128xi32, #tpu.memory_space<vmem>>, vector<16xi32>,
    %add3A_82 = arith.constant 78496 : i32
    %add3A_83 = vector.broadcast %add3A_82 : i32 to vector<16xi32>
    %add3A_84 = arith.addi %iota3A, %add3A_83 : vector<16xi32>
    %swap3A_85 = arith.constant 50 : i32
    %swap3A_86 = arith.index_cast %swap3A_85 : i32 to index
    %swap3A_87 = arith.constant 96 : index
    %swap3A_88 = tpu.vector_load %arg7[%swap3A_86, %swap3A_87] {strides = array<i32>} : memref<59x128xi32, #tpu.memory_space<vmem>>, vector<16xi32>,
    tpu.vector_store %arg7[%swap3A_86, %swap3A_87], %add3A_84 {strides = array<i32>} : memref<59x128xi32, #tpu.memory_space<vmem>>, vector<16xi32>,
    %add3A_89 = arith.constant 78512 : i32
    %add3A_90 = vector.broadcast %add3A_89 : i32 to vector<16xi32>
    %add3A_91 = arith.addi %iota3A, %add3A_90 : vector<16xi32>
    %swap3A_92 = arith.constant 50 : i32
    %swap3A_93 = arith.index_cast %swap3A_92 : i32 to index
    %swap3A_94 = arith.constant 112 : index
    %swap3A_95 = tpu.vector_load %arg7[%swap3A_93, %swap3A_94] {strides = array<i32>} : memref<59x128xi32, #tpu.memory_space<vmem>>, vector<16xi32>,
    tpu.vector_store %arg7[%swap3A_93, %swap3A_94], %add3A_91 {strides = array<i32>} : memref<59x128xi32, #tpu.memory_space<vmem>>, vector<16xi32>,
    %add3A_96 = arith.constant 78528 : i32
    %add3A_97 = vector.broadcast %add3A_96 : i32 to vector<16xi32>
    %add3A_98 = arith.addi %iota3A, %add3A_97 : vector<16xi32>
    %swap3A_99 = arith.constant 51 : i32
    %swap3A_100 = arith.index_cast %swap3A_99 : i32 to index
    %swap3A_101 = arith.constant 0 : index
    %swap3A_102 = tpu.vector_load %arg7[%swap3A_100, %swap3A_101] {strides = array<i32>} : memref<59x128xi32, #tpu.memory_space<vmem>>, vector<16xi32>,
    tpu.vector_store %arg7[%swap3A_100, %swap3A_101], %add3A_98 {strides = array<i32>} : memref<59x128xi32, #tpu.memory_space<vmem>>, vector<16xi32>,
    %add3A_103 = arith.constant 78544 : i32
    %add3A_104 = vector.broadcast %add3A_103 : i32 to vector<16xi32>
    %add3A_105 = arith.addi %iota3A, %add3A_104 : vector<16xi32>
    %swap3A_106 = arith.constant 51 : i32
    %swap3A_107 = arith.index_cast %swap3A_106 : i32 to index
    %swap3A_108 = arith.constant 16 : index
    %swap3A_109 = tpu.vector_load %arg7[%swap3A_107, %swap3A_108] {strides = array<i32>} : memref<59x128xi32, #tpu.memory_space<vmem>>, vector<16xi32>,
    tpu.vector_store %arg7[%swap3A_107, %swap3A_108], %add3A_105 {strides = array<i32>} : memref<59x128xi32, #tpu.memory_space<vmem>>, vector<16xi32>,
    %add3A_110 = arith.constant 78560 : i32
    %add3A_111 = vector.broadcast %add3A_110 : i32 to vector<16xi32>
    %add3A_112 = arith.addi %iota3A, %add3A_111 : vector<16xi32>
    %swap3A_113 = arith.constant 51 : i32
    %swap3A_114 = arith.index_cast %swap3A_113 : i32 to index
    %swap3A_115 = arith.constant 32 : index
    %swap3A_116 = tpu.vector_load %arg7[%swap3A_114, %swap3A_115] {strides = array<i32>} : memref<59x128xi32, #tpu.memory_space<vmem>>, vector<16xi32>,
    tpu.vector_store %arg7[%swap3A_114, %swap3A_115], %add3A_112 {strides = array<i32>} : memref<59x128xi32, #tpu.memory_space<vmem>>, vector<16xi32>,
    %add3A_117 = arith.constant 78576 : i32
    %add3A_118 = vector.broadcast %add3A_117 : i32 to vector<16xi32>
    %add3A_119 = arith.addi %iota3A, %add3A_118 : vector<16xi32>
    %swap3A_120 = arith.constant 51 : i32
    %swap3A_121 = arith.index_cast %swap3A_120 : i32 to index
    %swap3A_122 = arith.constant 48 : index
    %swap3A_123 = tpu.vector_load %arg7[%swap3A_121, %swap3A_122] {strides = array<i32>} : memref<59x128xi32, #tpu.memory_space<vmem>>, vector<16xi32>,
    tpu.vector_store %arg7[%swap3A_121, %swap3A_122], %add3A_119 {strides = array<i32>} : memref<59x128xi32, #tpu.memory_space<vmem>>, vector<16xi32>,
    %add3A_124 = arith.constant 78592 : i32
    %add3A_125 = vector.broadcast %add3A_124 : i32 to vector<16xi32>
    %add3A_126 = arith.addi %iota3A, %add3A_125 : vector<16xi32>
    %swap3A_127 = arith.constant 51 : i32
    %swap3A_128 = arith.index_cast %swap3A_127 : i32 to index
    %swap3A_129 = arith.constant 64 : index
    %swap3A_130 = tpu.vector_load %arg7[%swap3A_128, %swap3A_129] {strides = array<i32>} : memref<59x128xi32, #tpu.memory_space<vmem>>, vector<16xi32>,
    tpu.vector_store %arg7[%swap3A_128, %swap3A_129], %add3A_126 {strides = array<i32>} : memref<59x128xi32, #tpu.memory_space<vmem>>, vector<16xi32>,
    %add3A_131 = arith.constant 78608 : i32
    %add3A_132 = vector.broadcast %add3A_131 : i32 to vector<16xi32>
    %add3A_133 = arith.addi %iota3A, %add3A_132 : vector<16xi32>
    %swap3A_134 = arith.constant 51 : i32
    %swap3A_135 = arith.index_cast %swap3A_134 : i32 to index
    %swap3A_136 = arith.constant 80 : index
    %swap3A_137 = tpu.vector_load %arg7[%swap3A_135, %swap3A_136] {strides = array<i32>} : memref<59x128xi32, #tpu.memory_space<vmem>>, vector<16xi32>,
    tpu.vector_store %arg7[%swap3A_135, %swap3A_136], %add3A_133 {strides = array<i32>} : memref<59x128xi32, #tpu.memory_space<vmem>>, vector<16xi32>,
    %add3A_138 = arith.constant 78624 : i32
    %add3A_139 = vector.broadcast %add3A_138 : i32 to vector<16xi32>
    %add3A_140 = arith.addi %iota3A, %add3A_139 : vector<16xi32>
    %swap3A_141 = arith.constant 51 : i32
    %swap3A_142 = arith.index_cast %swap3A_141 : i32 to index
    %swap3A_143 = arith.constant 96 : index
    %swap3A_144 = tpu.vector_load %arg7[%swap3A_142, %swap3A_143] {strides = array<i32>} : memref<59x128xi32, #tpu.memory_space<vmem>>, vector<16xi32>,
    tpu.vector_store %arg7[%swap3A_142, %swap3A_143], %add3A_140 {strides = array<i32>} : memref<59x128xi32, #tpu.memory_space<vmem>>, vector<16xi32>,
    %add3A_145 = arith.constant 78640 : i32
    %add3A_146 = vector.broadcast %add3A_145 : i32 to vector<16xi32>
    %add3A_147 = arith.addi %iota3A, %add3A_146 : vector<16xi32>
    %swap3A_148 = arith.constant 51 : i32
    %swap3A_149 = arith.index_cast %swap3A_148 : i32 to index
    %swap3A_150 = arith.constant 112 : index
    %swap3A_151 = tpu.vector_load %arg7[%swap3A_149, %swap3A_150] {strides = array<i32>} : memref<59x128xi32, #tpu.memory_space<vmem>>, vector<16xi32>,
    tpu.vector_store %arg7[%swap3A_149, %swap3A_150], %add3A_147 {strides = array<i32>} : memref<59x128xi32, #tpu.memory_space<vmem>>, vector<16xi32>,
    %add3A_152 = arith.constant 78656 : i32
    %add3A_153 = vector.broadcast %add3A_152 : i32 to vector<16xi32>
    %add3A_154 = arith.addi %iota3A, %add3A_153 : vector<16xi32>
    %swap3A_155 = arith.constant 52 : i32
    %swap3A_156 = arith.index_cast %swap3A_155 : i32 to index
    %swap3A_157 = arith.constant 0 : index
    %swap3A_158 = tpu.vector_load %arg7[%swap3A_156, %swap3A_157] {strides = array<i32>} : memref<59x128xi32, #tpu.memory_space<vmem>>, vector<16xi32>,
    tpu.vector_store %arg7[%swap3A_156, %swap3A_157], %add3A_154 {strides = array<i32>} : memref<59x128xi32, #tpu.memory_space<vmem>>, vector<16xi32>,
    %add3A_159 = arith.constant 78672 : i32
    %add3A_160 = vector.broadcast %add3A_159 : i32 to vector<16xi32>
    %add3A_161 = arith.addi %iota3A, %add3A_160 : vector<16xi32>
    %swap3A_162 = arith.constant 52 : i32
    %swap3A_163 = arith.index_cast %swap3A_162 : i32 to index
    %swap3A_164 = arith.constant 16 : index
    %swap3A_165 = tpu.vector_load %arg7[%swap3A_163, %swap3A_164] {strides = array<i32>} : memref<59x128xi32, #tpu.memory_space<vmem>>, vector<16xi32>,
    tpu.vector_store %arg7[%swap3A_163, %swap3A_164], %add3A_161 {strides = array<i32>} : memref<59x128xi32, #tpu.memory_space<vmem>>, vector<16xi32>,
    %add3A_166 = arith.constant 78688 : i32
    %add3A_167 = vector.broadcast %add3A_166 : i32 to vector<16xi32>
    %add3A_168 = arith.addi %iota3A, %add3A_167 : vector<16xi32>
    %swap3A_169 = arith.constant 52 : i32
    %swap3A_170 = arith.index_cast %swap3A_169 : i32 to index
    %swap3A_171 = arith.constant 32 : index
    %swap3A_172 = tpu.vector_load %arg7[%swap3A_170, %swap3A_171] {strides = array<i32>} : memref<59x128xi32, #tpu.memory_space<vmem>>, vector<16xi32>,
    tpu.vector_store %arg7[%swap3A_170, %swap3A_171], %add3A_168 {strides = array<i32>} : memref<59x128xi32, #tpu.memory_space<vmem>>, vector<16xi32>,
    %add3A_173 = arith.constant 78704 : i32
    %add3A_174 = vector.broadcast %add3A_173 : i32 to vector<16xi32>
    %add3A_175 = arith.addi %iota3A, %add3A_174 : vector<16xi32>
    %swap3A_176 = arith.constant 52 : i32
    %swap3A_177 = arith.index_cast %swap3A_176 : i32 to index
    %swap3A_178 = arith.constant 48 : index
    %swap3A_179 = tpu.vector_load %arg7[%swap3A_177, %swap3A_178] {strides = array<i32>} : memref<59x128xi32, #tpu.memory_space<vmem>>, vector<16xi32>,
    tpu.vector_store %arg7[%swap3A_177, %swap3A_178], %add3A_175 {strides = array<i32>} : memref<59x128xi32, #tpu.memory_space<vmem>>, vector<16xi32>,
    %add3A_180 = arith.constant 78720 : i32
    %add3A_181 = vector.broadcast %add3A_180 : i32 to vector<16xi32>
    %add3A_182 = arith.addi %iota3A, %add3A_181 : vector<16xi32>
    %swap3A_183 = arith.constant 52 : i32
    %swap3A_184 = arith.index_cast %swap3A_183 : i32 to index
    %swap3A_185 = arith.constant 64 : index
    %swap3A_186 = tpu.vector_load %arg7[%swap3A_184, %swap3A_185] {strides = array<i32>} : memref<59x128xi32, #tpu.memory_space<vmem>>, vector<16xi32>,
    tpu.vector_store %arg7[%swap3A_184, %swap3A_185], %add3A_182 {strides = array<i32>} : memref<59x128xi32, #tpu.memory_space<vmem>>, vector<16xi32>,
    %add3A_187 = arith.constant 78736 : i32
    %add3A_188 = vector.broadcast %add3A_187 : i32 to vector<16xi32>
    %add3A_189 = arith.addi %iota3A, %add3A_188 : vector<16xi32>
    %swap3A_190 = arith.constant 52 : i32
    %swap3A_191 = arith.index_cast %swap3A_190 : i32 to index
    %swap3A_192 = arith.constant 80 : index
    %swap3A_193 = tpu.vector_load %arg7[%swap3A_191, %swap3A_192] {strides = array<i32>} : memref<59x128xi32, #tpu.memory_space<vmem>>, vector<16xi32>,
    tpu.vector_store %arg7[%swap3A_191, %swap3A_192], %add3A_189 {strides = array<i32>} : memref<59x128xi32, #tpu.memory_space<vmem>>, vector<16xi32>,
    %add3A_194 = arith.constant 78752 : i32
    %add3A_195 = vector.broadcast %add3A_194 : i32 to vector<16xi32>
    %add3A_196 = arith.addi %iota3A, %add3A_195 : vector<16xi32>
    %swap3A_197 = arith.constant 52 : i32
    %swap3A_198 = arith.index_cast %swap3A_197 : i32 to index
    %swap3A_199 = arith.constant 96 : index
    %swap3A_200 = tpu.vector_load %arg7[%swap3A_198, %swap3A_199] {strides = array<i32>} : memref<59x128xi32, #tpu.memory_space<vmem>>, vector<16xi32>,
    tpu.vector_store %arg7[%swap3A_198, %swap3A_199], %add3A_196 {strides = array<i32>} : memref<59x128xi32, #tpu.memory_space<vmem>>, vector<16xi32>,
    %add3A_201 = arith.constant 78768 : i32
    %add3A_202 = vector.broadcast %add3A_201 : i32 to vector<16xi32>
    %add3A_203 = arith.addi %iota3A, %add3A_202 : vector<16xi32>
    %swap3A_204 = arith.constant 52 : i32
    %swap3A_205 = arith.index_cast %swap3A_204 : i32 to index
    %swap3A_206 = arith.constant 112 : index
    %swap3A_207 = tpu.vector_load %arg7[%swap3A_205, %swap3A_206] {strides = array<i32>} : memref<59x128xi32, #tpu.memory_space<vmem>>, vector<16xi32>,
    tpu.vector_store %arg7[%swap3A_205, %swap3A_206], %add3A_203 {strides = array<i32>} : memref<59x128xi32, #tpu.memory_space<vmem>>, vector<16xi32>,
    %add3A_208 = arith.constant 78784 : i32
    %add3A_209 = vector.broadcast %add3A_208 : i32 to vector<16xi32>
    %add3A_210 = arith.addi %iota3A, %add3A_209 : vector<16xi32>
    %swap3A_211 = arith.constant 53 : i32
    %swap3A_212 = arith.index_cast %swap3A_211 : i32 to index
    %swap3A_213 = arith.constant 0 : index
    %swap3A_214 = tpu.vector_load %arg7[%swap3A_212, %swap3A_213] {strides = array<i32>} : memref<59x128xi32, #tpu.memory_space<vmem>>, vector<16xi32>,
    tpu.vector_store %arg7[%swap3A_212, %swap3A_213], %add3A_210 {strides = array<i32>} : memref<59x128xi32, #tpu.memory_space<vmem>>, vector<16xi32>,
    %add3A_215 = arith.constant 78800 : i32
    %add3A_216 = vector.broadcast %add3A_215 : i32 to vector<16xi32>
    %add3A_217 = arith.addi %iota3A, %add3A_216 : vector<16xi32>
    %swap3A_218 = arith.constant 53 : i32
    %swap3A_219 = arith.index_cast %swap3A_218 : i32 to index
    %swap3A_220 = arith.constant 16 : index
    %swap3A_221 = tpu.vector_load %arg7[%swap3A_219, %swap3A_220] {strides = array<i32>} : memref<59x128xi32, #tpu.memory_space<vmem>>, vector<16xi32>,
    tpu.vector_store %arg7[%swap3A_219, %swap3A_220], %add3A_217 {strides = array<i32>} : memref<59x128xi32, #tpu.memory_space<vmem>>, vector<16xi32>,
    %add3A_222 = arith.constant 78816 : i32
    %add3A_223 = vector.broadcast %add3A_222 : i32 to vector<16xi32>
    %add3A_224 = arith.addi %iota3A, %add3A_223 : vector<16xi32>
    %swap3A_225 = arith.constant 53 : i32
    %swap3A_226 = arith.index_cast %swap3A_225 : i32 to index
    %swap3A_227 = arith.constant 32 : index
    %swap3A_228 = tpu.vector_load %arg7[%swap3A_226, %swap3A_227] {strides = array<i32>} : memref<59x128xi32, #tpu.memory_space<vmem>>, vector<16xi32>,
    tpu.vector_store %arg7[%swap3A_226, %swap3A_227], %add3A_224 {strides = array<i32>} : memref<59x128xi32, #tpu.memory_space<vmem>>, vector<16xi32>,
    %add3A_229 = arith.constant 78832 : i32
    %add3A_230 = vector.broadcast %add3A_229 : i32 to vector<16xi32>
    %add3A_231 = arith.addi %iota3A, %add3A_230 : vector<16xi32>
    %swap3A_232 = arith.constant 53 : i32
    %swap3A_233 = arith.index_cast %swap3A_232 : i32 to index
    %swap3A_234 = arith.constant 48 : index
    %swap3A_235 = tpu.vector_load %arg7[%swap3A_233, %swap3A_234] {strides = array<i32>} : memref<59x128xi32, #tpu.memory_space<vmem>>, vector<16xi32>,
    tpu.vector_store %arg7[%swap3A_233, %swap3A_234], %add3A_231 {strides = array<i32>} : memref<59x128xi32, #tpu.memory_space<vmem>>, vector<16xi32>,
    %add3A_236 = arith.constant 78848 : i32
    %add3A_237 = vector.broadcast %add3A_236 : i32 to vector<16xi32>
    %add3A_238 = arith.addi %iota3A, %add3A_237 : vector<16xi32>
    %swap3A_239 = arith.constant 53 : i32
    %swap3A_240 = arith.index_cast %swap3A_239 : i32 to index
    %swap3A_241 = arith.constant 64 : index
    %swap3A_242 = tpu.vector_load %arg7[%swap3A_240, %swap3A_241] {strides = array<i32>} : memref<59x128xi32, #tpu.memory_space<vmem>>, vector<16xi32>,
    tpu.vector_store %arg7[%swap3A_240, %swap3A_241], %add3A_238 {strides = array<i32>} : memref<59x128xi32, #tpu.memory_space<vmem>>, vector<16xi32>,
    %add3A_243 = arith.constant 78864 : i32
    %add3A_244 = vector.broadcast %add3A_243 : i32 to vector<16xi32>
    %add3A_245 = arith.addi %iota3A, %add3A_244 : vector<16xi32>
    %swap3A_246 = arith.constant 53 : i32
    %swap3A_247 = arith.index_cast %swap3A_246 : i32 to index
    %swap3A_248 = arith.constant 80 : index
    %swap3A_249 = tpu.vector_load %arg7[%swap3A_247, %swap3A_248] {strides = array<i32>} : memref<59x128xi32, #tpu.memory_space<vmem>>, vector<16xi32>,
    tpu.vector_store %arg7[%swap3A_247, %swap3A_248], %add3A_245 {strides = array<i32>} : memref<59x128xi32, #tpu.memory_space<vmem>>, vector<16xi32>,
    %add3A_250 = arith.constant 78880 : i32
    %add3A_251 = vector.broadcast %add3A_250 : i32 to vector<16xi32>
    %add3A_252 = arith.addi %iota3A, %add3A_251 : vector<16xi32>
    %swap3A_253 = arith.constant 53 : i32
    %swap3A_254 = arith.index_cast %swap3A_253 : i32 to index
    %swap3A_255 = arith.constant 96 : index
    %swap3A_256 = tpu.vector_load %arg7[%swap3A_254, %swap3A_255] {strides = array<i32>} : memref<59x128xi32, #tpu.memory_space<vmem>>, vector<16xi32>,
    tpu.vector_store %arg7[%swap3A_254, %swap3A_255], %add3A_252 {strides = array<i32>} : memref<59x128xi32, #tpu.memory_space<vmem>>, vector<16xi32>,
    %add3A_257 = arith.constant 78896 : i32
    %add3A_258 = vector.broadcast %add3A_257 : i32 to vector<16xi32>
    %add3A_259 = arith.addi %iota3A, %add3A_258 : vector<16xi32>
    %swap3A_260 = arith.constant 53 : i32
    %swap3A_261 = arith.index_cast %swap3A_260 : i32 to index
    %swap3A_262 = arith.constant 112 : index
    %swap3A_263 = tpu.vector_load %arg7[%swap3A_261, %swap3A_262] {strides = array<i32>} : memref<59x128xi32, #tpu.memory_space<vmem>>, vector<16xi32>,
    tpu.vector_store %arg7[%swap3A_261, %swap3A_262], %add3A_259 {strides = array<i32>} : memref<59x128xi32, #tpu.memory_space<vmem>>, vector<16xi32>,
    %add3A_264 = arith.constant 78912 : i32
    %add3A_265 = vector.broadcast %add3A_264 : i32 to vector<16xi32>
    %add3A_266 = arith.addi %iota3A, %add3A_265 : vector<16xi32>
    %swap3A_267 = arith.constant 54 : i32
    %swap3A_268 = arith.index_cast %swap3A_267 : i32 to index
    %swap3A_269 = arith.constant 0 : index
    %swap3A_270 = tpu.vector_load %arg7[%swap3A_268, %swap3A_269] {strides = array<i32>} : memref<59x128xi32, #tpu.memory_space<vmem>>, vector<16xi32>,
    tpu.vector_store %arg7[%swap3A_268, %swap3A_269], %add3A_266 {strides = array<i32>} : memref<59x128xi32, #tpu.memory_space<vmem>>, vector<16xi32>,
    %add3A_271 = arith.constant 78928 : i32
    %add3A_272 = vector.broadcast %add3A_271 : i32 to vector<16xi32>
    %add3A_273 = arith.addi %iota3A, %add3A_272 : vector<16xi32>
    %swap3A_274 = arith.constant 54 : i32
    %swap3A_275 = arith.index_cast %swap3A_274 : i32 to index
    %swap3A_276 = arith.constant 16 : index
    %swap3A_277 = tpu.vector_load %arg7[%swap3A_275, %swap3A_276] {strides = array<i32>} : memref<59x128xi32, #tpu.memory_space<vmem>>, vector<16xi32>,
    tpu.vector_store %arg7[%swap3A_275, %swap3A_276], %add3A_273 {strides = array<i32>} : memref<59x128xi32, #tpu.memory_space<vmem>>, vector<16xi32>,
    %add3A_278 = arith.constant 78944 : i32
    %add3A_279 = vector.broadcast %add3A_278 : i32 to vector<16xi32>
    %add3A_280 = arith.addi %iota3A, %add3A_279 : vector<16xi32>
    %swap3A_281 = arith.constant 54 : i32
    %swap3A_282 = arith.index_cast %swap3A_281 : i32 to index
    %swap3A_283 = arith.constant 32 : index
    %swap3A_284 = tpu.vector_load %arg7[%swap3A_282, %swap3A_283] {strides = array<i32>} : memref<59x128xi32, #tpu.memory_space<vmem>>, vector<16xi32>,
    tpu.vector_store %arg7[%swap3A_282, %swap3A_283], %add3A_280 {strides = array<i32>} : memref<59x128xi32, #tpu.memory_space<vmem>>, vector<16xi32>,
    %add3A_285 = arith.constant 78960 : i32
    %add3A_286 = vector.broadcast %add3A_285 : i32 to vector<16xi32>
    %add3A_287 = arith.addi %iota3A, %add3A_286 : vector<16xi32>
    %swap3A_288 = arith.constant 54 : i32
    %swap3A_289 = arith.index_cast %swap3A_288 : i32 to index
    %swap3A_290 = arith.constant 48 : index
    %swap3A_291 = tpu.vector_load %arg7[%swap3A_289, %swap3A_290] {strides = array<i32>} : memref<59x128xi32, #tpu.memory_space<vmem>>, vector<16xi32>,
    tpu.vector_store %arg7[%swap3A_289, %swap3A_290], %add3A_287 {strides = array<i32>} : memref<59x128xi32, #tpu.memory_space<vmem>>, vector<16xi32>,
    %add3A_292 = arith.constant 78976 : i32
    %add3A_293 = vector.broadcast %add3A_292 : i32 to vector<16xi32>
    %add3A_294 = arith.addi %iota3A, %add3A_293 : vector<16xi32>
    %swap3A_295 = arith.constant 54 : i32
    %swap3A_296 = arith.index_cast %swap3A_295 : i32 to index
    %swap3A_297 = arith.constant 64 : index
    %swap3A_298 = tpu.vector_load %arg7[%swap3A_296, %swap3A_297] {strides = array<i32>} : memref<59x128xi32, #tpu.memory_space<vmem>>, vector<16xi32>,
    tpu.vector_store %arg7[%swap3A_296, %swap3A_297], %add3A_294 {strides = array<i32>} : memref<59x128xi32, #tpu.memory_space<vmem>>, vector<16xi32>,
    %add3A_299 = arith.constant 78992 : i32
    %add3A_300 = vector.broadcast %add3A_299 : i32 to vector<16xi32>
    %add3A_301 = arith.addi %iota3A, %add3A_300 : vector<16xi32>
    %swap3A_302 = arith.constant 54 : i32
    %swap3A_303 = arith.index_cast %swap3A_302 : i32 to index
    %swap3A_304 = arith.constant 80 : index
    %swap3A_305 = tpu.vector_load %arg7[%swap3A_303, %swap3A_304] {strides = array<i32>} : memref<59x128xi32, #tpu.memory_space<vmem>>, vector<16xi32>,
    tpu.vector_store %arg7[%swap3A_303, %swap3A_304], %add3A_301 {strides = array<i32>} : memref<59x128xi32, #tpu.memory_space<vmem>>, vector<16xi32>,
    %add3A_306 = arith.constant 79008 : i32
    %add3A_307 = vector.broadcast %add3A_306 : i32 to vector<16xi32>
    %add3A_308 = arith.addi %iota3A, %add3A_307 : vector<16xi32>
    %swap3A_309 = arith.constant 54 : i32
    %swap3A_310 = arith.index_cast %swap3A_309 : i32 to index
    %swap3A_311 = arith.constant 96 : index
    %swap3A_312 = tpu.vector_load %arg7[%swap3A_310, %swap3A_311] {strides = array<i32>} : memref<59x128xi32, #tpu.memory_space<vmem>>, vector<16xi32>,
    tpu.vector_store %arg7[%swap3A_310, %swap3A_311], %add3A_308 {strides = array<i32>} : memref<59x128xi32, #tpu.memory_space<vmem>>, vector<16xi32>,
    %add3A_313 = arith.constant 79024 : i32
    %add3A_314 = vector.broadcast %add3A_313 : i32 to vector<16xi32>
    %add3A_315 = arith.addi %iota3A, %add3A_314 : vector<16xi32>
    %swap3A_316 = arith.constant 54 : i32
    %swap3A_317 = arith.index_cast %swap3A_316 : i32 to index
    %swap3A_318 = arith.constant 112 : index
    %swap3A_319 = tpu.vector_load %arg7[%swap3A_317, %swap3A_318] {strides = array<i32>} : memref<59x128xi32, #tpu.memory_space<vmem>>, vector<16xi32>,
    tpu.vector_store %arg7[%swap3A_317, %swap3A_318], %add3A_315 {strides = array<i32>} : memref<59x128xi32, #tpu.memory_space<vmem>>, vector<16xi32>,
    %add3A_320 = arith.constant 79040 : i32
    %add3A_321 = vector.broadcast %add3A_320 : i32 to vector<16xi32>
    %add3A_322 = arith.addi %iota3A, %add3A_321 : vector<16xi32>
    %swap3A_323 = arith.constant 55 : i32
    %swap3A_324 = arith.index_cast %swap3A_323 : i32 to index
    %swap3A_325 = arith.constant 0 : index
    %swap3A_326 = tpu.vector_load %arg7[%swap3A_324, %swap3A_325] {strides = array<i32>} : memref<59x128xi32, #tpu.memory_space<vmem>>, vector<16xi32>,
    tpu.vector_store %arg7[%swap3A_324, %swap3A_325], %add3A_322 {strides = array<i32>} : memref<59x128xi32, #tpu.memory_space<vmem>>, vector<16xi32>,
    %add3A_327 = arith.constant 79056 : i32
    %add3A_328 = vector.broadcast %add3A_327 : i32 to vector<16xi32>
    %add3A_329 = arith.addi %iota3A, %add3A_328 : vector<16xi32>
    %swap3A_330 = arith.constant 55 : i32
    %swap3A_331 = arith.index_cast %swap3A_330 : i32 to index
    %swap3A_332 = arith.constant 16 : index
    %swap3A_333 = tpu.vector_load %arg7[%swap3A_331, %swap3A_332] {strides = array<i32>} : memref<59x128xi32, #tpu.memory_space<vmem>>, vector<16xi32>,
    tpu.vector_store %arg7[%swap3A_331, %swap3A_332], %add3A_329 {strides = array<i32>} : memref<59x128xi32, #tpu.memory_space<vmem>>, vector<16xi32>,
    %add3A_334 = arith.constant 79072 : i32
    %add3A_335 = vector.broadcast %add3A_334 : i32 to vector<16xi32>
    %add3A_336 = arith.addi %iota3A, %add3A_335 : vector<16xi32>
    %swap3A_337 = arith.constant 55 : i32
    %swap3A_338 = arith.index_cast %swap3A_337 : i32 to index
    %swap3A_339 = arith.constant 32 : index
    %swap3A_340 = tpu.vector_load %arg7[%swap3A_338, %swap3A_339] {strides = array<i32>} : memref<59x128xi32, #tpu.memory_space<vmem>>, vector<16xi32>,
    tpu.vector_store %arg7[%swap3A_338, %swap3A_339], %add3A_336 {strides = array<i32>} : memref<59x128xi32, #tpu.memory_space<vmem>>, vector<16xi32>,
    %add3A_341 = arith.constant 79088 : i32
    %add3A_342 = vector.broadcast %add3A_341 : i32 to vector<16xi32>
    %add3A_343 = arith.addi %iota3A, %add3A_342 : vector<16xi32>
    %swap3A_344 = arith.constant 55 : i32
    %swap3A_345 = arith.index_cast %swap3A_344 : i32 to index
    %swap3A_346 = arith.constant 48 : index
    %swap3A_347 = tpu.vector_load %arg7[%swap3A_345, %swap3A_346] {strides = array<i32>} : memref<59x128xi32, #tpu.memory_space<vmem>>, vector<16xi32>,
    tpu.vector_store %arg7[%swap3A_345, %swap3A_346], %add3A_343 {strides = array<i32>} : memref<59x128xi32, #tpu.memory_space<vmem>>, vector<16xi32>,
    %add3A_348 = arith.constant 79104 : i32
    %add3A_349 = vector.broadcast %add3A_348 : i32 to vector<16xi32>
    %add3A_350 = arith.addi %iota3A, %add3A_349 : vector<16xi32>
    %swap3A_351 = arith.constant 55 : i32
    %swap3A_352 = arith.index_cast %swap3A_351 : i32 to index
    %swap3A_353 = arith.constant 64 : index
    %swap3A_354 = tpu.vector_load %arg7[%swap3A_352, %swap3A_353] {strides = array<i32>} : memref<59x128xi32, #tpu.memory_space<vmem>>, vector<16xi32>,
    tpu.vector_store %arg7[%swap3A_352, %swap3A_353], %add3A_350 {strides = array<i32>} : memref<59x128xi32, #tpu.memory_space<vmem>>, vector<16xi32>,
    %add3A_355 = arith.constant 79120 : i32
    %add3A_356 = vector.broadcast %add3A_355 : i32 to vector<16xi32>
    %add3A_357 = arith.addi %iota3A, %add3A_356 : vector<16xi32>
    %swap3A_358 = arith.constant 55 : i32
    %swap3A_359 = arith.index_cast %swap3A_358 : i32 to index
    %swap3A_360 = arith.constant 80 : index
    %swap3A_361 = tpu.vector_load %arg7[%swap3A_359, %swap3A_360] {strides = array<i32>} : memref<59x128xi32, #tpu.memory_space<vmem>>, vector<16xi32>,
    tpu.vector_store %arg7[%swap3A_359, %swap3A_360], %add3A_357 {strides = array<i32>} : memref<59x128xi32, #tpu.memory_space<vmem>>, vector<16xi32>,
    %add3A_362 = arith.constant 79136 : i32
    %add3A_363 = vector.broadcast %add3A_362 : i32 to vector<16xi32>
    %add3A_364 = arith.addi %iota3A, %add3A_363 : vector<16xi32>
    %swap3A_365 = arith.constant 55 : i32
    %swap3A_366 = arith.index_cast %swap3A_365 : i32 to index
    %swap3A_367 = arith.constant 96 : index
    %swap3A_368 = tpu.vector_load %arg7[%swap3A_366, %swap3A_367] {strides = array<i32>} : memref<59x128xi32, #tpu.memory_space<vmem>>, vector<16xi32>,
    tpu.vector_store %arg7[%swap3A_366, %swap3A_367], %add3A_364 {strides = array<i32>} : memref<59x128xi32, #tpu.memory_space<vmem>>, vector<16xi32>,
    %add3A_369 = arith.constant 79152 : i32
    %add3A_370 = vector.broadcast %add3A_369 : i32 to vector<16xi32>
    %add3A_371 = arith.addi %iota3A, %add3A_370 : vector<16xi32>
    %swap3A_372 = arith.constant 55 : i32
    %swap3A_373 = arith.index_cast %swap3A_372 : i32 to index
    %swap3A_374 = arith.constant 112 : index
    %swap3A_375 = tpu.vector_load %arg7[%swap3A_373, %swap3A_374] {strides = array<i32>} : memref<59x128xi32, #tpu.memory_space<vmem>>, vector<16xi32>,
    tpu.vector_store %arg7[%swap3A_373, %swap3A_374], %add3A_371 {strides = array<i32>} : memref<59x128xi32, #tpu.memory_space<vmem>>, vector<16xi32>,
    %add3A_376 = arith.constant 79168 : i32
    %add3A_377 = vector.broadcast %add3A_376 : i32 to vector<16xi32>
    %add3A_378 = arith.addi %iota3A, %add3A_377 : vector<16xi32>
    %swap3A_379 = arith.constant 56 : i32
    %swap3A_380 = arith.index_cast %swap3A_379 : i32 to index
    %swap3A_381 = arith.constant 0 : index
    %swap3A_382 = tpu.vector_load %arg7[%swap3A_380, %swap3A_381] {strides = array<i32>} : memref<59x128xi32, #tpu.memory_space<vmem>>, vector<16xi32>,
    tpu.vector_store %arg7[%swap3A_380, %swap3A_381], %add3A_378 {strides = array<i32>} : memref<59x128xi32, #tpu.memory_space<vmem>>, vector<16xi32>,
    %add3A_383 = arith.constant 79184 : i32
    %add3A_384 = vector.broadcast %add3A_383 : i32 to vector<16xi32>
    %add3A_385 = arith.addi %iota3A, %add3A_384 : vector<16xi32>
    %swap3A_386 = arith.constant 56 : i32
    %swap3A_387 = arith.index_cast %swap3A_386 : i32 to index
    %swap3A_388 = arith.constant 16 : index
    %swap3A_389 = tpu.vector_load %arg7[%swap3A_387, %swap3A_388] {strides = array<i32>} : memref<59x128xi32, #tpu.memory_space<vmem>>, vector<16xi32>,
    tpu.vector_store %arg7[%swap3A_387, %swap3A_388], %add3A_385 {strides = array<i32>} : memref<59x128xi32, #tpu.memory_space<vmem>>, vector<16xi32>,
    %add3A_390 = arith.constant 79200 : i32
    %add3A_391 = vector.broadcast %add3A_390 : i32 to vector<16xi32>
    %add3A_392 = arith.addi %iota3A, %add3A_391 : vector<16xi32>
    %swap3A_393 = arith.constant 56 : i32
    %swap3A_394 = arith.index_cast %swap3A_393 : i32 to index
    %swap3A_395 = arith.constant 32 : index
    %swap3A_396 = tpu.vector_load %arg7[%swap3A_394, %swap3A_395] {strides = array<i32>} : memref<59x128xi32, #tpu.memory_space<vmem>>, vector<16xi32>,
    tpu.vector_store %arg7[%swap3A_394, %swap3A_395], %add3A_392 {strides = array<i32>} : memref<59x128xi32, #tpu.memory_space<vmem>>, vector<16xi32>,
    %add3A_397 = arith.constant 79216 : i32
    %add3A_398 = vector.broadcast %add3A_397 : i32 to vector<16xi32>
    %add3A_399 = arith.addi %iota3A, %add3A_398 : vector<16xi32>
    %swap3A_400 = arith.constant 56 : i32
    %swap3A_401 = arith.index_cast %swap3A_400 : i32 to index
    %swap3A_402 = arith.constant 48 : index
    %swap3A_403 = tpu.vector_load %arg7[%swap3A_401, %swap3A_402] {strides = array<i32>} : memref<59x128xi32, #tpu.memory_space<vmem>>, vector<16xi32>,
    tpu.vector_store %arg7[%swap3A_401, %swap3A_402], %add3A_399 {strides = array<i32>} : memref<59x128xi32, #tpu.memory_space<vmem>>, vector<16xi32>,
    %add3A_404 = arith.constant 79232 : i32
    %add3A_405 = vector.broadcast %add3A_404 : i32 to vector<16xi32>
    %add3A_406 = arith.addi %iota3A, %add3A_405 : vector<16xi32>
    %swap3A_407 = arith.constant 56 : i32
    %swap3A_408 = arith.index_cast %swap3A_407 : i32 to index
    %swap3A_409 = arith.constant 64 : index
    %swap3A_410 = tpu.vector_load %arg7[%swap3A_408, %swap3A_409] {strides = array<i32>} : memref<59x128xi32, #tpu.memory_space<vmem>>, vector<16xi32>,
    tpu.vector_store %arg7[%swap3A_408, %swap3A_409], %add3A_406 {strides = array<i32>} : memref<59x128xi32, #tpu.memory_space<vmem>>, vector<16xi32>,
    %add3A_411 = arith.constant 79248 : i32
    %add3A_412 = vector.broadcast %add3A_411 : i32 to vector<16xi32>
    %add3A_413 = arith.addi %iota3A, %add3A_412 : vector<16xi32>
    %swap3A_414 = arith.constant 56 : i32
    %swap3A_415 = arith.index_cast %swap3A_414 : i32 to index
    %swap3A_416 = arith.constant 80 : index
    %swap3A_417 = tpu.vector_load %arg7[%swap3A_415, %swap3A_416] {strides = array<i32>} : memref<59x128xi32, #tpu.memory_space<vmem>>, vector<16xi32>,
    tpu.vector_store %arg7[%swap3A_415, %swap3A_416], %add3A_413 {strides = array<i32>} : memref<59x128xi32, #tpu.memory_space<vmem>>, vector<16xi32>,
    %add3A_418 = arith.constant 79264 : i32
    %add3A_419 = vector.broadcast %add3A_418 : i32 to vector<16xi32>
    %add3A_420 = arith.addi %iota3A, %add3A_419 : vector<16xi32>
    %swap3A_421 = arith.constant 56 : i32
    %swap3A_422 = arith.index_cast %swap3A_421 : i32 to index
    %swap3A_423 = arith.constant 96 : index
    %swap3A_424 = tpu.vector_load %arg7[%swap3A_422, %swap3A_423] {strides = array<i32>} : memref<59x128xi32, #tpu.memory_space<vmem>>, vector<16xi32>,
    tpu.vector_store %arg7[%swap3A_422, %swap3A_423], %add3A_420 {strides = array<i32>} : memref<59x128xi32, #tpu.memory_space<vmem>>, vector<16xi32>,
    %add3A_425 = arith.constant 79280 : i32
    %add3A_426 = vector.broadcast %add3A_425 : i32 to vector<16xi32>
    %add3A_427 = arith.addi %iota3A, %add3A_426 : vector<16xi32>
    %swap3A_428 = arith.constant 56 : i32
    %swap3A_429 = arith.index_cast %swap3A_428 : i32 to index
    %swap3A_430 = arith.constant 112 : index
    %swap3A_431 = tpu.vector_load %arg7[%swap3A_429, %swap3A_430] {strides = array<i32>} : memref<59x128xi32, #tpu.memory_space<vmem>>, vector<16xi32>,
    tpu.vector_store %arg7[%swap3A_429, %swap3A_430], %add3A_427 {strides = array<i32>} : memref<59x128xi32, #tpu.memory_space<vmem>>, vector<16xi32>,
    %add3A_432 = arith.constant 79296 : i32
    %add3A_433 = vector.broadcast %add3A_432 : i32 to vector<16xi32>
    %add3A_434 = arith.addi %iota3A, %add3A_433 : vector<16xi32>
    %swap3A_435 = arith.constant 57 : i32
    %swap3A_436 = arith.index_cast %swap3A_435 : i32 to index
    %swap3A_437 = arith.constant 0 : index
    %swap3A_438 = tpu.vector_load %arg7[%swap3A_436, %swap3A_437] {strides = array<i32>} : memref<59x128xi32, #tpu.memory_space<vmem>>, vector<16xi32>,
    tpu.vector_store %arg7[%swap3A_436, %swap3A_437], %add3A_434 {strides = array<i32>} : memref<59x128xi32, #tpu.memory_space<vmem>>, vector<16xi32>,
    %add3A_439 = arith.constant 79312 : i32
    %add3A_440 = vector.broadcast %add3A_439 : i32 to vector<16xi32>
    %add3A_441 = arith.addi %iota3A, %add3A_440 : vector<16xi32>
    %swap3A_442 = arith.constant 57 : i32
    %swap3A_443 = arith.index_cast %swap3A_442 : i32 to index
    %swap3A_444 = arith.constant 16 : index
    %swap3A_445 = tpu.vector_load %arg7[%swap3A_443, %swap3A_444] {strides = array<i32>} : memref<59x128xi32, #tpu.memory_space<vmem>>, vector<16xi32>,
    tpu.vector_store %arg7[%swap3A_443, %swap3A_444], %add3A_441 {strides = array<i32>} : memref<59x128xi32, #tpu.memory_space<vmem>>, vector<16xi32>,
    %add3A_446 = arith.constant 79328 : i32
    %add3A_447 = vector.broadcast %add3A_446 : i32 to vector<16xi32>
    %add3A_448 = arith.addi %iota3A, %add3A_447 : vector<16xi32>
    %swap3A_449 = arith.constant 57 : i32
    %swap3A_450 = arith.index_cast %swap3A_449 : i32 to index
    %swap3A_451 = arith.constant 32 : index
    %swap3A_452 = tpu.vector_load %arg7[%swap3A_450, %swap3A_451] {strides = array<i32>} : memref<59x128xi32, #tpu.memory_space<vmem>>, vector<16xi32>,
    tpu.vector_store %arg7[%swap3A_450, %swap3A_451], %add3A_448 {strides = array<i32>} : memref<59x128xi32, #tpu.memory_space<vmem>>, vector<16xi32>,
    %add3A_453 = arith.constant 79344 : i32
    %add3A_454 = vector.broadcast %add3A_453 : i32 to vector<16xi32>
    %add3A_455 = arith.addi %iota3A, %add3A_454 : vector<16xi32>
    %swap3A_456 = arith.constant 57 : i32
    %swap3A_457 = arith.index_cast %swap3A_456 : i32 to index
    %swap3A_458 = arith.constant 48 : index
    %swap3A_459 = tpu.vector_load %arg7[%swap3A_457, %swap3A_458] {strides = array<i32>} : memref<59x128xi32, #tpu.memory_space<vmem>>, vector<16xi32>,
    tpu.vector_store %arg7[%swap3A_457, %swap3A_458], %add3A_455 {strides = array<i32>} : memref<59x128xi32, #tpu.memory_space<vmem>>, vector<16xi32>,
    %add3A_460 = arith.constant 79360 : i32
    %add3A_461 = vector.broadcast %add3A_460 : i32 to vector<16xi32>
    %add3A_462 = arith.addi %iota3A, %add3A_461 : vector<16xi32>
    %swap3A_463 = arith.constant 57 : i32
    %swap3A_464 = arith.index_cast %swap3A_463 : i32 to index
    %swap3A_465 = arith.constant 64 : index
    %swap3A_466 = tpu.vector_load %arg7[%swap3A_464, %swap3A_465] {strides = array<i32>} : memref<59x128xi32, #tpu.memory_space<vmem>>, vector<16xi32>,
    tpu.vector_store %arg7[%swap3A_464, %swap3A_465], %add3A_462 {strides = array<i32>} : memref<59x128xi32, #tpu.memory_space<vmem>>, vector<16xi32>,
    %add3A_467 = arith.constant 79376 : i32
    %add3A_468 = vector.broadcast %add3A_467 : i32 to vector<16xi32>
    %add3A_469 = arith.addi %iota3A, %add3A_468 : vector<16xi32>
    %swap3A_470 = arith.constant 57 : i32
    %swap3A_471 = arith.index_cast %swap3A_470 : i32 to index
    %swap3A_472 = arith.constant 80 : index
    %swap3A_473 = tpu.vector_load %arg7[%swap3A_471, %swap3A_472] {strides = array<i32>} : memref<59x128xi32, #tpu.memory_space<vmem>>, vector<16xi32>,
    tpu.vector_store %arg7[%swap3A_471, %swap3A_472], %add3A_469 {strides = array<i32>} : memref<59x128xi32, #tpu.memory_space<vmem>>, vector<16xi32>,
    %add3A_474 = arith.constant 79392 : i32
    %add3A_475 = vector.broadcast %add3A_474 : i32 to vector<16xi32>
    %add3A_476 = arith.addi %iota3A, %add3A_475 : vector<16xi32>
    %swap3A_477 = arith.constant 57 : i32
    %swap3A_478 = arith.index_cast %swap3A_477 : i32 to index
    %swap3A_479 = arith.constant 96 : index
    %swap3A_480 = tpu.vector_load %arg7[%swap3A_478, %swap3A_479] {strides = array<i32>} : memref<59x128xi32, #tpu.memory_space<vmem>>, vector<16xi32>,
    tpu.vector_store %arg7[%swap3A_478, %swap3A_479], %add3A_476 {strides = array<i32>} : memref<59x128xi32, #tpu.memory_space<vmem>>, vector<16xi32>,
    %add3A_481 = arith.constant 79408 : i32
    %add3A_482 = vector.broadcast %add3A_481 : i32 to vector<16xi32>
    %add3A_483 = arith.addi %iota3A, %add3A_482 : vector<16xi32>
    %swap3A_484 = arith.constant 57 : i32
    %swap3A_485 = arith.index_cast %swap3A_484 : i32 to index
    %swap3A_486 = arith.constant 112 : index
    %swap3A_487 = tpu.vector_load %arg7[%swap3A_485, %swap3A_486] {strides = array<i32>} : memref<59x128xi32, #tpu.memory_space<vmem>>, vector<16xi32>,
    tpu.vector_store %arg7[%swap3A_485, %swap3A_486], %add3A_483 {strides = array<i32>} : memref<59x128xi32, #tpu.memory_space<vmem>>, vector<16xi32>,
    %add3A_488 = arith.constant 79424 : i32
    %add3A_489 = vector.broadcast %add3A_488 : i32 to vector<16xi32>
    %add3A_490 = arith.addi %iota3A, %add3A_489 : vector<16xi32>
    %swap3A_491 = arith.constant 58 : i32
    %swap3A_492 = arith.index_cast %swap3A_491 : i32 to index
    %swap3A_493 = arith.constant 0 : index
    %swap3A_494 = tpu.vector_load %arg7[%swap3A_492, %swap3A_493] {strides = array<i32>} : memref<59x128xi32, #tpu.memory_space<vmem>>, vector<16xi32>,
    tpu.vector_store %arg7[%swap3A_492, %swap3A_493], %add3A_490 {strides = array<i32>} : memref<59x128xi32, #tpu.memory_space<vmem>>, vector<16xi32>,
    %add3A_495 = arith.constant 79440 : i32
    %add3A_496 = vector.broadcast %add3A_495 : i32 to vector<16xi32>
    %add3A_497 = arith.addi %iota3A, %add3A_496 : vector<16xi32>
    %swap3A_498 = arith.constant 58 : i32
    %swap3A_499 = arith.index_cast %swap3A_498 : i32 to index
    %swap3A_500 = arith.constant 16 : index
    %swap3A_501 = tpu.vector_load %arg7[%swap3A_499, %swap3A_500] {strides = array<i32>} : memref<59x128xi32, #tpu.memory_space<vmem>>, vector<16xi32>,
    tpu.vector_store %arg7[%swap3A_499, %swap3A_500], %add3A_497 {strides = array<i32>} : memref<59x128xi32, #tpu.memory_space<vmem>>, vector<16xi32>,
    %add3A_502 = arith.constant 79456 : i32
    %add3A_503 = vector.broadcast %add3A_502 : i32 to vector<16xi32>
    %add3A_504 = arith.addi %iota3A, %add3A_503 : vector<16xi32>
    %swap3A_505 = arith.constant 58 : i32
    %swap3A_506 = arith.index_cast %swap3A_505 : i32 to index
    %swap3A_507 = arith.constant 32 : index
    %swap3A_508 = tpu.vector_load %arg7[%swap3A_506, %swap3A_507] {strides = array<i32>} : memref<59x128xi32, #tpu.memory_space<vmem>>, vector<16xi32>,
    tpu.vector_store %arg7[%swap3A_506, %swap3A_507], %add3A_504 {strides = array<i32>} : memref<59x128xi32, #tpu.memory_space<vmem>>, vector<16xi32>,
    %add3A_509 = arith.constant 79472 : i32
    %add3A_510 = vector.broadcast %add3A_509 : i32 to vector<16xi32>
    %add3A_511 = arith.addi %iota3A, %add3A_510 : vector<16xi32>
    %swap3A_512 = arith.constant 58 : i32
    %swap3A_513 = arith.index_cast %swap3A_512 : i32 to index
    %swap3A_514 = arith.constant 48 : index
    %swap3A_515 = tpu.vector_load %arg7[%swap3A_513, %swap3A_514] {strides = array<i32>} : memref<59x128xi32, #tpu.memory_space<vmem>>, vector<16xi32>,
    tpu.vector_store %arg7[%swap3A_513, %swap3A_514], %add3A_511 {strides = array<i32>} : memref<59x128xi32, #tpu.memory_space<vmem>>, vector<16xi32>,
    %add3A_516 = arith.constant 79488 : i32
    %add3A_517 = vector.broadcast %add3A_516 : i32 to vector<16xi32>
    %add3A_518 = arith.addi %iota3A, %add3A_517 : vector<16xi32>
    %swap3A_519 = arith.constant 58 : i32
    %swap3A_520 = arith.index_cast %swap3A_519 : i32 to index
    %swap3A_521 = arith.constant 64 : index
    %swap3A_522 = tpu.vector_load %arg7[%swap3A_520, %swap3A_521] {strides = array<i32>} : memref<59x128xi32, #tpu.memory_space<vmem>>, vector<16xi32>,
    tpu.vector_store %arg7[%swap3A_520, %swap3A_521], %add3A_518 {strides = array<i32>} : memref<59x128xi32, #tpu.memory_space<vmem>>, vector<16xi32>,
    %add3A_523 = arith.constant 79504 : i32
    %add3A_524 = vector.broadcast %add3A_523 : i32 to vector<16xi32>
    %add3A_525 = arith.addi %iota3A, %add3A_524 : vector<16xi32>
    %swap3A_526 = arith.constant 58 : i32
    %swap3A_527 = arith.index_cast %swap3A_526 : i32 to index
    %swap3A_528 = arith.constant 80 : index
    %swap3A_529 = tpu.vector_load %arg7[%swap3A_527, %swap3A_528] {strides = array<i32>} : memref<59x128xi32, #tpu.memory_space<vmem>>, vector<16xi32>,
    tpu.vector_store %arg7[%swap3A_527, %swap3A_528], %add3A_525 {strides = array<i32>} : memref<59x128xi32, #tpu.memory_space<vmem>>, vector<16xi32>,
    %add3A_530 = arith.constant 79520 : i32
    %add3A_531 = vector.broadcast %add3A_530 : i32 to vector<16xi32>
    %add3A_532 = arith.addi %iota3A, %add3A_531 : vector<16xi32>
    %swap3A_533 = arith.constant 58 : i32
    %swap3A_534 = arith.index_cast %swap3A_533 : i32 to index
    %swap3A_535 = arith.constant 96 : index
    %swap3A_536 = tpu.vector_load %arg7[%swap3A_534, %swap3A_535] {strides = array<i32>} : memref<59x128xi32, #tpu.memory_space<vmem>>, vector<16xi32>,
    tpu.vector_store %arg7[%swap3A_534, %swap3A_535], %add3A_532 {strides = array<i32>} : memref<59x128xi32, #tpu.memory_space<vmem>>, vector<16xi32>,
    %add3A_537 = arith.constant 79536 : i32
    %add3A_538 = vector.broadcast %add3A_537 : i32 to vector<16xi32>
    %add3A_539 = arith.addi %iota3A, %add3A_538 : vector<16xi32>
    %swap3A_540 = arith.constant 58 : i32
    %swap3A_541 = arith.index_cast %swap3A_540 : i32 to index
    %swap3A_542 = arith.constant 112 : index
    %swap3A_543 = tpu.vector_load %arg7[%swap3A_541, %swap3A_542] {strides = array<i32>} : memref<59x128xi32, #tpu.memory_space<vmem>>, vector<16xi32>,
    tpu.vector_store %arg7[%swap3A_541, %swap3A_542], %add3A_539 {strides = array<i32>} : memref<59x128xi32, #tpu.memory_space<vmem>>, vector<16xi32>,
    %dma_start3A = arith.constant 0 : i32
    %dma_start3A_544 = arith.constant 0 : i32
    %dma_start3A_545 = arith.constant 0 : i32
    %dma_start3A_546 = tpu.memref_slice %arg8[%dma_start3A, %dma_start3A_545] : memref<50x128xf32, #tpu.memory_space<vmem>> -> memref<1x128xf32, #tpu.memory_space<vmem>>
    %dma_start3A_547 = tpu.memref_squeeze %dma_start3A_546 : memref<1x128xf32, #tpu.memory_space<vmem>> -> memref<128xf32, #tpu.memory_space<vmem>>
    %dma_start3A_548 = arith.constant 0 : i32
    %dma_start3A_549 = tpu.memref_slice %arg7[%dma_start3A_544, %dma_start3A_548] : memref<59x128xi32, #tpu.memory_space<vmem>> -> memref<1x128xi32, #tpu.memory_space<vmem>>
    %dma_start3A_550 = tpu.memref_squeeze %dma_start3A_549 : memref<1x128xi32, #tpu.memory_space<vmem>> -> memref<128xi32, #tpu.memory_space<vmem>>
    %dma_start3A_551 = arith.constant 0 : i32
    %dma_start3A_552 = tpu.memref_slice %arg11[%dma_start3A_551] : memref<79872xf32, #tpu.memory_space<vmem_shared>> -> memref<79872xf32, #tpu.memory_space<vmem_shared>>
    tpu.enqueue_indirect_dma source(%dma_start3A_547 : memref<128xf32, #tpu.memory_space<vmem>>) target(%dma_start3A_552 : memref<79872xf32, #tpu.memory_space<vmem_shared>>) offsets(%dma_start3A_550 : memref<128xi32, #tpu.memory_space<vmem>>) semaphore(%arg12 : memref<!tpu.dma_semaphore, #tpu.memory_space<semaphore_mem>>) {add = true}
    %dma_start3A_553 = arith.constant 1 : i32
    %dma_start3A_554 = arith.constant 1 : i32
    %dma_start3A_555 = arith.constant 0 : i32
    %dma_start3A_556 = tpu.memref_slice %arg8[%dma_start3A_553, %dma_start3A_555] : memref<50x128xf32, #tpu.memory_space<vmem>> -> memref<1x128xf32, #tpu.memory_space<vmem>>
    %dma_start3A_557 = tpu.memref_squeeze %dma_start3A_556 : memref<1x128xf32, #tpu.memory_space<vmem>> -> memref<128xf32, #tpu.memory_space<vmem>>
    %dma_start3A_558 = arith.constant 0 : i32
    %dma_start3A_559 = tpu.memref_slice %arg7[%dma_start3A_554, %dma_start3A_558] : memref<59x128xi32, #tpu.memory_space<vmem>> -> memref<1x128xi32, #tpu.memory_space<vmem>>
    %dma_start3A_560 = tpu.memref_squeeze %dma_start3A_559 : memref<1x128xi32, #tpu.memory_space<vmem>> -> memref<128xi32, #tpu.memory_space<vmem>>
    %dma_start3A_561 = arith.constant 0 : i32
    %dma_start3A_562 = tpu.memref_slice %arg11[%dma_start3A_561] : memref<79872xf32, #tpu.memory_space<vmem_shared>> -> memref<79872xf32, #tpu.memory_space<vmem_shared>>
    tpu.enqueue_indirect_dma source(%dma_start3A_557 : memref<128xf32, #tpu.memory_space<vmem>>) target(%dma_start3A_562 : memref<79872xf32, #tpu.memory_space<vmem_shared>>) offsets(%dma_start3A_560 : memref<128xi32, #tpu.memory_space<vmem>>) semaphore(%arg12 : memref<!tpu.dma_semaphore, #tpu.memory_space<semaphore_mem>>) {add = true}
    %dma_start3A_563 = arith.constant 2 : i32
    %dma_start3A_564 = arith.constant 2 : i32
    %dma_start3A_565 = arith.constant 0 : i32
    %dma_start3A_566 = tpu.memref_slice %arg8[%dma_start3A_563, %dma_start3A_565] : memref<50x128xf32, #tpu.memory_space<vmem>> -> memref<1x128xf32, #tpu.memory_space<vmem>>
    %dma_start3A_567 = tpu.memref_squeeze %dma_start3A_566 : memref<1x128xf32, #tpu.memory_space<vmem>> -> memref<128xf32, #tpu.memory_space<vmem>>
    %dma_start3A_568 = arith.constant 0 : i32
    %dma_start3A_569 = tpu.memref_slice %arg7[%dma_start3A_564, %dma_start3A_568] : memref<59x128xi32, #tpu.memory_space<vmem>> -> memref<1x128xi32, #tpu.memory_space<vmem>>
    %dma_start3A_570 = tpu.memref_squeeze %dma_start3A_569 : memref<1x128xi32, #tpu.memory_space<vmem>> -> memref<128xi32, #tpu.memory_space<vmem>>
    %dma_start3A_571 = arith.constant 0 : i32
    %dma_start3A_572 = tpu.memref_slice %arg11[%dma_start3A_571] : memref<79872xf32, #tpu.memory_space<vmem_shared>> -> memref<79872xf32, #tpu.memory_space<vmem_shared>>
    tpu.enqueue_indirect_dma source(%dma_start3A_567 : memref<128xf32, #tpu.memory_space<vmem>>) target(%dma_start3A_572 : memref<79872xf32, #tpu.memory_space<vmem_shared>>) offsets(%dma_start3A_570 : memref<128xi32, #tpu.memory_space<vmem>>) semaphore(%arg12 : memref<!tpu.dma_semaphore, #tpu.memory_space<semaphore_mem>>) {add = true}
    %dma_start3A_573 = arith.constant 3 : i32
    %dma_start3A_574 = arith.constant 3 : i32
    %dma_start3A_575 = arith.constant 0 : i32
    %dma_start3A_576 = tpu.memref_slice %arg8[%dma_start3A_573, %dma_start3A_575] : memref<50x128xf32, #tpu.memory_space<vmem>> -> memref<1x128xf32, #tpu.memory_space<vmem>>
    %dma_start3A_577 = tpu.memref_squeeze %dma_start3A_576 : memref<1x128xf32, #tpu.memory_space<vmem>> -> memref<128xf32, #tpu.memory_space<vmem>>
    %dma_start3A_578 = arith.constant 0 : i32
    %dma_start3A_579 = tpu.memref_slice %arg7[%dma_start3A_574, %dma_start3A_578] : memref<59x128xi32, #tpu.memory_space<vmem>> -> memref<1x128xi32, #tpu.memory_space<vmem>>
    %dma_start3A_580 = tpu.memref_squeeze %dma_start3A_579 : memref<1x128xi32, #tpu.memory_space<vmem>> -> memref<128xi32, #tpu.memory_space<vmem>>
    %dma_start3A_581 = arith.constant 0 : i32
    %dma_start3A_582 = tpu.memref_slice %arg11[%dma_start3A_581] : memref<79872xf32, #tpu.memory_space<vmem_shared>> -> memref<79872xf32, #tpu.memory_space<vmem_shared>>
    tpu.enqueue_indirect_dma source(%dma_start3A_577 : memref<128xf32, #tpu.memory_space<vmem>>) target(%dma_start3A_582 : memref<79872xf32, #tpu.memory_space<vmem_shared>>) offsets(%dma_start3A_580 : memref<128xi32, #tpu.memory_space<vmem>>) semaphore(%arg12 : memref<!tpu.dma_semaphore, #tpu.memory_space<semaphore_mem>>) {add = true}
    %dma_start3A_583 = arith.constant 4 : i32
    %dma_start3A_584 = arith.constant 4 : i32
    %dma_start3A_585 = arith.constant 0 : i32
    %dma_start3A_586 = tpu.memref_slice %arg8[%dma_start3A_583, %dma_start3A_585] : memref<50x128xf32, #tpu.memory_space<vmem>> -> memref<1x128xf32, #tpu.memory_space<vmem>>
    %dma_start3A_587 = tpu.memref_squeeze %dma_start3A_586 : memref<1x128xf32, #tpu.memory_space<vmem>> -> memref<128xf32, #tpu.memory_space<vmem>>
    %dma_start3A_588 = arith.constant 0 : i32
    %dma_start3A_589 = tpu.memref_slice %arg7[%dma_start3A_584, %dma_start3A_588] : memref<59x128xi32, #tpu.memory_space<vmem>> -> memref<1x128xi32, #tpu.memory_space<vmem>>
    %dma_start3A_590 = tpu.memref_squeeze %dma_start3A_589 : memref<1x128xi32, #tpu.memory_space<vmem>> -> memref<128xi32, #tpu.memory_space<vmem>>
    %dma_start3A_591 = arith.constant 0 : i32
    %dma_start3A_592 = tpu.memref_slice %arg11[%dma_start3A_591] : memref<79872xf32, #tpu.memory_space<vmem_shared>> -> memref<79872xf32, #tpu.memory_space<vmem_shared>>
    tpu.enqueue_indirect_dma source(%dma_start3A_587 : memref<128xf32, #tpu.memory_space<vmem>>) target(%dma_start3A_592 : memref<79872xf32, #tpu.memory_space<vmem_shared>>) offsets(%dma_start3A_590 : memref<128xi32, #tpu.memory_space<vmem>>) semaphore(%arg12 : memref<!tpu.dma_semaphore, #tpu.memory_space<semaphore_mem>>) {add = true}
    %dma_start3A_593 = arith.constant 5 : i32
    %dma_start3A_594 = arith.constant 5 : i32
    %dma_start3A_595 = arith.constant 0 : i32
    %dma_start3A_596 = tpu.memref_slice %arg8[%dma_start3A_593, %dma_start3A_595] : memref<50x128xf32, #tpu.memory_space<vmem>> -> memref<1x128xf32, #tpu.memory_space<vmem>>
    %dma_start3A_597 = tpu.memref_squeeze %dma_start3A_596 : memref<1x128xf32, #tpu.memory_space<vmem>> -> memref<128xf32, #tpu.memory_space<vmem>>
    %dma_start3A_598 = arith.constant 0 : i32
    %dma_start3A_599 = tpu.memref_slice %arg7[%dma_start3A_594, %dma_start3A_598] : memref<59x128xi32, #tpu.memory_space<vmem>> -> memref<1x128xi32, #tpu.memory_space<vmem>>
    %dma_start3A_600 = tpu.memref_squeeze %dma_start3A_599 : memref<1x128xi32, #tpu.memory_space<vmem>> -> memref<128xi32, #tpu.memory_space<vmem>>
    %dma_start3A_601 = arith.constant 0 : i32
    %dma_start3A_602 = tpu.memref_slice %arg11[%dma_start3A_601] : memref<79872xf32, #tpu.memory_space<vmem_shared>> -> memref<79872xf32, #tpu.memory_space<vmem_shared>>
    tpu.enqueue_indirect_dma source(%dma_start3A_597 : memref<128xf32, #tpu.memory_space<vmem>>) target(%dma_start3A_602 : memref<79872xf32, #tpu.memory_space<vmem_shared>>) offsets(%dma_start3A_600 : memref<128xi32, #tpu.memory_space<vmem>>) semaphore(%arg12 : memref<!tpu.dma_semaphore, #tpu.memory_space<semaphore_mem>>) {add = true}
    %dma_start3A_603 = arith.constant 6 : i32
    %dma_start3A_604 = arith.constant 6 : i32
    %dma_start3A_605 = arith.constant 0 : i32
    %dma_start3A_606 = tpu.memref_slice %arg8[%dma_start3A_603, %dma_start3A_605] : memref<50x128xf32, #tpu.memory_space<vmem>> -> memref<1x128xf32, #tpu.memory_space<vmem>>
    %dma_start3A_607 = tpu.memref_squeeze %dma_start3A_606 : memref<1x128xf32, #tpu.memory_space<vmem>> -> memref<128xf32, #tpu.memory_space<vmem>>
    %dma_start3A_608 = arith.constant 0 : i32
    %dma_start3A_609 = tpu.memref_slice %arg7[%dma_start3A_604, %dma_start3A_608] : memref<59x128xi32, #tpu.memory_space<vmem>> -> memref<1x128xi32, #tpu.memory_space<vmem>>
    %dma_start3A_610 = tpu.memref_squeeze %dma_start3A_609 : memref<1x128xi32, #tpu.memory_space<vmem>> -> memref<128xi32, #tpu.memory_space<vmem>>
    %dma_start3A_611 = arith.constant 0 : i32
    %dma_start3A_612 = tpu.memref_slice %arg11[%dma_start3A_611] : memref<79872xf32, #tpu.memory_space<vmem_shared>> -> memref<79872xf32, #tpu.memory_space<vmem_shared>>
    tpu.enqueue_indirect_dma source(%dma_start3A_607 : memref<128xf32, #tpu.memory_space<vmem>>) target(%dma_start3A_612 : memref<79872xf32, #tpu.memory_space<vmem_shared>>) offsets(%dma_start3A_610 : memref<128xi32, #tpu.memory_space<vmem>>) semaphore(%arg12 : memref<!tpu.dma_semaphore, #tpu.memory_space<semaphore_mem>>) {add = true}
    %dma_start3A_613 = arith.constant 7 : i32
    %dma_start3A_614 = arith.constant 7 : i32
    %dma_start3A_615 = arith.constant 0 : i32
    %dma_start3A_616 = tpu.memref_slice %arg8[%dma_start3A_613, %dma_start3A_615] : memref<50x128xf32, #tpu.memory_space<vmem>> -> memref<1x128xf32, #tpu.memory_space<vmem>>
    %dma_start3A_617 = tpu.memref_squeeze %dma_start3A_616 : memref<1x128xf32, #tpu.memory_space<vmem>> -> memref<128xf32, #tpu.memory_space<vmem>>
    %dma_start3A_618 = arith.constant 0 : i32
    %dma_start3A_619 = tpu.memref_slice %arg7[%dma_start3A_614, %dma_start3A_618] : memref<59x128xi32, #tpu.memory_space<vmem>> -> memref<1x128xi32, #tpu.memory_space<vmem>>
    %dma_start3A_620 = tpu.memref_squeeze %dma_start3A_619 : memref<1x128xi32, #tpu.memory_space<vmem>> -> memref<128xi32, #tpu.memory_space<vmem>>
    %dma_start3A_621 = arith.constant 0 : i32
    %dma_start3A_622 = tpu.memref_slice %arg11[%dma_start3A_621] : memref<79872xf32, #tpu.memory_space<vmem_shared>> -> memref<79872xf32, #tpu.memory_space<vmem_shared>>
    tpu.enqueue_indirect_dma source(%dma_start3A_617 : memref<128xf32, #tpu.memory_space<vmem>>) target(%dma_start3A_622 : memref<79872xf32, #tpu.memory_space<vmem_shared>>) offsets(%dma_start3A_620 : memref<128xi32, #tpu.memory_space<vmem>>) semaphore(%arg12 : memref<!tpu.dma_semaphore, #tpu.memory_space<semaphore_mem>>) {add = true}
    %dma_wait3A = arith.constant 0 : i32
    %dma_wait3A_623 = arith.constant 0 : i32
    %dma_wait3A_624 = arith.constant 0 : i32
    %dma_wait3A_625 = tpu.memref_slice %arg8[%dma_wait3A, %dma_wait3A_624] : memref<50x128xf32, #tpu.memory_space<vmem>> -> memref<1x128xf32, #tpu.memory_space<vmem>>
    %dma_wait3A_626 = tpu.memref_squeeze %dma_wait3A_625 : memref<1x128xf32, #tpu.memory_space<vmem>> -> memref<128xf32, #tpu.memory_space<vmem>>
    %dma_wait3A_627 = arith.constant 0 : i32
    %dma_wait3A_628 = tpu.memref_slice %arg7[%dma_wait3A_623, %dma_wait3A_627] : memref<59x128xi32, #tpu.memory_space<vmem>> -> memref<1x128xi32, #tpu.memory_space<vmem>>
    %dma_wait3A_629 = tpu.memref_squeeze %dma_wait3A_628 : memref<1x128xi32, #tpu.memory_space<vmem>> -> memref<128xi32, #tpu.memory_space<vmem>>
    %dma_wait3A_630 = arith.constant 0 : i32
    %dma_wait3A_631 = tpu.memref_slice %arg11[%dma_wait3A_630] : memref<79872xf32, #tpu.memory_space<vmem_shared>> -> memref<79872xf32, #tpu.memory_space<vmem_shared>>
    tpu.wait_indirect_dma semaphore(%arg12 : memref<!tpu.dma_semaphore, #tpu.memory_space<semaphore_mem>>) src(%dma_wait3A_626 : memref<128xf32, #tpu.memory_space<vmem>>) dst(%dma_wait3A_631 : memref<79872xf32, #tpu.memory_space<vmem_shared>>)
    %dma_wait3A_632 = arith.constant 1 : i32
    %dma_wait3A_633 = arith.constant 1 : i32
    %dma_wait3A_634 = arith.constant 0 : i32
    %dma_wait3A_635 = tpu.memref_slice %arg8[%dma_wait3A_632, %dma_wait3A_634] : memref<50x128xf32, #tpu.memory_space<vmem>> -> memref<1x128xf32, #tpu.memory_space<vmem>>
    %dma_wait3A_636 = tpu.memref_squeeze %dma_wait3A_635 : memref<1x128xf32, #tpu.memory_space<vmem>> -> memref<128xf32, #tpu.memory_space<vmem>>
    %dma_wait3A_637 = arith.constant 0 : i32
    %dma_wait3A_638 = tpu.memref_slice %arg7[%dma_wait3A_633, %dma_wait3A_637] : memref<59x128xi32, #tpu.memory_space<vmem>> -> memref<1x128xi32, #tpu.memory_space<vmem>>
    %dma_wait3A_639 = tpu.memref_squeeze %dma_wait3A_638 : memref<1x128xi32, #tpu.memory_space<vmem>> -> memref<128xi32, #tpu.memory_space<vmem>>
    %dma_wait3A_640 = arith.constant 0 : i32
    %dma_wait3A_641 = tpu.memref_slice %arg11[%dma_wait3A_640] : memref<79872xf32, #tpu.memory_space<vmem_shared>> -> memref<79872xf32, #tpu.memory_space<vmem_shared>>
    tpu.wait_indirect_dma semaphore(%arg12 : memref<!tpu.dma_semaphore, #tpu.memory_space<semaphore_mem>>) src(%dma_wait3A_636 : memref<128xf32, #tpu.memory_space<vmem>>) dst(%dma_wait3A_641 : memref<79872xf32, #tpu.memory_space<vmem_shared>>)
    %dma_wait3A_642 = arith.constant 2 : i32
    %dma_wait3A_643 = arith.constant 2 : i32
    %dma_wait3A_644 = arith.constant 0 : i32
    %dma_wait3A_645 = tpu.memref_slice %arg8[%dma_wait3A_642, %dma_wait3A_644] : memref<50x128xf32, #tpu.memory_space<vmem>> -> memref<1x128xf32, #tpu.memory_space<vmem>>
    %dma_wait3A_646 = tpu.memref_squeeze %dma_wait3A_645 : memref<1x128xf32, #tpu.memory_space<vmem>> -> memref<128xf32, #tpu.memory_space<vmem>>
    %dma_wait3A_647 = arith.constant 0 : i32
    %dma_wait3A_648 = tpu.memref_slice %arg7[%dma_wait3A_643, %dma_wait3A_647] : memref<59x128xi32, #tpu.memory_space<vmem>> -> memref<1x128xi32, #tpu.memory_space<vmem>>
    %dma_wait3A_649 = tpu.memref_squeeze %dma_wait3A_648 : memref<1x128xi32, #tpu.memory_space<vmem>> -> memref<128xi32, #tpu.memory_space<vmem>>
    %dma_wait3A_650 = arith.constant 0 : i32
    %dma_wait3A_651 = tpu.memref_slice %arg11[%dma_wait3A_650] : memref<79872xf32, #tpu.memory_space<vmem_shared>> -> memref<79872xf32, #tpu.memory_space<vmem_shared>>
    tpu.wait_indirect_dma semaphore(%arg12 : memref<!tpu.dma_semaphore, #tpu.memory_space<semaphore_mem>>) src(%dma_wait3A_646 : memref<128xf32, #tpu.memory_space<vmem>>) dst(%dma_wait3A_651 : memref<79872xf32, #tpu.memory_space<vmem_shared>>)
    %dma_wait3A_652 = arith.constant 3 : i32
    %dma_wait3A_653 = arith.constant 3 : i32
    %dma_wait3A_654 = arith.constant 0 : i32
    %dma_wait3A_655 = tpu.memref_slice %arg8[%dma_wait3A_652, %dma_wait3A_654] : memref<50x128xf32, #tpu.memory_space<vmem>> -> memref<1x128xf32, #tpu.memory_space<vmem>>
    %dma_wait3A_656 = tpu.memref_squeeze %dma_wait3A_655 : memref<1x128xf32, #tpu.memory_space<vmem>> -> memref<128xf32, #tpu.memory_space<vmem>>
    %dma_wait3A_657 = arith.constant 0 : i32
    %dma_wait3A_658 = tpu.memref_slice %arg7[%dma_wait3A_653, %dma_wait3A_657] : memref<59x128xi32, #tpu.memory_space<vmem>> -> memref<1x128xi32, #tpu.memory_space<vmem>>
    %dma_wait3A_659 = tpu.memref_squeeze %dma_wait3A_658 : memref<1x128xi32, #tpu.memory_space<vmem>> -> memref<128xi32, #tpu.memory_space<vmem>>
    %dma_wait3A_660 = arith.constant 0 : i32
    %dma_wait3A_661 = tpu.memref_slice %arg11[%dma_wait3A_660] : memref<79872xf32, #tpu.memory_space<vmem_shared>> -> memref<79872xf32, #tpu.memory_space<vmem_shared>>
    tpu.wait_indirect_dma semaphore(%arg12 : memref<!tpu.dma_semaphore, #tpu.memory_space<semaphore_mem>>) src(%dma_wait3A_656 : memref<128xf32, #tpu.memory_space<vmem>>) dst(%dma_wait3A_661 : memref<79872xf32, #tpu.memory_space<vmem_shared>>)
    %dma_wait3A_662 = arith.constant 4 : i32
    %dma_wait3A_663 = arith.constant 4 : i32
    %dma_wait3A_664 = arith.constant 0 : i32
    %dma_wait3A_665 = tpu.memref_slice %arg8[%dma_wait3A_662, %dma_wait3A_664] : memref<50x128xf32, #tpu.memory_space<vmem>> -> memref<1x128xf32, #tpu.memory_space<vmem>>
    %dma_wait3A_666 = tpu.memref_squeeze %dma_wait3A_665 : memref<1x128xf32, #tpu.memory_space<vmem>> -> memref<128xf32, #tpu.memory_space<vmem>>
    %dma_wait3A_667 = arith.constant 0 : i32
    %dma_wait3A_668 = tpu.memref_slice %arg7[%dma_wait3A_663, %dma_wait3A_667] : memref<59x128xi32, #tpu.memory_space<vmem>> -> memref<1x128xi32, #tpu.memory_space<vmem>>
    %dma_wait3A_669 = tpu.memref_squeeze %dma_wait3A_668 : memref<1x128xi32, #tpu.memory_space<vmem>> -> memref<128xi32, #tpu.memory_space<vmem>>
    %dma_wait3A_670 = arith.constant 0 : i32
    %dma_wait3A_671 = tpu.memref_slice %arg11[%dma_wait3A_670] : memref<79872xf32, #tpu.memory_space<vmem_shared>> -> memref<79872xf32, #tpu.memory_space<vmem_shared>>
    tpu.wait_indirect_dma semaphore(%arg12 : memref<!tpu.dma_semaphore, #tpu.memory_space<semaphore_mem>>) src(%dma_wait3A_666 : memref<128xf32, #tpu.memory_space<vmem>>) dst(%dma_wait3A_671 : memref<79872xf32, #tpu.memory_space<vmem_shared>>)
    %dma_wait3A_672 = arith.constant 5 : i32
    %dma_wait3A_673 = arith.constant 5 : i32
    %dma_wait3A_674 = arith.constant 0 : i32
    %dma_wait3A_675 = tpu.memref_slice %arg8[%dma_wait3A_672, %dma_wait3A_674] : memref<50x128xf32, #tpu.memory_space<vmem>> -> memref<1x128xf32, #tpu.memory_space<vmem>>
    %dma_wait3A_676 = tpu.memref_squeeze %dma_wait3A_675 : memref<1x128xf32, #tpu.memory_space<vmem>> -> memref<128xf32, #tpu.memory_space<vmem>>
    %dma_wait3A_677 = arith.constant 0 : i32
    %dma_wait3A_678 = tpu.memref_slice %arg7[%dma_wait3A_673, %dma_wait3A_677] : memref<59x128xi32, #tpu.memory_space<vmem>> -> memref<1x128xi32, #tpu.memory_space<vmem>>
    %dma_wait3A_679 = tpu.memref_squeeze %dma_wait3A_678 : memref<1x128xi32, #tpu.memory_space<vmem>> -> memref<128xi32, #tpu.memory_space<vmem>>
    %dma_wait3A_680 = arith.constant 0 : i32
    %dma_wait3A_681 = tpu.memref_slice %arg11[%dma_wait3A_680] : memref<79872xf32, #tpu.memory_space<vmem_shared>> -> memref<79872xf32, #tpu.memory_space<vmem_shared>>
    tpu.wait_indirect_dma semaphore(%arg12 : memref<!tpu.dma_semaphore, #tpu.memory_space<semaphore_mem>>) src(%dma_wait3A_676 : memref<128xf32, #tpu.memory_space<vmem>>) dst(%dma_wait3A_681 : memref<79872xf32, #tpu.memory_space<vmem_shared>>)
    %dma_wait3A_682 = arith.constant 6 : i32
    %dma_wait3A_683 = arith.constant 6 : i32
    %dma_wait3A_684 = arith.constant 0 : i32
    %dma_wait3A_685 = tpu.memref_slice %arg8[%dma_wait3A_682, %dma_wait3A_684] : memref<50x128xf32, #tpu.memory_space<vmem>> -> memref<1x128xf32, #tpu.memory_space<vmem>>
    %dma_wait3A_686 = tpu.memref_squeeze %dma_wait3A_685 : memref<1x128xf32, #tpu.memory_space<vmem>> -> memref<128xf32, #tpu.memory_space<vmem>>
    %dma_wait3A_687 = arith.constant 0 : i32
    %dma_wait3A_688 = tpu.memref_slice %arg7[%dma_wait3A_683, %dma_wait3A_687] : memref<59x128xi32, #tpu.memory_space<vmem>> -> memref<1x128xi32, #tpu.memory_space<vmem>>
    %dma_wait3A_689 = tpu.memref_squeeze %dma_wait3A_688 : memref<1x128xi32, #tpu.memory_space<vmem>> -> memref<128xi32, #tpu.memory_space<vmem>>
    %dma_wait3A_690 = arith.constant 0 : i32
    %dma_wait3A_691 = tpu.memref_slice %arg11[%dma_wait3A_690] : memref<79872xf32, #tpu.memory_space<vmem_shared>> -> memref<79872xf32, #tpu.memory_space<vmem_shared>>
    tpu.wait_indirect_dma semaphore(%arg12 : memref<!tpu.dma_semaphore, #tpu.memory_space<semaphore_mem>>) src(%dma_wait3A_686 : memref<128xf32, #tpu.memory_space<vmem>>) dst(%dma_wait3A_691 : memref<79872xf32, #tpu.memory_space<vmem_shared>>)
    %dma_wait3A_692 = arith.constant 7 : i32
    %dma_wait3A_693 = arith.constant 7 : i32
    %dma_wait3A_694 = arith.constant 0 : i32
    %dma_wait3A_695 = tpu.memref_slice %arg8[%dma_wait3A_692, %dma_wait3A_694] : memref<50x128xf32, #tpu.memory_space<vmem>> -> memref<1x128xf32, #tpu.memory_space<vmem>>
    %dma_wait3A_696 = tpu.memref_squeeze %dma_wait3A_695 : memref<1x128xf32, #tpu.memory_space<vmem>> -> memref<128xf32, #tpu.memory_space<vmem>>
    %dma_wait3A_697 = arith.constant 0 : i32
    %dma_wait3A_698 = tpu.memref_slice %arg7[%dma_wait3A_693, %dma_wait3A_697] : memref<59x128xi32, #tpu.memory_space<vmem>> -> memref<1x128xi32, #tpu.memory_space<vmem>>
    %dma_wait3A_699 = tpu.memref_squeeze %dma_wait3A_698 : memref<1x128xi32, #tpu.memory_space<vmem>> -> memref<128xi32, #tpu.memory_space<vmem>>
    %dma_wait3A_700 = arith.constant 0 : i32
    %dma_wait3A_701 = tpu.memref_slice %arg11[%dma_wait3A_700] : memref<79872xf32, #tpu.memory_space<vmem_shared>> -> memref<79872xf32, #tpu.memory_space<vmem_shared>>
    tpu.wait_indirect_dma semaphore(%arg12 : memref<!tpu.dma_semaphore, #tpu.memory_space<semaphore_mem>>) src(%dma_wait3A_696 : memref<128xf32, #tpu.memory_space<vmem>>) dst(%dma_wait3A_701 : memref<79872xf32, #tpu.memory_space<vmem_shared>>)
    %dma_start3A_702 = arith.constant 8 : i32
    %dma_start3A_703 = arith.constant 8 : i32
    %dma_start3A_704 = arith.constant 0 : i32
    %dma_start3A_705 = tpu.memref_slice %arg8[%dma_start3A_702, %dma_start3A_704] : memref<50x128xf32, #tpu.memory_space<vmem>> -> memref<1x128xf32, #tpu.memory_space<vmem>>
    %dma_start3A_706 = tpu.memref_squeeze %dma_start3A_705 : memref<1x128xf32, #tpu.memory_space<vmem>> -> memref<128xf32, #tpu.memory_space<vmem>>
    %dma_start3A_707 = arith.constant 0 : i32
    %dma_start3A_708 = tpu.memref_slice %arg7[%dma_start3A_703, %dma_start3A_707] : memref<59x128xi32, #tpu.memory_space<vmem>> -> memref<1x128xi32, #tpu.memory_space<vmem>>
    %dma_start3A_709 = tpu.memref_squeeze %dma_start3A_708 : memref<1x128xi32, #tpu.memory_space<vmem>> -> memref<128xi32, #tpu.memory_space<vmem>>
    %dma_start3A_710 = arith.constant 0 : i32
    %dma_start3A_711 = tpu.memref_slice %arg11[%dma_start3A_710] : memref<79872xf32, #tpu.memory_space<vmem_shared>> -> memref<79872xf32, #tpu.memory_space<vmem_shared>>
    tpu.enqueue_indirect_dma source(%dma_start3A_706 : memref<128xf32, #tpu.memory_space<vmem>>) target(%dma_start3A_711 : memref<79872xf32, #tpu.memory_space<vmem_shared>>) offsets(%dma_start3A_709 : memref<128xi32, #tpu.memory_space<vmem>>) semaphore(%arg12 : memref<!tpu.dma_semaphore, #tpu.memory_space<semaphore_mem>>) {add = true}
    %dma_start3A_712 = arith.constant 9 : i32
    %dma_start3A_713 = arith.constant 9 : i32
    %dma_start3A_714 = arith.constant 0 : i32
    %dma_start3A_715 = tpu.memref_slice %arg8[%dma_start3A_712, %dma_start3A_714] : memref<50x128xf32, #tpu.memory_space<vmem>> -> memref<1x128xf32, #tpu.memory_space<vmem>>
    %dma_start3A_716 = tpu.memref_squeeze %dma_start3A_715 : memref<1x128xf32, #tpu.memory_space<vmem>> -> memref<128xf32, #tpu.memory_space<vmem>>
    %dma_start3A_717 = arith.constant 0 : i32
    %dma_start3A_718 = tpu.memref_slice %arg7[%dma_start3A_713, %dma_start3A_717] : memref<59x128xi32, #tpu.memory_space<vmem>> -> memref<1x128xi32, #tpu.memory_space<vmem>>
    %dma_start3A_719 = tpu.memref_squeeze %dma_start3A_718 : memref<1x128xi32, #tpu.memory_space<vmem>> -> memref<128xi32, #tpu.memory_space<vmem>>
    %dma_start3A_720 = arith.constant 0 : i32
    %dma_start3A_721 = tpu.memref_slice %arg11[%dma_start3A_720] : memref<79872xf32, #tpu.memory_space<vmem_shared>> -> memref<79872xf32, #tpu.memory_space<vmem_shared>>
    tpu.enqueue_indirect_dma source(%dma_start3A_716 : memref<128xf32, #tpu.memory_space<vmem>>) target(%dma_start3A_721 : memref<79872xf32, #tpu.memory_space<vmem_shared>>) offsets(%dma_start3A_719 : memref<128xi32, #tpu.memory_space<vmem>>) semaphore(%arg12 : memref<!tpu.dma_semaphore, #tpu.memory_space<semaphore_mem>>) {add = true}
    %dma_start3A_722 = arith.constant 10 : i32
    %dma_start3A_723 = arith.constant 10 : i32
    %dma_start3A_724 = arith.constant 0 : i32
    %dma_start3A_725 = tpu.memref_slice %arg8[%dma_start3A_722, %dma_start3A_724] : memref<50x128xf32, #tpu.memory_space<vmem>> -> memref<1x128xf32, #tpu.memory_space<vmem>>
    %dma_start3A_726 = tpu.memref_squeeze %dma_start3A_725 : memref<1x128xf32, #tpu.memory_space<vmem>> -> memref<128xf32, #tpu.memory_space<vmem>>
    %dma_start3A_727 = arith.constant 0 : i32
    %dma_start3A_728 = tpu.memref_slice %arg7[%dma_start3A_723, %dma_start3A_727] : memref<59x128xi32, #tpu.memory_space<vmem>> -> memref<1x128xi32, #tpu.memory_space<vmem>>
    %dma_start3A_729 = tpu.memref_squeeze %dma_start3A_728 : memref<1x128xi32, #tpu.memory_space<vmem>> -> memref<128xi32, #tpu.memory_space<vmem>>
    %dma_start3A_730 = arith.constant 0 : i32
    %dma_start3A_731 = tpu.memref_slice %arg11[%dma_start3A_730] : memref<79872xf32, #tpu.memory_space<vmem_shared>> -> memref<79872xf32, #tpu.memory_space<vmem_shared>>
    tpu.enqueue_indirect_dma source(%dma_start3A_726 : memref<128xf32, #tpu.memory_space<vmem>>) target(%dma_start3A_731 : memref<79872xf32, #tpu.memory_space<vmem_shared>>) offsets(%dma_start3A_729 : memref<128xi32, #tpu.memory_space<vmem>>) semaphore(%arg12 : memref<!tpu.dma_semaphore, #tpu.memory_space<semaphore_mem>>) {add = true}
    %dma_start3A_732 = arith.constant 11 : i32
    %dma_start3A_733 = arith.constant 11 : i32
    %dma_start3A_734 = arith.constant 0 : i32
    %dma_start3A_735 = tpu.memref_slice %arg8[%dma_start3A_732, %dma_start3A_734] : memref<50x128xf32, #tpu.memory_space<vmem>> -> memref<1x128xf32, #tpu.memory_space<vmem>>
    %dma_start3A_736 = tpu.memref_squeeze %dma_start3A_735 : memref<1x128xf32, #tpu.memory_space<vmem>> -> memref<128xf32, #tpu.memory_space<vmem>>
    %dma_start3A_737 = arith.constant 0 : i32
    %dma_start3A_738 = tpu.memref_slice %arg7[%dma_start3A_733, %dma_start3A_737] : memref<59x128xi32, #tpu.memory_space<vmem>> -> memref<1x128xi32, #tpu.memory_space<vmem>>
    %dma_start3A_739 = tpu.memref_squeeze %dma_start3A_738 : memref<1x128xi32, #tpu.memory_space<vmem>> -> memref<128xi32, #tpu.memory_space<vmem>>
    %dma_start3A_740 = arith.constant 0 : i32
    %dma_start3A_741 = tpu.memref_slice %arg11[%dma_start3A_740] : memref<79872xf32, #tpu.memory_space<vmem_shared>> -> memref<79872xf32, #tpu.memory_space<vmem_shared>>
    tpu.enqueue_indirect_dma source(%dma_start3A_736 : memref<128xf32, #tpu.memory_space<vmem>>) target(%dma_start3A_741 : memref<79872xf32, #tpu.memory_space<vmem_shared>>) offsets(%dma_start3A_739 : memref<128xi32, #tpu.memory_space<vmem>>) semaphore(%arg12 : memref<!tpu.dma_semaphore, #tpu.memory_space<semaphore_mem>>) {add = true}
    %dma_start3A_742 = arith.constant 12 : i32
    %dma_start3A_743 = arith.constant 12 : i32
    %dma_start3A_744 = arith.constant 0 : i32
    %dma_start3A_745 = tpu.memref_slice %arg8[%dma_start3A_742, %dma_start3A_744] : memref<50x128xf32, #tpu.memory_space<vmem>> -> memref<1x128xf32, #tpu.memory_space<vmem>>
    %dma_start3A_746 = tpu.memref_squeeze %dma_start3A_745 : memref<1x128xf32, #tpu.memory_space<vmem>> -> memref<128xf32, #tpu.memory_space<vmem>>
    %dma_start3A_747 = arith.constant 0 : i32
    %dma_start3A_748 = tpu.memref_slice %arg7[%dma_start3A_743, %dma_start3A_747] : memref<59x128xi32, #tpu.memory_space<vmem>> -> memref<1x128xi32, #tpu.memory_space<vmem>>
    %dma_start3A_749 = tpu.memref_squeeze %dma_start3A_748 : memref<1x128xi32, #tpu.memory_space<vmem>> -> memref<128xi32, #tpu.memory_space<vmem>>
    %dma_start3A_750 = arith.constant 0 : i32
    %dma_start3A_751 = tpu.memref_slice %arg11[%dma_start3A_750] : memref<79872xf32, #tpu.memory_space<vmem_shared>> -> memref<79872xf32, #tpu.memory_space<vmem_shared>>
    tpu.enqueue_indirect_dma source(%dma_start3A_746 : memref<128xf32, #tpu.memory_space<vmem>>) target(%dma_start3A_751 : memref<79872xf32, #tpu.memory_space<vmem_shared>>) offsets(%dma_start3A_749 : memref<128xi32, #tpu.memory_space<vmem>>) semaphore(%arg12 : memref<!tpu.dma_semaphore, #tpu.memory_space<semaphore_mem>>) {add = true}
    %dma_start3A_752 = arith.constant 13 : i32
    %dma_start3A_753 = arith.constant 13 : i32
    %dma_start3A_754 = arith.constant 0 : i32
    %dma_start3A_755 = tpu.memref_slice %arg8[%dma_start3A_752, %dma_start3A_754] : memref<50x128xf32, #tpu.memory_space<vmem>> -> memref<1x128xf32, #tpu.memory_space<vmem>>
    %dma_start3A_756 = tpu.memref_squeeze %dma_start3A_755 : memref<1x128xf32, #tpu.memory_space<vmem>> -> memref<128xf32, #tpu.memory_space<vmem>>
    %dma_start3A_757 = arith.constant 0 : i32
    %dma_start3A_758 = tpu.memref_slice %arg7[%dma_start3A_753, %dma_start3A_757] : memref<59x128xi32, #tpu.memory_space<vmem>> -> memref<1x128xi32, #tpu.memory_space<vmem>>
    %dma_start3A_759 = tpu.memref_squeeze %dma_start3A_758 : memref<1x128xi32, #tpu.memory_space<vmem>> -> memref<128xi32, #tpu.memory_space<vmem>>
    %dma_start3A_760 = arith.constant 0 : i32
    %dma_start3A_761 = tpu.memref_slice %arg11[%dma_start3A_760] : memref<79872xf32, #tpu.memory_space<vmem_shared>> -> memref<79872xf32, #tpu.memory_space<vmem_shared>>
    tpu.enqueue_indirect_dma source(%dma_start3A_756 : memref<128xf32, #tpu.memory_space<vmem>>) target(%dma_start3A_761 : memref<79872xf32, #tpu.memory_space<vmem_shared>>) offsets(%dma_start3A_759 : memref<128xi32, #tpu.memory_space<vmem>>) semaphore(%arg12 : memref<!tpu.dma_semaphore, #tpu.memory_space<semaphore_mem>>) {add = true}
    %dma_start3A_762 = arith.constant 14 : i32
    %dma_start3A_763 = arith.constant 14 : i32
    %dma_start3A_764 = arith.constant 0 : i32
    %dma_start3A_765 = tpu.memref_slice %arg8[%dma_start3A_762, %dma_start3A_764] : memref<50x128xf32, #tpu.memory_space<vmem>> -> memref<1x128xf32, #tpu.memory_space<vmem>>
    %dma_start3A_766 = tpu.memref_squeeze %dma_start3A_765 : memref<1x128xf32, #tpu.memory_space<vmem>> -> memref<128xf32, #tpu.memory_space<vmem>>
    %dma_start3A_767 = arith.constant 0 : i32
    %dma_start3A_768 = tpu.memref_slice %arg7[%dma_start3A_763, %dma_start3A_767] : memref<59x128xi32, #tpu.memory_space<vmem>> -> memref<1x128xi32, #tpu.memory_space<vmem>>
    %dma_start3A_769 = tpu.memref_squeeze %dma_start3A_768 : memref<1x128xi32, #tpu.memory_space<vmem>> -> memref<128xi32, #tpu.memory_space<vmem>>
    %dma_start3A_770 = arith.constant 0 : i32
    %dma_start3A_771 = tpu.memref_slice %arg11[%dma_start3A_770] : memref<79872xf32, #tpu.memory_space<vmem_shared>> -> memref<79872xf32, #tpu.memory_space<vmem_shared>>
    tpu.enqueue_indirect_dma source(%dma_start3A_766 : memref<128xf32, #tpu.memory_space<vmem>>) target(%dma_start3A_771 : memref<79872xf32, #tpu.memory_space<vmem_shared>>) offsets(%dma_start3A_769 : memref<128xi32, #tpu.memory_space<vmem>>) semaphore(%arg12 : memref<!tpu.dma_semaphore, #tpu.memory_space<semaphore_mem>>) {add = true}
    %dma_start3A_772 = arith.constant 15 : i32
    %dma_start3A_773 = arith.constant 15 : i32
    %dma_start3A_774 = arith.constant 0 : i32
    %dma_start3A_775 = tpu.memref_slice %arg8[%dma_start3A_772, %dma_start3A_774] : memref<50x128xf32, #tpu.memory_space<vmem>> -> memref<1x128xf32, #tpu.memory_space<vmem>>
    %dma_start3A_776 = tpu.memref_squeeze %dma_start3A_775 : memref<1x128xf32, #tpu.memory_space<vmem>> -> memref<128xf32, #tpu.memory_space<vmem>>
    %dma_start3A_777 = arith.constant 0 : i32
    %dma_start3A_778 = tpu.memref_slice %arg7[%dma_start3A_773, %dma_start3A_777] : memref<59x128xi32, #tpu.memory_space<vmem>> -> memref<1x128xi32, #tpu.memory_space<vmem>>
    %dma_start3A_779 = tpu.memref_squeeze %dma_start3A_778 : memref<1x128xi32, #tpu.memory_space<vmem>> -> memref<128xi32, #tpu.memory_space<vmem>>
    %dma_start3A_780 = arith.constant 0 : i32
    %dma_start3A_781 = tpu.memref_slice %arg11[%dma_start3A_780] : memref<79872xf32, #tpu.memory_space<vmem_shared>> -> memref<79872xf32, #tpu.memory_space<vmem_shared>>
    tpu.enqueue_indirect_dma source(%dma_start3A_776 : memref<128xf32, #tpu.memory_space<vmem>>) target(%dma_start3A_781 : memref<79872xf32, #tpu.memory_space<vmem_shared>>) offsets(%dma_start3A_779 : memref<128xi32, #tpu.memory_space<vmem>>) semaphore(%arg12 : memref<!tpu.dma_semaphore, #tpu.memory_space<semaphore_mem>>) {add = true}
    %dma_wait3A_782 = arith.constant 8 : i32
    %dma_wait3A_783 = arith.constant 8 : i32
    %dma_wait3A_784 = arith.constant 0 : i32
    %dma_wait3A_785 = tpu.memref_slice %arg8[%dma_wait3A_782, %dma_wait3A_784] : memref<50x128xf32, #tpu.memory_space<vmem>> -> memref<1x128xf32, #tpu.memory_space<vmem>>
    %dma_wait3A_786 = tpu.memref_squeeze %dma_wait3A_785 : memref<1x128xf32, #tpu.memory_space<vmem>> -> memref<128xf32, #tpu.memory_space<vmem>>
    %dma_wait3A_787 = arith.constant 0 : i32
    %dma_wait3A_788 = tpu.memref_slice %arg7[%dma_wait3A_783, %dma_wait3A_787] : memref<59x128xi32, #tpu.memory_space<vmem>> -> memref<1x128xi32, #tpu.memory_space<vmem>>
    %dma_wait3A_789 = tpu.memref_squeeze %dma_wait3A_788 : memref<1x128xi32, #tpu.memory_space<vmem>> -> memref<128xi32, #tpu.memory_space<vmem>>
    %dma_wait3A_790 = arith.constant 0 : i32
    %dma_wait3A_791 = tpu.memref_slice %arg11[%dma_wait3A_790] : memref<79872xf32, #tpu.memory_space<vmem_shared>> -> memref<79872xf32, #tpu.memory_space<vmem_shared>>
    tpu.wait_indirect_dma semaphore(%arg12 : memref<!tpu.dma_semaphore, #tpu.memory_space<semaphore_mem>>) src(%dma_wait3A_786 : memref<128xf32, #tpu.memory_space<vmem>>) dst(%dma_wait3A_791 : memref<79872xf32, #tpu.memory_space<vmem_shared>>)
    %dma_wait3A_792 = arith.constant 9 : i32
    %dma_wait3A_793 = arith.constant 9 : i32
    %dma_wait3A_794 = arith.constant 0 : i32
    %dma_wait3A_795 = tpu.memref_slice %arg8[%dma_wait3A_792, %dma_wait3A_794] : memref<50x128xf32, #tpu.memory_space<vmem>> -> memref<1x128xf32, #tpu.memory_space<vmem>>
    %dma_wait3A_796 = tpu.memref_squeeze %dma_wait3A_795 : memref<1x128xf32, #tpu.memory_space<vmem>> -> memref<128xf32, #tpu.memory_space<vmem>>
    %dma_wait3A_797 = arith.constant 0 : i32
    %dma_wait3A_798 = tpu.memref_slice %arg7[%dma_wait3A_793, %dma_wait3A_797] : memref<59x128xi32, #tpu.memory_space<vmem>> -> memref<1x128xi32, #tpu.memory_space<vmem>>
    %dma_wait3A_799 = tpu.memref_squeeze %dma_wait3A_798 : memref<1x128xi32, #tpu.memory_space<vmem>> -> memref<128xi32, #tpu.memory_space<vmem>>
    %dma_wait3A_800 = arith.constant 0 : i32
    %dma_wait3A_801 = tpu.memref_slice %arg11[%dma_wait3A_800] : memref<79872xf32, #tpu.memory_space<vmem_shared>> -> memref<79872xf32, #tpu.memory_space<vmem_shared>>
    tpu.wait_indirect_dma semaphore(%arg12 : memref<!tpu.dma_semaphore, #tpu.memory_space<semaphore_mem>>) src(%dma_wait3A_796 : memref<128xf32, #tpu.memory_space<vmem>>) dst(%dma_wait3A_801 : memref<79872xf32, #tpu.memory_space<vmem_shared>>)
    %dma_wait3A_802 = arith.constant 10 : i32
    %dma_wait3A_803 = arith.constant 10 : i32
    %dma_wait3A_804 = arith.constant 0 : i32
    %dma_wait3A_805 = tpu.memref_slice %arg8[%dma_wait3A_802, %dma_wait3A_804] : memref<50x128xf32, #tpu.memory_space<vmem>> -> memref<1x128xf32, #tpu.memory_space<vmem>>
    %dma_wait3A_806 = tpu.memref_squeeze %dma_wait3A_805 : memref<1x128xf32, #tpu.memory_space<vmem>> -> memref<128xf32, #tpu.memory_space<vmem>>
    %dma_wait3A_807 = arith.constant 0 : i32
    %dma_wait3A_808 = tpu.memref_slice %arg7[%dma_wait3A_803, %dma_wait3A_807] : memref<59x128xi32, #tpu.memory_space<vmem>> -> memref<1x128xi32, #tpu.memory_space<vmem>>
    %dma_wait3A_809 = tpu.memref_squeeze %dma_wait3A_808 : memref<1x128xi32, #tpu.memory_space<vmem>> -> memref<128xi32, #tpu.memory_space<vmem>>
    %dma_wait3A_810 = arith.constant 0 : i32
    %dma_wait3A_811 = tpu.memref_slice %arg11[%dma_wait3A_810] : memref<79872xf32, #tpu.memory_space<vmem_shared>> -> memref<79872xf32, #tpu.memory_space<vmem_shared>>
    tpu.wait_indirect_dma semaphore(%arg12 : memref<!tpu.dma_semaphore, #tpu.memory_space<semaphore_mem>>) src(%dma_wait3A_806 : memref<128xf32, #tpu.memory_space<vmem>>) dst(%dma_wait3A_811 : memref<79872xf32, #tpu.memory_space<vmem_shared>>)
    %dma_wait3A_812 = arith.constant 11 : i32
    %dma_wait3A_813 = arith.constant 11 : i32
    %dma_wait3A_814 = arith.constant 0 : i32
    %dma_wait3A_815 = tpu.memref_slice %arg8[%dma_wait3A_812, %dma_wait3A_814] : memref<50x128xf32, #tpu.memory_space<vmem>> -> memref<1x128xf32, #tpu.memory_space<vmem>>
    %dma_wait3A_816 = tpu.memref_squeeze %dma_wait3A_815 : memref<1x128xf32, #tpu.memory_space<vmem>> -> memref<128xf32, #tpu.memory_space<vmem>>
    %dma_wait3A_817 = arith.constant 0 : i32
    %dma_wait3A_818 = tpu.memref_slice %arg7[%dma_wait3A_813, %dma_wait3A_817] : memref<59x128xi32, #tpu.memory_space<vmem>> -> memref<1x128xi32, #tpu.memory_space<vmem>>
    %dma_wait3A_819 = tpu.memref_squeeze %dma_wait3A_818 : memref<1x128xi32, #tpu.memory_space<vmem>> -> memref<128xi32, #tpu.memory_space<vmem>>
    %dma_wait3A_820 = arith.constant 0 : i32
    %dma_wait3A_821 = tpu.memref_slice %arg11[%dma_wait3A_820] : memref<79872xf32, #tpu.memory_space<vmem_shared>> -> memref<79872xf32, #tpu.memory_space<vmem_shared>>
    tpu.wait_indirect_dma semaphore(%arg12 : memref<!tpu.dma_semaphore, #tpu.memory_space<semaphore_mem>>) src(%dma_wait3A_816 : memref<128xf32, #tpu.memory_space<vmem>>) dst(%dma_wait3A_821 : memref<79872xf32, #tpu.memory_space<vmem_shared>>)
    %dma_wait3A_822 = arith.constant 12 : i32
    %dma_wait3A_823 = arith.constant 12 : i32
    %dma_wait3A_824 = arith.constant 0 : i32
    %dma_wait3A_825 = tpu.memref_slice %arg8[%dma_wait3A_822, %dma_wait3A_824] : memref<50x128xf32, #tpu.memory_space<vmem>> -> memref<1x128xf32, #tpu.memory_space<vmem>>
    %dma_wait3A_826 = tpu.memref_squeeze %dma_wait3A_825 : memref<1x128xf32, #tpu.memory_space<vmem>> -> memref<128xf32, #tpu.memory_space<vmem>>
    %dma_wait3A_827 = arith.constant 0 : i32
    %dma_wait3A_828 = tpu.memref_slice %arg7[%dma_wait3A_823, %dma_wait3A_827] : memref<59x128xi32, #tpu.memory_space<vmem>> -> memref<1x128xi32, #tpu.memory_space<vmem>>
    %dma_wait3A_829 = tpu.memref_squeeze %dma_wait3A_828 : memref<1x128xi32, #tpu.memory_space<vmem>> -> memref<128xi32, #tpu.memory_space<vmem>>
    %dma_wait3A_830 = arith.constant 0 : i32
    %dma_wait3A_831 = tpu.memref_slice %arg11[%dma_wait3A_830] : memref<79872xf32, #tpu.memory_space<vmem_shared>> -> memref<79872xf32, #tpu.memory_space<vmem_shared>>
    tpu.wait_indirect_dma semaphore(%arg12 : memref<!tpu.dma_semaphore, #tpu.memory_space<semaphore_mem>>) src(%dma_wait3A_826 : memref<128xf32, #tpu.memory_space<vmem>>) dst(%dma_wait3A_831 : memref<79872xf32, #tpu.memory_space<vmem_shared>>)
    %dma_wait3A_832 = arith.constant 13 : i32
    %dma_wait3A_833 = arith.constant 13 : i32
    %dma_wait3A_834 = arith.constant 0 : i32
    %dma_wait3A_835 = tpu.memref_slice %arg8[%dma_wait3A_832, %dma_wait3A_834] : memref<50x128xf32, #tpu.memory_space<vmem>> -> memref<1x128xf32, #tpu.memory_space<vmem>>
    %dma_wait3A_836 = tpu.memref_squeeze %dma_wait3A_835 : memref<1x128xf32, #tpu.memory_space<vmem>> -> memref<128xf32, #tpu.memory_space<vmem>>
    %dma_wait3A_837 = arith.constant 0 : i32
    %dma_wait3A_838 = tpu.memref_slice %arg7[%dma_wait3A_833, %dma_wait3A_837] : memref<59x128xi32, #tpu.memory_space<vmem>> -> memref<1x128xi32, #tpu.memory_space<vmem>>
    %dma_wait3A_839 = tpu.memref_squeeze %dma_wait3A_838 : memref<1x128xi32, #tpu.memory_space<vmem>> -> memref<128xi32, #tpu.memory_space<vmem>>
    %dma_wait3A_840 = arith.constant 0 : i32
    %dma_wait3A_841 = tpu.memref_slice %arg11[%dma_wait3A_840] : memref<79872xf32, #tpu.memory_space<vmem_shared>> -> memref<79872xf32, #tpu.memory_space<vmem_shared>>
    tpu.wait_indirect_dma semaphore(%arg12 : memref<!tpu.dma_semaphore, #tpu.memory_space<semaphore_mem>>) src(%dma_wait3A_836 : memref<128xf32, #tpu.memory_space<vmem>>) dst(%dma_wait3A_841 : memref<79872xf32, #tpu.memory_space<vmem_shared>>)
    %dma_wait3A_842 = arith.constant 14 : i32
    %dma_wait3A_843 = arith.constant 14 : i32
    %dma_wait3A_844 = arith.constant 0 : i32
    %dma_wait3A_845 = tpu.memref_slice %arg8[%dma_wait3A_842, %dma_wait3A_844] : memref<50x128xf32, #tpu.memory_space<vmem>> -> memref<1x128xf32, #tpu.memory_space<vmem>>
    %dma_wait3A_846 = tpu.memref_squeeze %dma_wait3A_845 : memref<1x128xf32, #tpu.memory_space<vmem>> -> memref<128xf32, #tpu.memory_space<vmem>>
    %dma_wait3A_847 = arith.constant 0 : i32
    %dma_wait3A_848 = tpu.memref_slice %arg7[%dma_wait3A_843, %dma_wait3A_847] : memref<59x128xi32, #tpu.memory_space<vmem>> -> memref<1x128xi32, #tpu.memory_space<vmem>>
    %dma_wait3A_849 = tpu.memref_squeeze %dma_wait3A_848 : memref<1x128xi32, #tpu.memory_space<vmem>> -> memref<128xi32, #tpu.memory_space<vmem>>
    %dma_wait3A_850 = arith.constant 0 : i32
    %dma_wait3A_851 = tpu.memref_slice %arg11[%dma_wait3A_850] : memref<79872xf32, #tpu.memory_space<vmem_shared>> -> memref<79872xf32, #tpu.memory_space<vmem_shared>>
    tpu.wait_indirect_dma semaphore(%arg12 : memref<!tpu.dma_semaphore, #tpu.memory_space<semaphore_mem>>) src(%dma_wait3A_846 : memref<128xf32, #tpu.memory_space<vmem>>) dst(%dma_wait3A_851 : memref<79872xf32, #tpu.memory_space<vmem_shared>>)
    %dma_wait3A_852 = arith.constant 15 : i32
    %dma_wait3A_853 = arith.constant 15 : i32
    %dma_wait3A_854 = arith.constant 0 : i32
    %dma_wait3A_855 = tpu.memref_slice %arg8[%dma_wait3A_852, %dma_wait3A_854] : memref<50x128xf32, #tpu.memory_space<vmem>> -> memref<1x128xf32, #tpu.memory_space<vmem>>
    %dma_wait3A_856 = tpu.memref_squeeze %dma_wait3A_855 : memref<1x128xf32, #tpu.memory_space<vmem>> -> memref<128xf32, #tpu.memory_space<vmem>>
    %dma_wait3A_857 = arith.constant 0 : i32
    %dma_wait3A_858 = tpu.memref_slice %arg7[%dma_wait3A_853, %dma_wait3A_857] : memref<59x128xi32, #tpu.memory_space<vmem>> -> memref<1x128xi32, #tpu.memory_space<vmem>>
    %dma_wait3A_859 = tpu.memref_squeeze %dma_wait3A_858 : memref<1x128xi32, #tpu.memory_space<vmem>> -> memref<128xi32, #tpu.memory_space<vmem>>
    %dma_wait3A_860 = arith.constant 0 : i32
    %dma_wait3A_861 = tpu.memref_slice %arg11[%dma_wait3A_860] : memref<79872xf32, #tpu.memory_space<vmem_shared>> -> memref<79872xf32, #tpu.memory_space<vmem_shared>>
    tpu.wait_indirect_dma semaphore(%arg12 : memref<!tpu.dma_semaphore, #tpu.memory_space<semaphore_mem>>) src(%dma_wait3A_856 : memref<128xf32, #tpu.memory_space<vmem>>) dst(%dma_wait3A_861 : memref<79872xf32, #tpu.memory_space<vmem_shared>>)
    %dma_start3A_862 = arith.constant 16 : i32
    %dma_start3A_863 = arith.constant 16 : i32
    %dma_start3A_864 = arith.constant 0 : i32
    %dma_start3A_865 = tpu.memref_slice %arg8[%dma_start3A_862, %dma_start3A_864] : memref<50x128xf32, #tpu.memory_space<vmem>> -> memref<1x128xf32, #tpu.memory_space<vmem>>
    %dma_start3A_866 = tpu.memref_squeeze %dma_start3A_865 : memref<1x128xf32, #tpu.memory_space<vmem>> -> memref<128xf32, #tpu.memory_space<vmem>>
    %dma_start3A_867 = arith.constant 0 : i32
    %dma_start3A_868 = tpu.memref_slice %arg7[%dma_start3A_863, %dma_start3A_867] : memref<59x128xi32, #tpu.memory_space<vmem>> -> memref<1x128xi32, #tpu.memory_space<vmem>>
    %dma_start3A_869 = tpu.memref_squeeze %dma_start3A_868 : memref<1x128xi32, #tpu.memory_space<vmem>> -> memref<128xi32, #tpu.memory_space<vmem>>
    %dma_start3A_870 = arith.constant 0 : i32
    %dma_start3A_871 = tpu.memref_slice %arg11[%dma_start3A_870] : memref<79872xf32, #tpu.memory_space<vmem_shared>> -> memref<79872xf32, #tpu.memory_space<vmem_shared>>
    tpu.enqueue_indirect_dma source(%dma_start3A_866 : memref<128xf32, #tpu.memory_space<vmem>>) target(%dma_start3A_871 : memref<79872xf32, #tpu.memory_space<vmem_shared>>) offsets(%dma_start3A_869 : memref<128xi32, #tpu.memory_space<vmem>>) semaphore(%arg12 : memref<!tpu.dma_semaphore, #tpu.memory_space<semaphore_mem>>) {add = true}
    %dma_start3A_872 = arith.constant 17 : i32
    %dma_start3A_873 = arith.constant 17 : i32
    %dma_start3A_874 = arith.constant 0 : i32
    %dma_start3A_875 = tpu.memref_slice %arg8[%dma_start3A_872, %dma_start3A_874] : memref<50x128xf32, #tpu.memory_space<vmem>> -> memref<1x128xf32, #tpu.memory_space<vmem>>
    %dma_start3A_876 = tpu.memref_squeeze %dma_start3A_875 : memref<1x128xf32, #tpu.memory_space<vmem>> -> memref<128xf32, #tpu.memory_space<vmem>>
    %dma_start3A_877 = arith.constant 0 : i32
    %dma_start3A_878 = tpu.memref_slice %arg7[%dma_start3A_873, %dma_start3A_877] : memref<59x128xi32, #tpu.memory_space<vmem>> -> memref<1x128xi32, #tpu.memory_space<vmem>>
    %dma_start3A_879 = tpu.memref_squeeze %dma_start3A_878 : memref<1x128xi32, #tpu.memory_space<vmem>> -> memref<128xi32, #tpu.memory_space<vmem>>
    %dma_start3A_880 = arith.constant 0 : i32
    %dma_start3A_881 = tpu.memref_slice %arg11[%dma_start3A_880] : memref<79872xf32, #tpu.memory_space<vmem_shared>> -> memref<79872xf32, #tpu.memory_space<vmem_shared>>
    tpu.enqueue_indirect_dma source(%dma_start3A_876 : memref<128xf32, #tpu.memory_space<vmem>>) target(%dma_start3A_881 : memref<79872xf32, #tpu.memory_space<vmem_shared>>) offsets(%dma_start3A_879 : memref<128xi32, #tpu.memory_space<vmem>>) semaphore(%arg12 : memref<!tpu.dma_semaphore, #tpu.memory_space<semaphore_mem>>) {add = true}
    %dma_start3A_882 = arith.constant 18 : i32
    %dma_start3A_883 = arith.constant 18 : i32
    %dma_start3A_884 = arith.constant 0 : i32
    %dma_start3A_885 = tpu.memref_slice %arg8[%dma_start3A_882, %dma_start3A_884] : memref<50x128xf32, #tpu.memory_space<vmem>> -> memref<1x128xf32, #tpu.memory_space<vmem>>
    %dma_start3A_886 = tpu.memref_squeeze %dma_start3A_885 : memref<1x128xf32, #tpu.memory_space<vmem>> -> memref<128xf32, #tpu.memory_space<vmem>>
    %dma_start3A_887 = arith.constant 0 : i32
    %dma_start3A_888 = tpu.memref_slice %arg7[%dma_start3A_883, %dma_start3A_887] : memref<59x128xi32, #tpu.memory_space<vmem>> -> memref<1x128xi32, #tpu.memory_space<vmem>>
    %dma_start3A_889 = tpu.memref_squeeze %dma_start3A_888 : memref<1x128xi32, #tpu.memory_space<vmem>> -> memref<128xi32, #tpu.memory_space<vmem>>
    %dma_start3A_890 = arith.constant 0 : i32
    %dma_start3A_891 = tpu.memref_slice %arg11[%dma_start3A_890] : memref<79872xf32, #tpu.memory_space<vmem_shared>> -> memref<79872xf32, #tpu.memory_space<vmem_shared>>
    tpu.enqueue_indirect_dma source(%dma_start3A_886 : memref<128xf32, #tpu.memory_space<vmem>>) target(%dma_start3A_891 : memref<79872xf32, #tpu.memory_space<vmem_shared>>) offsets(%dma_start3A_889 : memref<128xi32, #tpu.memory_space<vmem>>) semaphore(%arg12 : memref<!tpu.dma_semaphore, #tpu.memory_space<semaphore_mem>>) {add = true}
    %dma_start3A_892 = arith.constant 19 : i32
    %dma_start3A_893 = arith.constant 19 : i32
    %dma_start3A_894 = arith.constant 0 : i32
    %dma_start3A_895 = tpu.memref_slice %arg8[%dma_start3A_892, %dma_start3A_894] : memref<50x128xf32, #tpu.memory_space<vmem>> -> memref<1x128xf32, #tpu.memory_space<vmem>>
    %dma_start3A_896 = tpu.memref_squeeze %dma_start3A_895 : memref<1x128xf32, #tpu.memory_space<vmem>> -> memref<128xf32, #tpu.memory_space<vmem>>
    %dma_start3A_897 = arith.constant 0 : i32
    %dma_start3A_898 = tpu.memref_slice %arg7[%dma_start3A_893, %dma_start3A_897] : memref<59x128xi32, #tpu.memory_space<vmem>> -> memref<1x128xi32, #tpu.memory_space<vmem>>
    %dma_start3A_899 = tpu.memref_squeeze %dma_start3A_898 : memref<1x128xi32, #tpu.memory_space<vmem>> -> memref<128xi32, #tpu.memory_space<vmem>>
    %dma_start3A_900 = arith.constant 0 : i32
    %dma_start3A_901 = tpu.memref_slice %arg11[%dma_start3A_900] : memref<79872xf32, #tpu.memory_space<vmem_shared>> -> memref<79872xf32, #tpu.memory_space<vmem_shared>>
    tpu.enqueue_indirect_dma source(%dma_start3A_896 : memref<128xf32, #tpu.memory_space<vmem>>) target(%dma_start3A_901 : memref<79872xf32, #tpu.memory_space<vmem_shared>>) offsets(%dma_start3A_899 : memref<128xi32, #tpu.memory_space<vmem>>) semaphore(%arg12 : memref<!tpu.dma_semaphore, #tpu.memory_space<semaphore_mem>>) {add = true}
    %dma_start3A_902 = arith.constant 20 : i32
    %dma_start3A_903 = arith.constant 20 : i32
    %dma_start3A_904 = arith.constant 0 : i32
    %dma_start3A_905 = tpu.memref_slice %arg8[%dma_start3A_902, %dma_start3A_904] : memref<50x128xf32, #tpu.memory_space<vmem>> -> memref<1x128xf32, #tpu.memory_space<vmem>>
    %dma_start3A_906 = tpu.memref_squeeze %dma_start3A_905 : memref<1x128xf32, #tpu.memory_space<vmem>> -> memref<128xf32, #tpu.memory_space<vmem>>
    %dma_start3A_907 = arith.constant 0 : i32
    %dma_start3A_908 = tpu.memref_slice %arg7[%dma_start3A_903, %dma_start3A_907] : memref<59x128xi32, #tpu.memory_space<vmem>> -> memref<1x128xi32, #tpu.memory_space<vmem>>
    %dma_start3A_909 = tpu.memref_squeeze %dma_start3A_908 : memref<1x128xi32, #tpu.memory_space<vmem>> -> memref<128xi32, #tpu.memory_space<vmem>>
    %dma_start3A_910 = arith.constant 0 : i32
    %dma_start3A_911 = tpu.memref_slice %arg11[%dma_start3A_910] : memref<79872xf32, #tpu.memory_space<vmem_shared>> -> memref<79872xf32, #tpu.memory_space<vmem_shared>>
    tpu.enqueue_indirect_dma source(%dma_start3A_906 : memref<128xf32, #tpu.memory_space<vmem>>) target(%dma_start3A_911 : memref<79872xf32, #tpu.memory_space<vmem_shared>>) offsets(%dma_start3A_909 : memref<128xi32, #tpu.memory_space<vmem>>) semaphore(%arg12 : memref<!tpu.dma_semaphore, #tpu.memory_space<semaphore_mem>>) {add = true}
    %dma_start3A_912 = arith.constant 21 : i32
    %dma_start3A_913 = arith.constant 21 : i32
    %dma_start3A_914 = arith.constant 0 : i32
    %dma_start3A_915 = tpu.memref_slice %arg8[%dma_start3A_912, %dma_start3A_914] : memref<50x128xf32, #tpu.memory_space<vmem>> -> memref<1x128xf32, #tpu.memory_space<vmem>>
    %dma_start3A_916 = tpu.memref_squeeze %dma_start3A_915 : memref<1x128xf32, #tpu.memory_space<vmem>> -> memref<128xf32, #tpu.memory_space<vmem>>
    %dma_start3A_917 = arith.constant 0 : i32
    %dma_start3A_918 = tpu.memref_slice %arg7[%dma_start3A_913, %dma_start3A_917] : memref<59x128xi32, #tpu.memory_space<vmem>> -> memref<1x128xi32, #tpu.memory_space<vmem>>
    %dma_start3A_919 = tpu.memref_squeeze %dma_start3A_918 : memref<1x128xi32, #tpu.memory_space<vmem>> -> memref<128xi32, #tpu.memory_space<vmem>>
    %dma_start3A_920 = arith.constant 0 : i32
    %dma_start3A_921 = tpu.memref_slice %arg11[%dma_start3A_920] : memref<79872xf32, #tpu.memory_space<vmem_shared>> -> memref<79872xf32, #tpu.memory_space<vmem_shared>>
    tpu.enqueue_indirect_dma source(%dma_start3A_916 : memref<128xf32, #tpu.memory_space<vmem>>) target(%dma_start3A_921 : memref<79872xf32, #tpu.memory_space<vmem_shared>>) offsets(%dma_start3A_919 : memref<128xi32, #tpu.memory_space<vmem>>) semaphore(%arg12 : memref<!tpu.dma_semaphore, #tpu.memory_space<semaphore_mem>>) {add = true}
    %dma_start3A_922 = arith.constant 22 : i32
    %dma_start3A_923 = arith.constant 22 : i32
    %dma_start3A_924 = arith.constant 0 : i32
    %dma_start3A_925 = tpu.memref_slice %arg8[%dma_start3A_922, %dma_start3A_924] : memref<50x128xf32, #tpu.memory_space<vmem>> -> memref<1x128xf32, #tpu.memory_space<vmem>>
    %dma_start3A_926 = tpu.memref_squeeze %dma_start3A_925 : memref<1x128xf32, #tpu.memory_space<vmem>> -> memref<128xf32, #tpu.memory_space<vmem>>
    %dma_start3A_927 = arith.constant 0 : i32
    %dma_start3A_928 = tpu.memref_slice %arg7[%dma_start3A_923, %dma_start3A_927] : memref<59x128xi32, #tpu.memory_space<vmem>> -> memref<1x128xi32, #tpu.memory_space<vmem>>
    %dma_start3A_929 = tpu.memref_squeeze %dma_start3A_928 : memref<1x128xi32, #tpu.memory_space<vmem>> -> memref<128xi32, #tpu.memory_space<vmem>>
    %dma_start3A_930 = arith.constant 0 : i32
    %dma_start3A_931 = tpu.memref_slice %arg11[%dma_start3A_930] : memref<79872xf32, #tpu.memory_space<vmem_shared>> -> memref<79872xf32, #tpu.memory_space<vmem_shared>>
    tpu.enqueue_indirect_dma source(%dma_start3A_926 : memref<128xf32, #tpu.memory_space<vmem>>) target(%dma_start3A_931 : memref<79872xf32, #tpu.memory_space<vmem_shared>>) offsets(%dma_start3A_929 : memref<128xi32, #tpu.memory_space<vmem>>) semaphore(%arg12 : memref<!tpu.dma_semaphore, #tpu.memory_space<semaphore_mem>>) {add = true}
    %dma_start3A_932 = arith.constant 23 : i32
    %dma_start3A_933 = arith.constant 23 : i32
    %dma_start3A_934 = arith.constant 0 : i32
    %dma_start3A_935 = tpu.memref_slice %arg8[%dma_start3A_932, %dma_start3A_934] : memref<50x128xf32, #tpu.memory_space<vmem>> -> memref<1x128xf32, #tpu.memory_space<vmem>>
    %dma_start3A_936 = tpu.memref_squeeze %dma_start3A_935 : memref<1x128xf32, #tpu.memory_space<vmem>> -> memref<128xf32, #tpu.memory_space<vmem>>
    %dma_start3A_937 = arith.constant 0 : i32
    %dma_start3A_938 = tpu.memref_slice %arg7[%dma_start3A_933, %dma_start3A_937] : memref<59x128xi32, #tpu.memory_space<vmem>> -> memref<1x128xi32, #tpu.memory_space<vmem>>
    %dma_start3A_939 = tpu.memref_squeeze %dma_start3A_938 : memref<1x128xi32, #tpu.memory_space<vmem>> -> memref<128xi32, #tpu.memory_space<vmem>>
    %dma_start3A_940 = arith.constant 0 : i32
    %dma_start3A_941 = tpu.memref_slice %arg11[%dma_start3A_940] : memref<79872xf32, #tpu.memory_space<vmem_shared>> -> memref<79872xf32, #tpu.memory_space<vmem_shared>>
    tpu.enqueue_indirect_dma source(%dma_start3A_936 : memref<128xf32, #tpu.memory_space<vmem>>) target(%dma_start3A_941 : memref<79872xf32, #tpu.memory_space<vmem_shared>>) offsets(%dma_start3A_939 : memref<128xi32, #tpu.memory_space<vmem>>) semaphore(%arg12 : memref<!tpu.dma_semaphore, #tpu.memory_space<semaphore_mem>>) {add = true}
    %dma_wait3A_942 = arith.constant 16 : i32
    %dma_wait3A_943 = arith.constant 16 : i32
    %dma_wait3A_944 = arith.constant 0 : i32
    %dma_wait3A_945 = tpu.memref_slice %arg8[%dma_wait3A_942, %dma_wait3A_944] : memref<50x128xf32, #tpu.memory_space<vmem>> -> memref<1x128xf32, #tpu.memory_space<vmem>>
    %dma_wait3A_946 = tpu.memref_squeeze %dma_wait3A_945 : memref<1x128xf32, #tpu.memory_space<vmem>> -> memref<128xf32, #tpu.memory_space<vmem>>
    %dma_wait3A_947 = arith.constant 0 : i32
    %dma_wait3A_948 = tpu.memref_slice %arg7[%dma_wait3A_943, %dma_wait3A_947] : memref<59x128xi32, #tpu.memory_space<vmem>> -> memref<1x128xi32, #tpu.memory_space<vmem>>
    %dma_wait3A_949 = tpu.memref_squeeze %dma_wait3A_948 : memref<1x128xi32, #tpu.memory_space<vmem>> -> memref<128xi32, #tpu.memory_space<vmem>>
    %dma_wait3A_950 = arith.constant 0 : i32
    %dma_wait3A_951 = tpu.memref_slice %arg11[%dma_wait3A_950] : memref<79872xf32, #tpu.memory_space<vmem_shared>> -> memref<79872xf32, #tpu.memory_space<vmem_shared>>
    tpu.wait_indirect_dma semaphore(%arg12 : memref<!tpu.dma_semaphore, #tpu.memory_space<semaphore_mem>>) src(%dma_wait3A_946 : memref<128xf32, #tpu.memory_space<vmem>>) dst(%dma_wait3A_951 : memref<79872xf32, #tpu.memory_space<vmem_shared>>)
    %dma_wait3A_952 = arith.constant 17 : i32
    %dma_wait3A_953 = arith.constant 17 : i32
    %dma_wait3A_954 = arith.constant 0 : i32
    %dma_wait3A_955 = tpu.memref_slice %arg8[%dma_wait3A_952, %dma_wait3A_954] : memref<50x128xf32, #tpu.memory_space<vmem>> -> memref<1x128xf32, #tpu.memory_space<vmem>>
    %dma_wait3A_956 = tpu.memref_squeeze %dma_wait3A_955 : memref<1x128xf32, #tpu.memory_space<vmem>> -> memref<128xf32, #tpu.memory_space<vmem>>
    %dma_wait3A_957 = arith.constant 0 : i32
    %dma_wait3A_958 = tpu.memref_slice %arg7[%dma_wait3A_953, %dma_wait3A_957] : memref<59x128xi32, #tpu.memory_space<vmem>> -> memref<1x128xi32, #tpu.memory_space<vmem>>
    %dma_wait3A_959 = tpu.memref_squeeze %dma_wait3A_958 : memref<1x128xi32, #tpu.memory_space<vmem>> -> memref<128xi32, #tpu.memory_space<vmem>>
    %dma_wait3A_960 = arith.constant 0 : i32
    %dma_wait3A_961 = tpu.memref_slice %arg11[%dma_wait3A_960] : memref<79872xf32, #tpu.memory_space<vmem_shared>> -> memref<79872xf32, #tpu.memory_space<vmem_shared>>
    tpu.wait_indirect_dma semaphore(%arg12 : memref<!tpu.dma_semaphore, #tpu.memory_space<semaphore_mem>>) src(%dma_wait3A_956 : memref<128xf32, #tpu.memory_space<vmem>>) dst(%dma_wait3A_961 : memref<79872xf32, #tpu.memory_space<vmem_shared>>)
    %dma_wait3A_962 = arith.constant 18 : i32
    %dma_wait3A_963 = arith.constant 18 : i32
    %dma_wait3A_964 = arith.constant 0 : i32
    %dma_wait3A_965 = tpu.memref_slice %arg8[%dma_wait3A_962, %dma_wait3A_964] : memref<50x128xf32, #tpu.memory_space<vmem>> -> memref<1x128xf32, #tpu.memory_space<vmem>>
    %dma_wait3A_966 = tpu.memref_squeeze %dma_wait3A_965 : memref<1x128xf32, #tpu.memory_space<vmem>> -> memref<128xf32, #tpu.memory_space<vmem>>
    %dma_wait3A_967 = arith.constant 0 : i32
    %dma_wait3A_968 = tpu.memref_slice %arg7[%dma_wait3A_963, %dma_wait3A_967] : memref<59x128xi32, #tpu.memory_space<vmem>> -> memref<1x128xi32, #tpu.memory_space<vmem>>
    %dma_wait3A_969 = tpu.memref_squeeze %dma_wait3A_968 : memref<1x128xi32, #tpu.memory_space<vmem>> -> memref<128xi32, #tpu.memory_space<vmem>>
    %dma_wait3A_970 = arith.constant 0 : i32
    %dma_wait3A_971 = tpu.memref_slice %arg11[%dma_wait3A_970] : memref<79872xf32, #tpu.memory_space<vmem_shared>> -> memref<79872xf32, #tpu.memory_space<vmem_shared>>
    tpu.wait_indirect_dma semaphore(%arg12 : memref<!tpu.dma_semaphore, #tpu.memory_space<semaphore_mem>>) src(%dma_wait3A_966 : memref<128xf32, #tpu.memory_space<vmem>>) dst(%dma_wait3A_971 : memref<79872xf32, #tpu.memory_space<vmem_shared>>)
    %dma_wait3A_972 = arith.constant 19 : i32
    %dma_wait3A_973 = arith.constant 19 : i32
    %dma_wait3A_974 = arith.constant 0 : i32
    %dma_wait3A_975 = tpu.memref_slice %arg8[%dma_wait3A_972, %dma_wait3A_974] : memref<50x128xf32, #tpu.memory_space<vmem>> -> memref<1x128xf32, #tpu.memory_space<vmem>>
    %dma_wait3A_976 = tpu.memref_squeeze %dma_wait3A_975 : memref<1x128xf32, #tpu.memory_space<vmem>> -> memref<128xf32, #tpu.memory_space<vmem>>
    %dma_wait3A_977 = arith.constant 0 : i32
    %dma_wait3A_978 = tpu.memref_slice %arg7[%dma_wait3A_973, %dma_wait3A_977] : memref<59x128xi32, #tpu.memory_space<vmem>> -> memref<1x128xi32, #tpu.memory_space<vmem>>
    %dma_wait3A_979 = tpu.memref_squeeze %dma_wait3A_978 : memref<1x128xi32, #tpu.memory_space<vmem>> -> memref<128xi32, #tpu.memory_space<vmem>>
    %dma_wait3A_980 = arith.constant 0 : i32
    %dma_wait3A_981 = tpu.memref_slice %arg11[%dma_wait3A_980] : memref<79872xf32, #tpu.memory_space<vmem_shared>> -> memref<79872xf32, #tpu.memory_space<vmem_shared>>
    tpu.wait_indirect_dma semaphore(%arg12 : memref<!tpu.dma_semaphore, #tpu.memory_space<semaphore_mem>>) src(%dma_wait3A_976 : memref<128xf32, #tpu.memory_space<vmem>>) dst(%dma_wait3A_981 : memref<79872xf32, #tpu.memory_space<vmem_shared>>)
    %dma_wait3A_982 = arith.constant 20 : i32
    %dma_wait3A_983 = arith.constant 20 : i32
    %dma_wait3A_984 = arith.constant 0 : i32
    %dma_wait3A_985 = tpu.memref_slice %arg8[%dma_wait3A_982, %dma_wait3A_984] : memref<50x128xf32, #tpu.memory_space<vmem>> -> memref<1x128xf32, #tpu.memory_space<vmem>>
    %dma_wait3A_986 = tpu.memref_squeeze %dma_wait3A_985 : memref<1x128xf32, #tpu.memory_space<vmem>> -> memref<128xf32, #tpu.memory_space<vmem>>
    %dma_wait3A_987 = arith.constant 0 : i32
    %dma_wait3A_988 = tpu.memref_slice %arg7[%dma_wait3A_983, %dma_wait3A_987] : memref<59x128xi32, #tpu.memory_space<vmem>> -> memref<1x128xi32, #tpu.memory_space<vmem>>
    %dma_wait3A_989 = tpu.memref_squeeze %dma_wait3A_988 : memref<1x128xi32, #tpu.memory_space<vmem>> -> memref<128xi32, #tpu.memory_space<vmem>>
    %dma_wait3A_990 = arith.constant 0 : i32
    %dma_wait3A_991 = tpu.memref_slice %arg11[%dma_wait3A_990] : memref<79872xf32, #tpu.memory_space<vmem_shared>> -> memref<79872xf32, #tpu.memory_space<vmem_shared>>
    tpu.wait_indirect_dma semaphore(%arg12 : memref<!tpu.dma_semaphore, #tpu.memory_space<semaphore_mem>>) src(%dma_wait3A_986 : memref<128xf32, #tpu.memory_space<vmem>>) dst(%dma_wait3A_991 : memref<79872xf32, #tpu.memory_space<vmem_shared>>)
    %dma_wait3A_992 = arith.constant 21 : i32
    %dma_wait3A_993 = arith.constant 21 : i32
    %dma_wait3A_994 = arith.constant 0 : i32
    %dma_wait3A_995 = tpu.memref_slice %arg8[%dma_wait3A_992, %dma_wait3A_994] : memref<50x128xf32, #tpu.memory_space<vmem>> -> memref<1x128xf32, #tpu.memory_space<vmem>>
    %dma_wait3A_996 = tpu.memref_squeeze %dma_wait3A_995 : memref<1x128xf32, #tpu.memory_space<vmem>> -> memref<128xf32, #tpu.memory_space<vmem>>
    %dma_wait3A_997 = arith.constant 0 : i32
    %dma_wait3A_998 = tpu.memref_slice %arg7[%dma_wait3A_993, %dma_wait3A_997] : memref<59x128xi32, #tpu.memory_space<vmem>> -> memref<1x128xi32, #tpu.memory_space<vmem>>
    %dma_wait3A_999 = tpu.memref_squeeze %dma_wait3A_998 : memref<1x128xi32, #tpu.memory_space<vmem>> -> memref<128xi32, #tpu.memory_space<vmem>>
    %dma_wait3A_1000 = arith.constant 0 : i32
    %dma_wait3A_1001 = tpu.memref_slice %arg11[%dma_wait3A_1000] : memref<79872xf32, #tpu.memory_space<vmem_shared>> -> memref<79872xf32, #tpu.memory_space<vmem_shared>>
    tpu.wait_indirect_dma semaphore(%arg12 : memref<!tpu.dma_semaphore, #tpu.memory_space<semaphore_mem>>) src(%dma_wait3A_996 : memref<128xf32, #tpu.memory_space<vmem>>) dst(%dma_wait3A_1001 : memref<79872xf32, #tpu.memory_space<vmem_shared>>)
    %dma_wait3A_1002 = arith.constant 22 : i32
    %dma_wait3A_1003 = arith.constant 22 : i32
    %dma_wait3A_1004 = arith.constant 0 : i32
    %dma_wait3A_1005 = tpu.memref_slice %arg8[%dma_wait3A_1002, %dma_wait3A_1004] : memref<50x128xf32, #tpu.memory_space<vmem>> -> memref<1x128xf32, #tpu.memory_space<vmem>>
    %dma_wait3A_1006 = tpu.memref_squeeze %dma_wait3A_1005 : memref<1x128xf32, #tpu.memory_space<vmem>> -> memref<128xf32, #tpu.memory_space<vmem>>
    %dma_wait3A_1007 = arith.constant 0 : i32
    %dma_wait3A_1008 = tpu.memref_slice %arg7[%dma_wait3A_1003, %dma_wait3A_1007] : memref<59x128xi32, #tpu.memory_space<vmem>> -> memref<1x128xi32, #tpu.memory_space<vmem>>
    %dma_wait3A_1009 = tpu.memref_squeeze %dma_wait3A_1008 : memref<1x128xi32, #tpu.memory_space<vmem>> -> memref<128xi32, #tpu.memory_space<vmem>>
    %dma_wait3A_1010 = arith.constant 0 : i32
    %dma_wait3A_1011 = tpu.memref_slice %arg11[%dma_wait3A_1010] : memref<79872xf32, #tpu.memory_space<vmem_shared>> -> memref<79872xf32, #tpu.memory_space<vmem_shared>>
    tpu.wait_indirect_dma semaphore(%arg12 : memref<!tpu.dma_semaphore, #tpu.memory_space<semaphore_mem>>) src(%dma_wait3A_1006 : memref<128xf32, #tpu.memory_space<vmem>>) dst(%dma_wait3A_1011 : memref<79872xf32, #tpu.memory_space<vmem_shared>>)
    %dma_wait3A_1012 = arith.constant 23 : i32
    %dma_wait3A_1013 = arith.constant 23 : i32
    %dma_wait3A_1014 = arith.constant 0 : i32
    %dma_wait3A_1015 = tpu.memref_slice %arg8[%dma_wait3A_1012, %dma_wait3A_1014] : memref<50x128xf32, #tpu.memory_space<vmem>> -> memref<1x128xf32, #tpu.memory_space<vmem>>
    %dma_wait3A_1016 = tpu.memref_squeeze %dma_wait3A_1015 : memref<1x128xf32, #tpu.memory_space<vmem>> -> memref<128xf32, #tpu.memory_space<vmem>>
    %dma_wait3A_1017 = arith.constant 0 : i32
    %dma_wait3A_1018 = tpu.memref_slice %arg7[%dma_wait3A_1013, %dma_wait3A_1017] : memref<59x128xi32, #tpu.memory_space<vmem>> -> memref<1x128xi32, #tpu.memory_space<vmem>>
    %dma_wait3A_1019 = tpu.memref_squeeze %dma_wait3A_1018 : memref<1x128xi32, #tpu.memory_space<vmem>> -> memref<128xi32, #tpu.memory_space<vmem>>
    %dma_wait3A_1020 = arith.constant 0 : i32
    %dma_wait3A_1021 = tpu.memref_slice %arg11[%dma_wait3A_1020] : memref<79872xf32, #tpu.memory_space<vmem_shared>> -> memref<79872xf32, #tpu.memory_space<vmem_shared>>
    tpu.wait_indirect_dma semaphore(%arg12 : memref<!tpu.dma_semaphore, #tpu.memory_space<semaphore_mem>>) src(%dma_wait3A_1016 : memref<128xf32, #tpu.memory_space<vmem>>) dst(%dma_wait3A_1021 : memref<79872xf32, #tpu.memory_space<vmem_shared>>)
    %dma_start3A_1022 = arith.constant 24 : i32
    %dma_start3A_1023 = arith.constant 24 : i32
    %dma_start3A_1024 = arith.constant 0 : i32
    %dma_start3A_1025 = tpu.memref_slice %arg8[%dma_start3A_1022, %dma_start3A_1024] : memref<50x128xf32, #tpu.memory_space<vmem>> -> memref<1x128xf32, #tpu.memory_space<vmem>>
    %dma_start3A_1026 = tpu.memref_squeeze %dma_start3A_1025 : memref<1x128xf32, #tpu.memory_space<vmem>> -> memref<128xf32, #tpu.memory_space<vmem>>
    %dma_start3A_1027 = arith.constant 0 : i32
    %dma_start3A_1028 = tpu.memref_slice %arg7[%dma_start3A_1023, %dma_start3A_1027] : memref<59x128xi32, #tpu.memory_space<vmem>> -> memref<1x128xi32, #tpu.memory_space<vmem>>
    %dma_start3A_1029 = tpu.memref_squeeze %dma_start3A_1028 : memref<1x128xi32, #tpu.memory_space<vmem>> -> memref<128xi32, #tpu.memory_space<vmem>>
    %dma_start3A_1030 = arith.constant 0 : i32
    %dma_start3A_1031 = tpu.memref_slice %arg11[%dma_start3A_1030] : memref<79872xf32, #tpu.memory_space<vmem_shared>> -> memref<79872xf32, #tpu.memory_space<vmem_shared>>
    tpu.enqueue_indirect_dma source(%dma_start3A_1026 : memref<128xf32, #tpu.memory_space<vmem>>) target(%dma_start3A_1031 : memref<79872xf32, #tpu.memory_space<vmem_shared>>) offsets(%dma_start3A_1029 : memref<128xi32, #tpu.memory_space<vmem>>) semaphore(%arg12 : memref<!tpu.dma_semaphore, #tpu.memory_space<semaphore_mem>>) {add = true}
    %dma_start3A_1032 = arith.constant 25 : i32
    %dma_start3A_1033 = arith.constant 25 : i32
    %dma_start3A_1034 = arith.constant 0 : i32
    %dma_start3A_1035 = tpu.memref_slice %arg8[%dma_start3A_1032, %dma_start3A_1034] : memref<50x128xf32, #tpu.memory_space<vmem>> -> memref<1x128xf32, #tpu.memory_space<vmem>>
    %dma_start3A_1036 = tpu.memref_squeeze %dma_start3A_1035 : memref<1x128xf32, #tpu.memory_space<vmem>> -> memref<128xf32, #tpu.memory_space<vmem>>
    %dma_start3A_1037 = arith.constant 0 : i32
    %dma_start3A_1038 = tpu.memref_slice %arg7[%dma_start3A_1033, %dma_start3A_1037] : memref<59x128xi32, #tpu.memory_space<vmem>> -> memref<1x128xi32, #tpu.memory_space<vmem>>
    %dma_start3A_1039 = tpu.memref_squeeze %dma_start3A_1038 : memref<1x128xi32, #tpu.memory_space<vmem>> -> memref<128xi32, #tpu.memory_space<vmem>>
    %dma_start3A_1040 = arith.constant 0 : i32
    %dma_start3A_1041 = tpu.memref_slice %arg11[%dma_start3A_1040] : memref<79872xf32, #tpu.memory_space<vmem_shared>> -> memref<79872xf32, #tpu.memory_space<vmem_shared>>
    tpu.enqueue_indirect_dma source(%dma_start3A_1036 : memref<128xf32, #tpu.memory_space<vmem>>) target(%dma_start3A_1041 : memref<79872xf32, #tpu.memory_space<vmem_shared>>) offsets(%dma_start3A_1039 : memref<128xi32, #tpu.memory_space<vmem>>) semaphore(%arg12 : memref<!tpu.dma_semaphore, #tpu.memory_space<semaphore_mem>>) {add = true}
    %dma_start3A_1042 = arith.constant 26 : i32
    %dma_start3A_1043 = arith.constant 26 : i32
    %dma_start3A_1044 = arith.constant 0 : i32
    %dma_start3A_1045 = tpu.memref_slice %arg8[%dma_start3A_1042, %dma_start3A_1044] : memref<50x128xf32, #tpu.memory_space<vmem>> -> memref<1x128xf32, #tpu.memory_space<vmem>>
    %dma_start3A_1046 = tpu.memref_squeeze %dma_start3A_1045 : memref<1x128xf32, #tpu.memory_space<vmem>> -> memref<128xf32, #tpu.memory_space<vmem>>
    %dma_start3A_1047 = arith.constant 0 : i32
    %dma_start3A_1048 = tpu.memref_slice %arg7[%dma_start3A_1043, %dma_start3A_1047] : memref<59x128xi32, #tpu.memory_space<vmem>> -> memref<1x128xi32, #tpu.memory_space<vmem>>
    %dma_start3A_1049 = tpu.memref_squeeze %dma_start3A_1048 : memref<1x128xi32, #tpu.memory_space<vmem>> -> memref<128xi32, #tpu.memory_space<vmem>>
    %dma_start3A_1050 = arith.constant 0 : i32
    %dma_start3A_1051 = tpu.memref_slice %arg11[%dma_start3A_1050] : memref<79872xf32, #tpu.memory_space<vmem_shared>> -> memref<79872xf32, #tpu.memory_space<vmem_shared>>
    tpu.enqueue_indirect_dma source(%dma_start3A_1046 : memref<128xf32, #tpu.memory_space<vmem>>) target(%dma_start3A_1051 : memref<79872xf32, #tpu.memory_space<vmem_shared>>) offsets(%dma_start3A_1049 : memref<128xi32, #tpu.memory_space<vmem>>) semaphore(%arg12 : memref<!tpu.dma_semaphore, #tpu.memory_space<semaphore_mem>>) {add = true}
    %dma_start3A_1052 = arith.constant 27 : i32
    %dma_start3A_1053 = arith.constant 27 : i32
    %dma_start3A_1054 = arith.constant 0 : i32
    %dma_start3A_1055 = tpu.memref_slice %arg8[%dma_start3A_1052, %dma_start3A_1054] : memref<50x128xf32, #tpu.memory_space<vmem>> -> memref<1x128xf32, #tpu.memory_space<vmem>>
    %dma_start3A_1056 = tpu.memref_squeeze %dma_start3A_1055 : memref<1x128xf32, #tpu.memory_space<vmem>> -> memref<128xf32, #tpu.memory_space<vmem>>
    %dma_start3A_1057 = arith.constant 0 : i32
    %dma_start3A_1058 = tpu.memref_slice %arg7[%dma_start3A_1053, %dma_start3A_1057] : memref<59x128xi32, #tpu.memory_space<vmem>> -> memref<1x128xi32, #tpu.memory_space<vmem>>
    %dma_start3A_1059 = tpu.memref_squeeze %dma_start3A_1058 : memref<1x128xi32, #tpu.memory_space<vmem>> -> memref<128xi32, #tpu.memory_space<vmem>>
    %dma_start3A_1060 = arith.constant 0 : i32
    %dma_start3A_1061 = tpu.memref_slice %arg11[%dma_start3A_1060] : memref<79872xf32, #tpu.memory_space<vmem_shared>> -> memref<79872xf32, #tpu.memory_space<vmem_shared>>
    tpu.enqueue_indirect_dma source(%dma_start3A_1056 : memref<128xf32, #tpu.memory_space<vmem>>) target(%dma_start3A_1061 : memref<79872xf32, #tpu.memory_space<vmem_shared>>) offsets(%dma_start3A_1059 : memref<128xi32, #tpu.memory_space<vmem>>) semaphore(%arg12 : memref<!tpu.dma_semaphore, #tpu.memory_space<semaphore_mem>>) {add = true}
    %dma_start3A_1062 = arith.constant 28 : i32
    %dma_start3A_1063 = arith.constant 28 : i32
    %dma_start3A_1064 = arith.constant 0 : i32
    %dma_start3A_1065 = tpu.memref_slice %arg8[%dma_start3A_1062, %dma_start3A_1064] : memref<50x128xf32, #tpu.memory_space<vmem>> -> memref<1x128xf32, #tpu.memory_space<vmem>>
    %dma_start3A_1066 = tpu.memref_squeeze %dma_start3A_1065 : memref<1x128xf32, #tpu.memory_space<vmem>> -> memref<128xf32, #tpu.memory_space<vmem>>
    %dma_start3A_1067 = arith.constant 0 : i32
    %dma_start3A_1068 = tpu.memref_slice %arg7[%dma_start3A_1063, %dma_start3A_1067] : memref<59x128xi32, #tpu.memory_space<vmem>> -> memref<1x128xi32, #tpu.memory_space<vmem>>
    %dma_start3A_1069 = tpu.memref_squeeze %dma_start3A_1068 : memref<1x128xi32, #tpu.memory_space<vmem>> -> memref<128xi32, #tpu.memory_space<vmem>>
    %dma_start3A_1070 = arith.constant 0 : i32
    %dma_start3A_1071 = tpu.memref_slice %arg11[%dma_start3A_1070] : memref<79872xf32, #tpu.memory_space<vmem_shared>> -> memref<79872xf32, #tpu.memory_space<vmem_shared>>
    tpu.enqueue_indirect_dma source(%dma_start3A_1066 : memref<128xf32, #tpu.memory_space<vmem>>) target(%dma_start3A_1071 : memref<79872xf32, #tpu.memory_space<vmem_shared>>) offsets(%dma_start3A_1069 : memref<128xi32, #tpu.memory_space<vmem>>) semaphore(%arg12 : memref<!tpu.dma_semaphore, #tpu.memory_space<semaphore_mem>>) {add = true}
    %dma_start3A_1072 = arith.constant 29 : i32
    %dma_start3A_1073 = arith.constant 29 : i32
    %dma_start3A_1074 = arith.constant 0 : i32
    %dma_start3A_1075 = tpu.memref_slice %arg8[%dma_start3A_1072, %dma_start3A_1074] : memref<50x128xf32, #tpu.memory_space<vmem>> -> memref<1x128xf32, #tpu.memory_space<vmem>>
    %dma_start3A_1076 = tpu.memref_squeeze %dma_start3A_1075 : memref<1x128xf32, #tpu.memory_space<vmem>> -> memref<128xf32, #tpu.memory_space<vmem>>
    %dma_start3A_1077 = arith.constant 0 : i32
    %dma_start3A_1078 = tpu.memref_slice %arg7[%dma_start3A_1073, %dma_start3A_1077] : memref<59x128xi32, #tpu.memory_space<vmem>> -> memref<1x128xi32, #tpu.memory_space<vmem>>
    %dma_start3A_1079 = tpu.memref_squeeze %dma_start3A_1078 : memref<1x128xi32, #tpu.memory_space<vmem>> -> memref<128xi32, #tpu.memory_space<vmem>>
    %dma_start3A_1080 = arith.constant 0 : i32
    %dma_start3A_1081 = tpu.memref_slice %arg11[%dma_start3A_1080] : memref<79872xf32, #tpu.memory_space<vmem_shared>> -> memref<79872xf32, #tpu.memory_space<vmem_shared>>
    tpu.enqueue_indirect_dma source(%dma_start3A_1076 : memref<128xf32, #tpu.memory_space<vmem>>) target(%dma_start3A_1081 : memref<79872xf32, #tpu.memory_space<vmem_shared>>) offsets(%dma_start3A_1079 : memref<128xi32, #tpu.memory_space<vmem>>) semaphore(%arg12 : memref<!tpu.dma_semaphore, #tpu.memory_space<semaphore_mem>>) {add = true}
    %dma_start3A_1082 = arith.constant 30 : i32
    %dma_start3A_1083 = arith.constant 30 : i32
    %dma_start3A_1084 = arith.constant 0 : i32
    %dma_start3A_1085 = tpu.memref_slice %arg8[%dma_start3A_1082, %dma_start3A_1084] : memref<50x128xf32, #tpu.memory_space<vmem>> -> memref<1x128xf32, #tpu.memory_space<vmem>>
    %dma_start3A_1086 = tpu.memref_squeeze %dma_start3A_1085 : memref<1x128xf32, #tpu.memory_space<vmem>> -> memref<128xf32, #tpu.memory_space<vmem>>
    %dma_start3A_1087 = arith.constant 0 : i32
    %dma_start3A_1088 = tpu.memref_slice %arg7[%dma_start3A_1083, %dma_start3A_1087] : memref<59x128xi32, #tpu.memory_space<vmem>> -> memref<1x128xi32, #tpu.memory_space<vmem>>
    %dma_start3A_1089 = tpu.memref_squeeze %dma_start3A_1088 : memref<1x128xi32, #tpu.memory_space<vmem>> -> memref<128xi32, #tpu.memory_space<vmem>>
    %dma_start3A_1090 = arith.constant 0 : i32
    %dma_start3A_1091 = tpu.memref_slice %arg11[%dma_start3A_1090] : memref<79872xf32, #tpu.memory_space<vmem_shared>> -> memref<79872xf32, #tpu.memory_space<vmem_shared>>
    tpu.enqueue_indirect_dma source(%dma_start3A_1086 : memref<128xf32, #tpu.memory_space<vmem>>) target(%dma_start3A_1091 : memref<79872xf32, #tpu.memory_space<vmem_shared>>) offsets(%dma_start3A_1089 : memref<128xi32, #tpu.memory_space<vmem>>) semaphore(%arg12 : memref<!tpu.dma_semaphore, #tpu.memory_space<semaphore_mem>>) {add = true}
    %dma_start3A_1092 = arith.constant 31 : i32
    %dma_start3A_1093 = arith.constant 31 : i32
    %dma_start3A_1094 = arith.constant 0 : i32
    %dma_start3A_1095 = tpu.memref_slice %arg8[%dma_start3A_1092, %dma_start3A_1094] : memref<50x128xf32, #tpu.memory_space<vmem>> -> memref<1x128xf32, #tpu.memory_space<vmem>>
    %dma_start3A_1096 = tpu.memref_squeeze %dma_start3A_1095 : memref<1x128xf32, #tpu.memory_space<vmem>> -> memref<128xf32, #tpu.memory_space<vmem>>
    %dma_start3A_1097 = arith.constant 0 : i32
    %dma_start3A_1098 = tpu.memref_slice %arg7[%dma_start3A_1093, %dma_start3A_1097] : memref<59x128xi32, #tpu.memory_space<vmem>> -> memref<1x128xi32, #tpu.memory_space<vmem>>
    %dma_start3A_1099 = tpu.memref_squeeze %dma_start3A_1098 : memref<1x128xi32, #tpu.memory_space<vmem>> -> memref<128xi32, #tpu.memory_space<vmem>>
    %dma_start3A_1100 = arith.constant 0 : i32
    %dma_start3A_1101 = tpu.memref_slice %arg11[%dma_start3A_1100] : memref<79872xf32, #tpu.memory_space<vmem_shared>> -> memref<79872xf32, #tpu.memory_space<vmem_shared>>
    tpu.enqueue_indirect_dma source(%dma_start3A_1096 : memref<128xf32, #tpu.memory_space<vmem>>) target(%dma_start3A_1101 : memref<79872xf32, #tpu.memory_space<vmem_shared>>) offsets(%dma_start3A_1099 : memref<128xi32, #tpu.memory_space<vmem>>) semaphore(%arg12 : memref<!tpu.dma_semaphore, #tpu.memory_space<semaphore_mem>>) {add = true}
    %dma_wait3A_1102 = arith.constant 24 : i32
    %dma_wait3A_1103 = arith.constant 24 : i32
    %dma_wait3A_1104 = arith.constant 0 : i32
    %dma_wait3A_1105 = tpu.memref_slice %arg8[%dma_wait3A_1102, %dma_wait3A_1104] : memref<50x128xf32, #tpu.memory_space<vmem>> -> memref<1x128xf32, #tpu.memory_space<vmem>>
    %dma_wait3A_1106 = tpu.memref_squeeze %dma_wait3A_1105 : memref<1x128xf32, #tpu.memory_space<vmem>> -> memref<128xf32, #tpu.memory_space<vmem>>
    %dma_wait3A_1107 = arith.constant 0 : i32
    %dma_wait3A_1108 = tpu.memref_slice %arg7[%dma_wait3A_1103, %dma_wait3A_1107] : memref<59x128xi32, #tpu.memory_space<vmem>> -> memref<1x128xi32, #tpu.memory_space<vmem>>
    %dma_wait3A_1109 = tpu.memref_squeeze %dma_wait3A_1108 : memref<1x128xi32, #tpu.memory_space<vmem>> -> memref<128xi32, #tpu.memory_space<vmem>>
    %dma_wait3A_1110 = arith.constant 0 : i32
    %dma_wait3A_1111 = tpu.memref_slice %arg11[%dma_wait3A_1110] : memref<79872xf32, #tpu.memory_space<vmem_shared>> -> memref<79872xf32, #tpu.memory_space<vmem_shared>>
    tpu.wait_indirect_dma semaphore(%arg12 : memref<!tpu.dma_semaphore, #tpu.memory_space<semaphore_mem>>) src(%dma_wait3A_1106 : memref<128xf32, #tpu.memory_space<vmem>>) dst(%dma_wait3A_1111 : memref<79872xf32, #tpu.memory_space<vmem_shared>>)
    %dma_wait3A_1112 = arith.constant 25 : i32
    %dma_wait3A_1113 = arith.constant 25 : i32
    %dma_wait3A_1114 = arith.constant 0 : i32
    %dma_wait3A_1115 = tpu.memref_slice %arg8[%dma_wait3A_1112, %dma_wait3A_1114] : memref<50x128xf32, #tpu.memory_space<vmem>> -> memref<1x128xf32, #tpu.memory_space<vmem>>
    %dma_wait3A_1116 = tpu.memref_squeeze %dma_wait3A_1115 : memref<1x128xf32, #tpu.memory_space<vmem>> -> memref<128xf32, #tpu.memory_space<vmem>>
    %dma_wait3A_1117 = arith.constant 0 : i32
    %dma_wait3A_1118 = tpu.memref_slice %arg7[%dma_wait3A_1113, %dma_wait3A_1117] : memref<59x128xi32, #tpu.memory_space<vmem>> -> memref<1x128xi32, #tpu.memory_space<vmem>>
    %dma_wait3A_1119 = tpu.memref_squeeze %dma_wait3A_1118 : memref<1x128xi32, #tpu.memory_space<vmem>> -> memref<128xi32, #tpu.memory_space<vmem>>
    %dma_wait3A_1120 = arith.constant 0 : i32
    %dma_wait3A_1121 = tpu.memref_slice %arg11[%dma_wait3A_1120] : memref<79872xf32, #tpu.memory_space<vmem_shared>> -> memref<79872xf32, #tpu.memory_space<vmem_shared>>
    tpu.wait_indirect_dma semaphore(%arg12 : memref<!tpu.dma_semaphore, #tpu.memory_space<semaphore_mem>>) src(%dma_wait3A_1116 : memref<128xf32, #tpu.memory_space<vmem>>) dst(%dma_wait3A_1121 : memref<79872xf32, #tpu.memory_space<vmem_shared>>)
    %dma_wait3A_1122 = arith.constant 26 : i32
    %dma_wait3A_1123 = arith.constant 26 : i32
    %dma_wait3A_1124 = arith.constant 0 : i32
    %dma_wait3A_1125 = tpu.memref_slice %arg8[%dma_wait3A_1122, %dma_wait3A_1124] : memref<50x128xf32, #tpu.memory_space<vmem>> -> memref<1x128xf32, #tpu.memory_space<vmem>>
    %dma_wait3A_1126 = tpu.memref_squeeze %dma_wait3A_1125 : memref<1x128xf32, #tpu.memory_space<vmem>> -> memref<128xf32, #tpu.memory_space<vmem>>
    %dma_wait3A_1127 = arith.constant 0 : i32
    %dma_wait3A_1128 = tpu.memref_slice %arg7[%dma_wait3A_1123, %dma_wait3A_1127] : memref<59x128xi32, #tpu.memory_space<vmem>> -> memref<1x128xi32, #tpu.memory_space<vmem>>
    %dma_wait3A_1129 = tpu.memref_squeeze %dma_wait3A_1128 : memref<1x128xi32, #tpu.memory_space<vmem>> -> memref<128xi32, #tpu.memory_space<vmem>>
    %dma_wait3A_1130 = arith.constant 0 : i32
    %dma_wait3A_1131 = tpu.memref_slice %arg11[%dma_wait3A_1130] : memref<79872xf32, #tpu.memory_space<vmem_shared>> -> memref<79872xf32, #tpu.memory_space<vmem_shared>>
    tpu.wait_indirect_dma semaphore(%arg12 : memref<!tpu.dma_semaphore, #tpu.memory_space<semaphore_mem>>) src(%dma_wait3A_1126 : memref<128xf32, #tpu.memory_space<vmem>>) dst(%dma_wait3A_1131 : memref<79872xf32, #tpu.memory_space<vmem_shared>>)
    %dma_wait3A_1132 = arith.constant 27 : i32
    %dma_wait3A_1133 = arith.constant 27 : i32
    %dma_wait3A_1134 = arith.constant 0 : i32
    %dma_wait3A_1135 = tpu.memref_slice %arg8[%dma_wait3A_1132, %dma_wait3A_1134] : memref<50x128xf32, #tpu.memory_space<vmem>> -> memref<1x128xf32, #tpu.memory_space<vmem>>
    %dma_wait3A_1136 = tpu.memref_squeeze %dma_wait3A_1135 : memref<1x128xf32, #tpu.memory_space<vmem>> -> memref<128xf32, #tpu.memory_space<vmem>>
    %dma_wait3A_1137 = arith.constant 0 : i32
    %dma_wait3A_1138 = tpu.memref_slice %arg7[%dma_wait3A_1133, %dma_wait3A_1137] : memref<59x128xi32, #tpu.memory_space<vmem>> -> memref<1x128xi32, #tpu.memory_space<vmem>>
    %dma_wait3A_1139 = tpu.memref_squeeze %dma_wait3A_1138 : memref<1x128xi32, #tpu.memory_space<vmem>> -> memref<128xi32, #tpu.memory_space<vmem>>
    %dma_wait3A_1140 = arith.constant 0 : i32
    %dma_wait3A_1141 = tpu.memref_slice %arg11[%dma_wait3A_1140] : memref<79872xf32, #tpu.memory_space<vmem_shared>> -> memref<79872xf32, #tpu.memory_space<vmem_shared>>
    tpu.wait_indirect_dma semaphore(%arg12 : memref<!tpu.dma_semaphore, #tpu.memory_space<semaphore_mem>>) src(%dma_wait3A_1136 : memref<128xf32, #tpu.memory_space<vmem>>) dst(%dma_wait3A_1141 : memref<79872xf32, #tpu.memory_space<vmem_shared>>)
    %dma_wait3A_1142 = arith.constant 28 : i32
    %dma_wait3A_1143 = arith.constant 28 : i32
    %dma_wait3A_1144 = arith.constant 0 : i32
    %dma_wait3A_1145 = tpu.memref_slice %arg8[%dma_wait3A_1142, %dma_wait3A_1144] : memref<50x128xf32, #tpu.memory_space<vmem>> -> memref<1x128xf32, #tpu.memory_space<vmem>>
    %dma_wait3A_1146 = tpu.memref_squeeze %dma_wait3A_1145 : memref<1x128xf32, #tpu.memory_space<vmem>> -> memref<128xf32, #tpu.memory_space<vmem>>
    %dma_wait3A_1147 = arith.constant 0 : i32
    %dma_wait3A_1148 = tpu.memref_slice %arg7[%dma_wait3A_1143, %dma_wait3A_1147] : memref<59x128xi32, #tpu.memory_space<vmem>> -> memref<1x128xi32, #tpu.memory_space<vmem>>
    %dma_wait3A_1149 = tpu.memref_squeeze %dma_wait3A_1148 : memref<1x128xi32, #tpu.memory_space<vmem>> -> memref<128xi32, #tpu.memory_space<vmem>>
    %dma_wait3A_1150 = arith.constant 0 : i32
    %dma_wait3A_1151 = tpu.memref_slice %arg11[%dma_wait3A_1150] : memref<79872xf32, #tpu.memory_space<vmem_shared>> -> memref<79872xf32, #tpu.memory_space<vmem_shared>>
    tpu.wait_indirect_dma semaphore(%arg12 : memref<!tpu.dma_semaphore, #tpu.memory_space<semaphore_mem>>) src(%dma_wait3A_1146 : memref<128xf32, #tpu.memory_space<vmem>>) dst(%dma_wait3A_1151 : memref<79872xf32, #tpu.memory_space<vmem_shared>>)
    %dma_wait3A_1152 = arith.constant 29 : i32
    %dma_wait3A_1153 = arith.constant 29 : i32
    %dma_wait3A_1154 = arith.constant 0 : i32
    %dma_wait3A_1155 = tpu.memref_slice %arg8[%dma_wait3A_1152, %dma_wait3A_1154] : memref<50x128xf32, #tpu.memory_space<vmem>> -> memref<1x128xf32, #tpu.memory_space<vmem>>
    %dma_wait3A_1156 = tpu.memref_squeeze %dma_wait3A_1155 : memref<1x128xf32, #tpu.memory_space<vmem>> -> memref<128xf32, #tpu.memory_space<vmem>>
    %dma_wait3A_1157 = arith.constant 0 : i32
    %dma_wait3A_1158 = tpu.memref_slice %arg7[%dma_wait3A_1153, %dma_wait3A_1157] : memref<59x128xi32, #tpu.memory_space<vmem>> -> memref<1x128xi32, #tpu.memory_space<vmem>>
    %dma_wait3A_1159 = tpu.memref_squeeze %dma_wait3A_1158 : memref<1x128xi32, #tpu.memory_space<vmem>> -> memref<128xi32, #tpu.memory_space<vmem>>
    %dma_wait3A_1160 = arith.constant 0 : i32
    %dma_wait3A_1161 = tpu.memref_slice %arg11[%dma_wait3A_1160] : memref<79872xf32, #tpu.memory_space<vmem_shared>> -> memref<79872xf32, #tpu.memory_space<vmem_shared>>
    tpu.wait_indirect_dma semaphore(%arg12 : memref<!tpu.dma_semaphore, #tpu.memory_space<semaphore_mem>>) src(%dma_wait3A_1156 : memref<128xf32, #tpu.memory_space<vmem>>) dst(%dma_wait3A_1161 : memref<79872xf32, #tpu.memory_space<vmem_shared>>)
    %dma_wait3A_1162 = arith.constant 30 : i32
    %dma_wait3A_1163 = arith.constant 30 : i32
    %dma_wait3A_1164 = arith.constant 0 : i32
    %dma_wait3A_1165 = tpu.memref_slice %arg8[%dma_wait3A_1162, %dma_wait3A_1164] : memref<50x128xf32, #tpu.memory_space<vmem>> -> memref<1x128xf32, #tpu.memory_space<vmem>>
    %dma_wait3A_1166 = tpu.memref_squeeze %dma_wait3A_1165 : memref<1x128xf32, #tpu.memory_space<vmem>> -> memref<128xf32, #tpu.memory_space<vmem>>
    %dma_wait3A_1167 = arith.constant 0 : i32
    %dma_wait3A_1168 = tpu.memref_slice %arg7[%dma_wait3A_1163, %dma_wait3A_1167] : memref<59x128xi32, #tpu.memory_space<vmem>> -> memref<1x128xi32, #tpu.memory_space<vmem>>
    %dma_wait3A_1169 = tpu.memref_squeeze %dma_wait3A_1168 : memref<1x128xi32, #tpu.memory_space<vmem>> -> memref<128xi32, #tpu.memory_space<vmem>>
    %dma_wait3A_1170 = arith.constant 0 : i32
    %dma_wait3A_1171 = tpu.memref_slice %arg11[%dma_wait3A_1170] : memref<79872xf32, #tpu.memory_space<vmem_shared>> -> memref<79872xf32, #tpu.memory_space<vmem_shared>>
    tpu.wait_indirect_dma semaphore(%arg12 : memref<!tpu.dma_semaphore, #tpu.memory_space<semaphore_mem>>) src(%dma_wait3A_1166 : memref<128xf32, #tpu.memory_space<vmem>>) dst(%dma_wait3A_1171 : memref<79872xf32, #tpu.memory_space<vmem_shared>>)
    %dma_wait3A_1172 = arith.constant 31 : i32
    %dma_wait3A_1173 = arith.constant 31 : i32
    %dma_wait3A_1174 = arith.constant 0 : i32
    %dma_wait3A_1175 = tpu.memref_slice %arg8[%dma_wait3A_1172, %dma_wait3A_1174] : memref<50x128xf32, #tpu.memory_space<vmem>> -> memref<1x128xf32, #tpu.memory_space<vmem>>
    %dma_wait3A_1176 = tpu.memref_squeeze %dma_wait3A_1175 : memref<1x128xf32, #tpu.memory_space<vmem>> -> memref<128xf32, #tpu.memory_space<vmem>>
    %dma_wait3A_1177 = arith.constant 0 : i32
    %dma_wait3A_1178 = tpu.memref_slice %arg7[%dma_wait3A_1173, %dma_wait3A_1177] : memref<59x128xi32, #tpu.memory_space<vmem>> -> memref<1x128xi32, #tpu.memory_space<vmem>>
    %dma_wait3A_1179 = tpu.memref_squeeze %dma_wait3A_1178 : memref<1x128xi32, #tpu.memory_space<vmem>> -> memref<128xi32, #tpu.memory_space<vmem>>
    %dma_wait3A_1180 = arith.constant 0 : i32
    %dma_wait3A_1181 = tpu.memref_slice %arg11[%dma_wait3A_1180] : memref<79872xf32, #tpu.memory_space<vmem_shared>> -> memref<79872xf32, #tpu.memory_space<vmem_shared>>
    tpu.wait_indirect_dma semaphore(%arg12 : memref<!tpu.dma_semaphore, #tpu.memory_space<semaphore_mem>>) src(%dma_wait3A_1176 : memref<128xf32, #tpu.memory_space<vmem>>) dst(%dma_wait3A_1181 : memref<79872xf32, #tpu.memory_space<vmem_shared>>)
    %dma_start3A_1182 = arith.constant 32 : i32
    %dma_start3A_1183 = arith.constant 32 : i32
    %dma_start3A_1184 = arith.constant 0 : i32
    %dma_start3A_1185 = tpu.memref_slice %arg8[%dma_start3A_1182, %dma_start3A_1184] : memref<50x128xf32, #tpu.memory_space<vmem>> -> memref<1x128xf32, #tpu.memory_space<vmem>>
    %dma_start3A_1186 = tpu.memref_squeeze %dma_start3A_1185 : memref<1x128xf32, #tpu.memory_space<vmem>> -> memref<128xf32, #tpu.memory_space<vmem>>
    %dma_start3A_1187 = arith.constant 0 : i32
    %dma_start3A_1188 = tpu.memref_slice %arg7[%dma_start3A_1183, %dma_start3A_1187] : memref<59x128xi32, #tpu.memory_space<vmem>> -> memref<1x128xi32, #tpu.memory_space<vmem>>
    %dma_start3A_1189 = tpu.memref_squeeze %dma_start3A_1188 : memref<1x128xi32, #tpu.memory_space<vmem>> -> memref<128xi32, #tpu.memory_space<vmem>>
    %dma_start3A_1190 = arith.constant 0 : i32
    %dma_start3A_1191 = tpu.memref_slice %arg11[%dma_start3A_1190] : memref<79872xf32, #tpu.memory_space<vmem_shared>> -> memref<79872xf32, #tpu.memory_space<vmem_shared>>
    tpu.enqueue_indirect_dma source(%dma_start3A_1186 : memref<128xf32, #tpu.memory_space<vmem>>) target(%dma_start3A_1191 : memref<79872xf32, #tpu.memory_space<vmem_shared>>) offsets(%dma_start3A_1189 : memref<128xi32, #tpu.memory_space<vmem>>) semaphore(%arg12 : memref<!tpu.dma_semaphore, #tpu.memory_space<semaphore_mem>>) {add = true}
    %dma_start3A_1192 = arith.constant 33 : i32
    %dma_start3A_1193 = arith.constant 33 : i32
    %dma_start3A_1194 = arith.constant 0 : i32
    %dma_start3A_1195 = tpu.memref_slice %arg8[%dma_start3A_1192, %dma_start3A_1194] : memref<50x128xf32, #tpu.memory_space<vmem>> -> memref<1x128xf32, #tpu.memory_space<vmem>>
    %dma_start3A_1196 = tpu.memref_squeeze %dma_start3A_1195 : memref<1x128xf32, #tpu.memory_space<vmem>> -> memref<128xf32, #tpu.memory_space<vmem>>
    %dma_start3A_1197 = arith.constant 0 : i32
    %dma_start3A_1198 = tpu.memref_slice %arg7[%dma_start3A_1193, %dma_start3A_1197] : memref<59x128xi32, #tpu.memory_space<vmem>> -> memref<1x128xi32, #tpu.memory_space<vmem>>
    %dma_start3A_1199 = tpu.memref_squeeze %dma_start3A_1198 : memref<1x128xi32, #tpu.memory_space<vmem>> -> memref<128xi32, #tpu.memory_space<vmem>>
    %dma_start3A_1200 = arith.constant 0 : i32
    %dma_start3A_1201 = tpu.memref_slice %arg11[%dma_start3A_1200] : memref<79872xf32, #tpu.memory_space<vmem_shared>> -> memref<79872xf32, #tpu.memory_space<vmem_shared>>
    tpu.enqueue_indirect_dma source(%dma_start3A_1196 : memref<128xf32, #tpu.memory_space<vmem>>) target(%dma_start3A_1201 : memref<79872xf32, #tpu.memory_space<vmem_shared>>) offsets(%dma_start3A_1199 : memref<128xi32, #tpu.memory_space<vmem>>) semaphore(%arg12 : memref<!tpu.dma_semaphore, #tpu.memory_space<semaphore_mem>>) {add = true}
    %dma_start3A_1202 = arith.constant 34 : i32
    %dma_start3A_1203 = arith.constant 34 : i32
    %dma_start3A_1204 = arith.constant 0 : i32
    %dma_start3A_1205 = tpu.memref_slice %arg8[%dma_start3A_1202, %dma_start3A_1204] : memref<50x128xf32, #tpu.memory_space<vmem>> -> memref<1x128xf32, #tpu.memory_space<vmem>>
    %dma_start3A_1206 = tpu.memref_squeeze %dma_start3A_1205 : memref<1x128xf32, #tpu.memory_space<vmem>> -> memref<128xf32, #tpu.memory_space<vmem>>
    %dma_start3A_1207 = arith.constant 0 : i32
    %dma_start3A_1208 = tpu.memref_slice %arg7[%dma_start3A_1203, %dma_start3A_1207] : memref<59x128xi32, #tpu.memory_space<vmem>> -> memref<1x128xi32, #tpu.memory_space<vmem>>
    %dma_start3A_1209 = tpu.memref_squeeze %dma_start3A_1208 : memref<1x128xi32, #tpu.memory_space<vmem>> -> memref<128xi32, #tpu.memory_space<vmem>>
    %dma_start3A_1210 = arith.constant 0 : i32
    %dma_start3A_1211 = tpu.memref_slice %arg11[%dma_start3A_1210] : memref<79872xf32, #tpu.memory_space<vmem_shared>> -> memref<79872xf32, #tpu.memory_space<vmem_shared>>
    tpu.enqueue_indirect_dma source(%dma_start3A_1206 : memref<128xf32, #tpu.memory_space<vmem>>) target(%dma_start3A_1211 : memref<79872xf32, #tpu.memory_space<vmem_shared>>) offsets(%dma_start3A_1209 : memref<128xi32, #tpu.memory_space<vmem>>) semaphore(%arg12 : memref<!tpu.dma_semaphore, #tpu.memory_space<semaphore_mem>>) {add = true}
    %dma_start3A_1212 = arith.constant 35 : i32
    %dma_start3A_1213 = arith.constant 35 : i32
    %dma_start3A_1214 = arith.constant 0 : i32
    %dma_start3A_1215 = tpu.memref_slice %arg8[%dma_start3A_1212, %dma_start3A_1214] : memref<50x128xf32, #tpu.memory_space<vmem>> -> memref<1x128xf32, #tpu.memory_space<vmem>>
    %dma_start3A_1216 = tpu.memref_squeeze %dma_start3A_1215 : memref<1x128xf32, #tpu.memory_space<vmem>> -> memref<128xf32, #tpu.memory_space<vmem>>
    %dma_start3A_1217 = arith.constant 0 : i32
    %dma_start3A_1218 = tpu.memref_slice %arg7[%dma_start3A_1213, %dma_start3A_1217] : memref<59x128xi32, #tpu.memory_space<vmem>> -> memref<1x128xi32, #tpu.memory_space<vmem>>
    %dma_start3A_1219 = tpu.memref_squeeze %dma_start3A_1218 : memref<1x128xi32, #tpu.memory_space<vmem>> -> memref<128xi32, #tpu.memory_space<vmem>>
    %dma_start3A_1220 = arith.constant 0 : i32
    %dma_start3A_1221 = tpu.memref_slice %arg11[%dma_start3A_1220] : memref<79872xf32, #tpu.memory_space<vmem_shared>> -> memref<79872xf32, #tpu.memory_space<vmem_shared>>
    tpu.enqueue_indirect_dma source(%dma_start3A_1216 : memref<128xf32, #tpu.memory_space<vmem>>) target(%dma_start3A_1221 : memref<79872xf32, #tpu.memory_space<vmem_shared>>) offsets(%dma_start3A_1219 : memref<128xi32, #tpu.memory_space<vmem>>) semaphore(%arg12 : memref<!tpu.dma_semaphore, #tpu.memory_space<semaphore_mem>>) {add = true}
    %dma_start3A_1222 = arith.constant 36 : i32
    %dma_start3A_1223 = arith.constant 36 : i32
    %dma_start3A_1224 = arith.constant 0 : i32
    %dma_start3A_1225 = tpu.memref_slice %arg8[%dma_start3A_1222, %dma_start3A_1224] : memref<50x128xf32, #tpu.memory_space<vmem>> -> memref<1x128xf32, #tpu.memory_space<vmem>>
    %dma_start3A_1226 = tpu.memref_squeeze %dma_start3A_1225 : memref<1x128xf32, #tpu.memory_space<vmem>> -> memref<128xf32, #tpu.memory_space<vmem>>
    %dma_start3A_1227 = arith.constant 0 : i32
    %dma_start3A_1228 = tpu.memref_slice %arg7[%dma_start3A_1223, %dma_start3A_1227] : memref<59x128xi32, #tpu.memory_space<vmem>> -> memref<1x128xi32, #tpu.memory_space<vmem>>
    %dma_start3A_1229 = tpu.memref_squeeze %dma_start3A_1228 : memref<1x128xi32, #tpu.memory_space<vmem>> -> memref<128xi32, #tpu.memory_space<vmem>>
    %dma_start3A_1230 = arith.constant 0 : i32
    %dma_start3A_1231 = tpu.memref_slice %arg11[%dma_start3A_1230] : memref<79872xf32, #tpu.memory_space<vmem_shared>> -> memref<79872xf32, #tpu.memory_space<vmem_shared>>
    tpu.enqueue_indirect_dma source(%dma_start3A_1226 : memref<128xf32, #tpu.memory_space<vmem>>) target(%dma_start3A_1231 : memref<79872xf32, #tpu.memory_space<vmem_shared>>) offsets(%dma_start3A_1229 : memref<128xi32, #tpu.memory_space<vmem>>) semaphore(%arg12 : memref<!tpu.dma_semaphore, #tpu.memory_space<semaphore_mem>>) {add = true}
    %dma_start3A_1232 = arith.constant 37 : i32
    %dma_start3A_1233 = arith.constant 37 : i32
    %dma_start3A_1234 = arith.constant 0 : i32
    %dma_start3A_1235 = tpu.memref_slice %arg8[%dma_start3A_1232, %dma_start3A_1234] : memref<50x128xf32, #tpu.memory_space<vmem>> -> memref<1x128xf32, #tpu.memory_space<vmem>>
    %dma_start3A_1236 = tpu.memref_squeeze %dma_start3A_1235 : memref<1x128xf32, #tpu.memory_space<vmem>> -> memref<128xf32, #tpu.memory_space<vmem>>
    %dma_start3A_1237 = arith.constant 0 : i32
    %dma_start3A_1238 = tpu.memref_slice %arg7[%dma_start3A_1233, %dma_start3A_1237] : memref<59x128xi32, #tpu.memory_space<vmem>> -> memref<1x128xi32, #tpu.memory_space<vmem>>
    %dma_start3A_1239 = tpu.memref_squeeze %dma_start3A_1238 : memref<1x128xi32, #tpu.memory_space<vmem>> -> memref<128xi32, #tpu.memory_space<vmem>>
    %dma_start3A_1240 = arith.constant 0 : i32
    %dma_start3A_1241 = tpu.memref_slice %arg11[%dma_start3A_1240] : memref<79872xf32, #tpu.memory_space<vmem_shared>> -> memref<79872xf32, #tpu.memory_space<vmem_shared>>
    tpu.enqueue_indirect_dma source(%dma_start3A_1236 : memref<128xf32, #tpu.memory_space<vmem>>) target(%dma_start3A_1241 : memref<79872xf32, #tpu.memory_space<vmem_shared>>) offsets(%dma_start3A_1239 : memref<128xi32, #tpu.memory_space<vmem>>) semaphore(%arg12 : memref<!tpu.dma_semaphore, #tpu.memory_space<semaphore_mem>>) {add = true}
    %dma_start3A_1242 = arith.constant 38 : i32
    %dma_start3A_1243 = arith.constant 38 : i32
    %dma_start3A_1244 = arith.constant 0 : i32
    %dma_start3A_1245 = tpu.memref_slice %arg8[%dma_start3A_1242, %dma_start3A_1244] : memref<50x128xf32, #tpu.memory_space<vmem>> -> memref<1x128xf32, #tpu.memory_space<vmem>>
    %dma_start3A_1246 = tpu.memref_squeeze %dma_start3A_1245 : memref<1x128xf32, #tpu.memory_space<vmem>> -> memref<128xf32, #tpu.memory_space<vmem>>
    %dma_start3A_1247 = arith.constant 0 : i32
    %dma_start3A_1248 = tpu.memref_slice %arg7[%dma_start3A_1243, %dma_start3A_1247] : memref<59x128xi32, #tpu.memory_space<vmem>> -> memref<1x128xi32, #tpu.memory_space<vmem>>
    %dma_start3A_1249 = tpu.memref_squeeze %dma_start3A_1248 : memref<1x128xi32, #tpu.memory_space<vmem>> -> memref<128xi32, #tpu.memory_space<vmem>>
    %dma_start3A_1250 = arith.constant 0 : i32
    %dma_start3A_1251 = tpu.memref_slice %arg11[%dma_start3A_1250] : memref<79872xf32, #tpu.memory_space<vmem_shared>> -> memref<79872xf32, #tpu.memory_space<vmem_shared>>
    tpu.enqueue_indirect_dma source(%dma_start3A_1246 : memref<128xf32, #tpu.memory_space<vmem>>) target(%dma_start3A_1251 : memref<79872xf32, #tpu.memory_space<vmem_shared>>) offsets(%dma_start3A_1249 : memref<128xi32, #tpu.memory_space<vmem>>) semaphore(%arg12 : memref<!tpu.dma_semaphore, #tpu.memory_space<semaphore_mem>>) {add = true}
    %dma_start3A_1252 = arith.constant 39 : i32
    %dma_start3A_1253 = arith.constant 39 : i32
    %dma_start3A_1254 = arith.constant 0 : i32
    %dma_start3A_1255 = tpu.memref_slice %arg8[%dma_start3A_1252, %dma_start3A_1254] : memref<50x128xf32, #tpu.memory_space<vmem>> -> memref<1x128xf32, #tpu.memory_space<vmem>>
    %dma_start3A_1256 = tpu.memref_squeeze %dma_start3A_1255 : memref<1x128xf32, #tpu.memory_space<vmem>> -> memref<128xf32, #tpu.memory_space<vmem>>
    %dma_start3A_1257 = arith.constant 0 : i32
    %dma_start3A_1258 = tpu.memref_slice %arg7[%dma_start3A_1253, %dma_start3A_1257] : memref<59x128xi32, #tpu.memory_space<vmem>> -> memref<1x128xi32, #tpu.memory_space<vmem>>
    %dma_start3A_1259 = tpu.memref_squeeze %dma_start3A_1258 : memref<1x128xi32, #tpu.memory_space<vmem>> -> memref<128xi32, #tpu.memory_space<vmem>>
    %dma_start3A_1260 = arith.constant 0 : i32
    %dma_start3A_1261 = tpu.memref_slice %arg11[%dma_start3A_1260] : memref<79872xf32, #tpu.memory_space<vmem_shared>> -> memref<79872xf32, #tpu.memory_space<vmem_shared>>
    tpu.enqueue_indirect_dma source(%dma_start3A_1256 : memref<128xf32, #tpu.memory_space<vmem>>) target(%dma_start3A_1261 : memref<79872xf32, #tpu.memory_space<vmem_shared>>) offsets(%dma_start3A_1259 : memref<128xi32, #tpu.memory_space<vmem>>) semaphore(%arg12 : memref<!tpu.dma_semaphore, #tpu.memory_space<semaphore_mem>>) {add = true}
    %dma_wait3A_1262 = arith.constant 32 : i32
    %dma_wait3A_1263 = arith.constant 32 : i32
    %dma_wait3A_1264 = arith.constant 0 : i32
    %dma_wait3A_1265 = tpu.memref_slice %arg8[%dma_wait3A_1262, %dma_wait3A_1264] : memref<50x128xf32, #tpu.memory_space<vmem>> -> memref<1x128xf32, #tpu.memory_space<vmem>>
    %dma_wait3A_1266 = tpu.memref_squeeze %dma_wait3A_1265 : memref<1x128xf32, #tpu.memory_space<vmem>> -> memref<128xf32, #tpu.memory_space<vmem>>
    %dma_wait3A_1267 = arith.constant 0 : i32
    %dma_wait3A_1268 = tpu.memref_slice %arg7[%dma_wait3A_1263, %dma_wait3A_1267] : memref<59x128xi32, #tpu.memory_space<vmem>> -> memref<1x128xi32, #tpu.memory_space<vmem>>
    %dma_wait3A_1269 = tpu.memref_squeeze %dma_wait3A_1268 : memref<1x128xi32, #tpu.memory_space<vmem>> -> memref<128xi32, #tpu.memory_space<vmem>>
    %dma_wait3A_1270 = arith.constant 0 : i32
    %dma_wait3A_1271 = tpu.memref_slice %arg11[%dma_wait3A_1270] : memref<79872xf32, #tpu.memory_space<vmem_shared>> -> memref<79872xf32, #tpu.memory_space<vmem_shared>>
    tpu.wait_indirect_dma semaphore(%arg12 : memref<!tpu.dma_semaphore, #tpu.memory_space<semaphore_mem>>) src(%dma_wait3A_1266 : memref<128xf32, #tpu.memory_space<vmem>>) dst(%dma_wait3A_1271 : memref<79872xf32, #tpu.memory_space<vmem_shared>>)
    %dma_wait3A_1272 = arith.constant 33 : i32
    %dma_wait3A_1273 = arith.constant 33 : i32
    %dma_wait3A_1274 = arith.constant 0 : i32
    %dma_wait3A_1275 = tpu.memref_slice %arg8[%dma_wait3A_1272, %dma_wait3A_1274] : memref<50x128xf32, #tpu.memory_space<vmem>> -> memref<1x128xf32, #tpu.memory_space<vmem>>
    %dma_wait3A_1276 = tpu.memref_squeeze %dma_wait3A_1275 : memref<1x128xf32, #tpu.memory_space<vmem>> -> memref<128xf32, #tpu.memory_space<vmem>>
    %dma_wait3A_1277 = arith.constant 0 : i32
    %dma_wait3A_1278 = tpu.memref_slice %arg7[%dma_wait3A_1273, %dma_wait3A_1277] : memref<59x128xi32, #tpu.memory_space<vmem>> -> memref<1x128xi32, #tpu.memory_space<vmem>>
    %dma_wait3A_1279 = tpu.memref_squeeze %dma_wait3A_1278 : memref<1x128xi32, #tpu.memory_space<vmem>> -> memref<128xi32, #tpu.memory_space<vmem>>
    %dma_wait3A_1280 = arith.constant 0 : i32
    %dma_wait3A_1281 = tpu.memref_slice %arg11[%dma_wait3A_1280] : memref<79872xf32, #tpu.memory_space<vmem_shared>> -> memref<79872xf32, #tpu.memory_space<vmem_shared>>
    tpu.wait_indirect_dma semaphore(%arg12 : memref<!tpu.dma_semaphore, #tpu.memory_space<semaphore_mem>>) src(%dma_wait3A_1276 : memref<128xf32, #tpu.memory_space<vmem>>) dst(%dma_wait3A_1281 : memref<79872xf32, #tpu.memory_space<vmem_shared>>)
    %dma_wait3A_1282 = arith.constant 34 : i32
    %dma_wait3A_1283 = arith.constant 34 : i32
    %dma_wait3A_1284 = arith.constant 0 : i32
    %dma_wait3A_1285 = tpu.memref_slice %arg8[%dma_wait3A_1282, %dma_wait3A_1284] : memref<50x128xf32, #tpu.memory_space<vmem>> -> memref<1x128xf32, #tpu.memory_space<vmem>>
    %dma_wait3A_1286 = tpu.memref_squeeze %dma_wait3A_1285 : memref<1x128xf32, #tpu.memory_space<vmem>> -> memref<128xf32, #tpu.memory_space<vmem>>
    %dma_wait3A_1287 = arith.constant 0 : i32
    %dma_wait3A_1288 = tpu.memref_slice %arg7[%dma_wait3A_1283, %dma_wait3A_1287] : memref<59x128xi32, #tpu.memory_space<vmem>> -> memref<1x128xi32, #tpu.memory_space<vmem>>
    %dma_wait3A_1289 = tpu.memref_squeeze %dma_wait3A_1288 : memref<1x128xi32, #tpu.memory_space<vmem>> -> memref<128xi32, #tpu.memory_space<vmem>>
    %dma_wait3A_1290 = arith.constant 0 : i32
    %dma_wait3A_1291 = tpu.memref_slice %arg11[%dma_wait3A_1290] : memref<79872xf32, #tpu.memory_space<vmem_shared>> -> memref<79872xf32, #tpu.memory_space<vmem_shared>>
    tpu.wait_indirect_dma semaphore(%arg12 : memref<!tpu.dma_semaphore, #tpu.memory_space<semaphore_mem>>) src(%dma_wait3A_1286 : memref<128xf32, #tpu.memory_space<vmem>>) dst(%dma_wait3A_1291 : memref<79872xf32, #tpu.memory_space<vmem_shared>>)
    %dma_wait3A_1292 = arith.constant 35 : i32
    %dma_wait3A_1293 = arith.constant 35 : i32
    %dma_wait3A_1294 = arith.constant 0 : i32
    %dma_wait3A_1295 = tpu.memref_slice %arg8[%dma_wait3A_1292, %dma_wait3A_1294] : memref<50x128xf32, #tpu.memory_space<vmem>> -> memref<1x128xf32, #tpu.memory_space<vmem>>
    %dma_wait3A_1296 = tpu.memref_squeeze %dma_wait3A_1295 : memref<1x128xf32, #tpu.memory_space<vmem>> -> memref<128xf32, #tpu.memory_space<vmem>>
    %dma_wait3A_1297 = arith.constant 0 : i32
    %dma_wait3A_1298 = tpu.memref_slice %arg7[%dma_wait3A_1293, %dma_wait3A_1297] : memref<59x128xi32, #tpu.memory_space<vmem>> -> memref<1x128xi32, #tpu.memory_space<vmem>>
    %dma_wait3A_1299 = tpu.memref_squeeze %dma_wait3A_1298 : memref<1x128xi32, #tpu.memory_space<vmem>> -> memref<128xi32, #tpu.memory_space<vmem>>
    %dma_wait3A_1300 = arith.constant 0 : i32
    %dma_wait3A_1301 = tpu.memref_slice %arg11[%dma_wait3A_1300] : memref<79872xf32, #tpu.memory_space<vmem_shared>> -> memref<79872xf32, #tpu.memory_space<vmem_shared>>
    tpu.wait_indirect_dma semaphore(%arg12 : memref<!tpu.dma_semaphore, #tpu.memory_space<semaphore_mem>>) src(%dma_wait3A_1296 : memref<128xf32, #tpu.memory_space<vmem>>) dst(%dma_wait3A_1301 : memref<79872xf32, #tpu.memory_space<vmem_shared>>)
    %dma_wait3A_1302 = arith.constant 36 : i32
    %dma_wait3A_1303 = arith.constant 36 : i32
    %dma_wait3A_1304 = arith.constant 0 : i32
    %dma_wait3A_1305 = tpu.memref_slice %arg8[%dma_wait3A_1302, %dma_wait3A_1304] : memref<50x128xf32, #tpu.memory_space<vmem>> -> memref<1x128xf32, #tpu.memory_space<vmem>>
    %dma_wait3A_1306 = tpu.memref_squeeze %dma_wait3A_1305 : memref<1x128xf32, #tpu.memory_space<vmem>> -> memref<128xf32, #tpu.memory_space<vmem>>
    %dma_wait3A_1307 = arith.constant 0 : i32
    %dma_wait3A_1308 = tpu.memref_slice %arg7[%dma_wait3A_1303, %dma_wait3A_1307] : memref<59x128xi32, #tpu.memory_space<vmem>> -> memref<1x128xi32, #tpu.memory_space<vmem>>
    %dma_wait3A_1309 = tpu.memref_squeeze %dma_wait3A_1308 : memref<1x128xi32, #tpu.memory_space<vmem>> -> memref<128xi32, #tpu.memory_space<vmem>>
    %dma_wait3A_1310 = arith.constant 0 : i32
    %dma_wait3A_1311 = tpu.memref_slice %arg11[%dma_wait3A_1310] : memref<79872xf32, #tpu.memory_space<vmem_shared>> -> memref<79872xf32, #tpu.memory_space<vmem_shared>>
    tpu.wait_indirect_dma semaphore(%arg12 : memref<!tpu.dma_semaphore, #tpu.memory_space<semaphore_mem>>) src(%dma_wait3A_1306 : memref<128xf32, #tpu.memory_space<vmem>>) dst(%dma_wait3A_1311 : memref<79872xf32, #tpu.memory_space<vmem_shared>>)
    %dma_wait3A_1312 = arith.constant 37 : i32
    %dma_wait3A_1313 = arith.constant 37 : i32
    %dma_wait3A_1314 = arith.constant 0 : i32
    %dma_wait3A_1315 = tpu.memref_slice %arg8[%dma_wait3A_1312, %dma_wait3A_1314] : memref<50x128xf32, #tpu.memory_space<vmem>> -> memref<1x128xf32, #tpu.memory_space<vmem>>
    %dma_wait3A_1316 = tpu.memref_squeeze %dma_wait3A_1315 : memref<1x128xf32, #tpu.memory_space<vmem>> -> memref<128xf32, #tpu.memory_space<vmem>>
    %dma_wait3A_1317 = arith.constant 0 : i32
    %dma_wait3A_1318 = tpu.memref_slice %arg7[%dma_wait3A_1313, %dma_wait3A_1317] : memref<59x128xi32, #tpu.memory_space<vmem>> -> memref<1x128xi32, #tpu.memory_space<vmem>>
    %dma_wait3A_1319 = tpu.memref_squeeze %dma_wait3A_1318 : memref<1x128xi32, #tpu.memory_space<vmem>> -> memref<128xi32, #tpu.memory_space<vmem>>
    %dma_wait3A_1320 = arith.constant 0 : i32
    %dma_wait3A_1321 = tpu.memref_slice %arg11[%dma_wait3A_1320] : memref<79872xf32, #tpu.memory_space<vmem_shared>> -> memref<79872xf32, #tpu.memory_space<vmem_shared>>
    tpu.wait_indirect_dma semaphore(%arg12 : memref<!tpu.dma_semaphore, #tpu.memory_space<semaphore_mem>>) src(%dma_wait3A_1316 : memref<128xf32, #tpu.memory_space<vmem>>) dst(%dma_wait3A_1321 : memref<79872xf32, #tpu.memory_space<vmem_shared>>)
    %dma_wait3A_1322 = arith.constant 38 : i32
    %dma_wait3A_1323 = arith.constant 38 : i32
    %dma_wait3A_1324 = arith.constant 0 : i32
    %dma_wait3A_1325 = tpu.memref_slice %arg8[%dma_wait3A_1322, %dma_wait3A_1324] : memref<50x128xf32, #tpu.memory_space<vmem>> -> memref<1x128xf32, #tpu.memory_space<vmem>>
    %dma_wait3A_1326 = tpu.memref_squeeze %dma_wait3A_1325 : memref<1x128xf32, #tpu.memory_space<vmem>> -> memref<128xf32, #tpu.memory_space<vmem>>
    %dma_wait3A_1327 = arith.constant 0 : i32
    %dma_wait3A_1328 = tpu.memref_slice %arg7[%dma_wait3A_1323, %dma_wait3A_1327] : memref<59x128xi32, #tpu.memory_space<vmem>> -> memref<1x128xi32, #tpu.memory_space<vmem>>
    %dma_wait3A_1329 = tpu.memref_squeeze %dma_wait3A_1328 : memref<1x128xi32, #tpu.memory_space<vmem>> -> memref<128xi32, #tpu.memory_space<vmem>>
    %dma_wait3A_1330 = arith.constant 0 : i32
    %dma_wait3A_1331 = tpu.memref_slice %arg11[%dma_wait3A_1330] : memref<79872xf32, #tpu.memory_space<vmem_shared>> -> memref<79872xf32, #tpu.memory_space<vmem_shared>>
    tpu.wait_indirect_dma semaphore(%arg12 : memref<!tpu.dma_semaphore, #tpu.memory_space<semaphore_mem>>) src(%dma_wait3A_1326 : memref<128xf32, #tpu.memory_space<vmem>>) dst(%dma_wait3A_1331 : memref<79872xf32, #tpu.memory_space<vmem_shared>>)
    %dma_wait3A_1332 = arith.constant 39 : i32
    %dma_wait3A_1333 = arith.constant 39 : i32
    %dma_wait3A_1334 = arith.constant 0 : i32
    %dma_wait3A_1335 = tpu.memref_slice %arg8[%dma_wait3A_1332, %dma_wait3A_1334] : memref<50x128xf32, #tpu.memory_space<vmem>> -> memref<1x128xf32, #tpu.memory_space<vmem>>
    %dma_wait3A_1336 = tpu.memref_squeeze %dma_wait3A_1335 : memref<1x128xf32, #tpu.memory_space<vmem>> -> memref<128xf32, #tpu.memory_space<vmem>>
    %dma_wait3A_1337 = arith.constant 0 : i32
    %dma_wait3A_1338 = tpu.memref_slice %arg7[%dma_wait3A_1333, %dma_wait3A_1337] : memref<59x128xi32, #tpu.memory_space<vmem>> -> memref<1x128xi32, #tpu.memory_space<vmem>>
    %dma_wait3A_1339 = tpu.memref_squeeze %dma_wait3A_1338 : memref<1x128xi32, #tpu.memory_space<vmem>> -> memref<128xi32, #tpu.memory_space<vmem>>
    %dma_wait3A_1340 = arith.constant 0 : i32
    %dma_wait3A_1341 = tpu.memref_slice %arg11[%dma_wait3A_1340] : memref<79872xf32, #tpu.memory_space<vmem_shared>> -> memref<79872xf32, #tpu.memory_space<vmem_shared>>
    tpu.wait_indirect_dma semaphore(%arg12 : memref<!tpu.dma_semaphore, #tpu.memory_space<semaphore_mem>>) src(%dma_wait3A_1336 : memref<128xf32, #tpu.memory_space<vmem>>) dst(%dma_wait3A_1341 : memref<79872xf32, #tpu.memory_space<vmem_shared>>)
    %dma_start3A_1342 = arith.constant 40 : i32
    %dma_start3A_1343 = arith.constant 40 : i32
    %dma_start3A_1344 = arith.constant 0 : i32
    %dma_start3A_1345 = tpu.memref_slice %arg8[%dma_start3A_1342, %dma_start3A_1344] : memref<50x128xf32, #tpu.memory_space<vmem>> -> memref<1x128xf32, #tpu.memory_space<vmem>>
    %dma_start3A_1346 = tpu.memref_squeeze %dma_start3A_1345 : memref<1x128xf32, #tpu.memory_space<vmem>> -> memref<128xf32, #tpu.memory_space<vmem>>
    %dma_start3A_1347 = arith.constant 0 : i32
    %dma_start3A_1348 = tpu.memref_slice %arg7[%dma_start3A_1343, %dma_start3A_1347] : memref<59x128xi32, #tpu.memory_space<vmem>> -> memref<1x128xi32, #tpu.memory_space<vmem>>
    %dma_start3A_1349 = tpu.memref_squeeze %dma_start3A_1348 : memref<1x128xi32, #tpu.memory_space<vmem>> -> memref<128xi32, #tpu.memory_space<vmem>>
    %dma_start3A_1350 = arith.constant 0 : i32
    %dma_start3A_1351 = tpu.memref_slice %arg11[%dma_start3A_1350] : memref<79872xf32, #tpu.memory_space<vmem_shared>> -> memref<79872xf32, #tpu.memory_space<vmem_shared>>
    tpu.enqueue_indirect_dma source(%dma_start3A_1346 : memref<128xf32, #tpu.memory_space<vmem>>) target(%dma_start3A_1351 : memref<79872xf32, #tpu.memory_space<vmem_shared>>) offsets(%dma_start3A_1349 : memref<128xi32, #tpu.memory_space<vmem>>) semaphore(%arg12 : memref<!tpu.dma_semaphore, #tpu.memory_space<semaphore_mem>>) {add = true}
    %dma_start3A_1352 = arith.constant 41 : i32
    %dma_start3A_1353 = arith.constant 41 : i32
    %dma_start3A_1354 = arith.constant 0 : i32
    %dma_start3A_1355 = tpu.memref_slice %arg8[%dma_start3A_1352, %dma_start3A_1354] : memref<50x128xf32, #tpu.memory_space<vmem>> -> memref<1x128xf32, #tpu.memory_space<vmem>>
    %dma_start3A_1356 = tpu.memref_squeeze %dma_start3A_1355 : memref<1x128xf32, #tpu.memory_space<vmem>> -> memref<128xf32, #tpu.memory_space<vmem>>
    %dma_start3A_1357 = arith.constant 0 : i32
    %dma_start3A_1358 = tpu.memref_slice %arg7[%dma_start3A_1353, %dma_start3A_1357] : memref<59x128xi32, #tpu.memory_space<vmem>> -> memref<1x128xi32, #tpu.memory_space<vmem>>
    %dma_start3A_1359 = tpu.memref_squeeze %dma_start3A_1358 : memref<1x128xi32, #tpu.memory_space<vmem>> -> memref<128xi32, #tpu.memory_space<vmem>>
    %dma_start3A_1360 = arith.constant 0 : i32
    %dma_start3A_1361 = tpu.memref_slice %arg11[%dma_start3A_1360] : memref<79872xf32, #tpu.memory_space<vmem_shared>> -> memref<79872xf32, #tpu.memory_space<vmem_shared>>
    tpu.enqueue_indirect_dma source(%dma_start3A_1356 : memref<128xf32, #tpu.memory_space<vmem>>) target(%dma_start3A_1361 : memref<79872xf32, #tpu.memory_space<vmem_shared>>) offsets(%dma_start3A_1359 : memref<128xi32, #tpu.memory_space<vmem>>) semaphore(%arg12 : memref<!tpu.dma_semaphore, #tpu.memory_space<semaphore_mem>>) {add = true}
    %dma_start3A_1362 = arith.constant 42 : i32
    %dma_start3A_1363 = arith.constant 42 : i32
    %dma_start3A_1364 = arith.constant 0 : i32
    %dma_start3A_1365 = tpu.memref_slice %arg8[%dma_start3A_1362, %dma_start3A_1364] : memref<50x128xf32, #tpu.memory_space<vmem>> -> memref<1x128xf32, #tpu.memory_space<vmem>>
    %dma_start3A_1366 = tpu.memref_squeeze %dma_start3A_1365 : memref<1x128xf32, #tpu.memory_space<vmem>> -> memref<128xf32, #tpu.memory_space<vmem>>
    %dma_start3A_1367 = arith.constant 0 : i32
    %dma_start3A_1368 = tpu.memref_slice %arg7[%dma_start3A_1363, %dma_start3A_1367] : memref<59x128xi32, #tpu.memory_space<vmem>> -> memref<1x128xi32, #tpu.memory_space<vmem>>
    %dma_start3A_1369 = tpu.memref_squeeze %dma_start3A_1368 : memref<1x128xi32, #tpu.memory_space<vmem>> -> memref<128xi32, #tpu.memory_space<vmem>>
    %dma_start3A_1370 = arith.constant 0 : i32
    %dma_start3A_1371 = tpu.memref_slice %arg11[%dma_start3A_1370] : memref<79872xf32, #tpu.memory_space<vmem_shared>> -> memref<79872xf32, #tpu.memory_space<vmem_shared>>
    tpu.enqueue_indirect_dma source(%dma_start3A_1366 : memref<128xf32, #tpu.memory_space<vmem>>) target(%dma_start3A_1371 : memref<79872xf32, #tpu.memory_space<vmem_shared>>) offsets(%dma_start3A_1369 : memref<128xi32, #tpu.memory_space<vmem>>) semaphore(%arg12 : memref<!tpu.dma_semaphore, #tpu.memory_space<semaphore_mem>>) {add = true}
    %dma_start3A_1372 = arith.constant 43 : i32
    %dma_start3A_1373 = arith.constant 43 : i32
    %dma_start3A_1374 = arith.constant 0 : i32
    %dma_start3A_1375 = tpu.memref_slice %arg8[%dma_start3A_1372, %dma_start3A_1374] : memref<50x128xf32, #tpu.memory_space<vmem>> -> memref<1x128xf32, #tpu.memory_space<vmem>>
    %dma_start3A_1376 = tpu.memref_squeeze %dma_start3A_1375 : memref<1x128xf32, #tpu.memory_space<vmem>> -> memref<128xf32, #tpu.memory_space<vmem>>
    %dma_start3A_1377 = arith.constant 0 : i32
    %dma_start3A_1378 = tpu.memref_slice %arg7[%dma_start3A_1373, %dma_start3A_1377] : memref<59x128xi32, #tpu.memory_space<vmem>> -> memref<1x128xi32, #tpu.memory_space<vmem>>
    %dma_start3A_1379 = tpu.memref_squeeze %dma_start3A_1378 : memref<1x128xi32, #tpu.memory_space<vmem>> -> memref<128xi32, #tpu.memory_space<vmem>>
    %dma_start3A_1380 = arith.constant 0 : i32
    %dma_start3A_1381 = tpu.memref_slice %arg11[%dma_start3A_1380] : memref<79872xf32, #tpu.memory_space<vmem_shared>> -> memref<79872xf32, #tpu.memory_space<vmem_shared>>
    tpu.enqueue_indirect_dma source(%dma_start3A_1376 : memref<128xf32, #tpu.memory_space<vmem>>) target(%dma_start3A_1381 : memref<79872xf32, #tpu.memory_space<vmem_shared>>) offsets(%dma_start3A_1379 : memref<128xi32, #tpu.memory_space<vmem>>) semaphore(%arg12 : memref<!tpu.dma_semaphore, #tpu.memory_space<semaphore_mem>>) {add = true}
    %dma_start3A_1382 = arith.constant 44 : i32
    %dma_start3A_1383 = arith.constant 44 : i32
    %dma_start3A_1384 = arith.constant 0 : i32
    %dma_start3A_1385 = tpu.memref_slice %arg8[%dma_start3A_1382, %dma_start3A_1384] : memref<50x128xf32, #tpu.memory_space<vmem>> -> memref<1x128xf32, #tpu.memory_space<vmem>>
    %dma_start3A_1386 = tpu.memref_squeeze %dma_start3A_1385 : memref<1x128xf32, #tpu.memory_space<vmem>> -> memref<128xf32, #tpu.memory_space<vmem>>
    %dma_start3A_1387 = arith.constant 0 : i32
    %dma_start3A_1388 = tpu.memref_slice %arg7[%dma_start3A_1383, %dma_start3A_1387] : memref<59x128xi32, #tpu.memory_space<vmem>> -> memref<1x128xi32, #tpu.memory_space<vmem>>
    %dma_start3A_1389 = tpu.memref_squeeze %dma_start3A_1388 : memref<1x128xi32, #tpu.memory_space<vmem>> -> memref<128xi32, #tpu.memory_space<vmem>>
    %dma_start3A_1390 = arith.constant 0 : i32
    %dma_start3A_1391 = tpu.memref_slice %arg11[%dma_start3A_1390] : memref<79872xf32, #tpu.memory_space<vmem_shared>> -> memref<79872xf32, #tpu.memory_space<vmem_shared>>
    tpu.enqueue_indirect_dma source(%dma_start3A_1386 : memref<128xf32, #tpu.memory_space<vmem>>) target(%dma_start3A_1391 : memref<79872xf32, #tpu.memory_space<vmem_shared>>) offsets(%dma_start3A_1389 : memref<128xi32, #tpu.memory_space<vmem>>) semaphore(%arg12 : memref<!tpu.dma_semaphore, #tpu.memory_space<semaphore_mem>>) {add = true}
    %dma_start3A_1392 = arith.constant 45 : i32
    %dma_start3A_1393 = arith.constant 45 : i32
    %dma_start3A_1394 = arith.constant 0 : i32
    %dma_start3A_1395 = tpu.memref_slice %arg8[%dma_start3A_1392, %dma_start3A_1394] : memref<50x128xf32, #tpu.memory_space<vmem>> -> memref<1x128xf32, #tpu.memory_space<vmem>>
    %dma_start3A_1396 = tpu.memref_squeeze %dma_start3A_1395 : memref<1x128xf32, #tpu.memory_space<vmem>> -> memref<128xf32, #tpu.memory_space<vmem>>
    %dma_start3A_1397 = arith.constant 0 : i32
    %dma_start3A_1398 = tpu.memref_slice %arg7[%dma_start3A_1393, %dma_start3A_1397] : memref<59x128xi32, #tpu.memory_space<vmem>> -> memref<1x128xi32, #tpu.memory_space<vmem>>
    %dma_start3A_1399 = tpu.memref_squeeze %dma_start3A_1398 : memref<1x128xi32, #tpu.memory_space<vmem>> -> memref<128xi32, #tpu.memory_space<vmem>>
    %dma_start3A_1400 = arith.constant 0 : i32
    %dma_start3A_1401 = tpu.memref_slice %arg11[%dma_start3A_1400] : memref<79872xf32, #tpu.memory_space<vmem_shared>> -> memref<79872xf32, #tpu.memory_space<vmem_shared>>
    tpu.enqueue_indirect_dma source(%dma_start3A_1396 : memref<128xf32, #tpu.memory_space<vmem>>) target(%dma_start3A_1401 : memref<79872xf32, #tpu.memory_space<vmem_shared>>) offsets(%dma_start3A_1399 : memref<128xi32, #tpu.memory_space<vmem>>) semaphore(%arg12 : memref<!tpu.dma_semaphore, #tpu.memory_space<semaphore_mem>>) {add = true}
    %dma_start3A_1402 = arith.constant 46 : i32
    %dma_start3A_1403 = arith.constant 46 : i32
    %dma_start3A_1404 = arith.constant 0 : i32
    %dma_start3A_1405 = tpu.memref_slice %arg8[%dma_start3A_1402, %dma_start3A_1404] : memref<50x128xf32, #tpu.memory_space<vmem>> -> memref<1x128xf32, #tpu.memory_space<vmem>>
    %dma_start3A_1406 = tpu.memref_squeeze %dma_start3A_1405 : memref<1x128xf32, #tpu.memory_space<vmem>> -> memref<128xf32, #tpu.memory_space<vmem>>
    %dma_start3A_1407 = arith.constant 0 : i32
    %dma_start3A_1408 = tpu.memref_slice %arg7[%dma_start3A_1403, %dma_start3A_1407] : memref<59x128xi32, #tpu.memory_space<vmem>> -> memref<1x128xi32, #tpu.memory_space<vmem>>
    %dma_start3A_1409 = tpu.memref_squeeze %dma_start3A_1408 : memref<1x128xi32, #tpu.memory_space<vmem>> -> memref<128xi32, #tpu.memory_space<vmem>>
    %dma_start3A_1410 = arith.constant 0 : i32
    %dma_start3A_1411 = tpu.memref_slice %arg11[%dma_start3A_1410] : memref<79872xf32, #tpu.memory_space<vmem_shared>> -> memref<79872xf32, #tpu.memory_space<vmem_shared>>
    tpu.enqueue_indirect_dma source(%dma_start3A_1406 : memref<128xf32, #tpu.memory_space<vmem>>) target(%dma_start3A_1411 : memref<79872xf32, #tpu.memory_space<vmem_shared>>) offsets(%dma_start3A_1409 : memref<128xi32, #tpu.memory_space<vmem>>) semaphore(%arg12 : memref<!tpu.dma_semaphore, #tpu.memory_space<semaphore_mem>>) {add = true}
    %dma_start3A_1412 = arith.constant 47 : i32
    %dma_start3A_1413 = arith.constant 47 : i32
    %dma_start3A_1414 = arith.constant 0 : i32
    %dma_start3A_1415 = tpu.memref_slice %arg8[%dma_start3A_1412, %dma_start3A_1414] : memref<50x128xf32, #tpu.memory_space<vmem>> -> memref<1x128xf32, #tpu.memory_space<vmem>>
    %dma_start3A_1416 = tpu.memref_squeeze %dma_start3A_1415 : memref<1x128xf32, #tpu.memory_space<vmem>> -> memref<128xf32, #tpu.memory_space<vmem>>
    %dma_start3A_1417 = arith.constant 0 : i32
    %dma_start3A_1418 = tpu.memref_slice %arg7[%dma_start3A_1413, %dma_start3A_1417] : memref<59x128xi32, #tpu.memory_space<vmem>> -> memref<1x128xi32, #tpu.memory_space<vmem>>
    %dma_start3A_1419 = tpu.memref_squeeze %dma_start3A_1418 : memref<1x128xi32, #tpu.memory_space<vmem>> -> memref<128xi32, #tpu.memory_space<vmem>>
    %dma_start3A_1420 = arith.constant 0 : i32
    %dma_start3A_1421 = tpu.memref_slice %arg11[%dma_start3A_1420] : memref<79872xf32, #tpu.memory_space<vmem_shared>> -> memref<79872xf32, #tpu.memory_space<vmem_shared>>
    tpu.enqueue_indirect_dma source(%dma_start3A_1416 : memref<128xf32, #tpu.memory_space<vmem>>) target(%dma_start3A_1421 : memref<79872xf32, #tpu.memory_space<vmem_shared>>) offsets(%dma_start3A_1419 : memref<128xi32, #tpu.memory_space<vmem>>) semaphore(%arg12 : memref<!tpu.dma_semaphore, #tpu.memory_space<semaphore_mem>>) {add = true}
    %dma_wait3A_1422 = arith.constant 40 : i32
    %dma_wait3A_1423 = arith.constant 40 : i32
    %dma_wait3A_1424 = arith.constant 0 : i32
    %dma_wait3A_1425 = tpu.memref_slice %arg8[%dma_wait3A_1422, %dma_wait3A_1424] : memref<50x128xf32, #tpu.memory_space<vmem>> -> memref<1x128xf32, #tpu.memory_space<vmem>>
    %dma_wait3A_1426 = tpu.memref_squeeze %dma_wait3A_1425 : memref<1x128xf32, #tpu.memory_space<vmem>> -> memref<128xf32, #tpu.memory_space<vmem>>
    %dma_wait3A_1427 = arith.constant 0 : i32
    %dma_wait3A_1428 = tpu.memref_slice %arg7[%dma_wait3A_1423, %dma_wait3A_1427] : memref<59x128xi32, #tpu.memory_space<vmem>> -> memref<1x128xi32, #tpu.memory_space<vmem>>
    %dma_wait3A_1429 = tpu.memref_squeeze %dma_wait3A_1428 : memref<1x128xi32, #tpu.memory_space<vmem>> -> memref<128xi32, #tpu.memory_space<vmem>>
    %dma_wait3A_1430 = arith.constant 0 : i32
    %dma_wait3A_1431 = tpu.memref_slice %arg11[%dma_wait3A_1430] : memref<79872xf32, #tpu.memory_space<vmem_shared>> -> memref<79872xf32, #tpu.memory_space<vmem_shared>>
    tpu.wait_indirect_dma semaphore(%arg12 : memref<!tpu.dma_semaphore, #tpu.memory_space<semaphore_mem>>) src(%dma_wait3A_1426 : memref<128xf32, #tpu.memory_space<vmem>>) dst(%dma_wait3A_1431 : memref<79872xf32, #tpu.memory_space<vmem_shared>>)
    %dma_wait3A_1432 = arith.constant 41 : i32
    %dma_wait3A_1433 = arith.constant 41 : i32
    %dma_wait3A_1434 = arith.constant 0 : i32
    %dma_wait3A_1435 = tpu.memref_slice %arg8[%dma_wait3A_1432, %dma_wait3A_1434] : memref<50x128xf32, #tpu.memory_space<vmem>> -> memref<1x128xf32, #tpu.memory_space<vmem>>
    %dma_wait3A_1436 = tpu.memref_squeeze %dma_wait3A_1435 : memref<1x128xf32, #tpu.memory_space<vmem>> -> memref<128xf32, #tpu.memory_space<vmem>>
    %dma_wait3A_1437 = arith.constant 0 : i32
    %dma_wait3A_1438 = tpu.memref_slice %arg7[%dma_wait3A_1433, %dma_wait3A_1437] : memref<59x128xi32, #tpu.memory_space<vmem>> -> memref<1x128xi32, #tpu.memory_space<vmem>>
    %dma_wait3A_1439 = tpu.memref_squeeze %dma_wait3A_1438 : memref<1x128xi32, #tpu.memory_space<vmem>> -> memref<128xi32, #tpu.memory_space<vmem>>
    %dma_wait3A_1440 = arith.constant 0 : i32
    %dma_wait3A_1441 = tpu.memref_slice %arg11[%dma_wait3A_1440] : memref<79872xf32, #tpu.memory_space<vmem_shared>> -> memref<79872xf32, #tpu.memory_space<vmem_shared>>
    tpu.wait_indirect_dma semaphore(%arg12 : memref<!tpu.dma_semaphore, #tpu.memory_space<semaphore_mem>>) src(%dma_wait3A_1436 : memref<128xf32, #tpu.memory_space<vmem>>) dst(%dma_wait3A_1441 : memref<79872xf32, #tpu.memory_space<vmem_shared>>)
    %dma_wait3A_1442 = arith.constant 42 : i32
    %dma_wait3A_1443 = arith.constant 42 : i32
    %dma_wait3A_1444 = arith.constant 0 : i32
    %dma_wait3A_1445 = tpu.memref_slice %arg8[%dma_wait3A_1442, %dma_wait3A_1444] : memref<50x128xf32, #tpu.memory_space<vmem>> -> memref<1x128xf32, #tpu.memory_space<vmem>>
    %dma_wait3A_1446 = tpu.memref_squeeze %dma_wait3A_1445 : memref<1x128xf32, #tpu.memory_space<vmem>> -> memref<128xf32, #tpu.memory_space<vmem>>
    %dma_wait3A_1447 = arith.constant 0 : i32
    %dma_wait3A_1448 = tpu.memref_slice %arg7[%dma_wait3A_1443, %dma_wait3A_1447] : memref<59x128xi32, #tpu.memory_space<vmem>> -> memref<1x128xi32, #tpu.memory_space<vmem>>
    %dma_wait3A_1449 = tpu.memref_squeeze %dma_wait3A_1448 : memref<1x128xi32, #tpu.memory_space<vmem>> -> memref<128xi32, #tpu.memory_space<vmem>>
    %dma_wait3A_1450 = arith.constant 0 : i32
    %dma_wait3A_1451 = tpu.memref_slice %arg11[%dma_wait3A_1450] : memref<79872xf32, #tpu.memory_space<vmem_shared>> -> memref<79872xf32, #tpu.memory_space<vmem_shared>>
    tpu.wait_indirect_dma semaphore(%arg12 : memref<!tpu.dma_semaphore, #tpu.memory_space<semaphore_mem>>) src(%dma_wait3A_1446 : memref<128xf32, #tpu.memory_space<vmem>>) dst(%dma_wait3A_1451 : memref<79872xf32, #tpu.memory_space<vmem_shared>>)
    %dma_wait3A_1452 = arith.constant 43 : i32
    %dma_wait3A_1453 = arith.constant 43 : i32
    %dma_wait3A_1454 = arith.constant 0 : i32
    %dma_wait3A_1455 = tpu.memref_slice %arg8[%dma_wait3A_1452, %dma_wait3A_1454] : memref<50x128xf32, #tpu.memory_space<vmem>> -> memref<1x128xf32, #tpu.memory_space<vmem>>
    %dma_wait3A_1456 = tpu.memref_squeeze %dma_wait3A_1455 : memref<1x128xf32, #tpu.memory_space<vmem>> -> memref<128xf32, #tpu.memory_space<vmem>>
    %dma_wait3A_1457 = arith.constant 0 : i32
    %dma_wait3A_1458 = tpu.memref_slice %arg7[%dma_wait3A_1453, %dma_wait3A_1457] : memref<59x128xi32, #tpu.memory_space<vmem>> -> memref<1x128xi32, #tpu.memory_space<vmem>>
    %dma_wait3A_1459 = tpu.memref_squeeze %dma_wait3A_1458 : memref<1x128xi32, #tpu.memory_space<vmem>> -> memref<128xi32, #tpu.memory_space<vmem>>
    %dma_wait3A_1460 = arith.constant 0 : i32
    %dma_wait3A_1461 = tpu.memref_slice %arg11[%dma_wait3A_1460] : memref<79872xf32, #tpu.memory_space<vmem_shared>> -> memref<79872xf32, #tpu.memory_space<vmem_shared>>
    tpu.wait_indirect_dma semaphore(%arg12 : memref<!tpu.dma_semaphore, #tpu.memory_space<semaphore_mem>>) src(%dma_wait3A_1456 : memref<128xf32, #tpu.memory_space<vmem>>) dst(%dma_wait3A_1461 : memref<79872xf32, #tpu.memory_space<vmem_shared>>)
    %dma_wait3A_1462 = arith.constant 44 : i32
    %dma_wait3A_1463 = arith.constant 44 : i32
    %dma_wait3A_1464 = arith.constant 0 : i32
    %dma_wait3A_1465 = tpu.memref_slice %arg8[%dma_wait3A_1462, %dma_wait3A_1464] : memref<50x128xf32, #tpu.memory_space<vmem>> -> memref<1x128xf32, #tpu.memory_space<vmem>>
    %dma_wait3A_1466 = tpu.memref_squeeze %dma_wait3A_1465 : memref<1x128xf32, #tpu.memory_space<vmem>> -> memref<128xf32, #tpu.memory_space<vmem>>
    %dma_wait3A_1467 = arith.constant 0 : i32
    %dma_wait3A_1468 = tpu.memref_slice %arg7[%dma_wait3A_1463, %dma_wait3A_1467] : memref<59x128xi32, #tpu.memory_space<vmem>> -> memref<1x128xi32, #tpu.memory_space<vmem>>
    %dma_wait3A_1469 = tpu.memref_squeeze %dma_wait3A_1468 : memref<1x128xi32, #tpu.memory_space<vmem>> -> memref<128xi32, #tpu.memory_space<vmem>>
    %dma_wait3A_1470 = arith.constant 0 : i32
    %dma_wait3A_1471 = tpu.memref_slice %arg11[%dma_wait3A_1470] : memref<79872xf32, #tpu.memory_space<vmem_shared>> -> memref<79872xf32, #tpu.memory_space<vmem_shared>>
    tpu.wait_indirect_dma semaphore(%arg12 : memref<!tpu.dma_semaphore, #tpu.memory_space<semaphore_mem>>) src(%dma_wait3A_1466 : memref<128xf32, #tpu.memory_space<vmem>>) dst(%dma_wait3A_1471 : memref<79872xf32, #tpu.memory_space<vmem_shared>>)
    %dma_wait3A_1472 = arith.constant 45 : i32
    %dma_wait3A_1473 = arith.constant 45 : i32
    %dma_wait3A_1474 = arith.constant 0 : i32
    %dma_wait3A_1475 = tpu.memref_slice %arg8[%dma_wait3A_1472, %dma_wait3A_1474] : memref<50x128xf32, #tpu.memory_space<vmem>> -> memref<1x128xf32, #tpu.memory_space<vmem>>
    %dma_wait3A_1476 = tpu.memref_squeeze %dma_wait3A_1475 : memref<1x128xf32, #tpu.memory_space<vmem>> -> memref<128xf32, #tpu.memory_space<vmem>>
    %dma_wait3A_1477 = arith.constant 0 : i32
    %dma_wait3A_1478 = tpu.memref_slice %arg7[%dma_wait3A_1473, %dma_wait3A_1477] : memref<59x128xi32, #tpu.memory_space<vmem>> -> memref<1x128xi32, #tpu.memory_space<vmem>>
    %dma_wait3A_1479 = tpu.memref_squeeze %dma_wait3A_1478 : memref<1x128xi32, #tpu.memory_space<vmem>> -> memref<128xi32, #tpu.memory_space<vmem>>
    %dma_wait3A_1480 = arith.constant 0 : i32
    %dma_wait3A_1481 = tpu.memref_slice %arg11[%dma_wait3A_1480] : memref<79872xf32, #tpu.memory_space<vmem_shared>> -> memref<79872xf32, #tpu.memory_space<vmem_shared>>
    tpu.wait_indirect_dma semaphore(%arg12 : memref<!tpu.dma_semaphore, #tpu.memory_space<semaphore_mem>>) src(%dma_wait3A_1476 : memref<128xf32, #tpu.memory_space<vmem>>) dst(%dma_wait3A_1481 : memref<79872xf32, #tpu.memory_space<vmem_shared>>)
    %dma_wait3A_1482 = arith.constant 46 : i32
    %dma_wait3A_1483 = arith.constant 46 : i32
    %dma_wait3A_1484 = arith.constant 0 : i32
    %dma_wait3A_1485 = tpu.memref_slice %arg8[%dma_wait3A_1482, %dma_wait3A_1484] : memref<50x128xf32, #tpu.memory_space<vmem>> -> memref<1x128xf32, #tpu.memory_space<vmem>>
    %dma_wait3A_1486 = tpu.memref_squeeze %dma_wait3A_1485 : memref<1x128xf32, #tpu.memory_space<vmem>> -> memref<128xf32, #tpu.memory_space<vmem>>
    %dma_wait3A_1487 = arith.constant 0 : i32
    %dma_wait3A_1488 = tpu.memref_slice %arg7[%dma_wait3A_1483, %dma_wait3A_1487] : memref<59x128xi32, #tpu.memory_space<vmem>> -> memref<1x128xi32, #tpu.memory_space<vmem>>
    %dma_wait3A_1489 = tpu.memref_squeeze %dma_wait3A_1488 : memref<1x128xi32, #tpu.memory_space<vmem>> -> memref<128xi32, #tpu.memory_space<vmem>>
    %dma_wait3A_1490 = arith.constant 0 : i32
    %dma_wait3A_1491 = tpu.memref_slice %arg11[%dma_wait3A_1490] : memref<79872xf32, #tpu.memory_space<vmem_shared>> -> memref<79872xf32, #tpu.memory_space<vmem_shared>>
    tpu.wait_indirect_dma semaphore(%arg12 : memref<!tpu.dma_semaphore, #tpu.memory_space<semaphore_mem>>) src(%dma_wait3A_1486 : memref<128xf32, #tpu.memory_space<vmem>>) dst(%dma_wait3A_1491 : memref<79872xf32, #tpu.memory_space<vmem_shared>>)
    %dma_wait3A_1492 = arith.constant 47 : i32
    %dma_wait3A_1493 = arith.constant 47 : i32
    %dma_wait3A_1494 = arith.constant 0 : i32
    %dma_wait3A_1495 = tpu.memref_slice %arg8[%dma_wait3A_1492, %dma_wait3A_1494] : memref<50x128xf32, #tpu.memory_space<vmem>> -> memref<1x128xf32, #tpu.memory_space<vmem>>
    %dma_wait3A_1496 = tpu.memref_squeeze %dma_wait3A_1495 : memref<1x128xf32, #tpu.memory_space<vmem>> -> memref<128xf32, #tpu.memory_space<vmem>>
    %dma_wait3A_1497 = arith.constant 0 : i32
    %dma_wait3A_1498 = tpu.memref_slice %arg7[%dma_wait3A_1493, %dma_wait3A_1497] : memref<59x128xi32, #tpu.memory_space<vmem>> -> memref<1x128xi32, #tpu.memory_space<vmem>>
    %dma_wait3A_1499 = tpu.memref_squeeze %dma_wait3A_1498 : memref<1x128xi32, #tpu.memory_space<vmem>> -> memref<128xi32, #tpu.memory_space<vmem>>
    %dma_wait3A_1500 = arith.constant 0 : i32
    %dma_wait3A_1501 = tpu.memref_slice %arg11[%dma_wait3A_1500] : memref<79872xf32, #tpu.memory_space<vmem_shared>> -> memref<79872xf32, #tpu.memory_space<vmem_shared>>
    tpu.wait_indirect_dma semaphore(%arg12 : memref<!tpu.dma_semaphore, #tpu.memory_space<semaphore_mem>>) src(%dma_wait3A_1496 : memref<128xf32, #tpu.memory_space<vmem>>) dst(%dma_wait3A_1501 : memref<79872xf32, #tpu.memory_space<vmem_shared>>)
    %dma_start3A_1502 = arith.constant 48 : i32
    %dma_start3A_1503 = arith.constant 48 : i32
    %dma_start3A_1504 = arith.constant 0 : i32
    %dma_start3A_1505 = tpu.memref_slice %arg8[%dma_start3A_1502, %dma_start3A_1504] : memref<50x128xf32, #tpu.memory_space<vmem>> -> memref<1x128xf32, #tpu.memory_space<vmem>>
    %dma_start3A_1506 = tpu.memref_squeeze %dma_start3A_1505 : memref<1x128xf32, #tpu.memory_space<vmem>> -> memref<128xf32, #tpu.memory_space<vmem>>
    %dma_start3A_1507 = arith.constant 0 : i32
    %dma_start3A_1508 = tpu.memref_slice %arg7[%dma_start3A_1503, %dma_start3A_1507] : memref<59x128xi32, #tpu.memory_space<vmem>> -> memref<1x128xi32, #tpu.memory_space<vmem>>
    %dma_start3A_1509 = tpu.memref_squeeze %dma_start3A_1508 : memref<1x128xi32, #tpu.memory_space<vmem>> -> memref<128xi32, #tpu.memory_space<vmem>>
    %dma_start3A_1510 = arith.constant 0 : i32
    %dma_start3A_1511 = tpu.memref_slice %arg11[%dma_start3A_1510] : memref<79872xf32, #tpu.memory_space<vmem_shared>> -> memref<79872xf32, #tpu.memory_space<vmem_shared>>
    tpu.enqueue_indirect_dma source(%dma_start3A_1506 : memref<128xf32, #tpu.memory_space<vmem>>) target(%dma_start3A_1511 : memref<79872xf32, #tpu.memory_space<vmem_shared>>) offsets(%dma_start3A_1509 : memref<128xi32, #tpu.memory_space<vmem>>) semaphore(%arg12 : memref<!tpu.dma_semaphore, #tpu.memory_space<semaphore_mem>>) {add = true}
    %dma_start3A_1512 = arith.constant 49 : i32
    %dma_start3A_1513 = arith.constant 49 : i32
    %dma_start3A_1514 = arith.constant 0 : i32
    %dma_start3A_1515 = tpu.memref_slice %arg8[%dma_start3A_1512, %dma_start3A_1514] : memref<50x128xf32, #tpu.memory_space<vmem>> -> memref<1x128xf32, #tpu.memory_space<vmem>>
    %dma_start3A_1516 = tpu.memref_squeeze %dma_start3A_1515 : memref<1x128xf32, #tpu.memory_space<vmem>> -> memref<128xf32, #tpu.memory_space<vmem>>
    %dma_start3A_1517 = arith.constant 0 : i32
    %dma_start3A_1518 = tpu.memref_slice %arg7[%dma_start3A_1513, %dma_start3A_1517] : memref<59x128xi32, #tpu.memory_space<vmem>> -> memref<1x128xi32, #tpu.memory_space<vmem>>
    %dma_start3A_1519 = tpu.memref_squeeze %dma_start3A_1518 : memref<1x128xi32, #tpu.memory_space<vmem>> -> memref<128xi32, #tpu.memory_space<vmem>>
    %dma_start3A_1520 = arith.constant 0 : i32
    %dma_start3A_1521 = tpu.memref_slice %arg11[%dma_start3A_1520] : memref<79872xf32, #tpu.memory_space<vmem_shared>> -> memref<79872xf32, #tpu.memory_space<vmem_shared>>
    tpu.enqueue_indirect_dma source(%dma_start3A_1516 : memref<128xf32, #tpu.memory_space<vmem>>) target(%dma_start3A_1521 : memref<79872xf32, #tpu.memory_space<vmem_shared>>) offsets(%dma_start3A_1519 : memref<128xi32, #tpu.memory_space<vmem>>) semaphore(%arg12 : memref<!tpu.dma_semaphore, #tpu.memory_space<semaphore_mem>>) {add = true}
    %dma_start3A_1522 = arith.constant 50 : i32
    %dma_start3A_1523 = arith.constant 0 : i32
    %dma_start3A_1524 = tpu.memref_slice %arg9[%dma_start3A_1523] : memref<1152xf32, #tpu.memory_space<vmem>> -> memref<128xf32, #tpu.memory_space<vmem>>
    %dma_start3A_1525 = arith.constant 0 : i32
    %dma_start3A_1526 = tpu.memref_slice %arg7[%dma_start3A_1522, %dma_start3A_1525] : memref<59x128xi32, #tpu.memory_space<vmem>> -> memref<1x128xi32, #tpu.memory_space<vmem>>
    %dma_start3A_1527 = tpu.memref_squeeze %dma_start3A_1526 : memref<1x128xi32, #tpu.memory_space<vmem>> -> memref<128xi32, #tpu.memory_space<vmem>>
    %dma_start3A_1528 = arith.constant 0 : i32
    %dma_start3A_1529 = tpu.memref_slice %arg11[%dma_start3A_1528] : memref<79872xf32, #tpu.memory_space<vmem_shared>> -> memref<79872xf32, #tpu.memory_space<vmem_shared>>
    tpu.enqueue_indirect_dma source(%dma_start3A_1524 : memref<128xf32, #tpu.memory_space<vmem>>) target(%dma_start3A_1529 : memref<79872xf32, #tpu.memory_space<vmem_shared>>) offsets(%dma_start3A_1527 : memref<128xi32, #tpu.memory_space<vmem>>) semaphore(%arg12 : memref<!tpu.dma_semaphore, #tpu.memory_space<semaphore_mem>>) {add = true}
    %dma_start3A_1530 = arith.constant 51 : i32
    %dma_start3A_1531 = arith.constant 128 : i32
    %dma_start3A_1532 = tpu.memref_slice %arg9[%dma_start3A_1531] : memref<1152xf32, #tpu.memory_space<vmem>> -> memref<128xf32, #tpu.memory_space<vmem>>
    %dma_start3A_1533 = arith.constant 0 : i32
    %dma_start3A_1534 = tpu.memref_slice %arg7[%dma_start3A_1530, %dma_start3A_1533] : memref<59x128xi32, #tpu.memory_space<vmem>> -> memref<1x128xi32, #tpu.memory_space<vmem>>
    %dma_start3A_1535 = tpu.memref_squeeze %dma_start3A_1534 : memref<1x128xi32, #tpu.memory_space<vmem>> -> memref<128xi32, #tpu.memory_space<vmem>>
    %dma_start3A_1536 = arith.constant 0 : i32
    %dma_start3A_1537 = tpu.memref_slice %arg11[%dma_start3A_1536] : memref<79872xf32, #tpu.memory_space<vmem_shared>> -> memref<79872xf32, #tpu.memory_space<vmem_shared>>
    tpu.enqueue_indirect_dma source(%dma_start3A_1532 : memref<128xf32, #tpu.memory_space<vmem>>) target(%dma_start3A_1537 : memref<79872xf32, #tpu.memory_space<vmem_shared>>) offsets(%dma_start3A_1535 : memref<128xi32, #tpu.memory_space<vmem>>) semaphore(%arg12 : memref<!tpu.dma_semaphore, #tpu.memory_space<semaphore_mem>>) {add = true}
    %dma_start3A_1538 = arith.constant 52 : i32
    %dma_start3A_1539 = arith.constant 256 : i32
    %dma_start3A_1540 = tpu.memref_slice %arg9[%dma_start3A_1539] : memref<1152xf32, #tpu.memory_space<vmem>> -> memref<128xf32, #tpu.memory_space<vmem>>
    %dma_start3A_1541 = arith.constant 0 : i32
    %dma_start3A_1542 = tpu.memref_slice %arg7[%dma_start3A_1538, %dma_start3A_1541] : memref<59x128xi32, #tpu.memory_space<vmem>> -> memref<1x128xi32, #tpu.memory_space<vmem>>
    %dma_start3A_1543 = tpu.memref_squeeze %dma_start3A_1542 : memref<1x128xi32, #tpu.memory_space<vmem>> -> memref<128xi32, #tpu.memory_space<vmem>>
    %dma_start3A_1544 = arith.constant 0 : i32
    %dma_start3A_1545 = tpu.memref_slice %arg11[%dma_start3A_1544] : memref<79872xf32, #tpu.memory_space<vmem_shared>> -> memref<79872xf32, #tpu.memory_space<vmem_shared>>
    tpu.enqueue_indirect_dma source(%dma_start3A_1540 : memref<128xf32, #tpu.memory_space<vmem>>) target(%dma_start3A_1545 : memref<79872xf32, #tpu.memory_space<vmem_shared>>) offsets(%dma_start3A_1543 : memref<128xi32, #tpu.memory_space<vmem>>) semaphore(%arg12 : memref<!tpu.dma_semaphore, #tpu.memory_space<semaphore_mem>>) {add = true}
    %dma_start3A_1546 = arith.constant 53 : i32
    %dma_start3A_1547 = arith.constant 384 : i32
    %dma_start3A_1548 = tpu.memref_slice %arg9[%dma_start3A_1547] : memref<1152xf32, #tpu.memory_space<vmem>> -> memref<128xf32, #tpu.memory_space<vmem>>
    %dma_start3A_1549 = arith.constant 0 : i32
    %dma_start3A_1550 = tpu.memref_slice %arg7[%dma_start3A_1546, %dma_start3A_1549] : memref<59x128xi32, #tpu.memory_space<vmem>> -> memref<1x128xi32, #tpu.memory_space<vmem>>
    %dma_start3A_1551 = tpu.memref_squeeze %dma_start3A_1550 : memref<1x128xi32, #tpu.memory_space<vmem>> -> memref<128xi32, #tpu.memory_space<vmem>>
    %dma_start3A_1552 = arith.constant 0 : i32
    %dma_start3A_1553 = tpu.memref_slice %arg11[%dma_start3A_1552] : memref<79872xf32, #tpu.memory_space<vmem_shared>> -> memref<79872xf32, #tpu.memory_space<vmem_shared>>
    tpu.enqueue_indirect_dma source(%dma_start3A_1548 : memref<128xf32, #tpu.memory_space<vmem>>) target(%dma_start3A_1553 : memref<79872xf32, #tpu.memory_space<vmem_shared>>) offsets(%dma_start3A_1551 : memref<128xi32, #tpu.memory_space<vmem>>) semaphore(%arg12 : memref<!tpu.dma_semaphore, #tpu.memory_space<semaphore_mem>>) {add = true}
    %dma_start3A_1554 = arith.constant 54 : i32
    %dma_start3A_1555 = arith.constant 512 : i32
    %dma_start3A_1556 = tpu.memref_slice %arg9[%dma_start3A_1555] : memref<1152xf32, #tpu.memory_space<vmem>> -> memref<128xf32, #tpu.memory_space<vmem>>
    %dma_start3A_1557 = arith.constant 0 : i32
    %dma_start3A_1558 = tpu.memref_slice %arg7[%dma_start3A_1554, %dma_start3A_1557] : memref<59x128xi32, #tpu.memory_space<vmem>> -> memref<1x128xi32, #tpu.memory_space<vmem>>
    %dma_start3A_1559 = tpu.memref_squeeze %dma_start3A_1558 : memref<1x128xi32, #tpu.memory_space<vmem>> -> memref<128xi32, #tpu.memory_space<vmem>>
    %dma_start3A_1560 = arith.constant 0 : i32
    %dma_start3A_1561 = tpu.memref_slice %arg11[%dma_start3A_1560] : memref<79872xf32, #tpu.memory_space<vmem_shared>> -> memref<79872xf32, #tpu.memory_space<vmem_shared>>
    tpu.enqueue_indirect_dma source(%dma_start3A_1556 : memref<128xf32, #tpu.memory_space<vmem>>) target(%dma_start3A_1561 : memref<79872xf32, #tpu.memory_space<vmem_shared>>) offsets(%dma_start3A_1559 : memref<128xi32, #tpu.memory_space<vmem>>) semaphore(%arg12 : memref<!tpu.dma_semaphore, #tpu.memory_space<semaphore_mem>>) {add = true}
    %dma_start3A_1562 = arith.constant 55 : i32
    %dma_start3A_1563 = arith.constant 640 : i32
    %dma_start3A_1564 = tpu.memref_slice %arg9[%dma_start3A_1563] : memref<1152xf32, #tpu.memory_space<vmem>> -> memref<128xf32, #tpu.memory_space<vmem>>
    %dma_start3A_1565 = arith.constant 0 : i32
    %dma_start3A_1566 = tpu.memref_slice %arg7[%dma_start3A_1562, %dma_start3A_1565] : memref<59x128xi32, #tpu.memory_space<vmem>> -> memref<1x128xi32, #tpu.memory_space<vmem>>
    %dma_start3A_1567 = tpu.memref_squeeze %dma_start3A_1566 : memref<1x128xi32, #tpu.memory_space<vmem>> -> memref<128xi32, #tpu.memory_space<vmem>>
    %dma_start3A_1568 = arith.constant 0 : i32
    %dma_start3A_1569 = tpu.memref_slice %arg11[%dma_start3A_1568] : memref<79872xf32, #tpu.memory_space<vmem_shared>> -> memref<79872xf32, #tpu.memory_space<vmem_shared>>
    tpu.enqueue_indirect_dma source(%dma_start3A_1564 : memref<128xf32, #tpu.memory_space<vmem>>) target(%dma_start3A_1569 : memref<79872xf32, #tpu.memory_space<vmem_shared>>) offsets(%dma_start3A_1567 : memref<128xi32, #tpu.memory_space<vmem>>) semaphore(%arg12 : memref<!tpu.dma_semaphore, #tpu.memory_space<semaphore_mem>>) {add = true}
    %dma_wait3A_1570 = arith.constant 48 : i32
    %dma_wait3A_1571 = arith.constant 48 : i32
    %dma_wait3A_1572 = arith.constant 0 : i32
    %dma_wait3A_1573 = tpu.memref_slice %arg8[%dma_wait3A_1570, %dma_wait3A_1572] : memref<50x128xf32, #tpu.memory_space<vmem>> -> memref<1x128xf32, #tpu.memory_space<vmem>>
    %dma_wait3A_1574 = tpu.memref_squeeze %dma_wait3A_1573 : memref<1x128xf32, #tpu.memory_space<vmem>> -> memref<128xf32, #tpu.memory_space<vmem>>
    %dma_wait3A_1575 = arith.constant 0 : i32
    %dma_wait3A_1576 = tpu.memref_slice %arg7[%dma_wait3A_1571, %dma_wait3A_1575] : memref<59x128xi32, #tpu.memory_space<vmem>> -> memref<1x128xi32, #tpu.memory_space<vmem>>
    %dma_wait3A_1577 = tpu.memref_squeeze %dma_wait3A_1576 : memref<1x128xi32, #tpu.memory_space<vmem>> -> memref<128xi32, #tpu.memory_space<vmem>>
    %dma_wait3A_1578 = arith.constant 0 : i32
    %dma_wait3A_1579 = tpu.memref_slice %arg11[%dma_wait3A_1578] : memref<79872xf32, #tpu.memory_space<vmem_shared>> -> memref<79872xf32, #tpu.memory_space<vmem_shared>>
    tpu.wait_indirect_dma semaphore(%arg12 : memref<!tpu.dma_semaphore, #tpu.memory_space<semaphore_mem>>) src(%dma_wait3A_1574 : memref<128xf32, #tpu.memory_space<vmem>>) dst(%dma_wait3A_1579 : memref<79872xf32, #tpu.memory_space<vmem_shared>>)
    %dma_wait3A_1580 = arith.constant 49 : i32
    %dma_wait3A_1581 = arith.constant 49 : i32
    %dma_wait3A_1582 = arith.constant 0 : i32
    %dma_wait3A_1583 = tpu.memref_slice %arg8[%dma_wait3A_1580, %dma_wait3A_1582] : memref<50x128xf32, #tpu.memory_space<vmem>> -> memref<1x128xf32, #tpu.memory_space<vmem>>
    %dma_wait3A_1584 = tpu.memref_squeeze %dma_wait3A_1583 : memref<1x128xf32, #tpu.memory_space<vmem>> -> memref<128xf32, #tpu.memory_space<vmem>>
    %dma_wait3A_1585 = arith.constant 0 : i32
    %dma_wait3A_1586 = tpu.memref_slice %arg7[%dma_wait3A_1581, %dma_wait3A_1585] : memref<59x128xi32, #tpu.memory_space<vmem>> -> memref<1x128xi32, #tpu.memory_space<vmem>>
    %dma_wait3A_1587 = tpu.memref_squeeze %dma_wait3A_1586 : memref<1x128xi32, #tpu.memory_space<vmem>> -> memref<128xi32, #tpu.memory_space<vmem>>
    %dma_wait3A_1588 = arith.constant 0 : i32
    %dma_wait3A_1589 = tpu.memref_slice %arg11[%dma_wait3A_1588] : memref<79872xf32, #tpu.memory_space<vmem_shared>> -> memref<79872xf32, #tpu.memory_space<vmem_shared>>
    tpu.wait_indirect_dma semaphore(%arg12 : memref<!tpu.dma_semaphore, #tpu.memory_space<semaphore_mem>>) src(%dma_wait3A_1584 : memref<128xf32, #tpu.memory_space<vmem>>) dst(%dma_wait3A_1589 : memref<79872xf32, #tpu.memory_space<vmem_shared>>)
    %dma_wait3A_1590 = arith.constant 50 : i32
    %dma_wait3A_1591 = arith.constant 0 : i32
    %dma_wait3A_1592 = tpu.memref_slice %arg9[%dma_wait3A_1591] : memref<1152xf32, #tpu.memory_space<vmem>> -> memref<128xf32, #tpu.memory_space<vmem>>
    %dma_wait3A_1593 = arith.constant 0 : i32
    %dma_wait3A_1594 = tpu.memref_slice %arg7[%dma_wait3A_1590, %dma_wait3A_1593] : memref<59x128xi32, #tpu.memory_space<vmem>> -> memref<1x128xi32, #tpu.memory_space<vmem>>
    %dma_wait3A_1595 = tpu.memref_squeeze %dma_wait3A_1594 : memref<1x128xi32, #tpu.memory_space<vmem>> -> memref<128xi32, #tpu.memory_space<vmem>>
    %dma_wait3A_1596 = arith.constant 0 : i32
    %dma_wait3A_1597 = tpu.memref_slice %arg11[%dma_wait3A_1596] : memref<79872xf32, #tpu.memory_space<vmem_shared>> -> memref<79872xf32, #tpu.memory_space<vmem_shared>>
    tpu.wait_indirect_dma semaphore(%arg12 : memref<!tpu.dma_semaphore, #tpu.memory_space<semaphore_mem>>) src(%dma_wait3A_1592 : memref<128xf32, #tpu.memory_space<vmem>>) dst(%dma_wait3A_1597 : memref<79872xf32, #tpu.memory_space<vmem_shared>>)
    %dma_wait3A_1598 = arith.constant 51 : i32
    %dma_wait3A_1599 = arith.constant 128 : i32
    %dma_wait3A_1600 = tpu.memref_slice %arg9[%dma_wait3A_1599] : memref<1152xf32, #tpu.memory_space<vmem>> -> memref<128xf32, #tpu.memory_space<vmem>>
    %dma_wait3A_1601 = arith.constant 0 : i32
    %dma_wait3A_1602 = tpu.memref_slice %arg7[%dma_wait3A_1598, %dma_wait3A_1601] : memref<59x128xi32, #tpu.memory_space<vmem>> -> memref<1x128xi32, #tpu.memory_space<vmem>>
    %dma_wait3A_1603 = tpu.memref_squeeze %dma_wait3A_1602 : memref<1x128xi32, #tpu.memory_space<vmem>> -> memref<128xi32, #tpu.memory_space<vmem>>
    %dma_wait3A_1604 = arith.constant 0 : i32
    %dma_wait3A_1605 = tpu.memref_slice %arg11[%dma_wait3A_1604] : memref<79872xf32, #tpu.memory_space<vmem_shared>> -> memref<79872xf32, #tpu.memory_space<vmem_shared>>
    tpu.wait_indirect_dma semaphore(%arg12 : memref<!tpu.dma_semaphore, #tpu.memory_space<semaphore_mem>>) src(%dma_wait3A_1600 : memref<128xf32, #tpu.memory_space<vmem>>) dst(%dma_wait3A_1605 : memref<79872xf32, #tpu.memory_space<vmem_shared>>)
    %dma_wait3A_1606 = arith.constant 52 : i32
    %dma_wait3A_1607 = arith.constant 256 : i32
    %dma_wait3A_1608 = tpu.memref_slice %arg9[%dma_wait3A_1607] : memref<1152xf32, #tpu.memory_space<vmem>> -> memref<128xf32, #tpu.memory_space<vmem>>
    %dma_wait3A_1609 = arith.constant 0 : i32
    %dma_wait3A_1610 = tpu.memref_slice %arg7[%dma_wait3A_1606, %dma_wait3A_1609] : memref<59x128xi32, #tpu.memory_space<vmem>> -> memref<1x128xi32, #tpu.memory_space<vmem>>
    %dma_wait3A_1611 = tpu.memref_squeeze %dma_wait3A_1610 : memref<1x128xi32, #tpu.memory_space<vmem>> -> memref<128xi32, #tpu.memory_space<vmem>>
    %dma_wait3A_1612 = arith.constant 0 : i32
    %dma_wait3A_1613 = tpu.memref_slice %arg11[%dma_wait3A_1612] : memref<79872xf32, #tpu.memory_space<vmem_shared>> -> memref<79872xf32, #tpu.memory_space<vmem_shared>>
    tpu.wait_indirect_dma semaphore(%arg12 : memref<!tpu.dma_semaphore, #tpu.memory_space<semaphore_mem>>) src(%dma_wait3A_1608 : memref<128xf32, #tpu.memory_space<vmem>>) dst(%dma_wait3A_1613 : memref<79872xf32, #tpu.memory_space<vmem_shared>>)
    %dma_wait3A_1614 = arith.constant 53 : i32
    %dma_wait3A_1615 = arith.constant 384 : i32
    %dma_wait3A_1616 = tpu.memref_slice %arg9[%dma_wait3A_1615] : memref<1152xf32, #tpu.memory_space<vmem>> -> memref<128xf32, #tpu.memory_space<vmem>>
    %dma_wait3A_1617 = arith.constant 0 : i32
    %dma_wait3A_1618 = tpu.memref_slice %arg7[%dma_wait3A_1614, %dma_wait3A_1617] : memref<59x128xi32, #tpu.memory_space<vmem>> -> memref<1x128xi32, #tpu.memory_space<vmem>>
    %dma_wait3A_1619 = tpu.memref_squeeze %dma_wait3A_1618 : memref<1x128xi32, #tpu.memory_space<vmem>> -> memref<128xi32, #tpu.memory_space<vmem>>
    %dma_wait3A_1620 = arith.constant 0 : i32
    %dma_wait3A_1621 = tpu.memref_slice %arg11[%dma_wait3A_1620] : memref<79872xf32, #tpu.memory_space<vmem_shared>> -> memref<79872xf32, #tpu.memory_space<vmem_shared>>
    tpu.wait_indirect_dma semaphore(%arg12 : memref<!tpu.dma_semaphore, #tpu.memory_space<semaphore_mem>>) src(%dma_wait3A_1616 : memref<128xf32, #tpu.memory_space<vmem>>) dst(%dma_wait3A_1621 : memref<79872xf32, #tpu.memory_space<vmem_shared>>)
    %dma_wait3A_1622 = arith.constant 54 : i32
    %dma_wait3A_1623 = arith.constant 512 : i32
    %dma_wait3A_1624 = tpu.memref_slice %arg9[%dma_wait3A_1623] : memref<1152xf32, #tpu.memory_space<vmem>> -> memref<128xf32, #tpu.memory_space<vmem>>
    %dma_wait3A_1625 = arith.constant 0 : i32
    %dma_wait3A_1626 = tpu.memref_slice %arg7[%dma_wait3A_1622, %dma_wait3A_1625] : memref<59x128xi32, #tpu.memory_space<vmem>> -> memref<1x128xi32, #tpu.memory_space<vmem>>
    %dma_wait3A_1627 = tpu.memref_squeeze %dma_wait3A_1626 : memref<1x128xi32, #tpu.memory_space<vmem>> -> memref<128xi32, #tpu.memory_space<vmem>>
    %dma_wait3A_1628 = arith.constant 0 : i32
    %dma_wait3A_1629 = tpu.memref_slice %arg11[%dma_wait3A_1628] : memref<79872xf32, #tpu.memory_space<vmem_shared>> -> memref<79872xf32, #tpu.memory_space<vmem_shared>>
    tpu.wait_indirect_dma semaphore(%arg12 : memref<!tpu.dma_semaphore, #tpu.memory_space<semaphore_mem>>) src(%dma_wait3A_1624 : memref<128xf32, #tpu.memory_space<vmem>>) dst(%dma_wait3A_1629 : memref<79872xf32, #tpu.memory_space<vmem_shared>>)
    %dma_wait3A_1630 = arith.constant 55 : i32
    %dma_wait3A_1631 = arith.constant 640 : i32
    %dma_wait3A_1632 = tpu.memref_slice %arg9[%dma_wait3A_1631] : memref<1152xf32, #tpu.memory_space<vmem>> -> memref<128xf32, #tpu.memory_space<vmem>>
    %dma_wait3A_1633 = arith.constant 0 : i32
    %dma_wait3A_1634 = tpu.memref_slice %arg7[%dma_wait3A_1630, %dma_wait3A_1633] : memref<59x128xi32, #tpu.memory_space<vmem>> -> memref<1x128xi32, #tpu.memory_space<vmem>>
    %dma_wait3A_1635 = tpu.memref_squeeze %dma_wait3A_1634 : memref<1x128xi32, #tpu.memory_space<vmem>> -> memref<128xi32, #tpu.memory_space<vmem>>
    %dma_wait3A_1636 = arith.constant 0 : i32
    %dma_wait3A_1637 = tpu.memref_slice %arg11[%dma_wait3A_1636] : memref<79872xf32, #tpu.memory_space<vmem_shared>> -> memref<79872xf32, #tpu.memory_space<vmem_shared>>
    tpu.wait_indirect_dma semaphore(%arg12 : memref<!tpu.dma_semaphore, #tpu.memory_space<semaphore_mem>>) src(%dma_wait3A_1632 : memref<128xf32, #tpu.memory_space<vmem>>) dst(%dma_wait3A_1637 : memref<79872xf32, #tpu.memory_space<vmem_shared>>)
    %dma_start3A_1638 = arith.constant 56 : i32
    %dma_start3A_1639 = arith.constant 768 : i32
    %dma_start3A_1640 = tpu.memref_slice %arg9[%dma_start3A_1639] : memref<1152xf32, #tpu.memory_space<vmem>> -> memref<128xf32, #tpu.memory_space<vmem>>
    %dma_start3A_1641 = arith.constant 0 : i32
    %dma_start3A_1642 = tpu.memref_slice %arg7[%dma_start3A_1638, %dma_start3A_1641] : memref<59x128xi32, #tpu.memory_space<vmem>> -> memref<1x128xi32, #tpu.memory_space<vmem>>
    %dma_start3A_1643 = tpu.memref_squeeze %dma_start3A_1642 : memref<1x128xi32, #tpu.memory_space<vmem>> -> memref<128xi32, #tpu.memory_space<vmem>>
    %dma_start3A_1644 = arith.constant 0 : i32
    %dma_start3A_1645 = tpu.memref_slice %arg11[%dma_start3A_1644] : memref<79872xf32, #tpu.memory_space<vmem_shared>> -> memref<79872xf32, #tpu.memory_space<vmem_shared>>
    tpu.enqueue_indirect_dma source(%dma_start3A_1640 : memref<128xf32, #tpu.memory_space<vmem>>) target(%dma_start3A_1645 : memref<79872xf32, #tpu.memory_space<vmem_shared>>) offsets(%dma_start3A_1643 : memref<128xi32, #tpu.memory_space<vmem>>) semaphore(%arg12 : memref<!tpu.dma_semaphore, #tpu.memory_space<semaphore_mem>>) {add = true}
    %dma_start3A_1646 = arith.constant 57 : i32
    %dma_start3A_1647 = arith.constant 896 : i32
    %dma_start3A_1648 = tpu.memref_slice %arg9[%dma_start3A_1647] : memref<1152xf32, #tpu.memory_space<vmem>> -> memref<128xf32, #tpu.memory_space<vmem>>
    %dma_start3A_1649 = arith.constant 0 : i32
    %dma_start3A_1650 = tpu.memref_slice %arg7[%dma_start3A_1646, %dma_start3A_1649] : memref<59x128xi32, #tpu.memory_space<vmem>> -> memref<1x128xi32, #tpu.memory_space<vmem>>
    %dma_start3A_1651 = tpu.memref_squeeze %dma_start3A_1650 : memref<1x128xi32, #tpu.memory_space<vmem>> -> memref<128xi32, #tpu.memory_space<vmem>>
    %dma_start3A_1652 = arith.constant 0 : i32
    %dma_start3A_1653 = tpu.memref_slice %arg11[%dma_start3A_1652] : memref<79872xf32, #tpu.memory_space<vmem_shared>> -> memref<79872xf32, #tpu.memory_space<vmem_shared>>
    tpu.enqueue_indirect_dma source(%dma_start3A_1648 : memref<128xf32, #tpu.memory_space<vmem>>) target(%dma_start3A_1653 : memref<79872xf32, #tpu.memory_space<vmem_shared>>) offsets(%dma_start3A_1651 : memref<128xi32, #tpu.memory_space<vmem>>) semaphore(%arg12 : memref<!tpu.dma_semaphore, #tpu.memory_space<semaphore_mem>>) {add = true}
    %dma_start3A_1654 = arith.constant 58 : i32
    %dma_start3A_1655 = arith.constant 1024 : i32
    %dma_start3A_1656 = tpu.memref_slice %arg9[%dma_start3A_1655] : memref<1152xf32, #tpu.memory_space<vmem>> -> memref<128xf32, #tpu.memory_space<vmem>>
    %dma_start3A_1657 = arith.constant 0 : i32
    %dma_start3A_1658 = tpu.memref_slice %arg7[%dma_start3A_1654, %dma_start3A_1657] : memref<59x128xi32, #tpu.memory_space<vmem>> -> memref<1x128xi32, #tpu.memory_space<vmem>>
    %dma_start3A_1659 = tpu.memref_squeeze %dma_start3A_1658 : memref<1x128xi32, #tpu.memory_space<vmem>> -> memref<128xi32, #tpu.memory_space<vmem>>
    %dma_start3A_1660 = arith.constant 0 : i32
    %dma_start3A_1661 = tpu.memref_slice %arg11[%dma_start3A_1660] : memref<79872xf32, #tpu.memory_space<vmem_shared>> -> memref<79872xf32, #tpu.memory_space<vmem_shared>>
    tpu.enqueue_indirect_dma source(%dma_start3A_1656 : memref<128xf32, #tpu.memory_space<vmem>>) target(%dma_start3A_1661 : memref<79872xf32, #tpu.memory_space<vmem_shared>>) offsets(%dma_start3A_1659 : memref<128xi32, #tpu.memory_space<vmem>>) semaphore(%arg12 : memref<!tpu.dma_semaphore, #tpu.memory_space<semaphore_mem>>) {add = true}
    %dma_wait3A_1662 = arith.constant 56 : i32
    %dma_wait3A_1663 = arith.constant 768 : i32
    %dma_wait3A_1664 = tpu.memref_slice %arg9[%dma_wait3A_1663] : memref<1152xf32, #tpu.memory_space<vmem>> -> memref<128xf32, #tpu.memory_space<vmem>>
    %dma_wait3A_1665 = arith.constant 0 : i32
    %dma_wait3A_1666 = tpu.memref_slice %arg7[%dma_wait3A_1662, %dma_wait3A_1665] : memref<59x128xi32, #tpu.memory_space<vmem>> -> memref<1x128xi32, #tpu.memory_space<vmem>>
    %dma_wait3A_1667 = tpu.memref_squeeze %dma_wait3A_1666 : memref<1x128xi32, #tpu.memory_space<vmem>> -> memref<128xi32, #tpu.memory_space<vmem>>
    %dma_wait3A_1668 = arith.constant 0 : i32
    %dma_wait3A_1669 = tpu.memref_slice %arg11[%dma_wait3A_1668] : memref<79872xf32, #tpu.memory_space<vmem_shared>> -> memref<79872xf32, #tpu.memory_space<vmem_shared>>
    tpu.wait_indirect_dma semaphore(%arg12 : memref<!tpu.dma_semaphore, #tpu.memory_space<semaphore_mem>>) src(%dma_wait3A_1664 : memref<128xf32, #tpu.memory_space<vmem>>) dst(%dma_wait3A_1669 : memref<79872xf32, #tpu.memory_space<vmem_shared>>)
    %dma_wait3A_1670 = arith.constant 57 : i32
    %dma_wait3A_1671 = arith.constant 896 : i32
    %dma_wait3A_1672 = tpu.memref_slice %arg9[%dma_wait3A_1671] : memref<1152xf32, #tpu.memory_space<vmem>> -> memref<128xf32, #tpu.memory_space<vmem>>
    %dma_wait3A_1673 = arith.constant 0 : i32
    %dma_wait3A_1674 = tpu.memref_slice %arg7[%dma_wait3A_1670, %dma_wait3A_1673] : memref<59x128xi32, #tpu.memory_space<vmem>> -> memref<1x128xi32, #tpu.memory_space<vmem>>
    %dma_wait3A_1675 = tpu.memref_squeeze %dma_wait3A_1674 : memref<1x128xi32, #tpu.memory_space<vmem>> -> memref<128xi32, #tpu.memory_space<vmem>>
    %dma_wait3A_1676 = arith.constant 0 : i32
    %dma_wait3A_1677 = tpu.memref_slice %arg11[%dma_wait3A_1676] : memref<79872xf32, #tpu.memory_space<vmem_shared>> -> memref<79872xf32, #tpu.memory_space<vmem_shared>>
    tpu.wait_indirect_dma semaphore(%arg12 : memref<!tpu.dma_semaphore, #tpu.memory_space<semaphore_mem>>) src(%dma_wait3A_1672 : memref<128xf32, #tpu.memory_space<vmem>>) dst(%dma_wait3A_1677 : memref<79872xf32, #tpu.memory_space<vmem_shared>>)
    %dma_wait3A_1678 = arith.constant 58 : i32
    %dma_wait3A_1679 = arith.constant 1024 : i32
    %dma_wait3A_1680 = tpu.memref_slice %arg9[%dma_wait3A_1679] : memref<1152xf32, #tpu.memory_space<vmem>> -> memref<128xf32, #tpu.memory_space<vmem>>
    %dma_wait3A_1681 = arith.constant 0 : i32
    %dma_wait3A_1682 = tpu.memref_slice %arg7[%dma_wait3A_1678, %dma_wait3A_1681] : memref<59x128xi32, #tpu.memory_space<vmem>> -> memref<1x128xi32, #tpu.memory_space<vmem>>
    %dma_wait3A_1683 = tpu.memref_squeeze %dma_wait3A_1682 : memref<1x128xi32, #tpu.memory_space<vmem>> -> memref<128xi32, #tpu.memory_space<vmem>>
    %dma_wait3A_1684 = arith.constant 0 : i32
    %dma_wait3A_1685 = tpu.memref_slice %arg11[%dma_wait3A_1684] : memref<79872xf32, #tpu.memory_space<vmem_shared>> -> memref<79872xf32, #tpu.memory_space<vmem_shared>>
    tpu.wait_indirect_dma semaphore(%arg12 : memref<!tpu.dma_semaphore, #tpu.memory_space<semaphore_mem>>) src(%dma_wait3A_1680 : memref<128xf32, #tpu.memory_space<vmem>>) dst(%dma_wait3A_1685 : memref<79872xf32, #tpu.memory_space<vmem_shared>>)
    %barrier3A_1686 = arith.constant 0 : index
    tpu.barrier barrier_id(%barrier3A_1686)
    %mul3A_1687 = arith.constant 4992 : i32
    %mul3A_1688 = arith.muli %arg1, %mul3A_1687 : i32
    "tpu.region"() ({
      %run_scoped3A = tpu.sem_alloc : memref<!tpu.dma_semaphore, #tpu.memory_space<semaphore_mem>>
      %dma_start3A_1692 = tpu.memref_slice %arg11[%mul3A_1688] : memref<79872xf32, #tpu.memory_space<vmem_shared>> -> memref<4992xf32, #tpu.memory_space<vmem_shared>>
      %dma_start3A_1693 = tpu.memref_slice %arg11[%mul3A_1688] : memref<79872xf32, #tpu.memory_space<vmem_shared>> -> memref<4992xf32, #tpu.memory_space<vmem_shared>>
      tpu.enqueue_dma source(%dma_start3A_1693 : memref<4992xf32, #tpu.memory_space<vmem_shared>>) target(%arg10 : memref<4992xf32, #tpu.memory_space<vmem>>) target_semaphore(%run_scoped3A : memref<!tpu.dma_semaphore, #tpu.memory_space<semaphore_mem>>)
      %dma_wait3A_1694 = tpu.memref_slice %arg11[%mul3A_1688] : memref<79872xf32, #tpu.memory_space<vmem_shared>> -> memref<4992xf32, #tpu.memory_space<vmem_shared>>
      %dma_wait3A_1695 = tpu.memref_slice %arg11[%mul3A_1688] : memref<79872xf32, #tpu.memory_space<vmem_shared>> -> memref<4992xf32, #tpu.memory_space<vmem_shared>>
      tpu.wait_dma2 semaphore(%run_scoped3A : memref<!tpu.dma_semaphore, #tpu.memory_space<semaphore_mem>>) src(%dma_wait3A_1695 : memref<4992xf32, #tpu.memory_space<vmem_shared>>) dst(%arg10 : memref<4992xf32, #tpu.memory_space<vmem>>)
      tpu.yield
    }) : () -> ()
    %mul3A_1689 = arith.constant 79872 : i32
    %mul3A_1690 = arith.muli %arg0, %mul3A_1689 : i32
    %add3A_1691 = arith.addi %mul3A_1690, %mul3A_1688 : i32
    "tpu.region"() ({
      %run_scoped3A = tpu.sem_alloc : memref<!tpu.dma_semaphore, #tpu.memory_space<semaphore_mem>>
      %dma_start3A_1692 = tpu.memref_slice %arg4[%add3A_1691] : memref<159744xf32, #tpu.memory_space<hbm>> -> memref<4992xf32, #tpu.memory_space<hbm>>
      %dma_start3A_1693 = tpu.memref_slice %arg4[%add3A_1691] : memref<159744xf32, #tpu.memory_space<hbm>> -> memref<4992xf32, #tpu.memory_space<hbm>>
      tpu.enqueue_dma source(%arg10 : memref<4992xf32, #tpu.memory_space<vmem>>) target(%dma_start3A_1693 : memref<4992xf32, #tpu.memory_space<hbm>>) target_semaphore(%run_scoped3A : memref<!tpu.dma_semaphore, #tpu.memory_space<semaphore_mem>>)
      %dma_wait3A_1694 = tpu.memref_slice %arg4[%add3A_1691] : memref<159744xf32, #tpu.memory_space<hbm>> -> memref<4992xf32, #tpu.memory_space<hbm>>
      %dma_wait3A_1695 = tpu.memref_slice %arg4[%add3A_1691] : memref<159744xf32, #tpu.memory_space<hbm>> -> memref<4992xf32, #tpu.memory_space<hbm>>
      tpu.wait_dma2 semaphore(%run_scoped3A : memref<!tpu.dma_semaphore, #tpu.memory_space<semaphore_mem>>) src(%arg10 : memref<4992xf32, #tpu.memory_space<vmem>>) dst(%dma_wait3A_1695 : memref<4992xf32, #tpu.memory_space<hbm>>)
      tpu.yield
    }) : () -> ()
    return
  }
}

</mosaic_0001>

<sc_bundles>
// kernel: _sc_hist.3.cloned.1.call-start
scs
__scs_entry_jumppad:
0x0: {  	(pc) =	sbr.rel $0x88, $3  }
0x1: {  	(tag) =	ssettag $0x0;
	lr =	simm.s32 $0x1  }
0x2: {  	[smem:$0x3F9F] =	sst lr;
	_ =	strace $0xD0000000  }
0x3: {  	_ = 	snop  }
0x4: {  	_ = 	snop  }
0x5: {  	_ = 	snop  }
0x6: {  	_ = 	snop  }
0x7: {  	_ = 	snop  }
__scs_overlays_trampoline_lowered:
0x8: {  	[smem:$0x3FAE] =	sst s0  }
0x9: {  	[smem:$0x3FAF] =	sst s1  }
0xa: {  	[smem:$0x3FB0] =	sst s2  }
0xb: {  	[smem:$0x3FB1] =	sst s3  }
0xc: {  	[smem:$0x3FB2] =	sst s4  }
0xd: {  	[smem:$0x3FB3] =	sst s5  }
0xe: {  	[smem:$0x3FB4] =	sst s6  }
0xf: {  	[smem:$0x3FB5] =	sst s7  }
0x10: {  	[smem:$0x3FB6] =	sst s8  }
0x11: {  	[smem:$0x3FB7] =	sst s9;
	s0 =	simm.s32 @!p0 $0x0  }
0x12: {  	s1 =	sld [smem:$0x3F9D];
	s0 =	simm.s32 @p0 $0x1  }
0x13: {  	[smem:$0x3FB8] =	sst s0;
	s0 =	simm.s32 @!p1 $0x0  }
0x14: {  	s2 =	sld [smem:$0x3F9C];
	s0 =	simm.s32 @p1 $0x1  }
0x15: {  	[smem:$0x3FB9] =	sst s0;
	s0 =	simm.s32 @!p2 $0x0  }
0x16: {  	s3 =	sld [smem:$0x3FDB];
	s0 =	simm.s32 @p2 $0x1  }
0x17: {  	s4 =	simm.s32 $0x1BF5;
	[smem:$0x3FBB] =	sst s0  }
0x18: {  	s0 =	sld [smem:$0x3F9E];
	_ =	swait.ge [sflag:s4], $0x0  }
0x19: {  	s7 =	sld [smem:$0x3F9F]  }
0x1a: {  	s8 =	sadd.s32 $0xFFFFE003, lr  }
0x1b: {  	s9 =	sadd.s32 $0xFFFFFEF7, lr;
	s5 =	simm.s32 $0xFFFFFFFF;
	p2 =	slt.u32 s8, $0xFFFFF086  }
0x1c: {  	p1 =	slt.u32 s9, $0xF7A;
	s5 =	simm.s32 @!p2 $0x0  }
0x1d: {  	s5 =	simm.s32 @p1 $0x1;
	p0 =	seq.s32 s7, s2  }
0x1e: {  	s7 =	smul.u32 @!p0 $0xF7A, s2;
	p2 =	seq.s32 @!p0 s5, $0x0  }
0x1f: {  	s9 =	smul.u32 $0xF7A, s1;
	s8 =	simm.s32 @!p0 $0x1BF5;
	p2 =	por !p2, p0  }
0x20: {  	[sflag:s8] =	ssyncset.s32 @!p0 $0xFFFFF086;
	s6 =	sadd.s32 @!p0 s3, s7;
	s7 =	simm.s32 @!p0 $0x108  }
0x21: {  	s3 =	sadd.s32 s3, s9;
	s6 =	sadd.s32 @!p0 $0x88, s6;
	s7 =	simm.s32 @p2 $0x1082  }
0x22: {  	[simem:s7], [sflag:s8] =	dma.local @!p0 [hbm:s6], $0xF7A  }
0x23: {  	s9 =	sor.u32 $0xD0000000, s2;
	s6 =	simm.s32 $0x108;
	_ =	swait.ge @!p0 [sflag:s8], $0x0  }
0x24: {  	s3 =	sadd.s32 $0x88, s3;
	s6 =	simm.s32 @!p1 $0x1082;
	[sflag:s4] =	ssyncset.s32 $0xFFFFF086  }
0x25: {  	[simem:s6], [sflag:s4] =	dma.local [hbm:s3], $0xF7A  }
0x26: {  	[smem:$0x3F9F] =	sst s1;
	(tag) =	ssettag s2;
	_ =	strace s9  }
0x27: {  	s1 =	sld [smem:$0x3FAF]  }
0x28: {  	s2 =	sld [smem:$0x3FB0]  }
0x29: {  	s4 =	sld [smem:$0x3FB2]  }
0x2a: {  	p0 =	seq.s32 s5, $0x0;
	s5 =	sld [smem:$0x3FB3]  }
0x2b: {  	s6 =	sld [smem:$0x3FB4]  }
0x2c: {  	s7 =	sld [smem:$0x3FB5]  }
0x2d: {  	s3 =	simm.s32 $0x108;
	s8 =	sld [smem:$0x3FB6]  }
0x2e: {  	s3 =	simm.s32 @!p0 $0x1082;
	s9 =	sld [smem:$0x3FB7]  }
0x2f: {  	lr =	sadd.s32 s0, s3;
	s0 =	sld [smem:$0x3FAE]  }
0x30: {  	s3 =	sld [smem:$0x3FB1]  }
0x31: {  	[smem:$0x3FBA] =	sst s10  }
0x32: {  	s10 =	sld [smem:$0x3FB8];
	_ =	sdelay $0x3  }
0x33: {  	p0 =	seq.s32 s10, $0x1;
	s10 =	sld [smem:$0x3FBA];
	_ =	sdelay $0x3  }
0x34: {  	[smem:$0x3FBA] =	sst s10  }
0x35: {  	s10 =	sld [smem:$0x3FB9];
	_ =	sdelay $0x3  }
0x36: {  	p1 =	seq.s32 s10, $0x1;
	s10 =	sld [smem:$0x3FBA];
	_ =	sdelay $0x3  }
0x37: {  	[smem:$0x3FBA] =	sst s10  }
0x38: {  	s10 =	sld [smem:$0x3FBB]  }
0x39: {  	_ = 	snop;
	(pc) =	sbr.ind lr, $3  }
0x3a: {  	_ = 	snop  }
0x3b: {  	_ = 	snop  }
0x3c: {  	p2 =	seq.s32 s10, $0x1;
	s10 =	sld [smem:$0x3FBA]  }
0x3d: {  	_ =	shalt  }
0x3e: {  	_ =	shalt  }
0x3f: {  	_ =	shalt  }
0x40: {  	_ =	shalt  }
0x41: {  	_ =	shalt  }
0x42: {  	_ =	shalt  }
0x43: {  	_ =	shalt  }
0x44: {  	_ =	shalt  }
0x45: {  	_ =	shalt  }
0x46: {  	_ =	shalt  }
0x47: {  	_ =	shalt  }
0x48: {  	_ =	shalt  }
0x49: {  	_ =	shalt  }
0x4a: {  	_ =	shalt  }
0x4b: {  	_ =	shalt  }
0x4c: {  	_ =	shalt  }
0x4d: {  	_ =	shalt  }
0x4e: {  	_ =	shalt  }
0x4f: {  	_ =	shalt  }
0x50: {  	_ =	shalt  }
0x51: {  	_ =	shalt  }
0x52: {  	_ =	shalt  }
0x53: {  	_ =	shalt  }
0x54: {  	_ =	shalt  }
0x55: {  	_ =	shalt  }
0x56: {  	_ =	shalt  }
0x57: {  	_ =	shalt  }
0x58: {  	_ =	shalt  }
0x59: {  	_ =	shalt  }
0x5a: {  	_ =	shalt  }
0x5b: {  	_ =	shalt  }
0x5c: {  	_ =	shalt  }
0x5d: {  	_ =	shalt  }
0x5e: {  	_ =	shalt  }
0x5f: {  	_ =	shalt  }
0x60: {  	_ =	shalt  }
0x61: {  	_ =	shalt  }
0x62: {  	_ =	shalt  }
0x63: {  	_ =	shalt  }
0x64: {  	_ =	shalt  }
0x65: {  	_ =	shalt  }
0x66: {  	_ =	shalt  }
0x67: {  	_ =	shalt  }
0x68: {  	_ =	shalt  }
0x69: {  	_ =	shalt  }
0x6a: {  	_ =	shalt  }
0x6b: {  	_ =	shalt  }
0x6c: {  	_ =	shalt  }
0x6d: {  	_ =	shalt  }
0x6e: {  	_ =	shalt  }
0x6f: {  	_ =	shalt  }
0x70: {  	_ =	shalt  }
0x71: {  	_ =	shalt  }
0x72: {  	_ =	shalt  }
0x73: {  	_ =	shalt  }
0x74: {  	_ =	shalt  }
0x75: {  	_ =	shalt  }
0x76: {  	_ =	shalt  }
0x77: {  	_ =	shalt  }
0x78: {  	_ =	shalt  }
0x79: {  	_ =	shalt  }
0x7a: {  	_ =	shalt  }
0x7b: {  	_ =	shalt  }
0x7c: {  	_ =	shalt  }
0x7d: {  	_ =	shalt  }
0x7e: {  	_ =	shalt  }
0x7f: {  	_ =	shalt  }
0x80: {  	_ =	shalt  }
0x81: {  	_ =	shalt  }
0x82: {  	_ =	shalt  }
0x83: {  	_ =	shalt  }
0x84: {  	_ =	shalt  }
0x85: {  	_ =	shalt  }
0x86: {  	_ =	shalt  }
0x87: {  	_ =	shalt  }
.Lfunc_end0:
.L_simem_size_0:
called_computation_lowered:
.L_overlay_start_0:
0x88: {  	s2 =	sld [smem:$0x3FD9]  }
0x89: {  	s3 =	sld [smem:$0x3FFE];
	_ =	sdelay $0x1  }
0x8a: {  	s1 =	srdreg.scid  }
0x8b: {  	s0 =	sand.u32 $0x1, s1  }
0x8c: {  	s18 =	sshll.u32 s0, $0xA;
	s2 =	sadd.s32 s3, s2  }
0x8d: {  	s2 =	sadd.s32 s2, s18  }
0x8e: {  	[smem:$0x3FC6] =	sst s2  }
0x8f: {  	_ = 	snop  }
0x90: {  	s2 =	sld [smem:$0x3FC9]  }
0x91: {  	s19 =	sld [smem:$0x3FC8]  }
0x92: {  	s4 =	sld [smem:$0x3FD0];
	(tm) =	ssettm $0x1  }
0x93: {  	s5 =	sld [smem:$0x3FFB];
	_ =	sdelay $0x3  }
0x94: {  	_ =	strace s5  }
0x95: {  	s5 =	sld [smem:$0x3FFC];
	_ =	sdelay $0x3  }
0x96: {  	_ =	strace s5  }
0x97: {  	s5 =	sld [smem:$0x3FFD];
	_ =	sdelay $0x3  }
0x98: {  	_ =	strace s5  }
0x99: {  	_ =	strace $0x8FFFFFFF  }
0x9a: {  	s20 =	sld [smem:$0x3FDB];
	_ =	sdelay $0x1  }
0x9b: {  	s6 =	simm.s32 $_scs_section_size  }
0x9c: {  	s7 =	simm.s32 $_size__tile_overlayer_lowered;
	s8 =	simm.s32 $_tile_overlayer_lowered  }
0x9d: {  	s23 =	simm.s32 $0x1BFF;
	s22 =	sshll.u32 s8, $0x1;
	s5 =	sadd.s32 s6, s20  }
0x9e: {  	s9 =	simm.s32 $0x0;
	s21 =	sshll.u32 s7, $0x1;
	s7 =	sadd.s32 s22, s5  }
0x9f: {  	[timem:s9], [sflag:s23] =	dma.local [hbm:s7], s21  }
0xa0: {  	_ =	swait.ge [sflag:s23], s21  }
0xa1: {  	s6 =	ssub.s32 $0x0, s21;
	[sflag:s23] =	ssyncset.done $0x0  }
0xa2: {  	[sflag:s23] =	ssyncadd.s32 s6;
	_ =	sdelay $0x1  }
0xa3: {  	s24 =	simm.s32 $0x1B8B  }
0xa4: {  	_ =	swait.ge [sflag:s24], $0x1  }
0xa5: {  	[sflag:s24] =	ssyncset.done $0x0  }
0xa6: {  	s25 =	simm.s32 $0x1B8E;
	[sflag:s24] =	ssyncadd.s32 $0xFFFFFFFF  }
0xa7: {  	s26 =	simm.s32 $execute0_lowered;
	[smem:$0x3FD2] =	sst s25  }
0xa8: {  	s6 =	sshll.u32 s26, $0x1;
	_ =	strace $0x80000046;
	[dreg:$0x1] =	wrdreg $0xFFFFFFFF  }
0xa9: {  	s28 =	simm.s32 $_size_execute0_lowered;
	s5 =	sadd.s32 s5, s6;
	[dreg:$0x0] =	wrdreg $0x0  }
0xaa: {  	s6 =	sshll.u32 s28, $0x1;
	[dreg:$0x2] =	wrdreg s5  }
0xab: {  	[dreg:$0x3] =	wrdreg s6  }
0xac: {  	[dreg:$0x4] =	wrdreg $0xC0  }
0xad: {  	_ =	task [dreg:s9], $0x5FFFF  }
0xae: {  	[dreg:$0x1] =	wrdreg $0xFFFFFFFF  }
0xaf: {  	[dreg:$0x0] =	wrdreg $0x60  }
0xb0: {  	[dreg:$0x2] =	wrdreg s2  }
0xb1: {  	[dreg:$0x3] =	wrdreg s19  }
0xb2: {  	[dreg:$0x4] =	wrdreg s4  }
0xb3: {  	[dreg:$0x5] =	wrdreg $0x86000  }
0xb4: {  	[dreg:$0x6] =	wrdreg $0x9  }
0xb5: {  	_ =	task.clear_ibuf [dreg:s9], $0x7FFFF;
	_ =	strace $0x90000046  }
0xb6: {  	s29 =	simm.s32 $0x9;
	_ =	strace $0x80000048  }
0xb7: {  	_ =	swait.ge [sflag:s29], $0x1  }
0xb8: {  	[sflag:s29] =	ssyncadd.s32 $0xFFFFFFFF  }
0xb9: {  	_ =	strace $0x90000048  }
0xba: {  	_ =	sfence  }
0xbb: {  	s30 =	sld [smem:$0x0];
	_ =	sdelay $0x2  }
0xbc: {  	s31 =	sshll.u32 s1, $0xD;
	s1 =	sshrl.u32 s1, $0x2  }
0xbd: {  	s3 =	sand.u32 $0x4000, s31;
	s1 =	sadd.s32 s1, s30  }
0xbe: {  	s0 =	sor.u32 s3, s0;
	s1 =	sshll.u32 s1, $0x11  }
0xbf: {  	s0 =	sor.u32 s1, s0  }
0xc0: {  	s0 =	sadd.s32 $0x8F2B, s0  }
0xc1: {  	[sflag:s0] =	ssyncadd.remote.s32 $0x1  }
0xc2: {  	_ =	sfence.sel $0xFFFF  }
0xc3: {  	[dreg:$0x0] =	wrdreg $0xFFFFFFFF;
	(pc) =	sbr.abs _section_cstart, $3  }
0xc4: {  	[dreg:$0x1] =	wrdreg $0xFFFFFFFF  }
0xc5: {  	_ =	task.clear_ibuf [dreg:s9], $0x2FFFF;
	_ =	strace $0x9FFFFFFF  }
0xc6: {  	(tm) =	ssettm $0x7FFFFFFF  }
0xc7: {  	_ =	shalt  }
tec
execute0_lowered:
.L_overlay_start_1:
0x0: {  	(tag) =	ssettag $0x1  }
0x1: {  	s1 =	rddreg [dreg:$0x0]  }
0x2: {  	s0 =	srdreg.scid;
	s5 =	rddreg [dreg:$0x1]  }
0x3: {  	s4 =	stileid.u32;
	s7 =	rddreg [dreg:$0x2]  }
0x4: {  	s11 =	simm.s32 $0x7280;
	s12 =	simm.s32 $0x6E00;
	s13 =	simm.s32 $0x80  }
0x5: {  	s31 =	simm.s32 $0x1;
	s20 =	simm.s32 $0x4B80;
	s21 =	simm.s32 $0x6E80  }
0x6: {  	s22 =	simm.s32 $0x4C00;
	s23 =	simm.s32 $0x6F00;
	s24 =	simm.s32 $0x4C80  }
0x7: {  	s25 =	simm.s32 $0x6F80;
	s28 =	simm.s32 $0x7000;
	s29 =	simm.s32 $0x4D80  }
0x8: {  	s30 =	simm.s32 $0x7080;
	s10 =	simm.s32 $0x4E80;
	s14 =	simm.s32 $0x7180  }
0x9: {  	s15 =	simm.s32 $0x4F00;
	s16 =	simm.s32 $0x7200;
	s0 =	sand.u32 $0x1, s0  }
0xa: {  	s17 =	simm.s32 $0x0;
	s8 =	smul.u32 $0x1380, s4;
	s2 =	sshll.u32 s0, $0x4  }
0xb: {  	s26 =	ssub.s32 $0x2, s0;
	s0 =	smul.u32 $0x13800, s0;
	s3 =	sor.u32 s4, s2  }
0xc: {  	s2 =	rddreg [dreg:$0x3];
	s9 =	sshrl.u32 s26, $0x1;
	s6 =	smul.u32 $0x320, s3  }
0xd: {  	s3 =	simm.s32 $0x0;
	s9 =	ssub.s32 s26, s9;
	s0 =	sadd.s32 s8, s0  }
0xe: {  	s26 =	simm.s32 $0x4D00;
	[smem:$0x7FF] =	sst s3;
	s0 =	sshrl.u32 s0, $0x3  }
0xf: {  	_ =	strace $0x80000047;
	s4 =	sadd.s32 s1, s6;
	s5 =	sadd.s32 s5, s6  }
0x10: {  	s6 =	sadd.s32 s8, s2;
	s7 =	sadd.s32 s7, s0;
	s8 =	smax.u32 s9, $0x1  }
0x11: {  	v0 =	vimm.f32 $0.0e+00;
	v1 =	vimm.s32 $0x0;
	v2 =	vlaneseq.u32;
	s9 =	simm.s32 $0x2;
	s1 =	simm.s32 $0x4E00;
	s0 =	simm.s32 $0x7100  }
.LBB2_1:
0x12: {  	[tilespmem:s3], [sflag:$0x2] =	stream.linear.gather [hbm4b:s4+s3], $0x1900, $0x38;
	[tilespmem:$0x9980] =	vst v63  }
0x13: {  	_ =	swait.ge [sflag:s9], $0x1900  }
0x14: {  	[sflag:s9] =	ssyncset.done $0x0  }
0x15: {  	s18 =	simm.s32 $0x1900;
	[sflag:s9] =	ssyncadd.s32 $0xFFFFE700  }
0x16: {  	[tilespmem:s18], [sflag:$0x2] =	stream.linear.gather [hbm4b:s5+s3], $0x1900, $0x38;
	[tilespmem:$0x9980] =	vst v63  }
0x17: {  	_ =	swait.ge [sflag:s9], $0x1900  }
0x18: {  	[sflag:s9] =	ssyncset.done $0x0  }
0x19: {  	s19 =	simm.s32 $0x0;
	s18 =	simm.s32 $0x40;
	[sflag:s9] =	ssyncadd.s32 $0xFFFFE700  }
.LBB2_2:
0x1a: {  	p0 =	sne.s32 s18, $0x4DC0;
	[tilespmem:s19+$0x7280] =	vst v0;
	s19 =	smov.u32 s18;
	s18 =	sadd.s32 $0x40, s18  }
.Ltmp0:
0x1b: {  	(pc) =	sbr.rel @p0 .LBB2_2-.Ltmp0, $2  }
0x1c: {  	_ =	sdelay $0x2  }
0x1d: {  	s19 =	sshra.s32 s19, $0x2  }
0x1e: {  	[tilespmem:s19+$0x7280] =	vst v0  }
0x1f: {  	[spmem:s6] =	stream.linear.scatter [tilespmem:s11], [sflag:$0x2], $0x1380, $0x38;
	[tilespmem:$0x9980] =	vst v63  }
0x20: {  	_ =	swait.ge [sflag:s9], $0x1380  }
0x21: {  	[sflag:s9] =	ssyncset.done $0x0  }
0x22: {  	s18 =	simm.s32 $0x40;
	s19 =	simm.s32 $0x0;
	[sflag:s9] =	ssyncadd.s32 $0xFFFFEC80  }
.LBB2_4:
0x23: {  	p0 =	sne.s32 s18, $0x11C0;
	[tilespmem:s19+$0x6E00] =	vst v0;
	s19 =	smov.u32 s18;
	s18 =	sadd.s32 $0x40, s18  }
.Ltmp1:
0x24: {  	(pc) =	sbr.rel @p0 .LBB2_4-.Ltmp1, $2  }
0x25: {  	_ =	sdelay $0x2  }
0x26: {  	s19 =	sshra.s32 s19, $0x2  }
0x27: {  	[tilespmem:s19+$0x6E00] =	vst v0  }
0x28: {  	v4 =	vimm.s32 $0x0;
	v3 =	vlaneseq.u32;
	s18 =	simm.s32 $0x1C0;
	[bflag:$0x0] =	sbarrier.arrive $0xFFFF  }
.LBB2_6:
0x29: {  	s19 =	sshra.s32 s18, $0x2  }
0x2a: {  	v5 =	vld [tilespmem:s19+$0xFFFFFF90];
	_ =	sdelay $0x3  }
0x2b: {  	v6 =	vmul.u32 $0x32, v4  }
0x2c: {  	v7 =	vshrl.u32 v5, $0xB  }
0x2d: {  	v6 =	vadd.s32 v6, v7;
	_ =	sdelay $0x4  }
0x2e: {  	v6 =	vld.idx.msk [tilespmem:v6+s3+$0x0], $0xffff  }
0x2f: {  	v10 =	vand.u32 $0x3F, v5  }
0x30: {  	v11 =	vshrl.u32 v5, $0x6;
	v13 =	vshrl.u32 v5, $0x8;
	v5 =	vshrl.u32 v5, $0x9  }
0x31: {  	v11 =	vand.u32 $0x3, v11;
	v44 =	vand.u32 $0x1, v13;
	vm0 =	vlt.s32 v7, v3  }
0x32: {  	v13 =	vand.u32 $0x2, v13;
	v5 =	vand.u32 $0x2, v5;
	v45 =	vsel vm0, $0x4, v1  }
0x33: {  	v15 =	vshll.u32 v44, $0x1;
	v8 =	vand.u32 $0x3F, v6;
	v6 =	vshrl.u32 v6, $0x6  }
0x34: {  	v49 =	vsel vm0, $0x2, v1;
	v9 =	vmul.u32 $0x23, v8;
	v6 =	vand.u32 $0x3, v6  }
0x35: {  	v46 =	vor.u32 v15, v45;
	v8 =	vshll.u32 v8, $0x5;
	v12 =	vshll.u32 v6, $0x2  }
0x36: {  	v6 =	vshll.u32 v6, $0x3;
	v47 =	vand.u32 $0x60, v8;
	v9 =	vadd.s32 v10, v9  }
0x37: {  	v8 =	vand.u32 $0x780, v8;
	v10 =	vshll.u32 v10, $0x5;
	v9 =	vshll.u32 v9, $0x4  }
0x38: {  	v6 =	vor.u32 v6, v47;
	v14 =	vand.u32 $0x60, v10;
	v9 =	vor.u32 v12, v9  }
0x39: {  	v48 =	vld [tilespmem:s19+$0x1890];
	v10 =	vand.u32 $0x780, v10;
	v9 =	vor.u32 v11, v9;
	v11 =	vshll.u32 v11, $0x3  }
0x3a: {  	v13 =	vor.u32 v13, v10;
	v5 =	vor.u32 v10, v5;
	v11 =	vor.u32 v11, v14  }
0x3b: {  	v6 =	vor.u32 v46, v6;
	v13 =	vor.u32 v11, v13;
	v5 =	vor.u32 v11, v5  }
0x3c: {  	v6 =	vor.u32 v8, v6;
	v9 =	vshll.u32 v9, $0x2;
	v5 =	vor.u32 $0x4, v5  }
0x3d: {  	v6 =	vor.u32 $0x1, v6;
	v9 =	vor.u32 v49, v9  }
0x3e: {  	[tilespmem:s19+$0x5190] =	vst v48;
	v50 =	vor.u32 v44, v9  }
0x3f: {  	[tilespmem:s19+$0x3190] =	vst v50  }
0x40: {  	vm13 =	veq.s32 v7, $0x0;
	[tilespmem:v13+s12+$0x0] =	vst.idx.add.f32.msk $0xffff, v48  }
0x41: {  	v7 =	vsel vm13, $0x0, v48;
	[tilespmem:v5+s12+$0x0] =	vst.idx.add.f32.msk $0xffff, v48  }
0x42: {  	[tilespmem:v6+s12+$0x0] =	vst.idx.add.f32.msk $0xffff, v7  }
0x43: {  	v5 =	vadd.s32 $0x10, v3;
	v6 =	vld [tilespmem:s19+$0xFFFFFFA0]  }
0x44: {  	vm14 =	vgt.s32 v5, $0x31  }
0x45: {  	v7 =	vsel vm14, $0x1, v1  }
0x46: {  	v4 =	vadd.s32 v7, v4  }
0x47: {  	v7 =	vmul.u32 $0x32, v4  }
0x48: {  	v51 =	vshrl.u32 v6, $0xB  }
0x49: {  	v7 =	vadd.s32 v7, v51;
	_ =	sdelay $0x4  }
0x4a: {  	v3 =	vadd.s32 $0xFFFFFFDE, v3;
	v7 =	vld.idx.msk [tilespmem:v7+s3+$0x0], $0xffff  }
0x4b: {  	v3 =	vsel vm14, v3, v5;
	v54 =	vand.u32 $0x3F, v6  }
0x4c: {  	v55 =	vshrl.u32 v6, $0x6;
	v57 =	vshrl.u32 v6, $0x8;
	v6 =	vshrl.u32 v6, $0x9  }
0x4d: {  	v12 =	vand.u32 $0x3, v55;
	v5 =	vand.u32 $0x1, v57;
	vm0 =	vlt.s32 v51, v3  }
0x4e: {  	v11 =	vshll.u32 v54, $0x5;
	v58 =	vand.u32 $0x2, v57;
	v6 =	vand.u32 $0x2, v6  }
0x4f: {  	v59 =	vand.u32 $0x60, v11;
	v11 =	vand.u32 $0x780, v11;
	v52 =	vand.u32 $0x3F, v7  }
0x50: {  	v60 =	vsel vm0, $0x4, v1;
	v61 =	vshll.u32 v5, $0x1;
	v53 =	vmul.u32 $0x23, v52  }
0x51: {  	v19 =	vsel vm0, $0x2, v1;
	v13 =	vor.u32 v58, v11;
	v7 =	vshrl.u32 v7, $0x6  }
0x52: {  	v6 =	vor.u32 v11, v6;
	v7 =	vand.u32 $0x3, v7;
	v10 =	vadd.s32 v54, v53  }
0x53: {  	v62 =	vor.u32 v61, v60;
	v56 =	vshll.u32 v7, $0x2;
	v10 =	vshll.u32 v10, $0x4  }
0x54: {  	v9 =	vshll.u32 v52, $0x5;
	v7 =	vshll.u32 v7, $0x3;
	v10 =	vor.u32 v56, v10  }
0x55: {  	v18 =	vld [tilespmem:s19+$0x18A0];
	v63 =	vand.u32 $0x60, v9;
	v10 =	vor.u32 v12, v10;
	v12 =	vshll.u32 v12, $0x3  }
0x56: {  	v9 =	vand.u32 $0x780, v9;
	v7 =	vor.u32 v7, v63;
	v12 =	vor.u32 v12, v59  }
0x57: {  	v7 =	vor.u32 v62, v7;
	v13 =	vor.u32 v12, v13;
	v6 =	vor.u32 v12, v6  }
0x58: {  	v7 =	vor.u32 v9, v7;
	v10 =	vshll.u32 v10, $0x2;
	v6 =	vor.u32 $0x4, v6  }
0x59: {  	v7 =	vor.u32 $0x1, v7;
	v10 =	vor.u32 v19, v10  }
0x5a: {  	[tilespmem:s19+$0x51A0] =	vst v18;
	v5 =	vor.u32 v5, v10  }
0x5b: {  	[tilespmem:s19+$0x31A0] =	vst v5  }
0x5c: {  	vm15 =	veq.s32 v51, $0x0;
	[tilespmem:v13+s12+$0x0] =	vst.idx.add.f32.msk $0xffff, v18  }
0x5d: {  	v5 =	vsel vm15, $0x0, v18;
	[tilespmem:v6+s12+$0x0] =	vst.idx.add.f32.msk $0xffff, v18  }
0x5e: {  	[tilespmem:v7+s12+$0x0] =	vst.idx.add.f32.msk $0xffff, v5  }
0x5f: {  	v5 =	vadd.s32 $0x10, v3;
	v6 =	vld [tilespmem:s19+$0xFFFFFFB0]  }
0x60: {  	vm4 =	vgt.s32 v5, $0x31  }
0x61: {  	v7 =	vsel vm4, $0x1, v1  }
0x62: {  	v4 =	vadd.s32 v7, v4  }
0x63: {  	v7 =	vmul.u32 $0x32, v4  }
0x64: {  	v20 =	vshrl.u32 v6, $0xB  }
0x65: {  	v7 =	vadd.s32 v7, v20;
	_ =	sdelay $0x4  }
0x66: {  	v3 =	vadd.s32 $0xFFFFFFDE, v3;
	v7 =	vld.idx.msk [tilespmem:v7+s3+$0x0], $0xffff  }
0x67: {  	v3 =	vsel vm4, v3, v5;
	v23 =	vand.u32 $0x3F, v6  }
0x68: {  	v24 =	vshrl.u32 v6, $0x6;
	v26 =	vshrl.u32 v6, $0x8;
	v6 =	vshrl.u32 v6, $0x9  }
0x69: {  	v12 =	vand.u32 $0x3, v24;
	v5 =	vand.u32 $0x1, v26;
	vm0 =	vlt.s32 v20, v3  }
0x6a: {  	v11 =	vshll.u32 v23, $0x5;
	v27 =	vand.u32 $0x2, v26;
	v6 =	vand.u32 $0x2, v6  }
0x6b: {  	v28 =	vand.u32 $0x60, v11;
	v11 =	vand.u32 $0x780, v11;
	v21 =	vand.u32 $0x3F, v7  }
0x6c: {  	v29 =	vsel vm0, $0x4, v1;
	v30 =	vshll.u32 v5, $0x1;
	v22 =	vmul.u32 $0x23, v21  }
0x6d: {  	v34 =	vsel vm0, $0x2, v1;
	v13 =	vor.u32 v27, v11;
	v7 =	vshrl.u32 v7, $0x6  }
0x6e: {  	v6 =	vor.u32 v11, v6;
	v7 =	vand.u32 $0x3, v7;
	v10 =	vadd.s32 v23, v22  }
0x6f: {  	v31 =	vor.u32 v30, v29;
	v25 =	vshll.u32 v7, $0x2;
	v10 =	vshll.u32 v10, $0x4  }
0x70: {  	v9 =	vshll.u32 v21, $0x5;
	v7 =	vshll.u32 v7, $0x3;
	v10 =	vor.u32 v25, v10  }
0x71: {  	v33 =	vld [tilespmem:s19+$0x18B0];
	v32 =	vand.u32 $0x60, v9;
	v10 =	vor.u32 v12, v10;
	v12 =	vshll.u32 v12, $0x3  }
0x72: {  	v9 =	vand.u32 $0x780, v9;
	v7 =	vor.u32 v7, v32;
	v12 =	vor.u32 v12, v28  }
0x73: {  	v7 =	vor.u32 v31, v7;
	v13 =	vor.u32 v12, v13;
	v6 =	vor.u32 v12, v6  }
0x74: {  	v7 =	vor.u32 v9, v7;
	v10 =	vshll.u32 v10, $0x2;
	v6 =	vor.u32 $0x4, v6  }
0x75: {  	v7 =	vor.u32 $0x1, v7;
	v10 =	vor.u32 v34, v10  }
0x76: {  	[tilespmem:s19+$0x51B0] =	vst v33;
	v5 =	vor.u32 v5, v10  }
0x77: {  	[tilespmem:s19+$0x31B0] =	vst v5  }
0x78: {  	vm5 =	veq.s32 v20, $0x0;
	[tilespmem:v13+s12+$0x0] =	vst.idx.add.f32.msk $0xffff, v33  }
0x79: {  	v5 =	vsel vm5, $0x0, v33;
	[tilespmem:v6+s12+$0x0] =	vst.idx.add.f32.msk $0xffff, v33  }
0x7a: {  	[tilespmem:v7+s12+$0x0] =	vst.idx.add.f32.msk $0xffff, v5  }
0x7b: {  	v5 =	vadd.s32 $0x10, v3;
	v6 =	vld [tilespmem:s19+$0xFFFFFFC0]  }
0x7c: {  	vm6 =	vgt.s32 v5, $0x31  }
0x7d: {  	v7 =	vsel vm6, $0x1, v1  }
0x7e: {  	v4 =	vadd.s32 v7, v4  }
0x7f: {  	v7 =	vmul.u32 $0x32, v4  }
0x80: {  	v35 =	vshrl.u32 v6, $0xB  }
0x81: {  	v7 =	vadd.s32 v7, v35;
	_ =	sdelay $0x4  }
0x82: {  	v3 =	vadd.s32 $0xFFFFFFDE, v3;
	v7 =	vld.idx.msk [tilespmem:v7+s3+$0x0], $0xffff  }
0x83: {  	v3 =	vsel vm6, v3, v5;
	v38 =	vand.u32 $0x3F, v6  }
0x84: {  	v39 =	vshrl.u32 v6, $0x6;
	v41 =	vshrl.u32 v6, $0x8;
	v6 =	vshrl.u32 v6, $0x9  }
0x85: {  	v12 =	vand.u32 $0x3, v39;
	v5 =	vand.u32 $0x1, v41;
	vm0 =	vlt.s32 v35, v3  }
0x86: {  	v11 =	vshll.u32 v38, $0x5;
	v42 =	vand.u32 $0x2, v41;
	v6 =	vand.u32 $0x2, v6  }
0x87: {  	v43 =	vand.u32 $0x60, v11;
	v11 =	vand.u32 $0x780, v11;
	v36 =	vand.u32 $0x3F, v7  }
0x88: {  	v44 =	vsel vm0, $0x4, v1;
	v45 =	vshll.u32 v5, $0x1;
	v37 =	vmul.u32 $0x23, v36  }
0x89: {  	v49 =	vsel vm0, $0x2, v1;
	v13 =	vor.u32 v42, v11;
	v7 =	vshrl.u32 v7, $0x6  }
0x8a: {  	v6 =	vor.u32 v11, v6;
	v7 =	vand.u32 $0x3, v7;
	v10 =	vadd.s32 v38, v37  }
0x8b: {  	v46 =	vor.u32 v45, v44;
	v40 =	vshll.u32 v7, $0x2;
	v10 =	vshll.u32 v10, $0x4  }
0x8c: {  	v9 =	vshll.u32 v36, $0x5;
	v7 =	vshll.u32 v7, $0x3;
	v10 =	vor.u32 v40, v10  }
0x8d: {  	v48 =	vld [tilespmem:s19+$0x18C0];
	v47 =	vand.u32 $0x60, v9;
	v10 =	vor.u32 v12, v10;
	v12 =	vshll.u32 v12, $0x3  }
0x8e: {  	v9 =	vand.u32 $0x780, v9;
	v7 =	vor.u32 v7, v47;
	v12 =	vor.u32 v12, v43  }
0x8f: {  	v7 =	vor.u32 v46, v7;
	v13 =	vor.u32 v12, v13;
	v6 =	vor.u32 v12, v6  }
0x90: {  	v7 =	vor.u32 v9, v7;
	v10 =	vshll.u32 v10, $0x2;
	v6 =	vor.u32 $0x4, v6  }
0x91: {  	v7 =	vor.u32 $0x1, v7;
	v10 =	vor.u32 v49, v10  }
0x92: {  	[tilespmem:s19+$0x51C0] =	vst v48;
	v5 =	vor.u32 v5, v10  }
0x93: {  	[tilespmem:s19+$0x31C0] =	vst v5  }
0x94: {  	vm7 =	veq.s32 v35, $0x0;
	[tilespmem:v13+s12+$0x0] =	vst.idx.add.f32.msk $0xffff, v48  }
0x95: {  	v5 =	vsel vm7, $0x0, v48;
	[tilespmem:v6+s12+$0x0] =	vst.idx.add.f32.msk $0xffff, v48  }
0x96: {  	[tilespmem:v7+s12+$0x0] =	vst.idx.add.f32.msk $0xffff, v5  }
0x97: {  	v5 =	vadd.s32 $0x10, v3;
	v6 =	vld [tilespmem:s19+$0xFFFFFFD0]  }
0x98: {  	vm8 =	vgt.s32 v5, $0x31  }
0x99: {  	v7 =	vsel vm8, $0x1, v1  }
0x9a: {  	v4 =	vadd.s32 v7, v4  }
0x9b: {  	v7 =	vmul.u32 $0x32, v4  }
0x9c: {  	v50 =	vshrl.u32 v6, $0xB  }
0x9d: {  	v7 =	vadd.s32 v7, v50;
	_ =	sdelay $0x4  }
0x9e: {  	v3 =	vadd.s32 $0xFFFFFFDE, v3;
	v7 =	vld.idx.msk [tilespmem:v7+s3+$0x0], $0xffff  }
0x9f: {  	v3 =	vsel vm8, v3, v5;
	v53 =	vand.u32 $0x3F, v6  }
0xa0: {  	v54 =	vshrl.u32 v6, $0x6;
	v56 =	vshrl.u32 v6, $0x8;
	v6 =	vshrl.u32 v6, $0x9  }
0xa1: {  	v12 =	vand.u32 $0x3, v54;
	v5 =	vand.u32 $0x1, v56;
	vm0 =	vlt.s32 v50, v3  }
0xa2: {  	v11 =	vshll.u32 v53, $0x5;
	v57 =	vand.u32 $0x2, v56;
	v6 =	vand.u32 $0x2, v6  }
0xa3: {  	v58 =	vand.u32 $0x60, v11;
	v11 =	vand.u32 $0x780, v11;
	v51 =	vand.u32 $0x3F, v7  }
0xa4: {  	v59 =	vsel vm0, $0x4, v1;
	v60 =	vshll.u32 v5, $0x1;
	v52 =	vmul.u32 $0x23, v51  }
0xa5: {  	v18 =	vsel vm0, $0x2, v1;
	v13 =	vor.u32 v57, v11;
	v7 =	vshrl.u32 v7, $0x6  }
0xa6: {  	v6 =	vor.u32 v11, v6;
	v7 =	vand.u32 $0x3, v7;
	v10 =	vadd.s32 v53, v52  }
0xa7: {  	v61 =	vor.u32 v60, v59;
	v55 =	vshll.u32 v7, $0x2;
	v10 =	vshll.u32 v10, $0x4  }
0xa8: {  	v9 =	vshll.u32 v51, $0x5;
	v7 =	vshll.u32 v7, $0x3;
	v10 =	vor.u32 v55, v10  }
0xa9: {  	v63 =	vld [tilespmem:s19+$0x18D0];
	v62 =	vand.u32 $0x60, v9;
	v10 =	vor.u32 v12, v10;
	v12 =	vshll.u32 v12, $0x3  }
0xaa: {  	v9 =	vand.u32 $0x780, v9;
	v7 =	vor.u32 v7, v62;
	v12 =	vor.u32 v12, v58  }
0xab: {  	v7 =	vor.u32 v61, v7;
	v13 =	vor.u32 v12, v13;
	v6 =	vor.u32 v12, v6  }
0xac: {  	v7 =	vor.u32 v9, v7;
	v10 =	vshll.u32 v10, $0x2;
	v6 =	vor.u32 $0x4, v6  }
0xad: {  	v7 =	vor.u32 $0x1, v7;
	v10 =	vor.u32 v18, v10  }
0xae: {  	[tilespmem:s19+$0x51D0] =	vst v63;
	v5 =	vor.u32 v5, v10  }
0xaf: {  	[tilespmem:s19+$0x31D0] =	vst v5  }
0xb0: {  	vm9 =	veq.s32 v50, $0x0;
	[tilespmem:v13+s12+$0x0] =	vst.idx.add.f32.msk $0xffff, v63  }
0xb1: {  	v5 =	vsel vm9, $0x0, v63;
	[tilespmem:v6+s12+$0x0] =	vst.idx.add.f32.msk $0xffff, v63  }
0xb2: {  	[tilespmem:v7+s12+$0x0] =	vst.idx.add.f32.msk $0xffff, v5  }
0xb3: {  	v5 =	vadd.s32 $0x10, v3;
	v6 =	vld [tilespmem:s19+$0xFFFFFFE0]  }
0xb4: {  	vm10 =	vgt.s32 v5, $0x31  }
0xb5: {  	v7 =	vsel vm10, $0x1, v1  }
0xb6: {  	v4 =	vadd.s32 v7, v4  }
0xb7: {  	v7 =	vmul.u32 $0x32, v4  }
0xb8: {  	v19 =	vshrl.u32 v6, $0xB  }
0xb9: {  	v7 =	vadd.s32 v7, v19;
	_ =	sdelay $0x4  }
0xba: {  	v3 =	vadd.s32 $0xFFFFFFDE, v3;
	v7 =	vld.idx.msk [tilespmem:v7+s3+$0x0], $0xffff  }
0xbb: {  	v3 =	vsel vm10, v3, v5;
	v22 =	vand.u32 $0x3F, v6  }
0xbc: {  	v23 =	vshrl.u32 v6, $0x6;
	v25 =	vshrl.u32 v6, $0x8;
	v6 =	vshrl.u32 v6, $0x9  }
0xbd: {  	v12 =	vand.u32 $0x3, v23;
	v5 =	vand.u32 $0x1, v25;
	vm0 =	vlt.s32 v19, v3  }
0xbe: {  	v11 =	vshll.u32 v22, $0x5;
	v26 =	vand.u32 $0x2, v25;
	v6 =	vand.u32 $0x2, v6  }
0xbf: {  	v27 =	vand.u32 $0x60, v11;
	v11 =	vand.u32 $0x780, v11;
	v20 =	vand.u32 $0x3F, v7  }
0xc0: {  	v28 =	vsel vm0, $0x4, v1;
	v29 =	vshll.u32 v5, $0x1;
	v21 =	vmul.u32 $0x23, v20  }
0xc1: {  	v33 =	vsel vm0, $0x2, v1;
	v13 =	vor.u32 v26, v11;
	v7 =	vshrl.u32 v7, $0x6  }
0xc2: {  	v6 =	vor.u32 v11, v6;
	v7 =	vand.u32 $0x3, v7;
	v10 =	vadd.s32 v22, v21  }
0xc3: {  	v30 =	vor.u32 v29, v28;
	v24 =	vshll.u32 v7, $0x2;
	v10 =	vshll.u32 v10, $0x4  }
0xc4: {  	v9 =	vshll.u32 v20, $0x5;
	v7 =	vshll.u32 v7, $0x3;
	v10 =	vor.u32 v24, v10  }
0xc5: {  	v32 =	vld [tilespmem:s19+$0x18E0];
	v31 =	vand.u32 $0x60, v9;
	v10 =	vor.u32 v12, v10;
	v12 =	vshll.u32 v12, $0x3  }
0xc6: {  	v9 =	vand.u32 $0x780, v9;
	v7 =	vor.u32 v7, v31;
	v12 =	vor.u32 v12, v27  }
0xc7: {  	v7 =	vor.u32 v30, v7;
	v13 =	vor.u32 v12, v13;
	v6 =	vor.u32 v12, v6  }
0xc8: {  	v7 =	vor.u32 v9, v7;
	v10 =	vshll.u32 v10, $0x2;
	v6 =	vor.u32 $0x4, v6  }
0xc9: {  	v7 =	vor.u32 $0x1, v7;
	v10 =	vor.u32 v33, v10  }
0xca: {  	[tilespmem:s19+$0x51E0] =	vst v32;
	v5 =	vor.u32 v5, v10  }
0xcb: {  	[tilespmem:s19+$0x31E0] =	vst v5  }
0xcc: {  	vm11 =	veq.s32 v19, $0x0;
	[tilespmem:v13+s12+$0x0] =	vst.idx.add.f32.msk $0xffff, v32  }
0xcd: {  	v5 =	vsel vm11, $0x0, v32;
	[tilespmem:v6+s12+$0x0] =	vst.idx.add.f32.msk $0xffff, v32  }
0xce: {  	[tilespmem:v7+s12+$0x0] =	vst.idx.add.f32.msk $0xffff, v5  }
0xcf: {  	v5 =	vadd.s32 $0x10, v3;
	v6 =	vld [tilespmem:s19+$0xFFFFFFF0]  }
0xd0: {  	vm12 =	vgt.s32 v5, $0x31  }
0xd1: {  	v7 =	vsel vm12, $0x1, v1  }
0xd2: {  	v4 =	vadd.s32 v7, v4  }
0xd3: {  	v7 =	vmul.u32 $0x32, v4  }
0xd4: {  	v34 =	vshrl.u32 v6, $0xB  }
0xd5: {  	v7 =	vadd.s32 v7, v34;
	_ =	sdelay $0x4  }
0xd6: {  	v3 =	vadd.s32 $0xFFFFFFDE, v3;
	v7 =	vld.idx.msk [tilespmem:v7+s3+$0x0], $0xffff  }
0xd7: {  	v3 =	vsel vm12, v3, v5;
	v37 =	vand.u32 $0x3F, v6  }
0xd8: {  	v38 =	vshrl.u32 v6, $0x6;
	v40 =	vshrl.u32 v6, $0x8;
	v6 =	vshrl.u32 v6, $0x9  }
0xd9: {  	v12 =	vand.u32 $0x3, v38;
	v5 =	vand.u32 $0x1, v40;
	vm0 =	vlt.s32 v34, v3  }
0xda: {  	v11 =	vshll.u32 v37, $0x5;
	v41 =	vand.u32 $0x2, v40;
	v6 =	vand.u32 $0x2, v6  }
0xdb: {  	v42 =	vand.u32 $0x60, v11;
	v11 =	vand.u32 $0x780, v11;
	v35 =	vand.u32 $0x3F, v7  }
0xdc: {  	v43 =	vsel vm0, $0x4, v1;
	v44 =	vshll.u32 v5, $0x1;
	v36 =	vmul.u32 $0x23, v35  }
0xdd: {  	v48 =	vsel vm0, $0x2, v1;
	v13 =	vor.u32 v41, v11;
	v7 =	vshrl.u32 v7, $0x6  }
0xde: {  	v6 =	vor.u32 v11, v6;
	v7 =	vand.u32 $0x3, v7;
	v10 =	vadd.s32 v37, v36  }
0xdf: {  	v45 =	vor.u32 v44, v43;
	v39 =	vshll.u32 v7, $0x2;
	v10 =	vshll.u32 v10, $0x4  }
0xe0: {  	v9 =	vshll.u32 v35, $0x5;
	v7 =	vshll.u32 v7, $0x3;
	v10 =	vor.u32 v39, v10  }
0xe1: {  	v47 =	vld [tilespmem:s19+$0x18F0];
	v46 =	vand.u32 $0x60, v9;
	v10 =	vor.u32 v12, v10;
	v12 =	vshll.u32 v12, $0x3  }
0xe2: {  	v9 =	vand.u32 $0x780, v9;
	v7 =	vor.u32 v7, v46;
	v12 =	vor.u32 v12, v42  }
0xe3: {  	v7 =	vor.u32 v45, v7;
	v13 =	vor.u32 v12, v13;
	v6 =	vor.u32 v12, v6  }
0xe4: {  	v7 =	vor.u32 v9, v7;
	v10 =	vshll.u32 v10, $0x2;
	v6 =	vor.u32 $0x4, v6  }
0xe5: {  	v7 =	vor.u32 $0x1, v7;
	v10 =	vor.u32 v48, v10  }
0xe6: {  	[tilespmem:s19+$0x51F0] =	vst v47;
	v5 =	vor.u32 v5, v10  }
0xe7: {  	[tilespmem:s19+$0x31F0] =	vst v5  }
0xe8: {  	vm13 =	veq.s32 v34, $0x0;
	[tilespmem:v13+s12+$0x0] =	vst.idx.add.f32.msk $0xffff, v47  }
0xe9: {  	v5 =	vsel vm13, $0x0, v47;
	[tilespmem:v6+s12+$0x0] =	vst.idx.add.f32.msk $0xffff, v47  }
0xea: {  	[tilespmem:v7+s12+$0x0] =	vst.idx.add.f32.msk $0xffff, v5  }
0xeb: {  	v5 =	vadd.s32 $0x10, v3;
	v6 =	vld [tilespmem:s19+$0x0]  }
0xec: {  	vm14 =	vgt.s32 v5, $0x31  }
0xed: {  	v7 =	vsel vm14, $0x1, v1  }
0xee: {  	v4 =	vadd.s32 v7, v4  }
0xef: {  	v7 =	vmul.u32 $0x32, v4  }
0xf0: {  	v49 =	vshrl.u32 v6, $0xB  }
0xf1: {  	v7 =	vadd.s32 v7, v49;
	_ =	sdelay $0x4  }
0xf2: {  	v3 =	vadd.s32 $0xFFFFFFDE, v3;
	v7 =	vld.idx.msk [tilespmem:v7+s3+$0x0], $0xffff  }
0xf3: {  	v3 =	vsel vm14, v3, v5;
	v52 =	vand.u32 $0x3F, v6  }
0xf4: {  	v53 =	vshrl.u32 v6, $0x6;
	v55 =	vshrl.u32 v6, $0x8;
	v6 =	vshrl.u32 v6, $0x9  }
0xf5: {  	v12 =	vand.u32 $0x3, v53;
	v5 =	vand.u32 $0x1, v55;
	vm0 =	vlt.s32 v49, v3  }
0xf6: {  	v11 =	vshll.u32 v52, $0x5;
	v56 =	vand.u32 $0x2, v55;
	v6 =	vand.u32 $0x2, v6  }
0xf7: {  	v57 =	vand.u32 $0x60, v11;
	v11 =	vand.u32 $0x780, v11;
	v50 =	vand.u32 $0x3F, v7  }
0xf8: {  	v58 =	vsel vm0, $0x4, v1;
	v59 =	vshll.u32 v5, $0x1;
	v51 =	vmul.u32 $0x23, v50  }
0xf9: {  	v63 =	vsel vm0, $0x2, v1;
	v13 =	vor.u32 v56, v11;
	v7 =	vshrl.u32 v7, $0x6  }
0xfa: {  	v6 =	vor.u32 v11, v6;
	v7 =	vand.u32 $0x3, v7;
	v10 =	vadd.s32 v52, v51  }
0xfb: {  	v60 =	vor.u32 v59, v58;
	v54 =	vshll.u32 v7, $0x2;
	v10 =	vshll.u32 v10, $0x4  }
0xfc: {  	v9 =	vshll.u32 v50, $0x5;
	v7 =	vshll.u32 v7, $0x3;
	v10 =	vor.u32 v54, v10  }
0xfd: {  	v62 =	vld [tilespmem:s19+$0x1900];
	v61 =	vand.u32 $0x60, v9;
	v10 =	vor.u32 v12, v10;
	v12 =	vshll.u32 v12, $0x3  }
0xfe: {  	v9 =	vand.u32 $0x780, v9;
	v7 =	vor.u32 v7, v61;
	v12 =	vor.u32 v12, v57  }
0xff: {  	v7 =	vor.u32 v60, v7;
	v13 =	vor.u32 v12, v13;
	v6 =	vor.u32 v12, v6  }
0x100: {  	v7 =	vor.u32 v9, v7;
	v10 =	vshll.u32 v10, $0x2;
	v6 =	vor.u32 $0x4, v6  }
0x101: {  	p0 =	sne.s32 s18, $0x63C0;
	v7 =	vor.u32 $0x1, v7;
	v10 =	vor.u32 v63, v10  }
.Ltmp2:
0x102: {  	[tilespmem:s19+$0x5200] =	vst v62;
	v5 =	vor.u32 v5, v10;
	(pc) =	sbr.rel @p0 .LBB2_6-.Ltmp2, $4  }
0x103: {  	[tilespmem:s19+$0x3200] =	vst v5;
	v5 =	vadd.s32 $0x10, v3  }
0x104: {  	vm15 =	veq.s32 v49, $0x0;
	vm1 =	vgt.s32 v5, $0x31;
	[tilespmem:v13+s12+$0x0] =	vst.idx.add.f32.msk $0xffff, v62  }
0x105: {  	v8 =	vsel vm15, $0x0, v62;
	v3 =	vadd.s32 $0xFFFFFFDE, v3;
	[tilespmem:v6+s12+$0x0] =	vst.idx.add.f32.msk $0xffff, v62;
	v6 =	vsel vm1, $0x1, v1  }
0x106: {  	s18 =	sadd.s32 $0x200, s18;
	v3 =	vsel vm1, v3, v5;
	[tilespmem:v7+s12+$0x0] =	vst.idx.add.f32.msk $0xffff, v8;
	v4 =	vadd.s32 v6, v4  }
0x107: {  	v3 =	vor.u32 $0x13240, v2  }
0x108: {  	[tilespmem:$0x4B00] =	vst v3;
	v3 =	vor.u32 $0x13250, v2  }
0x109: {  	[tilespmem:$0x4B10] =	vst v3;
	v3 =	vor.u32 $0x13260, v2  }
0x10a: {  	[tilespmem:$0x4B20] =	vst v3;
	v3 =	vor.u32 $0x13270, v2  }
0x10b: {  	[tilespmem:$0x4B30] =	vst v3;
	v3 =	vor.u32 $0x13280, v2  }
0x10c: {  	[tilespmem:$0x4B40] =	vst v3;
	v3 =	vor.u32 $0x13290, v2  }
0x10d: {  	[tilespmem:$0x4B50] =	vst v3;
	v3 =	vor.u32 $0x132A0, v2  }
0x10e: {  	[tilespmem:$0x4B60] =	vst v3;
	v3 =	vor.u32 $0x132B0, v2  }
0x10f: {  	[tilespmem:$0x4B70] =	vst v3;
	v3 =	vor.u32 $0x132C0, v2  }
0x110: {  	[tilespmem:$0x4B80] =	vst v3;
	v3 =	vor.u32 $0x132D0, v2  }
0x111: {  	[tilespmem:$0x4B90] =	vst v3;
	v3 =	vor.u32 $0x132E0, v2  }
0x112: {  	[tilespmem:$0x4BA0] =	vst v3;
	v3 =	vor.u32 $0x132F0, v2  }
0x113: {  	[tilespmem:$0x4BB0] =	vst v3;
	v3 =	vor.u32 $0x13300, v2  }
0x114: {  	[tilespmem:$0x4BC0] =	vst v3;
	v3 =	vor.u32 $0x13310, v2  }
0x115: {  	[tilespmem:$0x4BD0] =	vst v3;
	v3 =	vor.u32 $0x13320, v2  }
0x116: {  	[tilespmem:$0x4BE0] =	vst v3;
	v3 =	vor.u32 $0x13330, v2  }
0x117: {  	[tilespmem:$0x4BF0] =	vst v3;
	v3 =	vor.u32 $0x13340, v2  }
0x118: {  	[tilespmem:$0x4C00] =	vst v3;
	v3 =	vor.u32 $0x13350, v2  }
0x119: {  	[tilespmem:$0x4C10] =	vst v3;
	v3 =	vor.u32 $0x13360, v2  }
0x11a: {  	[tilespmem:$0x4C20] =	vst v3;
	v3 =	vor.u32 $0x13370, v2  }
0x11b: {  	[tilespmem:$0x4C30] =	vst v3;
	v3 =	vor.u32 $0x13380, v2  }
0x11c: {  	[tilespmem:$0x4C40] =	vst v3;
	v3 =	vor.u32 $0x13390, v2  }
0x11d: {  	[tilespmem:$0x4C50] =	vst v3;
	v3 =	vor.u32 $0x133A0, v2  }
0x11e: {  	[tilespmem:$0x4C60] =	vst v3;
	v3 =	vor.u32 $0x133B0, v2  }
0x11f: {  	[tilespmem:$0x4C70] =	vst v3;
	v3 =	vor.u32 $0x133C0, v2  }
0x120: {  	[tilespmem:$0x4C80] =	vst v3;
	v3 =	vor.u32 $0x133D0, v2  }
0x121: {  	[tilespmem:$0x4C90] =	vst v3;
	v3 =	vor.u32 $0x133E0, v2  }
0x122: {  	[tilespmem:$0x4CA0] =	vst v3;
	v3 =	vor.u32 $0x133F0, v2  }
0x123: {  	[tilespmem:$0x4CB0] =	vst v3;
	v3 =	vor.u32 $0x13400, v2  }
0x124: {  	[tilespmem:$0x4CC0] =	vst v3;
	v3 =	vor.u32 $0x13410, v2  }
0x125: {  	[tilespmem:$0x4CD0] =	vst v3;
	v3 =	vor.u32 $0x13420, v2  }
0x126: {  	[tilespmem:$0x4CE0] =	vst v3;
	v3 =	vor.u32 $0x13430, v2  }
0x127: {  	[tilespmem:$0x4CF0] =	vst v3;
	v3 =	vor.u32 $0x13440, v2  }
0x128: {  	[tilespmem:$0x4D00] =	vst v3;
	v3 =	vor.u32 $0x13450, v2  }
0x129: {  	[tilespmem:$0x4D10] =	vst v3;
	v3 =	vor.u32 $0x13460, v2  }
0x12a: {  	[tilespmem:$0x4D20] =	vst v3;
	v3 =	vor.u32 $0x13470, v2  }
0x12b: {  	[tilespmem:$0x4D30] =	vst v3;
	v3 =	vor.u32 $0x13480, v2  }
0x12c: {  	[tilespmem:$0x4D40] =	vst v3;
	v3 =	vor.u32 $0x13490, v2  }
0x12d: {  	[tilespmem:$0x4D50] =	vst v3;
	v3 =	vor.u32 $0x134A0, v2  }
0x12e: {  	[tilespmem:$0x4D60] =	vst v3;
	v3 =	vor.u32 $0x134B0, v2  }
0x12f: {  	[tilespmem:$0x4D70] =	vst v3;
	v3 =	vor.u32 $0x134C0, v2  }
0x130: {  	[tilespmem:$0x4D80] =	vst v3;
	v3 =	vor.u32 $0x134D0, v2  }
0x131: {  	[tilespmem:$0x4D90] =	vst v3;
	v3 =	vor.u32 $0x134E0, v2  }
0x132: {  	[tilespmem:$0x4DA0] =	vst v3;
	v3 =	vor.u32 $0x134F0, v2  }
0x133: {  	[tilespmem:$0x4DB0] =	vst v3;
	v3 =	vor.u32 $0x13500, v2  }
0x134: {  	[tilespmem:$0x4DC0] =	vst v3;
	v3 =	vor.u32 $0x13510, v2  }
0x135: {  	[tilespmem:$0x4DD0] =	vst v3;
	v3 =	vor.u32 $0x13520, v2  }
0x136: {  	[tilespmem:$0x4DE0] =	vst v3;
	v3 =	vor.u32 $0x13530, v2  }
0x137: {  	[tilespmem:$0x4DF0] =	vst v3;
	v3 =	vor.u32 $0x13540, v2  }
0x138: {  	[tilespmem:$0x4E00] =	vst v3;
	v3 =	vor.u32 $0x13550, v2  }
0x139: {  	[tilespmem:$0x4E10] =	vst v3;
	v3 =	vor.u32 $0x13560, v2  }
0x13a: {  	[tilespmem:$0x4E20] =	vst v3;
	v3 =	vor.u32 $0x13570, v2  }
0x13b: {  	[tilespmem:$0x4E30] =	vst v3;
	v3 =	vor.u32 $0x13580, v2  }
0x13c: {  	[tilespmem:$0x4E40] =	vst v3;
	v3 =	vor.u32 $0x13590, v2  }
0x13d: {  	[tilespmem:$0x4E50] =	vst v3;
	v3 =	vor.u32 $0x135A0, v2  }
0x13e: {  	[tilespmem:$0x4E60] =	vst v3;
	v3 =	vor.u32 $0x135B0, v2  }
0x13f: {  	[tilespmem:$0x4E70] =	vst v3;
	v3 =	vor.u32 $0x135C0, v2  }
0x140: {  	[tilespmem:$0x4E80] =	vst v3;
	v3 =	vor.u32 $0x135D0, v2  }
0x141: {  	[tilespmem:$0x4E90] =	vst v3;
	v3 =	vor.u32 $0x135E0, v2  }
0x142: {  	[tilespmem:$0x4EA0] =	vst v3;
	v3 =	vor.u32 $0x135F0, v2  }
0x143: {  	[tilespmem:$0x4EB0] =	vst v3;
	v3 =	vor.u32 $0x13600, v2  }
0x144: {  	[tilespmem:$0x4EC0] =	vst v3;
	v3 =	vor.u32 $0x13610, v2  }
0x145: {  	[tilespmem:$0x4ED0] =	vst v3;
	v3 =	vor.u32 $0x13620, v2  }
0x146: {  	[tilespmem:$0x4EE0] =	vst v3;
	v3 =	vor.u32 $0x13630, v2  }
0x147: {  	[tilespmem:$0x4EF0] =	vst v3;
	v3 =	vor.u32 $0x13640, v2  }
0x148: {  	[tilespmem:$0x4F00] =	vst v3;
	v3 =	vor.u32 $0x13650, v2  }
0x149: {  	[tilespmem:$0x4F10] =	vst v3;
	v3 =	vor.u32 $0x13660, v2  }
0x14a: {  	[tilespmem:$0x4F20] =	vst v3;
	v3 =	vor.u32 $0x13670, v2  }
0x14b: {  	[tilespmem:$0x4F30] =	vst v3;
	v3 =	vor.u32 $0x13680, v2  }
0x14c: {  	[tilespmem:$0x4F40] =	vst v3;
	v3 =	vor.u32 $0x13690, v2  }
0x14d: {  	[tilespmem:$0x4F50] =	vst v3;
	v3 =	vor.u32 $0x136A0, v2  }
0x14e: {  	[tilespmem:$0x4F60] =	vst v3;
	v3 =	vor.u32 $0x136B0, v2  }
0x14f: {  	s18 =	simm.s32 $0x3200;
	s19 =	simm.s32 $0x5200;
	[tilespmem:$0x4F70] =	vst v3  }
0x150: {  	[spmem:s2] =	stream.indirect.scatter.add.f32 [tilespmem:s19], [sflag:$0x1], $0x1, s18, s13, $0xb8;
	[tilespmem:$0x9980] =	vst v63  }
0x151: {  	s18 =	simm.s32 $0x3280;
	s19 =	simm.s32 $0x5280  }
0x152: {  	[spmem:s2] =	stream.indirect.scatter.add.f32 [tilespmem:s19], [sflag:$0x1], $0x1, s18, s13, $0xb8;
	[tilespmem:$0x9980] =	vst v63  }
0x153: {  	s18 =	simm.s32 $0x3300;
	s19 =	simm.s32 $0x5300  }
0x154: {  	[spmem:s2] =	stream.indirect.scatter.add.f32 [tilespmem:s19], [sflag:$0x1], $0x1, s18, s13, $0xb8;
	[tilespmem:$0x9980] =	vst v63  }
0x155: {  	s18 =	simm.s32 $0x3380;
	s19 =	simm.s32 $0x5380  }
0x156: {  	[spmem:s2] =	stream.indirect.scatter.add.f32 [tilespmem:s19], [sflag:$0x1], $0x1, s18, s13, $0xb8;
	[tilespmem:$0x9980] =	vst v63  }
0x157: {  	s18 =	simm.s32 $0x3400;
	s19 =	simm.s32 $0x5400  }
0x158: {  	[spmem:s2] =	stream.indirect.scatter.add.f32 [tilespmem:s19], [sflag:$0x1], $0x1, s18, s13, $0xb8;
	[tilespmem:$0x9980] =	vst v63  }
0x159: {  	s18 =	simm.s32 $0x3480;
	s19 =	simm.s32 $0x5480  }
0x15a: {  	[spmem:s2] =	stream.indirect.scatter.add.f32 [tilespmem:s19], [sflag:$0x1], $0x1, s18, s13, $0xb8;
	[tilespmem:$0x9980] =	vst v63  }
0x15b: {  	s18 =	simm.s32 $0x3500;
	s19 =	simm.s32 $0x5500  }
0x15c: {  	[spmem:s2] =	stream.indirect.scatter.add.f32 [tilespmem:s19], [sflag:$0x1], $0x1, s18, s13, $0xb8;
	[tilespmem:$0x9980] =	vst v63  }
0x15d: {  	s18 =	simm.s32 $0x3580;
	s19 =	simm.s32 $0x5580  }
0x15e: {  	[spmem:s2] =	stream.indirect.scatter.add.f32 [tilespmem:s19], [sflag:$0x1], $0x1, s18, s13, $0xb8;
	[tilespmem:$0x9980] =	vst v63  }
0x15f: {  	_ =	swait.ge [sflag:s31], $0x80  }
0x160: {  	[sflag:s31] =	ssyncset.done $0x0  }
0x161: {  	[sflag:s31] =	ssyncadd.s32 $0xFFFFFF80  }
0x162: {  	_ =	swait.ge [sflag:s31], $0x80  }
0x163: {  	[sflag:s31] =	ssyncset.done $0x0  }
0x164: {  	[sflag:s31] =	ssyncadd.s32 $0xFFFFFF80  }
0x165: {  	_ =	swait.ge [sflag:s31], $0x80  }
0x166: {  	[sflag:s31] =	ssyncset.done $0x0  }
0x167: {  	[sflag:s31] =	ssyncadd.s32 $0xFFFFFF80  }
0x168: {  	_ =	swait.ge [sflag:s31], $0x80  }
0x169: {  	[sflag:s31] =	ssyncset.done $0x0  }
0x16a: {  	[sflag:s31] =	ssyncadd.s32 $0xFFFFFF80  }
0x16b: {  	_ =	swait.ge [sflag:s31], $0x80  }
0x16c: {  	[sflag:s31] =	ssyncset.done $0x0  }
0x16d: {  	[sflag:s31] =	ssyncadd.s32 $0xFFFFFF80  }
0x16e: {  	_ =	swait.ge [sflag:s31], $0x80  }
0x16f: {  	[sflag:s31] =	ssyncset.done $0x0  }
0x170: {  	[sflag:s31] =	ssyncadd.s32 $0xFFFFFF80  }
0x171: {  	_ =	swait.ge [sflag:s31], $0x80  }
0x172: {  	[sflag:s31] =	ssyncset.done $0x0  }
0x173: {  	[sflag:s31] =	ssyncadd.s32 $0xFFFFFF80  }
0x174: {  	_ =	swait.ge [sflag:s31], $0x80  }
0x175: {  	[sflag:s31] =	ssyncset.done $0x0  }
0x176: {  	s18 =	simm.s32 $0x3600;
	s19 =	simm.s32 $0x5600;
	[sflag:s31] =	ssyncadd.s32 $0xFFFFFF80  }
0x177: {  	[spmem:s2] =	stream.indirect.scatter.add.f32 [tilespmem:s19], [sflag:$0x1], $0x1, s18, s13, $0xb8;
	[tilespmem:$0x9980] =	vst v63  }
0x178: {  	s18 =	simm.s32 $0x3680;
	s19 =	simm.s32 $0x5680  }
0x179: {  	[spmem:s2] =	stream.indirect.scatter.add.f32 [tilespmem:s19], [sflag:$0x1], $0x1, s18, s13, $0xb8;
	[tilespmem:$0x9980] =	vst v63  }
0x17a: {  	s18 =	simm.s32 $0x3700;
	s19 =	simm.s32 $0x5700  }
0x17b: {  	[spmem:s2] =	stream.indirect.scatter.add.f32 [tilespmem:s19], [sflag:$0x1], $0x1, s18, s13, $0xb8;
	[tilespmem:$0x9980] =	vst v63  }
0x17c: {  	s18 =	simm.s32 $0x3780;
	s19 =	simm.s32 $0x5780  }
0x17d: {  	[spmem:s2] =	stream.indirect.scatter.add.f32 [tilespmem:s19], [sflag:$0x1], $0x1, s18, s13, $0xb8;
	[tilespmem:$0x9980] =	vst v63  }
0x17e: {  	s18 =	simm.s32 $0x3800;
	s19 =	simm.s32 $0x5800  }
0x17f: {  	[spmem:s2] =	stream.indirect.scatter.add.f32 [tilespmem:s19], [sflag:$0x1], $0x1, s18, s13, $0xb8;
	[tilespmem:$0x9980] =	vst v63  }
0x180: {  	s18 =	simm.s32 $0x3880;
	s19 =	simm.s32 $0x5880  }
0x181: {  	[spmem:s2] =	stream.indirect.scatter.add.f32 [tilespmem:s19], [sflag:$0x1], $0x1, s18, s13, $0xb8;
	[tilespmem:$0x9980] =	vst v63  }
0x182: {  	s18 =	simm.s32 $0x3900;
	s19 =	simm.s32 $0x5900  }
0x183: {  	[spmem:s2] =	stream.indirect.scatter.add.f32 [tilespmem:s19], [sflag:$0x1], $0x1, s18, s13, $0xb8;
	[tilespmem:$0x9980] =	vst v63  }
0x184: {  	s18 =	simm.s32 $0x3980;
	s19 =	simm.s32 $0x5980  }
0x185: {  	[spmem:s2] =	stream.indirect.scatter.add.f32 [tilespmem:s19], [sflag:$0x1], $0x1, s18, s13, $0xb8;
	[tilespmem:$0x9980] =	vst v63  }
0x186: {  	_ =	swait.ge [sflag:s31], $0x80  }
0x187: {  	[sflag:s31] =	ssyncset.done $0x0  }
0x188: {  	[sflag:s31] =	ssyncadd.s32 $0xFFFFFF80  }
0x189: {  	_ =	swait.ge [sflag:s31], $0x80  }
0x18a: {  	[sflag:s31] =	ssyncset.done $0x0  }
0x18b: {  	[sflag:s31] =	ssyncadd.s32 $0xFFFFFF80  }
0x18c: {  	_ =	swait.ge [sflag:s31], $0x80  }
0x18d: {  	[sflag:s31] =	ssyncset.done $0x0  }
0x18e: {  	[sflag:s31] =	ssyncadd.s32 $0xFFFFFF80  }
0x18f: {  	_ =	swait.ge [sflag:s31], $0x80  }
0x190: {  	[sflag:s31] =	ssyncset.done $0x0  }
0x191: {  	[sflag:s31] =	ssyncadd.s32 $0xFFFFFF80  }
0x192: {  	_ =	swait.ge [sflag:s31], $0x80  }
0x193: {  	[sflag:s31] =	ssyncset.done $0x0  }
0x194: {  	[sflag:s31] =	ssyncadd.s32 $0xFFFFFF80  }
0x195: {  	_ =	swait.ge [sflag:s31], $0x80  }
0x196: {  	[sflag:s31] =	ssyncset.done $0x0  }
0x197: {  	[sflag:s31] =	ssyncadd.s32 $0xFFFFFF80  }
0x198: {  	_ =	swait.ge [sflag:s31], $0x80  }
0x199: {  	[sflag:s31] =	ssyncset.done $0x0  }
0x19a: {  	[sflag:s31] =	ssyncadd.s32 $0xFFFFFF80  }
0x19b: {  	_ =	swait.ge [sflag:s31], $0x80  }
0x19c: {  	[sflag:s31] =	ssyncset.done $0x0  }
0x19d: {  	s18 =	simm.s32 $0x3A00;
	s19 =	simm.s32 $0x5A00;
	[sflag:s31] =	ssyncadd.s32 $0xFFFFFF80  }
0x19e: {  	[spmem:s2] =	stream.indirect.scatter.add.f32 [tilespmem:s19], [sflag:$0x1], $0x1, s18, s13, $0xb8;
	[tilespmem:$0x9980] =	vst v63  }
0x19f: {  	s18 =	simm.s32 $0x3A80;
	s19 =	simm.s32 $0x5A80  }
0x1a0: {  	[spmem:s2] =	stream.indirect.scatter.add.f32 [tilespmem:s19], [sflag:$0x1], $0x1, s18, s13, $0xb8;
	[tilespmem:$0x9980] =	vst v63  }
0x1a1: {  	s18 =	simm.s32 $0x3B00;
	s19 =	simm.s32 $0x5B00  }
0x1a2: {  	[spmem:s2] =	stream.indirect.scatter.add.f32 [tilespmem:s19], [sflag:$0x1], $0x1, s18, s13, $0xb8;
	[tilespmem:$0x9980] =	vst v63  }
0x1a3: {  	s18 =	simm.s32 $0x3B80;
	s19 =	simm.s32 $0x5B80  }
0x1a4: {  	[spmem:s2] =	stream.indirect.scatter.add.f32 [tilespmem:s19], [sflag:$0x1], $0x1, s18, s13, $0xb8;
	[tilespmem:$0x9980] =	vst v63  }
0x1a5: {  	s18 =	simm.s32 $0x3C00;
	s19 =	simm.s32 $0x5C00  }
0x1a6: {  	[spmem:s2] =	stream.indirect.scatter.add.f32 [tilespmem:s19], [sflag:$0x1], $0x1, s18, s13, $0xb8;
	[tilespmem:$0x9980] =	vst v63  }
0x1a7: {  	s18 =	simm.s32 $0x3C80;
	s19 =	simm.s32 $0x5C80  }
0x1a8: {  	[spmem:s2] =	stream.indirect.scatter.add.f32 [tilespmem:s19], [sflag:$0x1], $0x1, s18, s13, $0xb8;
	[tilespmem:$0x9980] =	vst v63  }
0x1a9: {  	s18 =	simm.s32 $0x3D00;
	s19 =	simm.s32 $0x5D00  }
0x1aa: {  	[spmem:s2] =	stream.indirect.scatter.add.f32 [tilespmem:s19], [sflag:$0x1], $0x1, s18, s13, $0xb8;
	[tilespmem:$0x9980] =	vst v63  }
0x1ab: {  	s18 =	simm.s32 $0x3D80;
	s19 =	simm.s32 $0x5D80  }
0x1ac: {  	[spmem:s2] =	stream.indirect.scatter.add.f32 [tilespmem:s19], [sflag:$0x1], $0x1, s18, s13, $0xb8;
	[tilespmem:$0x9980] =	vst v63  }
0x1ad: {  	_ =	swait.ge [sflag:s31], $0x80  }
0x1ae: {  	[sflag:s31] =	ssyncset.done $0x0  }
0x1af: {  	[sflag:s31] =	ssyncadd.s32 $0xFFFFFF80  }
0x1b0: {  	_ =	swait.ge [sflag:s31], $0x80  }
0x1b1: {  	[sflag:s31] =	ssyncset.done $0x0  }
0x1b2: {  	[sflag:s31] =	ssyncadd.s32 $0xFFFFFF80  }
0x1b3: {  	_ =	swait.ge [sflag:s31], $0x80  }
0x1b4: {  	[sflag:s31] =	ssyncset.done $0x0  }
0x1b5: {  	[sflag:s31] =	ssyncadd.s32 $0xFFFFFF80  }
0x1b6: {  	_ =	swait.ge [sflag:s31], $0x80  }
0x1b7: {  	[sflag:s31] =	ssyncset.done $0x0  }
0x1b8: {  	[sflag:s31] =	ssyncadd.s32 $0xFFFFFF80  }
0x1b9: {  	_ =	swait.ge [sflag:s31], $0x80  }
0x1ba: {  	[sflag:s31] =	ssyncset.done $0x0  }
0x1bb: {  	[sflag:s31] =	ssyncadd.s32 $0xFFFFFF80  }
0x1bc: {  	_ =	swait.ge [sflag:s31], $0x80  }
0x1bd: {  	[sflag:s31] =	ssyncset.done $0x0  }
0x1be: {  	[sflag:s31] =	ssyncadd.s32 $0xFFFFFF80  }
0x1bf: {  	_ =	swait.ge [sflag:s31], $0x80  }
0x1c0: {  	[sflag:s31] =	ssyncset.done $0x0  }
0x1c1: {  	[sflag:s31] =	ssyncadd.s32 $0xFFFFFF80  }
0x1c2: {  	_ =	swait.ge [sflag:s31], $0x80  }
0x1c3: {  	[sflag:s31] =	ssyncset.done $0x0  }
0x1c4: {  	s18 =	simm.s32 $0x3E00;
	s19 =	simm.s32 $0x5E00;
	[sflag:s31] =	ssyncadd.s32 $0xFFFFFF80  }
0x1c5: {  	[spmem:s2] =	stream.indirect.scatter.add.f32 [tilespmem:s19], [sflag:$0x1], $0x1, s18, s13, $0xb8;
	[tilespmem:$0x9980] =	vst v63  }
0x1c6: {  	s18 =	simm.s32 $0x3E80;
	s19 =	simm.s32 $0x5E80  }
0x1c7: {  	[spmem:s2] =	stream.indirect.scatter.add.f32 [tilespmem:s19], [sflag:$0x1], $0x1, s18, s13, $0xb8;
	[tilespmem:$0x9980] =	vst v63  }
0x1c8: {  	s18 =	simm.s32 $0x3F00;
	s19 =	simm.s32 $0x5F00  }
0x1c9: {  	[spmem:s2] =	stream.indirect.scatter.add.f32 [tilespmem:s19], [sflag:$0x1], $0x1, s18, s13, $0xb8;
	[tilespmem:$0x9980] =	vst v63  }
0x1ca: {  	s18 =	simm.s32 $0x3F80;
	s19 =	simm.s32 $0x5F80  }
0x1cb: {  	[spmem:s2] =	stream.indirect.scatter.add.f32 [tilespmem:s19], [sflag:$0x1], $0x1, s18, s13, $0xb8;
	[tilespmem:$0x9980] =	vst v63  }
0x1cc: {  	s18 =	simm.s32 $0x4000;
	s19 =	simm.s32 $0x6000  }
0x1cd: {  	[spmem:s2] =	stream.indirect.scatter.add.f32 [tilespmem:s19], [sflag:$0x1], $0x1, s18, s13, $0xb8;
	[tilespmem:$0x9980] =	vst v63  }
0x1ce: {  	s18 =	simm.s32 $0x4080;
	s19 =	simm.s32 $0x6080  }
0x1cf: {  	[spmem:s2] =	stream.indirect.scatter.add.f32 [tilespmem:s19], [sflag:$0x1], $0x1, s18, s13, $0xb8;
	[tilespmem:$0x9980] =	vst v63  }
0x1d0: {  	s18 =	simm.s32 $0x4100;
	s19 =	simm.s32 $0x6100  }
0x1d1: {  	[spmem:s2] =	stream.indirect.scatter.add.f32 [tilespmem:s19], [sflag:$0x1], $0x1, s18, s13, $0xb8;
	[tilespmem:$0x9980] =	vst v63  }
0x1d2: {  	s18 =	simm.s32 $0x4180;
	s19 =	simm.s32 $0x6180  }
0x1d3: {  	[spmem:s2] =	stream.indirect.scatter.add.f32 [tilespmem:s19], [sflag:$0x1], $0x1, s18, s13, $0xb8;
	[tilespmem:$0x9980] =	vst v63  }
0x1d4: {  	_ =	swait.ge [sflag:s31], $0x80  }
0x1d5: {  	[sflag:s31] =	ssyncset.done $0x0  }
0x1d6: {  	[sflag:s31] =	ssyncadd.s32 $0xFFFFFF80  }
0x1d7: {  	_ =	swait.ge [sflag:s31], $0x80  }
0x1d8: {  	[sflag:s31] =	ssyncset.done $0x0  }
0x1d9: {  	[sflag:s31] =	ssyncadd.s32 $0xFFFFFF80  }
0x1da: {  	_ =	swait.ge [sflag:s31], $0x80  }
0x1db: {  	[sflag:s31] =	ssyncset.done $0x0  }
0x1dc: {  	[sflag:s31] =	ssyncadd.s32 $0xFFFFFF80  }
0x1dd: {  	_ =	swait.ge [sflag:s31], $0x80  }
0x1de: {  	[sflag:s31] =	ssyncset.done $0x0  }
0x1df: {  	[sflag:s31] =	ssyncadd.s32 $0xFFFFFF80  }
0x1e0: {  	_ =	swait.ge [sflag:s31], $0x80  }
0x1e1: {  	[sflag:s31] =	ssyncset.done $0x0  }
0x1e2: {  	[sflag:s31] =	ssyncadd.s32 $0xFFFFFF80  }
0x1e3: {  	_ =	swait.ge [sflag:s31], $0x80  }
0x1e4: {  	[sflag:s31] =	ssyncset.done $0x0  }
0x1e5: {  	[sflag:s31] =	ssyncadd.s32 $0xFFFFFF80  }
0x1e6: {  	_ =	swait.ge [sflag:s31], $0x80  }
0x1e7: {  	[sflag:s31] =	ssyncset.done $0x0  }
0x1e8: {  	[sflag:s31] =	ssyncadd.s32 $0xFFFFFF80  }
0x1e9: {  	_ =	swait.ge [sflag:s31], $0x80  }
0x1ea: {  	[sflag:s31] =	ssyncset.done $0x0  }
0x1eb: {  	s18 =	simm.s32 $0x4200;
	s19 =	simm.s32 $0x6200;
	[sflag:s31] =	ssyncadd.s32 $0xFFFFFF80  }
0x1ec: {  	[spmem:s2] =	stream.indirect.scatter.add.f32 [tilespmem:s19], [sflag:$0x1], $0x1, s18, s13, $0xb8;
	[tilespmem:$0x9980] =	vst v63  }
0x1ed: {  	s18 =	simm.s32 $0x4280;
	s19 =	simm.s32 $0x6280  }
0x1ee: {  	[spmem:s2] =	stream.indirect.scatter.add.f32 [tilespmem:s19], [sflag:$0x1], $0x1, s18, s13, $0xb8;
	[tilespmem:$0x9980] =	vst v63  }
0x1ef: {  	s18 =	simm.s32 $0x4300;
	s19 =	simm.s32 $0x6300  }
0x1f0: {  	[spmem:s2] =	stream.indirect.scatter.add.f32 [tilespmem:s19], [sflag:$0x1], $0x1, s18, s13, $0xb8;
	[tilespmem:$0x9980] =	vst v63  }
0x1f1: {  	s18 =	simm.s32 $0x4380;
	s19 =	simm.s32 $0x6380  }
0x1f2: {  	[spmem:s2] =	stream.indirect.scatter.add.f32 [tilespmem:s19], [sflag:$0x1], $0x1, s18, s13, $0xb8;
	[tilespmem:$0x9980] =	vst v63  }
0x1f3: {  	s18 =	simm.s32 $0x4400;
	s19 =	simm.s32 $0x6400  }
0x1f4: {  	[spmem:s2] =	stream.indirect.scatter.add.f32 [tilespmem:s19], [sflag:$0x1], $0x1, s18, s13, $0xb8;
	[tilespmem:$0x9980] =	vst v63  }
0x1f5: {  	s18 =	simm.s32 $0x4480;
	s19 =	simm.s32 $0x6480  }
0x1f6: {  	[spmem:s2] =	stream.indirect.scatter.add.f32 [tilespmem:s19], [sflag:$0x1], $0x1, s18, s13, $0xb8;
	[tilespmem:$0x9980] =	vst v63  }
0x1f7: {  	s18 =	simm.s32 $0x4500;
	s19 =	simm.s32 $0x6500  }
0x1f8: {  	[spmem:s2] =	stream.indirect.scatter.add.f32 [tilespmem:s19], [sflag:$0x1], $0x1, s18, s13, $0xb8;
	[tilespmem:$0x9980] =	vst v63  }
0x1f9: {  	s18 =	simm.s32 $0x4580;
	s19 =	simm.s32 $0x6580  }
0x1fa: {  	[spmem:s2] =	stream.indirect.scatter.add.f32 [tilespmem:s19], [sflag:$0x1], $0x1, s18, s13, $0xb8;
	[tilespmem:$0x9980] =	vst v63  }
0x1fb: {  	_ =	swait.ge [sflag:s31], $0x80  }
0x1fc: {  	[sflag:s31] =	ssyncset.done $0x0  }
0x1fd: {  	[sflag:s31] =	ssyncadd.s32 $0xFFFFFF80  }
0x1fe: {  	_ =	swait.ge [sflag:s31], $0x80  }
0x1ff: {  	[sflag:s31] =	ssyncset.done $0x0  }
0x200: {  	[sflag:s31] =	ssyncadd.s32 $0xFFFFFF80  }
0x201: {  	_ =	swait.ge [sflag:s31], $0x80  }
0x202: {  	[sflag:s31] =	ssyncset.done $0x0  }
0x203: {  	[sflag:s31] =	ssyncadd.s32 $0xFFFFFF80  }
0x204: {  	_ =	swait.ge [sflag:s31], $0x80  }
0x205: {  	[sflag:s31] =	ssyncset.done $0x0  }
0x206: {  	[sflag:s31] =	ssyncadd.s32 $0xFFFFFF80  }
0x207: {  	_ =	swait.ge [sflag:s31], $0x80  }
0x208: {  	[sflag:s31] =	ssyncset.done $0x0  }
0x209: {  	[sflag:s31] =	ssyncadd.s32 $0xFFFFFF80  }
0x20a: {  	_ =	swait.ge [sflag:s31], $0x80  }
0x20b: {  	[sflag:s31] =	ssyncset.done $0x0  }
0x20c: {  	[sflag:s31] =	ssyncadd.s32 $0xFFFFFF80  }
0x20d: {  	_ =	swait.ge [sflag:s31], $0x80  }
0x20e: {  	[sflag:s31] =	ssyncset.done $0x0  }
0x20f: {  	[sflag:s31] =	ssyncadd.s32 $0xFFFFFF80  }
0x210: {  	_ =	swait.ge [sflag:s31], $0x80  }
0x211: {  	[sflag:s31] =	ssyncset.done $0x0  }
0x212: {  	s18 =	simm.s32 $0x4600;
	s19 =	simm.s32 $0x6600;
	[sflag:s31] =	ssyncadd.s32 $0xFFFFFF80  }
0x213: {  	[spmem:s2] =	stream.indirect.scatter.add.f32 [tilespmem:s19], [sflag:$0x1], $0x1, s18, s13, $0xb8;
	[tilespmem:$0x9980] =	vst v63  }
0x214: {  	s18 =	simm.s32 $0x4680;
	s19 =	simm.s32 $0x6680  }
0x215: {  	[spmem:s2] =	stream.indirect.scatter.add.f32 [tilespmem:s19], [sflag:$0x1], $0x1, s18, s13, $0xb8;
	[tilespmem:$0x9980] =	vst v63  }
0x216: {  	s18 =	simm.s32 $0x4700;
	s19 =	simm.s32 $0x6700  }
0x217: {  	[spmem:s2] =	stream.indirect.scatter.add.f32 [tilespmem:s19], [sflag:$0x1], $0x1, s18, s13, $0xb8;
	[tilespmem:$0x9980] =	vst v63  }
0x218: {  	s18 =	simm.s32 $0x4780;
	s19 =	simm.s32 $0x6780  }
0x219: {  	[spmem:s2] =	stream.indirect.scatter.add.f32 [tilespmem:s19], [sflag:$0x1], $0x1, s18, s13, $0xb8;
	[tilespmem:$0x9980] =	vst v63  }
0x21a: {  	s18 =	simm.s32 $0x4800;
	s19 =	simm.s32 $0x6800  }
0x21b: {  	[spmem:s2] =	stream.indirect.scatter.add.f32 [tilespmem:s19], [sflag:$0x1], $0x1, s18, s13, $0xb8;
	[tilespmem:$0x9980] =	vst v63  }
0x21c: {  	s18 =	simm.s32 $0x4880;
	s19 =	simm.s32 $0x6880  }
0x21d: {  	[spmem:s2] =	stream.indirect.scatter.add.f32 [tilespmem:s19], [sflag:$0x1], $0x1, s18, s13, $0xb8;
	[tilespmem:$0x9980] =	vst v63  }
0x21e: {  	s18 =	simm.s32 $0x4900;
	s19 =	simm.s32 $0x6900  }
0x21f: {  	[spmem:s2] =	stream.indirect.scatter.add.f32 [tilespmem:s19], [sflag:$0x1], $0x1, s18, s13, $0xb8;
	[tilespmem:$0x9980] =	vst v63  }
0x220: {  	s18 =	simm.s32 $0x4980;
	s19 =	simm.s32 $0x6980  }
0x221: {  	[spmem:s2] =	stream.indirect.scatter.add.f32 [tilespmem:s19], [sflag:$0x1], $0x1, s18, s13, $0xb8;
	[tilespmem:$0x9980] =	vst v63  }
0x222: {  	_ =	swait.ge [sflag:s31], $0x80  }
0x223: {  	[sflag:s31] =	ssyncset.done $0x0  }
0x224: {  	[sflag:s31] =	ssyncadd.s32 $0xFFFFFF80  }
0x225: {  	_ =	swait.ge [sflag:s31], $0x80  }
0x226: {  	[sflag:s31] =	ssyncset.done $0x0  }
0x227: {  	[sflag:s31] =	ssyncadd.s32 $0xFFFFFF80  }
0x228: {  	_ =	swait.ge [sflag:s31], $0x80  }
0x229: {  	[sflag:s31] =	ssyncset.done $0x0  }
0x22a: {  	[sflag:s31] =	ssyncadd.s32 $0xFFFFFF80  }
0x22b: {  	_ =	swait.ge [sflag:s31], $0x80  }
0x22c: {  	[sflag:s31] =	ssyncset.done $0x0  }
0x22d: {  	[sflag:s31] =	ssyncadd.s32 $0xFFFFFF80  }
0x22e: {  	_ =	swait.ge [sflag:s31], $0x80  }
0x22f: {  	[sflag:s31] =	ssyncset.done $0x0  }
0x230: {  	[sflag:s31] =	ssyncadd.s32 $0xFFFFFF80  }
0x231: {  	_ =	swait.ge [sflag:s31], $0x80  }
0x232: {  	[sflag:s31] =	ssyncset.done $0x0  }
0x233: {  	[sflag:s31] =	ssyncadd.s32 $0xFFFFFF80  }
0x234: {  	_ =	swait.ge [sflag:s31], $0x80  }
0x235: {  	[sflag:s31] =	ssyncset.done $0x0  }
0x236: {  	[sflag:s31] =	ssyncadd.s32 $0xFFFFFF80  }
0x237: {  	_ =	swait.ge [sflag:s31], $0x80  }
0x238: {  	[sflag:s31] =	ssyncset.done $0x0  }
0x239: {  	s18 =	simm.s32 $0x4A00;
	s19 =	simm.s32 $0x6A00;
	[sflag:s31] =	ssyncadd.s32 $0xFFFFFF80  }
0x23a: {  	[spmem:s2] =	stream.indirect.scatter.add.f32 [tilespmem:s19], [sflag:$0x1], $0x1, s18, s13, $0xb8;
	[tilespmem:$0x9980] =	vst v63  }
0x23b: {  	s18 =	simm.s32 $0x4A80;
	s19 =	simm.s32 $0x6A80  }
0x23c: {  	[spmem:s2] =	stream.indirect.scatter.add.f32 [tilespmem:s19], [sflag:$0x1], $0x1, s18, s13, $0xb8;
	[tilespmem:$0x9980] =	vst v63  }
0x23d: {  	s19 =	simm.s32 $0x4B00  }
0x23e: {  	[spmem:s2] =	stream.indirect.scatter.add.f32 [tilespmem:s12], [sflag:$0x1], $0x1, s19, s13, $0xb8;
	[tilespmem:$0x9980] =	vst v63  }
0x23f: {  	_ = 	snop  }
0x240: {  	[spmem:s2] =	stream.indirect.scatter.add.f32 [tilespmem:s21], [sflag:$0x1], $0x1, s20, s13, $0xb8;
	[tilespmem:$0x9980] =	vst v63  }
0x241: {  	_ = 	snop  }
0x242: {  	[spmem:s2] =	stream.indirect.scatter.add.f32 [tilespmem:s23], [sflag:$0x1], $0x1, s22, s13, $0xb8;
	[tilespmem:$0x9980] =	vst v63  }
0x243: {  	_ = 	snop  }
0x244: {  	[spmem:s2] =	stream.indirect.scatter.add.f32 [tilespmem:s25], [sflag:$0x1], $0x1, s24, s13, $0xb8;
	[tilespmem:$0x9980] =	vst v63  }
0x245: {  	_ = 	snop  }
0x246: {  	[spmem:s2] =	stream.indirect.scatter.add.f32 [tilespmem:s28], [sflag:$0x1], $0x1, s26, s13, $0xb8;
	[tilespmem:$0x9980] =	vst v63  }
0x247: {  	_ = 	snop  }
0x248: {  	[spmem:s2] =	stream.indirect.scatter.add.f32 [tilespmem:s30], [sflag:$0x1], $0x1, s29, s13, $0xb8;
	[tilespmem:$0x9980] =	vst v63  }
0x249: {  	_ =	swait.ge [sflag:s31], $0x80  }
0x24a: {  	[sflag:s31] =	ssyncset.done $0x0  }
0x24b: {  	[sflag:s31] =	ssyncadd.s32 $0xFFFFFF80  }
0x24c: {  	_ =	swait.ge [sflag:s31], $0x80  }
0x24d: {  	[sflag:s31] =	ssyncset.done $0x0  }
0x24e: {  	[sflag:s31] =	ssyncadd.s32 $0xFFFFFF80  }
0x24f: {  	_ =	swait.ge [sflag:s31], $0x80  }
0x250: {  	[sflag:s31] =	ssyncset.done $0x0  }
0x251: {  	[sflag:s31] =	ssyncadd.s32 $0xFFFFFF80  }
0x252: {  	_ =	swait.ge [sflag:s31], $0x80  }
0x253: {  	[sflag:s31] =	ssyncset.done $0x0  }
0x254: {  	[sflag:s31] =	ssyncadd.s32 $0xFFFFFF80  }
0x255: {  	_ =	swait.ge [sflag:s31], $0x80  }
0x256: {  	[sflag:s31] =	ssyncset.done $0x0  }
0x257: {  	[sflag:s31] =	ssyncadd.s32 $0xFFFFFF80  }
0x258: {  	_ =	swait.ge [sflag:s31], $0x80  }
0x259: {  	[sflag:s31] =	ssyncset.done $0x0  }
0x25a: {  	[sflag:s31] =	ssyncadd.s32 $0xFFFFFF80  }
0x25b: {  	_ =	swait.ge [sflag:s31], $0x80  }
0x25c: {  	[sflag:s31] =	ssyncset.done $0x0  }
0x25d: {  	[sflag:s31] =	ssyncadd.s32 $0xFFFFFF80  }
0x25e: {  	_ =	swait.ge [sflag:s31], $0x80  }
0x25f: {  	[sflag:s31] =	ssyncset.done $0x0  }
0x260: {  	[sflag:s31] =	ssyncadd.s32 $0xFFFFFF80  }
0x261: {  	[spmem:s2] =	stream.indirect.scatter.add.f32 [tilespmem:s0], [sflag:$0x1], $0x1, s1, s13, $0xb8;
	[tilespmem:$0x9980] =	vst v63  }
0x262: {  	_ = 	snop  }
0x263: {  	[spmem:s2] =	stream.indirect.scatter.add.f32 [tilespmem:s14], [sflag:$0x1], $0x1, s10, s13, $0xb8;
	[tilespmem:$0x9980] =	vst v63  }
0x264: {  	_ = 	snop  }
0x265: {  	[spmem:s2] =	stream.indirect.scatter.add.f32 [tilespmem:s16], [sflag:$0x1], $0x1, s15, s13, $0xb8;
	[tilespmem:$0x9980] =	vst v63  }
0x266: {  	_ =	swait.ge [sflag:s31], $0x80  }
0x267: {  	[sflag:s31] =	ssyncset.done $0x0  }
0x268: {  	[sflag:s31] =	ssyncadd.s32 $0xFFFFFF80  }
0x269: {  	_ =	swait.ge [sflag:s31], $0x80  }
0x26a: {  	[sflag:s31] =	ssyncset.done $0x0  }
0x26b: {  	[sflag:s31] =	ssyncadd.s32 $0xFFFFFF80  }
0x26c: {  	_ =	swait.ge [sflag:s31], $0x80  }
0x26d: {  	[sflag:s31] =	ssyncset.done $0x0  }
0x26e: {  	[sflag:s31] =	ssyncadd.s32 $0xFFFFFF80  }
0x26f: {  	[bflag:$0x0] =	sbarrier.arrive $0xFFFF  }
0x270: {  	[tilespmem:s11], [sflag:$0x2] =	stream.linear.gather [spmem:s6], $0x1380, $0x38;
	[tilespmem:$0x9980] =	vst v63  }
0x271: {  	s17 =	sadd.s32 $0x1, s17;
	_ =	swait.ge [sflag:s9], $0x1380  }
0x272: {  	p0 =	sne.s32 s17, s8;
	[sflag:s9] =	ssyncset.done $0x0  }
.Ltmp3:
0x273: {  	[sflag:s9] =	ssyncadd.s32 $0xFFFFEC80;
	(pc) =	sbr.rel @p0 .LBB2_1-.Ltmp3, $4  }
0x274: {  	[hbm4b:s7+s3] =	stream.linear.scatter [tilespmem:s11], [sflag:$0x2], $0x1380, $0x38;
	[tilespmem:$0x9980] =	vst v63  }
0x275: {  	_ =	swait.ge [sflag:s9], $0x1380  }
0x276: {  	[sflag:s9] =	ssyncset.done $0x0  }
0x277: {  	[sflag:s9] =	ssyncadd.s32 $0xFFFFEC80  }
0x278: {  	_ =	sfence.sel $0x180000  }
0x279: {  	[bflag:$0x0] =	sbarrier.arrive $0xFFFF  }
0x27a: {  	_ =	strace $0x90000047  }
0x27b: {  	s0 =	stileid.u32;
	[bflag:$0x2] =	sbarrier.arrive $0xFFFF  }
0x27c: {  	p0 =	sne.s32 s0, $0x0;
	s0 =	rddreg [dreg:$0x4]  }
0x27d: {  	s0 =	sadd.s32 @!p0 $0x100000, s0  }
0x27e: {  	[sflag:s0] =	ssyncadd.tile.s32 @!p0 $0x1;
	_ =	shalt  }
.Lfunc_end2:
_tile_overlayer_lowered:
.L_overlay_start_2:
0x27f: {  	(tag) =	ssettag $0x2  }
0x280: {  	s0 =	rddreg [dreg:$0x0];
	s2 =	stileid.u32  }
0x281: {  	s1 =	rddreg [dreg:$0x1];
	p0 =	sne.s32 s2, $0x0  }
0x282: {  	s3 =	rddreg [dreg:$0x2];
	[bflag:$0x3] =	sbarrier.arrive $0xFFFF;
	s2 =	simm.s32 @!p0 $0x1C02  }
0x283: {  	[timem:s3], [sflag:s2] =	dma.local @!p0 [hbm:s0], s1  }
0x284: {  	s0 =	simm.s32 @!p0 $0x2  }
0x285: {  	_ =	swait.ge @!p0 [sflag:s0], s1  }
0x286: {  	s1 =	ssub.s32 @!p0 $0x0, s1;
	[sflag:s0] =	ssyncset.done @!p0 $0x0  }
0x287: {  	[sflag:s0] =	ssyncadd.s32 @!p0 s1  }
0x288: {  	[bflag:$0x3] =	sbarrier.arrive $0xFFFF  }
0x289: {  	_ =	shalt  }

</sc_bundles>
